<compile_context>
chip_gen: v7x
topology: tpu7x:2x2x1
jax: 0.10.2.dev20260603
libtpu: 0.0.44.dev20260713+nightly
codegen_flags: <defaults>
</compile_context>

<pallas_src>
import functools

import jax
import jax.numpy as jnp
from jax import lax
from jax.experimental import pallas as pl
from jax.experimental.pallas import tpu as pltpu
from jax.experimental.pallas import tpu_sc as plsc

N = 10000
NP = 10240
E = 320000
D = 128
H = 64
C = 40

NSUB = 16
NCORE = 2
CH = 128
NCHUNK = 158
EPT = NCHUNK * CH
EPG = NSUB * EPT
RPT = NP // NSUB

_f32 = jnp.float32
_i32 = jnp.int32

_MESH = plsc.VectorSubcoreMesh(core_axis_name="c", subcore_axis_name="s",
                               num_cores=NCORE, num_subcores=NSUB)


def _sds(shape, dtype=_f32):
    return jax.ShapeDtypeStruct(shape, dtype)


@functools.partial(
    pl.kernel,
    out_type=[pltpu.HBM((NSUB, NCHUNK, CH), _f32)] * 2,
    mesh=_MESH,
    compiler_params=pltpu.CompilerParams(use_tc_tiling_on_sc=False,
                                         needs_layout_passes=False),
    scratch_types=[
        pltpu.VMEM((NCHUNK + 1, CH), _i32),
        pltpu.VMEM((NCHUNK + 1, CH), _i32),
        pltpu.VMEM((NCHUNK, CH), _f32),
        pltpu.VMEM((CH, 16), _f32),
        pltpu.VMEM((CH, 16), _f32),
        pltpu.VMEM((RPT, 16), _f32),
        pltpu.VMEM((RPT,), _f32),
        pltpu.VMEM((RPT,), _f32),
        pltpu.VMEM((NP,), _f32),
        pltpu.VMEM((NP,), _f32),
        pltpu.VMEM_SHARED((NP, 16), _f32),
        pltpu.VMEM_SHARED((NP,), _f32),
        pltpu.VMEM_SHARED((NP,), _f32),
        pltpu.SemaphoreType.DMA,
        pltpu.SemaphoreType.DMA,
        pltpu.SemaphoreType.DMA,
        pltpu.SemaphoreType.DMA,
    ],
)
def _degfold_kernel(src0, dst0, w0, src1, dst1, w1, wp0, wp1,
                    sbuf, dbuf, wbuf, ones_s, ones_d, obuf, ns_c, nd_c,
                    ns_t, nd_t, acc, ns_sh, nd_sh, ss0, sd0, ss1, sd1):
    cid = lax.axis_index("c")
    sid = lax.axis_index("s")

    @pl.when(cid == 0)
    def _():
        pltpu.sync_copy(src0.at[sid], sbuf.at[pl.ds(0, NCHUNK)])
        pltpu.sync_copy(dst0.at[sid], dbuf.at[pl.ds(0, NCHUNK)])
        pltpu.sync_copy(w0.at[sid], wbuf)

    @pl.when(cid == 1)
    def _():
        pltpu.sync_copy(src1.at[sid], sbuf.at[pl.ds(0, NCHUNK)])
        pltpu.sync_copy(dst1.at[sid], dbuf.at[pl.ds(0, NCHUNK)])
        pltpu.sync_copy(w1.at[sid], wbuf)

    discard = jnp.full((16,), N + 16, _i32)
    for k in range(CH // 16):
        sbuf[NCHUNK, pl.ds(k * 16, 16)] = discard
        dbuf[NCHUNK, pl.ds(k * 16, 16)] = discard

    lanes = lax.iota(_i32, 16)
    pat_s = jnp.where(lanes < 8, 1.0, 0.0).astype(_f32)
    pat_d = jnp.where(lanes < 8, 0.0, 1.0).astype(_f32)
    zero = jnp.zeros((16,), _f32)

    def init_ones(i, carry):
        ones_s[i, :] = pat_s
        ones_d[i, :] = pat_d
        return carry
    lax.fori_loop(0, CH, init_ones, 0)

    def init_zero(i, carry):
        obuf[i, :] = zero
        return carry
    lax.fori_loop(0, RPT, init_zero, 0)

    base = sid * RPT
    pltpu.sync_copy(obuf, acc.at[pl.ds(base, RPT)])
    plsc.subcore_barrier()

    sems = ((ss0, sd0), (ss1, sd1))
    for c0, (ss, sd) in enumerate(sems):
        pltpu.async_copy(ones_s, acc.at[sbuf.at[c0]], ss, add=True)
        pltpu.async_copy(ones_d, acc.at[dbuf.at[c0]], sd, add=True)

    def chunk2(cj, carry):
        for b, (ss, sd) in enumerate(sems):
            ci = cj * 2 + b
            pltpu.make_async_copy(ones_s, acc.at[sbuf.at[ci]], ss).wait()
            pltpu.make_async_copy(ones_d, acc.at[dbuf.at[ci]], sd).wait()
            nxt = jnp.minimum(ci + 2, NCHUNK)
            pltpu.async_copy(ones_s, acc.at[sbuf.at[nxt]], ss, add=True)
            pltpu.async_copy(ones_d, acc.at[dbuf.at[nxt]], sd, add=True)
        return carry
    lax.fori_loop(0, NCHUNK // 2, chunk2, 0)
    for ss, sd in sems:
        pltpu.make_async_copy(ones_s, acc.at[sbuf.at[0]], ss).wait()
        pltpu.make_async_copy(ones_d, acc.at[dbuf.at[0]], sd).wait()
    plsc.subcore_barrier()

    pltpu.sync_copy(acc.at[pl.ds(base, RPT)], obuf)
    magic = jnp.full((16,), 0x5F3759DF, _i32)
    half, w15 = jnp.full((16,), 0.5, _f32), jnp.full((16,), 1.5, _f32)

    def rsqrt_row(r, carry):
        x = jnp.maximum(obuf[r, :], 1.0)
        y = plsc.bitcast(magic - (plsc.bitcast(x, _i32) >> 1), _f32)
        for _ in range(3):
            y = y * (w15 - half * x * y * y)
        obuf[r, :] = y
        return carry
    lax.fori_loop(0, RPT, rsqrt_row, 0)

    zl = jnp.zeros((16,), _i32)
    el = jnp.full((16,), 8, _i32)

    def compact(t, carry):
        rows = lax.iota(_i32, 16) + t * 16
        ns_c[pl.ds(t * 16, 16)] = plsc.load_gather(obuf, [rows, zl])
        nd_c[pl.ds(t * 16, 16)] = plsc.load_gather(obuf, [rows, el])
        return carry
    lax.fori_loop(0, RPT // 16, compact, 0)
    pltpu.sync_copy(ns_c, ns_sh.at[pl.ds(base, RPT)])
    pltpu.sync_copy(nd_c, nd_sh.at[pl.ds(base, RPT)])
    plsc.subcore_barrier()
    pltpu.sync_copy(ns_sh, ns_t)
    pltpu.sync_copy(nd_sh, nd_t)

    def chunk(ci, carry):
        def group(gi, c2):
            sv = sbuf[ci, pl.ds(gi * 16, 16)]
            dv = dbuf[ci, pl.ds(gi * 16, 16)]
            wv = wbuf[ci, pl.ds(gi * 16, 16)]
            nsv = plsc.load_gather(ns_t, [sv])
            ndv = plsc.load_gather(nd_t, [dv])
            wbuf[ci, pl.ds(gi * 16, 16)] = wv * nsv * ndv
            return c2
        lax.fori_loop(0, CH // 16, group, 0)
        return carry
    lax.fori_loop(0, NCHUNK, chunk, 0)

    @pl.when(cid == 0)
    def _():
        pltpu.sync_copy(wbuf, wp0.at[sid])

    @pl.when(cid == 1)
    def _():
        pltpu.sync_copy(wbuf, wp1.at[sid])


@functools.partial(
    pl.kernel,
    out_type=[pltpu.HBM((NP, H), _f32)] * 2,
    mesh=_MESH,
    compiler_params=pltpu.CompilerParams(use_tc_tiling_on_sc=False,
                                         needs_layout_passes=False),
    scratch_types=[
        pltpu.VMEM((NCHUNK, CH), _i32),
        pltpu.VMEM((NCHUNK, CH), _i32),
        pltpu.VMEM((NCHUNK, CH), _f32),
        pltpu.VMEM((CH, H), _f32),
        pltpu.VMEM((CH, H), _f32),
        pltpu.VMEM_SHARED((NP, H), _f32),
        pltpu.SemaphoreType.DMA,
        pltpu.SemaphoreType.DMA,
    ],
)
def _conv_kernel(y, src0, dst0, w0, src1, dst1, w1,
                 out0, out1,
                 sbuf, dbuf, wbuf, rows0, rows1, acc, gsem0, gsem1):
    cid = lax.axis_index("c")
    sid = lax.axis_index("s")

    @pl.when(cid == 0)
    def _():
        pltpu.sync_copy(src0.at[sid], sbuf)
        pltpu.sync_copy(dst0.at[sid], dbuf)
        pltpu.sync_copy(w0.at[sid], wbuf)

    @pl.when(cid == 1)
    def _():
        pltpu.sync_copy(src1.at[sid], sbuf)
        pltpu.sync_copy(dst1.at[sid], dbuf)
        pltpu.sync_copy(w1.at[sid], wbuf)

    zero = jnp.zeros((16,), _f32)

    def init_zero(i, carry):
        for j in range(H // 16):
            rows0[i, pl.ds(j * 16, 16)] = zero
        return carry
    lax.fori_loop(0, CH, init_zero, 0)

    base = sid * RPT
    for k in range(RPT // CH):
        pltpu.sync_copy(rows0, acc.at[pl.ds(base + k * CH, CH)])
    plsc.subcore_barrier()

    pltpu.async_copy(y.at[sbuf.at[0]], rows0, gsem0)
    pltpu.async_copy(y.at[sbuf.at[1]], rows1, gsem1)

    def scale_scatter(ci, rows):
        def group(gi, c2):
            wp = wbuf[ci, pl.ds(gi * 16, 16)]

            @plsc.parallel_loop(0, 16, unroll=4)
            def _edge(i):
                e = gi * 16 + i
                lanes = jnp.broadcast_to(i, (16,)).astype(_i32)
                ws = wp.at[lanes].get(mode="promise_in_bounds")
                for j in range(H // 16):
                    rows[e, pl.ds(j * 16, 16)] = rows[e, pl.ds(j * 16, 16)] * ws
            return c2
        lax.fori_loop(0, CH // 16, group, 0)
        pltpu.sync_copy(rows, acc.at[dbuf.at[ci]], add=True)

    def chunk_pair(cp, carry):
        ci = cp * 2
        for b, (rows, gsem) in enumerate(((rows0, gsem0), (rows1, gsem1))):
            c = ci + b
            pltpu.make_async_copy(y.at[sbuf.at[c]], rows, gsem).wait()
            scale_scatter(c, rows)
            nxt = jnp.where(c + 2 < NCHUNK, c + 2, 0)
            pltpu.async_copy(y.at[sbuf.at[nxt]], rows, gsem)
        return carry
    lax.fori_loop(0, NCHUNK // 2, chunk_pair, 0)
    pltpu.make_async_copy(y.at[sbuf.at[0]], rows0, gsem0).wait()
    pltpu.make_async_copy(y.at[sbuf.at[0]], rows1, gsem1).wait()
    plsc.subcore_barrier()

    @pl.when(cid == 0)
    def _():
        pltpu.sync_copy(acc.at[pl.ds(base, RPT)], out0.at[pl.ds(base, RPT)])

    @pl.when(cid == 1)
    def _():
        pltpu.sync_copy(acc.at[pl.ds(base, RPT)], out1.at[pl.ds(base, RPT)])


def _mm1_body(x_ref, w_ref, o_ref):
    o_ref[...] = jnp.dot(x_ref[...], w_ref[...], preferred_element_type=_f32)


def _mlp_body(a0, a1, wl1a, wl1b, b1, wl2, b2, w2, o_ref):
    h0 = jnp.maximum(a0[...], 0.0)
    h1 = jnp.maximum(a1[...], 0.0)
    z = jnp.dot(h0, wl1a[...], preferred_element_type=_f32)
    z = z + jnp.dot(h1, wl1b[...], preferred_element_type=_f32) + b1[...]
    z = jnp.maximum(z, 0.0)
    z = jnp.dot(z, wl2[...], preferred_element_type=_f32) + b2[...]
    z = jnp.maximum(z, 0.0)
    o_ref[...] = jnp.dot(z, w2[...], preferred_element_type=_f32)


def _out_body(a0, a1, wl3a, wl3b, b3, o_ref):
    h0 = jnp.maximum(a0[...], 0.0)
    h1 = jnp.maximum(a1[...], 0.0)
    z = jnp.dot(h0, wl3a[...], preferred_element_type=_f32)
    o_ref[...] = z + jnp.dot(h1, wl3b[...], preferred_element_type=_f32) + b3[...]


_RB = 1000


def _full(shape):
    return pl.BlockSpec(shape, lambda i: (0, 0))


def _rows(shape):
    return pl.BlockSpec(shape, lambda i: (i, 0))


def _pad_edges(idx_or_w, pad_value):
    flat = jnp.pad(idx_or_w, (0, EPG - E), constant_values=pad_value)
    return flat.reshape(NSUB, NCHUNK, CH)


def kernel(in_feat, edge_index_g0, edge_weight_g0, edge_index_g1, edge_weight_g1,
           W1, W2, Wl1, bl1, Wl2, bl2, Wl3, bl3):
    x = in_feat.astype(_f32)
    s0, d0 = edge_index_g0[0], edge_index_g0[1]
    s1, d1 = edge_index_g1[0], edge_index_g1[1]

    pad_row = N + 8
    sA0 = _pad_edges(s0, pad_row)
    sA1 = _pad_edges(s1, pad_row)
    sB0 = _pad_edges(s0, 0)
    sB1 = _pad_edges(s1, 0)
    dP0 = _pad_edges(d0, pad_row)
    dP1 = _pad_edges(d1, pad_row)
    wP0 = _pad_edges(edge_weight_g0, 0.0)
    wP1 = _pad_edges(edge_weight_g1, 0.0)

    wf0, wf1 = _degfold_kernel(sA0, dP0, wP0, sA1, dP1, wP1)

    y1 = pl.pallas_call(
        _mm1_body,
        grid=(N // _RB,),
        in_specs=[_rows((_RB, D)), _full((D, H))],
        out_specs=_rows((_RB, H)),
        out_shape=_sds((N, H)),
    )(x, W1)

    agg0, agg1 = _conv_kernel(y1, sB0, dP0, wf0, sB1, dP1, wf1)

    y2 = pl.pallas_call(
        _mlp_body,
        grid=(N // _RB,),
        in_specs=[_rows((_RB, H)), _rows((_RB, H)),
                  _full((H, 2 * H)), _full((H, 2 * H)), _full((1, 2 * H)),
                  _full((2 * H, 2 * H)), _full((1, 2 * H)), _full((2 * H, H))],
        out_specs=_rows((_RB, H)),
        out_shape=_sds((N, H)),
    )(agg0[:N], agg1[:N], Wl1[:H], Wl1[H:], bl1.reshape(1, 2 * H),
      Wl2, bl2.reshape(1, 2 * H), W2)

    agg0b, agg1b = _conv_kernel(y2, sB0, dP0, wf0, sB1, dP1, wf1)

    out = pl.pallas_call(
        _out_body,
        grid=(N // _RB,),
        in_specs=[_rows((_RB, H)), _rows((_RB, H)),
                  _full((H, C)), _full((H, C)), _full((1, C))],
        out_specs=_rows((_RB, C)),
        out_shape=_sds((N, C)),
    )(agg0b[:N], agg1b[:N], Wl3[:H], Wl3[H:], bl3.reshape(1, C))
    return out

# --- scband reference (transcript-rebuilt; emitter-appended) ---
"""Pipeline reference for scband-gwnn2-41970420418156 (READ-ONLY COPY).

The authoritative reference and input builder live on the scoring server;
editing this copy changes nothing except your own understanding.
"""

import jax, jax.numpy as jnp
import numpy as np

N = 10000   # n_nodes
E = 320000  # edges per graph
D = 128     # in_feats
H = 64      # h_feats
G = 2       # num graphs (gnums)
C = 40      # num_classes


def setup_inputs(seed: int = 0) -> dict:
    key = jax.random.key(seed)
    ks = jax.random.split(key, 16)
    x = jax.random.normal(ks[0], (N, D), dtype=jnp.float32)
    edge_index_g0 = jax.random.randint(ks[1], (2, E), 0, N, dtype=jnp.int32)
    edge_weight_g0 = jax.random.uniform(ks[2], (E,), dtype=jnp.float32)
    edge_index_g1 = jax.random.randint(ks[3], (2, E), 0, N, dtype=jnp.int32)
    edge_weight_g1 = jax.random.uniform(ks[4], (E,), dtype=jnp.float32)
    # learned params (torch Linear stored as (in, out) so y = x @ W + b)
    W1 = jax.random.normal(ks[5], (D, H), dtype=jnp.float32) * 0.05        # conv1 weight (bias=False)
    W2 = jax.random.normal(ks[6], (H * G, H), dtype=jnp.float32) * 0.05    # conv2 weight (bias=False)
    Wl1 = jax.random.normal(ks[7], (H * G, H * G), dtype=jnp.float32) * 0.05
    bl1 = jnp.zeros((H * G,), dtype=jnp.float32)
    Wl2 = jax.random.normal(ks[8], (H * G, H * G), dtype=jnp.float32) * 0.05
    bl2 = jnp.zeros((H * G,), dtype=jnp.float32)
    Wl3 = jax.random.normal(ks[9], (H * G, C), dtype=jnp.float32) * 0.05
    bl3 = jnp.zeros((C,), dtype=jnp.float32)
    return {"in_feat": x,
            "edge_index_g0": edge_index_g0, "edge_weight_g0": edge_weight_g0,
            "edge_index_g1": edge_index_g1, "edge_weight_g1": edge_weight_g1,
            "W1": W1, "W2": W2,
            "Wl1": Wl1, "bl1": bl1, "Wl2": Wl2, "bl2": bl2, "Wl3": Wl3, "bl3": bl3}


def _graph_conv(x, src, dst, w_e, W):
    # DGL GraphConv, norm='both', bias=False, activation=ReLU, with edge_weight
    ones = jnp.ones(src.shape[0], dtype=x.dtype)
    deg_out = jax.ops.segment_sum(ones, src, num_segments=N)
    deg_in = jax.ops.segment_sum(ones, dst, num_segments=N)
    norm_src = jax.lax.rsqrt(jnp.clip(deg_out, 1.0, None))
    norm_dst = jax.lax.rsqrt(jnp.clip(deg_in, 1.0, None))
    h = x * norm_src[:, None]
    h = h @ W  # in_feats > out_feats so weight applied before aggregation (equivalent math)
    m = jnp.take(h, src, axis=0) * w_e[:, None]   # gather + edge-weight multiply
    agg = jax.ops.segment_sum(m, dst, num_segments=N)  # scatter-add
    agg = agg * norm_dst[:, None]
    return jax.nn.relu(agg)


def reference(in_feat, edge_index_g0, edge_weight_g0, edge_index_g1, edge_weight_g1,
              W1, W2, Wl1, bl1, Wl2, bl2, Wl3, bl3):
    # dropout is identity in eval mode
    x = in_feat.astype(jnp.float32)
    s0, d0 = edge_index_g0[0], edge_index_g0[1]
    s1, d1 = edge_index_g1[0], edge_index_g1[1]
    h = jnp.concatenate([
        _graph_conv(x, s0, d0, edge_weight_g0, W1),
        _graph_conv(x, s1, d1, edge_weight_g1, W1),
    ], axis=-1)
    h = jax.nn.relu(h @ Wl1 + bl1)
    h = jax.nn.relu(h @ Wl2 + bl2)
    h = jnp.concatenate([
        _graph_conv(h, s0, d0, edge_weight_g0, W2),
        _graph_conv(h, s1, d1, edge_weight_g1, W2),
    ], axis=-1)
    return h @ Wl3 + bl3

if __name__ == "__main__":
    import jax
    _d = setup_inputs()
    print(jax.jit(kernel)(*tuple(_d.values())))

</pallas_src>

<mosaic_0001>
#map = affine_map<(d0, d1) -> (0, 0, 0)>
module attributes {stable_mosaic.version = 14 : i64} {
  func.func @_degfold_kernel(%arg0: i32, %arg1: i32, %arg2: memref<16x158x128xi32, #tpu.memory_space<hbm>>, %arg3: memref<16x158x128xi32, #tpu.memory_space<hbm>>, %arg4: memref<16x158x128xf32, #tpu.memory_space<hbm>>, %arg5: memref<16x158x128xi32, #tpu.memory_space<hbm>>, %arg6: memref<16x158x128xi32, #tpu.memory_space<hbm>>, %arg7: memref<16x158x128xf32, #tpu.memory_space<hbm>>, %arg8: memref<16x158x128xf32, #tpu.memory_space<hbm>>, %arg9: memref<16x158x128xf32, #tpu.memory_space<hbm>>, %arg10: memref<159x128xi32, #tpu.memory_space<vmem>>, %arg11: memref<159x128xi32, #tpu.memory_space<vmem>>, %arg12: memref<158x128xf32, #tpu.memory_space<vmem>>, %arg13: memref<128x16xf32, #tpu.memory_space<vmem>>, %arg14: memref<128x16xf32, #tpu.memory_space<vmem>>, %arg15: memref<640x16xf32, #tpu.memory_space<vmem>>, %arg16: memref<640xf32, #tpu.memory_space<vmem>>, %arg17: memref<640xf32, #tpu.memory_space<vmem>>, %arg18: memref<10240xf32, #tpu.memory_space<vmem>>, %arg19: memref<10240xf32, #tpu.memory_space<vmem>>, %arg20: memref<10240x16xf32, #tpu.memory_space<vmem_shared>>, %arg21: memref<10240xf32, #tpu.memory_space<vmem_shared>>, %arg22: memref<10240xf32, #tpu.memory_space<vmem_shared>>, %arg23: memref<!tpu.dma_semaphore, #tpu.memory_space<semaphore_mem>>, %arg24: memref<!tpu.dma_semaphore, #tpu.memory_space<semaphore_mem>>, %arg25: memref<!tpu.dma_semaphore, #tpu.memory_space<semaphore_mem>>, %arg26: memref<!tpu.dma_semaphore, #tpu.memory_space<semaphore_mem>>) attributes {dimension_semantics = [#tpu.dimension_semantics<core_parallel>, #tpu.dimension_semantics<subcore_parallel>], iteration_bounds = array<i64: 2, 16>, scalar_prefetch = 0 : i64, scratch_operands = 17 : i64, tpu.core_type = #tpu.core_type<sc_vector_subcore>, window_params = [{transform_indices = #map}, {transform_indices = #map}, {transform_indices = #map}, {transform_indices = #map}, {transform_indices = #map}, {transform_indices = #map}, {transform_indices = #map}, {transform_indices = #map}]} {
    %eq3A = arith.constant 0 : i32
    %eq3A_0 = arith.cmpi eq, %arg0, %eq3A : i32
    %convert_element_type3A = arith.extui %eq3A_0 : i1 to i32
    %cond3A = arith.constant 0 : i32
    %cond3A_1 = arith.cmpi ne, %convert_element_type3A, %cond3A : i32
    scf.if %cond3A_1 {
      "tpu.region"() ({
        %run_scoped3A = tpu.sem_alloc : memref<!tpu.dma_semaphore, #tpu.memory_space<semaphore_mem>>
        %dma_start3A_198 = arith.constant 0 : i32
        %dma_start3A_199 = arith.constant 0 : i32
        %dma_start3A_200 = tpu.memref_slice %arg10[%dma_start3A_198, %dma_start3A_199] : memref<159x128xi32, #tpu.memory_space<vmem>> -> memref<158x128xi32, #tpu.memory_space<vmem>>
        %dma_start3A_201 = arith.constant 0 : i32
        %dma_start3A_202 = arith.constant 0 : i32
        %dma_start3A_203 = tpu.memref_slice %arg2[%arg1, %dma_start3A_201, %dma_start3A_202] : memref<16x158x128xi32, #tpu.memory_space<hbm>> -> memref<1x158x128xi32, #tpu.memory_space<hbm>>
        %dma_start3A_204 = tpu.memref_squeeze %dma_start3A_203 : memref<1x158x128xi32, #tpu.memory_space<hbm>> -> memref<158x128xi32, #tpu.memory_space<hbm>>
        %dma_start3A_205 = arith.constant 0 : i32
        %dma_start3A_206 = arith.constant 0 : i32
        %dma_start3A_207 = tpu.memref_slice %arg10[%dma_start3A_205, %dma_start3A_206] : memref<159x128xi32, #tpu.memory_space<vmem>> -> memref<158x128xi32, #tpu.memory_space<vmem>>
        %dma_start3A_208 = arith.constant 0 : i32
        %dma_start3A_209 = arith.constant 0 : i32
        %dma_start3A_210 = tpu.memref_slice %arg2[%arg1, %dma_start3A_208, %dma_start3A_209] : memref<16x158x128xi32, #tpu.memory_space<hbm>> -> memref<1x158x128xi32, #tpu.memory_space<hbm>>
        %dma_start3A_211 = tpu.memref_squeeze %dma_start3A_210 : memref<1x158x128xi32, #tpu.memory_space<hbm>> -> memref<158x128xi32, #tpu.memory_space<hbm>>
        tpu.enqueue_dma source(%dma_start3A_211 : memref<158x128xi32, #tpu.memory_space<hbm>>) target(%dma_start3A_207 : memref<158x128xi32, #tpu.memory_space<vmem>>) target_semaphore(%run_scoped3A : memref<!tpu.dma_semaphore, #tpu.memory_space<semaphore_mem>>)
        %dma_wait3A_212 = arith.constant 0 : i32
        %dma_wait3A_213 = arith.constant 0 : i32
        %dma_wait3A_214 = tpu.memref_slice %arg10[%dma_wait3A_212, %dma_wait3A_213] : memref<159x128xi32, #tpu.memory_space<vmem>> -> memref<158x128xi32, #tpu.memory_space<vmem>>
        %dma_wait3A_215 = arith.constant 0 : i32
        %dma_wait3A_216 = arith.constant 0 : i32
        %dma_wait3A_217 = tpu.memref_slice %arg2[%arg1, %dma_wait3A_215, %dma_wait3A_216] : memref<16x158x128xi32, #tpu.memory_space<hbm>> -> memref<1x158x128xi32, #tpu.memory_space<hbm>>
        %dma_wait3A_218 = tpu.memref_squeeze %dma_wait3A_217 : memref<1x158x128xi32, #tpu.memory_space<hbm>> -> memref<158x128xi32, #tpu.memory_space<hbm>>
        %dma_wait3A_219 = arith.constant 0 : i32
        %dma_wait3A_220 = arith.constant 0 : i32
        %dma_wait3A_221 = tpu.memref_slice %arg10[%dma_wait3A_219, %dma_wait3A_220] : memref<159x128xi32, #tpu.memory_space<vmem>> -> memref<158x128xi32, #tpu.memory_space<vmem>>
        %dma_wait3A_222 = arith.constant 0 : i32
        %dma_wait3A_223 = arith.constant 0 : i32
        %dma_wait3A_224 = tpu.memref_slice %arg2[%arg1, %dma_wait3A_222, %dma_wait3A_223] : memref<16x158x128xi32, #tpu.memory_space<hbm>> -> memref<1x158x128xi32, #tpu.memory_space<hbm>>
        %dma_wait3A_225 = tpu.memref_squeeze %dma_wait3A_224 : memref<1x158x128xi32, #tpu.memory_space<hbm>> -> memref<158x128xi32, #tpu.memory_space<hbm>>
        tpu.wait_dma2 semaphore(%run_scoped3A : memref<!tpu.dma_semaphore, #tpu.memory_space<semaphore_mem>>) src(%dma_wait3A_225 : memref<158x128xi32, #tpu.memory_space<hbm>>) dst(%dma_wait3A_221 : memref<158x128xi32, #tpu.memory_space<vmem>>)
        tpu.yield
      }) : () -> ()
      "tpu.region"() ({
        %run_scoped3A = tpu.sem_alloc : memref<!tpu.dma_semaphore, #tpu.memory_space<semaphore_mem>>
        %dma_start3A_198 = arith.constant 0 : i32
        %dma_start3A_199 = arith.constant 0 : i32
        %dma_start3A_200 = tpu.memref_slice %arg11[%dma_start3A_198, %dma_start3A_199] : memref<159x128xi32, #tpu.memory_space<vmem>> -> memref<158x128xi32, #tpu.memory_space<vmem>>
        %dma_start3A_201 = arith.constant 0 : i32
        %dma_start3A_202 = arith.constant 0 : i32
        %dma_start3A_203 = tpu.memref_slice %arg3[%arg1, %dma_start3A_201, %dma_start3A_202] : memref<16x158x128xi32, #tpu.memory_space<hbm>> -> memref<1x158x128xi32, #tpu.memory_space<hbm>>
        %dma_start3A_204 = tpu.memref_squeeze %dma_start3A_203 : memref<1x158x128xi32, #tpu.memory_space<hbm>> -> memref<158x128xi32, #tpu.memory_space<hbm>>
        %dma_start3A_205 = arith.constant 0 : i32
        %dma_start3A_206 = arith.constant 0 : i32
        %dma_start3A_207 = tpu.memref_slice %arg11[%dma_start3A_205, %dma_start3A_206] : memref<159x128xi32, #tpu.memory_space<vmem>> -> memref<158x128xi32, #tpu.memory_space<vmem>>
        %dma_start3A_208 = arith.constant 0 : i32
        %dma_start3A_209 = arith.constant 0 : i32
        %dma_start3A_210 = tpu.memref_slice %arg3[%arg1, %dma_start3A_208, %dma_start3A_209] : memref<16x158x128xi32, #tpu.memory_space<hbm>> -> memref<1x158x128xi32, #tpu.memory_space<hbm>>
        %dma_start3A_211 = tpu.memref_squeeze %dma_start3A_210 : memref<1x158x128xi32, #tpu.memory_space<hbm>> -> memref<158x128xi32, #tpu.memory_space<hbm>>
        tpu.enqueue_dma source(%dma_start3A_211 : memref<158x128xi32, #tpu.memory_space<hbm>>) target(%dma_start3A_207 : memref<158x128xi32, #tpu.memory_space<vmem>>) target_semaphore(%run_scoped3A : memref<!tpu.dma_semaphore, #tpu.memory_space<semaphore_mem>>)
        %dma_wait3A_212 = arith.constant 0 : i32
        %dma_wait3A_213 = arith.constant 0 : i32
        %dma_wait3A_214 = tpu.memref_slice %arg11[%dma_wait3A_212, %dma_wait3A_213] : memref<159x128xi32, #tpu.memory_space<vmem>> -> memref<158x128xi32, #tpu.memory_space<vmem>>
        %dma_wait3A_215 = arith.constant 0 : i32
        %dma_wait3A_216 = arith.constant 0 : i32
        %dma_wait3A_217 = tpu.memref_slice %arg3[%arg1, %dma_wait3A_215, %dma_wait3A_216] : memref<16x158x128xi32, #tpu.memory_space<hbm>> -> memref<1x158x128xi32, #tpu.memory_space<hbm>>
        %dma_wait3A_218 = tpu.memref_squeeze %dma_wait3A_217 : memref<1x158x128xi32, #tpu.memory_space<hbm>> -> memref<158x128xi32, #tpu.memory_space<hbm>>
        %dma_wait3A_219 = arith.constant 0 : i32
        %dma_wait3A_220 = arith.constant 0 : i32
        %dma_wait3A_221 = tpu.memref_slice %arg11[%dma_wait3A_219, %dma_wait3A_220] : memref<159x128xi32, #tpu.memory_space<vmem>> -> memref<158x128xi32, #tpu.memory_space<vmem>>
        %dma_wait3A_222 = arith.constant 0 : i32
        %dma_wait3A_223 = arith.constant 0 : i32
        %dma_wait3A_224 = tpu.memref_slice %arg3[%arg1, %dma_wait3A_222, %dma_wait3A_223] : memref<16x158x128xi32, #tpu.memory_space<hbm>> -> memref<1x158x128xi32, #tpu.memory_space<hbm>>
        %dma_wait3A_225 = tpu.memref_squeeze %dma_wait3A_224 : memref<1x158x128xi32, #tpu.memory_space<hbm>> -> memref<158x128xi32, #tpu.memory_space<hbm>>
        tpu.wait_dma2 semaphore(%run_scoped3A : memref<!tpu.dma_semaphore, #tpu.memory_space<semaphore_mem>>) src(%dma_wait3A_225 : memref<158x128xi32, #tpu.memory_space<hbm>>) dst(%dma_wait3A_221 : memref<158x128xi32, #tpu.memory_space<vmem>>)
        tpu.yield
      }) : () -> ()
      "tpu.region"() ({
        %run_scoped3A = tpu.sem_alloc : memref<!tpu.dma_semaphore, #tpu.memory_space<semaphore_mem>>
        %dma_start3A_198 = arith.constant 0 : i32
        %dma_start3A_199 = arith.constant 0 : i32
        %dma_start3A_200 = tpu.memref_slice %arg4[%arg1, %dma_start3A_198, %dma_start3A_199] : memref<16x158x128xf32, #tpu.memory_space<hbm>> -> memref<1x158x128xf32, #tpu.memory_space<hbm>>
        %dma_start3A_201 = tpu.memref_squeeze %dma_start3A_200 : memref<1x158x128xf32, #tpu.memory_space<hbm>> -> memref<158x128xf32, #tpu.memory_space<hbm>>
        %dma_start3A_202 = arith.constant 0 : i32
        %dma_start3A_203 = arith.constant 0 : i32
        %dma_start3A_204 = tpu.memref_slice %arg4[%arg1, %dma_start3A_202, %dma_start3A_203] : memref<16x158x128xf32, #tpu.memory_space<hbm>> -> memref<1x158x128xf32, #tpu.memory_space<hbm>>
        %dma_start3A_205 = tpu.memref_squeeze %dma_start3A_204 : memref<1x158x128xf32, #tpu.memory_space<hbm>> -> memref<158x128xf32, #tpu.memory_space<hbm>>
        tpu.enqueue_dma source(%dma_start3A_205 : memref<158x128xf32, #tpu.memory_space<hbm>>) target(%arg12 : memref<158x128xf32, #tpu.memory_space<vmem>>) target_semaphore(%run_scoped3A : memref<!tpu.dma_semaphore, #tpu.memory_space<semaphore_mem>>)
        %dma_wait3A_206 = arith.constant 0 : i32
        %dma_wait3A_207 = arith.constant 0 : i32
        %dma_wait3A_208 = tpu.memref_slice %arg4[%arg1, %dma_wait3A_206, %dma_wait3A_207] : memref<16x158x128xf32, #tpu.memory_space<hbm>> -> memref<1x158x128xf32, #tpu.memory_space<hbm>>
        %dma_wait3A_209 = tpu.memref_squeeze %dma_wait3A_208 : memref<1x158x128xf32, #tpu.memory_space<hbm>> -> memref<158x128xf32, #tpu.memory_space<hbm>>
        %dma_wait3A_210 = arith.constant 0 : i32
        %dma_wait3A_211 = arith.constant 0 : i32
        %dma_wait3A_212 = tpu.memref_slice %arg4[%arg1, %dma_wait3A_210, %dma_wait3A_211] : memref<16x158x128xf32, #tpu.memory_space<hbm>> -> memref<1x158x128xf32, #tpu.memory_space<hbm>>
        %dma_wait3A_213 = tpu.memref_squeeze %dma_wait3A_212 : memref<1x158x128xf32, #tpu.memory_space<hbm>> -> memref<158x128xf32, #tpu.memory_space<hbm>>
        tpu.wait_dma2 semaphore(%run_scoped3A : memref<!tpu.dma_semaphore, #tpu.memory_space<semaphore_mem>>) src(%dma_wait3A_213 : memref<158x128xf32, #tpu.memory_space<hbm>>) dst(%arg12 : memref<158x128xf32, #tpu.memory_space<vmem>>)
        tpu.yield
      }) : () -> ()
    } else {
    }
    %eq3A_2 = arith.constant 1 : i32
    %eq3A_3 = arith.cmpi eq, %arg0, %eq3A_2 : i32
    %convert_element_type3A_4 = arith.extui %eq3A_3 : i1 to i32
    %cond3A_5 = arith.constant 0 : i32
    %cond3A_6 = arith.cmpi ne, %convert_element_type3A_4, %cond3A_5 : i32
    scf.if %cond3A_6 {
      "tpu.region"() ({
        %run_scoped3A = tpu.sem_alloc : memref<!tpu.dma_semaphore, #tpu.memory_space<semaphore_mem>>
        %dma_start3A_198 = arith.constant 0 : i32
        %dma_start3A_199 = arith.constant 0 : i32
        %dma_start3A_200 = tpu.memref_slice %arg10[%dma_start3A_198, %dma_start3A_199] : memref<159x128xi32, #tpu.memory_space<vmem>> -> memref<158x128xi32, #tpu.memory_space<vmem>>
        %dma_start3A_201 = arith.constant 0 : i32
        %dma_start3A_202 = arith.constant 0 : i32
        %dma_start3A_203 = tpu.memref_slice %arg5[%arg1, %dma_start3A_201, %dma_start3A_202] : memref<16x158x128xi32, #tpu.memory_space<hbm>> -> memref<1x158x128xi32, #tpu.memory_space<hbm>>
        %dma_start3A_204 = tpu.memref_squeeze %dma_start3A_203 : memref<1x158x128xi32, #tpu.memory_space<hbm>> -> memref<158x128xi32, #tpu.memory_space<hbm>>
        %dma_start3A_205 = arith.constant 0 : i32
        %dma_start3A_206 = arith.constant 0 : i32
        %dma_start3A_207 = tpu.memref_slice %arg10[%dma_start3A_205, %dma_start3A_206] : memref<159x128xi32, #tpu.memory_space<vmem>> -> memref<158x128xi32, #tpu.memory_space<vmem>>
        %dma_start3A_208 = arith.constant 0 : i32
        %dma_start3A_209 = arith.constant 0 : i32
        %dma_start3A_210 = tpu.memref_slice %arg5[%arg1, %dma_start3A_208, %dma_start3A_209] : memref<16x158x128xi32, #tpu.memory_space<hbm>> -> memref<1x158x128xi32, #tpu.memory_space<hbm>>
        %dma_start3A_211 = tpu.memref_squeeze %dma_start3A_210 : memref<1x158x128xi32, #tpu.memory_space<hbm>> -> memref<158x128xi32, #tpu.memory_space<hbm>>
        tpu.enqueue_dma source(%dma_start3A_211 : memref<158x128xi32, #tpu.memory_space<hbm>>) target(%dma_start3A_207 : memref<158x128xi32, #tpu.memory_space<vmem>>) target_semaphore(%run_scoped3A : memref<!tpu.dma_semaphore, #tpu.memory_space<semaphore_mem>>)
        %dma_wait3A_212 = arith.constant 0 : i32
        %dma_wait3A_213 = arith.constant 0 : i32
        %dma_wait3A_214 = tpu.memref_slice %arg10[%dma_wait3A_212, %dma_wait3A_213] : memref<159x128xi32, #tpu.memory_space<vmem>> -> memref<158x128xi32, #tpu.memory_space<vmem>>
        %dma_wait3A_215 = arith.constant 0 : i32
        %dma_wait3A_216 = arith.constant 0 : i32
        %dma_wait3A_217 = tpu.memref_slice %arg5[%arg1, %dma_wait3A_215, %dma_wait3A_216] : memref<16x158x128xi32, #tpu.memory_space<hbm>> -> memref<1x158x128xi32, #tpu.memory_space<hbm>>
        %dma_wait3A_218 = tpu.memref_squeeze %dma_wait3A_217 : memref<1x158x128xi32, #tpu.memory_space<hbm>> -> memref<158x128xi32, #tpu.memory_space<hbm>>
        %dma_wait3A_219 = arith.constant 0 : i32
        %dma_wait3A_220 = arith.constant 0 : i32
        %dma_wait3A_221 = tpu.memref_slice %arg10[%dma_wait3A_219, %dma_wait3A_220] : memref<159x128xi32, #tpu.memory_space<vmem>> -> memref<158x128xi32, #tpu.memory_space<vmem>>
        %dma_wait3A_222 = arith.constant 0 : i32
        %dma_wait3A_223 = arith.constant 0 : i32
        %dma_wait3A_224 = tpu.memref_slice %arg5[%arg1, %dma_wait3A_222, %dma_wait3A_223] : memref<16x158x128xi32, #tpu.memory_space<hbm>> -> memref<1x158x128xi32, #tpu.memory_space<hbm>>
        %dma_wait3A_225 = tpu.memref_squeeze %dma_wait3A_224 : memref<1x158x128xi32, #tpu.memory_space<hbm>> -> memref<158x128xi32, #tpu.memory_space<hbm>>
        tpu.wait_dma2 semaphore(%run_scoped3A : memref<!tpu.dma_semaphore, #tpu.memory_space<semaphore_mem>>) src(%dma_wait3A_225 : memref<158x128xi32, #tpu.memory_space<hbm>>) dst(%dma_wait3A_221 : memref<158x128xi32, #tpu.memory_space<vmem>>)
        tpu.yield
      }) : () -> ()
      "tpu.region"() ({
        %run_scoped3A = tpu.sem_alloc : memref<!tpu.dma_semaphore, #tpu.memory_space<semaphore_mem>>
        %dma_start3A_198 = arith.constant 0 : i32
        %dma_start3A_199 = arith.constant 0 : i32
        %dma_start3A_200 = tpu.memref_slice %arg11[%dma_start3A_198, %dma_start3A_199] : memref<159x128xi32, #tpu.memory_space<vmem>> -> memref<158x128xi32, #tpu.memory_space<vmem>>
        %dma_start3A_201 = arith.constant 0 : i32
        %dma_start3A_202 = arith.constant 0 : i32
        %dma_start3A_203 = tpu.memref_slice %arg6[%arg1, %dma_start3A_201, %dma_start3A_202] : memref<16x158x128xi32, #tpu.memory_space<hbm>> -> memref<1x158x128xi32, #tpu.memory_space<hbm>>
        %dma_start3A_204 = tpu.memref_squeeze %dma_start3A_203 : memref<1x158x128xi32, #tpu.memory_space<hbm>> -> memref<158x128xi32, #tpu.memory_space<hbm>>
        %dma_start3A_205 = arith.constant 0 : i32
        %dma_start3A_206 = arith.constant 0 : i32
        %dma_start3A_207 = tpu.memref_slice %arg11[%dma_start3A_205, %dma_start3A_206] : memref<159x128xi32, #tpu.memory_space<vmem>> -> memref<158x128xi32, #tpu.memory_space<vmem>>
        %dma_start3A_208 = arith.constant 0 : i32
        %dma_start3A_209 = arith.constant 0 : i32
        %dma_start3A_210 = tpu.memref_slice %arg6[%arg1, %dma_start3A_208, %dma_start3A_209] : memref<16x158x128xi32, #tpu.memory_space<hbm>> -> memref<1x158x128xi32, #tpu.memory_space<hbm>>
        %dma_start3A_211 = tpu.memref_squeeze %dma_start3A_210 : memref<1x158x128xi32, #tpu.memory_space<hbm>> -> memref<158x128xi32, #tpu.memory_space<hbm>>
        tpu.enqueue_dma source(%dma_start3A_211 : memref<158x128xi32, #tpu.memory_space<hbm>>) target(%dma_start3A_207 : memref<158x128xi32, #tpu.memory_space<vmem>>) target_semaphore(%run_scoped3A : memref<!tpu.dma_semaphore, #tpu.memory_space<semaphore_mem>>)
        %dma_wait3A_212 = arith.constant 0 : i32
        %dma_wait3A_213 = arith.constant 0 : i32
        %dma_wait3A_214 = tpu.memref_slice %arg11[%dma_wait3A_212, %dma_wait3A_213] : memref<159x128xi32, #tpu.memory_space<vmem>> -> memref<158x128xi32, #tpu.memory_space<vmem>>
        %dma_wait3A_215 = arith.constant 0 : i32
        %dma_wait3A_216 = arith.constant 0 : i32
        %dma_wait3A_217 = tpu.memref_slice %arg6[%arg1, %dma_wait3A_215, %dma_wait3A_216] : memref<16x158x128xi32, #tpu.memory_space<hbm>> -> memref<1x158x128xi32, #tpu.memory_space<hbm>>
        %dma_wait3A_218 = tpu.memref_squeeze %dma_wait3A_217 : memref<1x158x128xi32, #tpu.memory_space<hbm>> -> memref<158x128xi32, #tpu.memory_space<hbm>>
        %dma_wait3A_219 = arith.constant 0 : i32
        %dma_wait3A_220 = arith.constant 0 : i32
        %dma_wait3A_221 = tpu.memref_slice %arg11[%dma_wait3A_219, %dma_wait3A_220] : memref<159x128xi32, #tpu.memory_space<vmem>> -> memref<158x128xi32, #tpu.memory_space<vmem>>
        %dma_wait3A_222 = arith.constant 0 : i32
        %dma_wait3A_223 = arith.constant 0 : i32
        %dma_wait3A_224 = tpu.memref_slice %arg6[%arg1, %dma_wait3A_222, %dma_wait3A_223] : memref<16x158x128xi32, #tpu.memory_space<hbm>> -> memref<1x158x128xi32, #tpu.memory_space<hbm>>
        %dma_wait3A_225 = tpu.memref_squeeze %dma_wait3A_224 : memref<1x158x128xi32, #tpu.memory_space<hbm>> -> memref<158x128xi32, #tpu.memory_space<hbm>>
        tpu.wait_dma2 semaphore(%run_scoped3A : memref<!tpu.dma_semaphore, #tpu.memory_space<semaphore_mem>>) src(%dma_wait3A_225 : memref<158x128xi32, #tpu.memory_space<hbm>>) dst(%dma_wait3A_221 : memref<158x128xi32, #tpu.memory_space<vmem>>)
        tpu.yield
      }) : () -> ()
      "tpu.region"() ({
        %run_scoped3A = tpu.sem_alloc : memref<!tpu.dma_semaphore, #tpu.memory_space<semaphore_mem>>
        %dma_start3A_198 = arith.constant 0 : i32
        %dma_start3A_199 = arith.constant 0 : i32
        %dma_start3A_200 = tpu.memref_slice %arg7[%arg1, %dma_start3A_198, %dma_start3A_199] : memref<16x158x128xf32, #tpu.memory_space<hbm>> -> memref<1x158x128xf32, #tpu.memory_space<hbm>>
        %dma_start3A_201 = tpu.memref_squeeze %dma_start3A_200 : memref<1x158x128xf32, #tpu.memory_space<hbm>> -> memref<158x128xf32, #tpu.memory_space<hbm>>
        %dma_start3A_202 = arith.constant 0 : i32
        %dma_start3A_203 = arith.constant 0 : i32
        %dma_start3A_204 = tpu.memref_slice %arg7[%arg1, %dma_start3A_202, %dma_start3A_203] : memref<16x158x128xf32, #tpu.memory_space<hbm>> -> memref<1x158x128xf32, #tpu.memory_space<hbm>>
        %dma_start3A_205 = tpu.memref_squeeze %dma_start3A_204 : memref<1x158x128xf32, #tpu.memory_space<hbm>> -> memref<158x128xf32, #tpu.memory_space<hbm>>
        tpu.enqueue_dma source(%dma_start3A_205 : memref<158x128xf32, #tpu.memory_space<hbm>>) target(%arg12 : memref<158x128xf32, #tpu.memory_space<vmem>>) target_semaphore(%run_scoped3A : memref<!tpu.dma_semaphore, #tpu.memory_space<semaphore_mem>>)
        %dma_wait3A_206 = arith.constant 0 : i32
        %dma_wait3A_207 = arith.constant 0 : i32
        %dma_wait3A_208 = tpu.memref_slice %arg7[%arg1, %dma_wait3A_206, %dma_wait3A_207] : memref<16x158x128xf32, #tpu.memory_space<hbm>> -> memref<1x158x128xf32, #tpu.memory_space<hbm>>
        %dma_wait3A_209 = tpu.memref_squeeze %dma_wait3A_208 : memref<1x158x128xf32, #tpu.memory_space<hbm>> -> memref<158x128xf32, #tpu.memory_space<hbm>>
        %dma_wait3A_210 = arith.constant 0 : i32
        %dma_wait3A_211 = arith.constant 0 : i32
        %dma_wait3A_212 = tpu.memref_slice %arg7[%arg1, %dma_wait3A_210, %dma_wait3A_211] : memref<16x158x128xf32, #tpu.memory_space<hbm>> -> memref<1x158x128xf32, #tpu.memory_space<hbm>>
        %dma_wait3A_213 = tpu.memref_squeeze %dma_wait3A_212 : memref<1x158x128xf32, #tpu.memory_space<hbm>> -> memref<158x128xf32, #tpu.memory_space<hbm>>
        tpu.wait_dma2 semaphore(%run_scoped3A : memref<!tpu.dma_semaphore, #tpu.memory_space<semaphore_mem>>) src(%dma_wait3A_213 : memref<158x128xf32, #tpu.memory_space<hbm>>) dst(%arg12 : memref<158x128xf32, #tpu.memory_space<vmem>>)
        tpu.yield
      }) : () -> ()
    } else {
    }
    %broadcast_in_dim3A = arith.constant 10016 : i32
    %broadcast_in_dim3A_7 = vector.broadcast %broadcast_in_dim3A : i32 to vector<16xi32>
    %swap3A = arith.constant 158 : i32
    %swap3A_8 = arith.index_cast %swap3A : i32 to index
    %swap3A_9 = arith.constant 0 : index
    %swap3A_10 = tpu.vector_load %arg10[%swap3A_8, %swap3A_9] {strides = array<i32>} : memref<159x128xi32, #tpu.memory_space<vmem>>, vector<16xi32>,
    tpu.vector_store %arg10[%swap3A_8, %swap3A_9], %broadcast_in_dim3A_7 {strides = array<i32>} : memref<159x128xi32, #tpu.memory_space<vmem>>, vector<16xi32>,
    %swap3A_11 = arith.constant 158 : i32
    %swap3A_12 = arith.index_cast %swap3A_11 : i32 to index
    %swap3A_13 = arith.constant 0 : index
    %swap3A_14 = tpu.vector_load %arg11[%swap3A_12, %swap3A_13] {strides = array<i32>} : memref<159x128xi32, #tpu.memory_space<vmem>>, vector<16xi32>,
    tpu.vector_store %arg11[%swap3A_12, %swap3A_13], %broadcast_in_dim3A_7 {strides = array<i32>} : memref<159x128xi32, #tpu.memory_space<vmem>>, vector<16xi32>,
    %swap3A_15 = arith.constant 158 : i32
    %swap3A_16 = arith.index_cast %swap3A_15 : i32 to index
    %swap3A_17 = arith.constant 16 : index
    %swap3A_18 = tpu.vector_load %arg10[%swap3A_16, %swap3A_17] {strides = array<i32>} : memref<159x128xi32, #tpu.memory_space<vmem>>, vector<16xi32>,
    tpu.vector_store %arg10[%swap3A_16, %swap3A_17], %broadcast_in_dim3A_7 {strides = array<i32>} : memref<159x128xi32, #tpu.memory_space<vmem>>, vector<16xi32>,
    %swap3A_19 = arith.constant 158 : i32
    %swap3A_20 = arith.index_cast %swap3A_19 : i32 to index
    %swap3A_21 = arith.constant 16 : index
    %swap3A_22 = tpu.vector_load %arg11[%swap3A_20, %swap3A_21] {strides = array<i32>} : memref<159x128xi32, #tpu.memory_space<vmem>>, vector<16xi32>,
    tpu.vector_store %arg11[%swap3A_20, %swap3A_21], %broadcast_in_dim3A_7 {strides = array<i32>} : memref<159x128xi32, #tpu.memory_space<vmem>>, vector<16xi32>,
    %swap3A_23 = arith.constant 158 : i32
    %swap3A_24 = arith.index_cast %swap3A_23 : i32 to index
    %swap3A_25 = arith.constant 32 : index
    %swap3A_26 = tpu.vector_load %arg10[%swap3A_24, %swap3A_25] {strides = array<i32>} : memref<159x128xi32, #tpu.memory_space<vmem>>, vector<16xi32>,
    tpu.vector_store %arg10[%swap3A_24, %swap3A_25], %broadcast_in_dim3A_7 {strides = array<i32>} : memref<159x128xi32, #tpu.memory_space<vmem>>, vector<16xi32>,
    %swap3A_27 = arith.constant 158 : i32
    %swap3A_28 = arith.index_cast %swap3A_27 : i32 to index
    %swap3A_29 = arith.constant 32 : index
    %swap3A_30 = tpu.vector_load %arg11[%swap3A_28, %swap3A_29] {strides = array<i32>} : memref<159x128xi32, #tpu.memory_space<vmem>>, vector<16xi32>,
    tpu.vector_store %arg11[%swap3A_28, %swap3A_29], %broadcast_in_dim3A_7 {strides = array<i32>} : memref<159x128xi32, #tpu.memory_space<vmem>>, vector<16xi32>,
    %swap3A_31 = arith.constant 158 : i32
    %swap3A_32 = arith.index_cast %swap3A_31 : i32 to index
    %swap3A_33 = arith.constant 48 : index
    %swap3A_34 = tpu.vector_load %arg10[%swap3A_32, %swap3A_33] {strides = array<i32>} : memref<159x128xi32, #tpu.memory_space<vmem>>, vector<16xi32>,
    tpu.vector_store %arg10[%swap3A_32, %swap3A_33], %broadcast_in_dim3A_7 {strides = array<i32>} : memref<159x128xi32, #tpu.memory_space<vmem>>, vector<16xi32>,
    %swap3A_35 = arith.constant 158 : i32
    %swap3A_36 = arith.index_cast %swap3A_35 : i32 to index
    %swap3A_37 = arith.constant 48 : index
    %swap3A_38 = tpu.vector_load %arg11[%swap3A_36, %swap3A_37] {strides = array<i32>} : memref<159x128xi32, #tpu.memory_space<vmem>>, vector<16xi32>,
    tpu.vector_store %arg11[%swap3A_36, %swap3A_37], %broadcast_in_dim3A_7 {strides = array<i32>} : memref<159x128xi32, #tpu.memory_space<vmem>>, vector<16xi32>,
    %swap3A_39 = arith.constant 158 : i32
    %swap3A_40 = arith.index_cast %swap3A_39 : i32 to index
    %swap3A_41 = arith.constant 64 : index
    %swap3A_42 = tpu.vector_load %arg10[%swap3A_40, %swap3A_41] {strides = array<i32>} : memref<159x128xi32, #tpu.memory_space<vmem>>, vector<16xi32>,
    tpu.vector_store %arg10[%swap3A_40, %swap3A_41], %broadcast_in_dim3A_7 {strides = array<i32>} : memref<159x128xi32, #tpu.memory_space<vmem>>, vector<16xi32>,
    %swap3A_43 = arith.constant 158 : i32
    %swap3A_44 = arith.index_cast %swap3A_43 : i32 to index
    %swap3A_45 = arith.constant 64 : index
    %swap3A_46 = tpu.vector_load %arg11[%swap3A_44, %swap3A_45] {strides = array<i32>} : memref<159x128xi32, #tpu.memory_space<vmem>>, vector<16xi32>,
    tpu.vector_store %arg11[%swap3A_44, %swap3A_45], %broadcast_in_dim3A_7 {strides = array<i32>} : memref<159x128xi32, #tpu.memory_space<vmem>>, vector<16xi32>,
    %swap3A_47 = arith.constant 158 : i32
    %swap3A_48 = arith.index_cast %swap3A_47 : i32 to index
    %swap3A_49 = arith.constant 80 : index
    %swap3A_50 = tpu.vector_load %arg10[%swap3A_48, %swap3A_49] {strides = array<i32>} : memref<159x128xi32, #tpu.memory_space<vmem>>, vector<16xi32>,
    tpu.vector_store %arg10[%swap3A_48, %swap3A_49], %broadcast_in_dim3A_7 {strides = array<i32>} : memref<159x128xi32, #tpu.memory_space<vmem>>, vector<16xi32>,
    %swap3A_51 = arith.constant 158 : i32
    %swap3A_52 = arith.index_cast %swap3A_51 : i32 to index
    %swap3A_53 = arith.constant 80 : index
    %swap3A_54 = tpu.vector_load %arg11[%swap3A_52, %swap3A_53] {strides = array<i32>} : memref<159x128xi32, #tpu.memory_space<vmem>>, vector<16xi32>,
    tpu.vector_store %arg11[%swap3A_52, %swap3A_53], %broadcast_in_dim3A_7 {strides = array<i32>} : memref<159x128xi32, #tpu.memory_space<vmem>>, vector<16xi32>,
    %swap3A_55 = arith.constant 158 : i32
    %swap3A_56 = arith.index_cast %swap3A_55 : i32 to index
    %swap3A_57 = arith.constant 96 : index
    %swap3A_58 = tpu.vector_load %arg10[%swap3A_56, %swap3A_57] {strides = array<i32>} : memref<159x128xi32, #tpu.memory_space<vmem>>, vector<16xi32>,
    tpu.vector_store %arg10[%swap3A_56, %swap3A_57], %broadcast_in_dim3A_7 {strides = array<i32>} : memref<159x128xi32, #tpu.memory_space<vmem>>, vector<16xi32>,
    %swap3A_59 = arith.constant 158 : i32
    %swap3A_60 = arith.index_cast %swap3A_59 : i32 to index
    %swap3A_61 = arith.constant 96 : index
    %swap3A_62 = tpu.vector_load %arg11[%swap3A_60, %swap3A_61] {strides = array<i32>} : memref<159x128xi32, #tpu.memory_space<vmem>>, vector<16xi32>,
    tpu.vector_store %arg11[%swap3A_60, %swap3A_61], %broadcast_in_dim3A_7 {strides = array<i32>} : memref<159x128xi32, #tpu.memory_space<vmem>>, vector<16xi32>,
    %swap3A_63 = arith.constant 158 : i32
    %swap3A_64 = arith.index_cast %swap3A_63 : i32 to index
    %swap3A_65 = arith.constant 112 : index
    %swap3A_66 = tpu.vector_load %arg10[%swap3A_64, %swap3A_65] {strides = array<i32>} : memref<159x128xi32, #tpu.memory_space<vmem>>, vector<16xi32>,
    tpu.vector_store %arg10[%swap3A_64, %swap3A_65], %broadcast_in_dim3A_7 {strides = array<i32>} : memref<159x128xi32, #tpu.memory_space<vmem>>, vector<16xi32>,
    %swap3A_67 = arith.constant 158 : i32
    %swap3A_68 = arith.index_cast %swap3A_67 : i32 to index
    %swap3A_69 = arith.constant 112 : index
    %swap3A_70 = tpu.vector_load %arg11[%swap3A_68, %swap3A_69] {strides = array<i32>} : memref<159x128xi32, #tpu.memory_space<vmem>>, vector<16xi32>,
    tpu.vector_store %arg11[%swap3A_68, %swap3A_69], %broadcast_in_dim3A_7 {strides = array<i32>} : memref<159x128xi32, #tpu.memory_space<vmem>>, vector<16xi32>,
    %iota3A = tpu.iota {dimensions = array<i32: 0>} : vector<16xi32>
    %lt3A = arith.constant 8 : i32
    %lt3A_71 = vector.broadcast %lt3A : i32 to vector<16xi32>
    %lt3A_72 = arith.cmpi slt, %iota3A, %lt3A_71 : vector<16xi32>
    %jit3A = arith.constant 1.000000e+00 : f32
    %jit3A_73 = arith.constant 0.000000e+00 : f32
    %broadcast_in_dim3A_74 = vector.broadcast %jit3A : f32 to vector<16xf32>
    %broadcast_in_dim3A_75 = vector.broadcast %jit3A_73 : f32 to vector<16xf32>
    %select_n3A = arith.select %lt3A_72, %broadcast_in_dim3A_74, %broadcast_in_dim3A_75 : vector<16xi1>, vector<16xf32>
    %lt3A_76 = arith.constant 8 : i32
    %lt3A_77 = vector.broadcast %lt3A_76 : i32 to vector<16xi32>
    %lt3A_78 = arith.cmpi slt, %iota3A, %lt3A_77 : vector<16xi32>
    %jit3A_79 = arith.constant 0.000000e+00 : f32
    %jit3A_80 = arith.constant 1.000000e+00 : f32
    %broadcast_in_dim3A_81 = vector.broadcast %jit3A_79 : f32 to vector<16xf32>
    %broadcast_in_dim3A_82 = vector.broadcast %jit3A_80 : f32 to vector<16xf32>
    %select_n3A_83 = arith.select %lt3A_78, %broadcast_in_dim3A_81, %broadcast_in_dim3A_82 : vector<16xi1>, vector<16xf32>
    %broadcast_in_dim3A_84 = arith.constant 0.000000e+00 : f32
    %broadcast_in_dim3A_85 = vector.broadcast %broadcast_in_dim3A_84 : f32 to vector<16xf32>
    %scan3A = arith.constant 0 : i32
    %scan3A_86 = arith.constant 0 : i32
    %scan3A_87 = arith.constant 128 : i32
    %scan3A_88 = arith.addi %scan3A_86, %scan3A_87 : i32
    %scan3A_89 = arith.constant 1 : i32
    scf.for %scan3A_198 = %scan3A_86 to %scan3A_88 step %scan3A_89  : i32 {
      %swap3A_199 = arith.index_cast %scan3A_198 : i32 to index
      %swap3A_200 = arith.constant 0 : index
      %swap3A_201 = tpu.vector_load %arg13[%swap3A_199, %swap3A_200] {strides = array<i32>} : memref<128x16xf32, #tpu.memory_space<vmem>>, vector<16xf32>,
      tpu.vector_store %arg13[%swap3A_199, %swap3A_200], %select_n3A {strides = array<i32>} : memref<128x16xf32, #tpu.memory_space<vmem>>, vector<16xf32>,
      %swap3A_202 = arith.index_cast %scan3A_198 : i32 to index
      %swap3A_203 = arith.constant 0 : index
      %swap3A_204 = tpu.vector_load %arg14[%swap3A_202, %swap3A_203] {strides = array<i32>} : memref<128x16xf32, #tpu.memory_space<vmem>>, vector<16xf32>,
      tpu.vector_store %arg14[%swap3A_202, %swap3A_203], %select_n3A_83 {strides = array<i32>} : memref<128x16xf32, #tpu.memory_space<vmem>>, vector<16xf32>,
    }
    %scan3A_90 = arith.constant 128 : i32
    %scan3A_91 = arith.constant 0 : i32
    %scan3A_92 = arith.constant 0 : i32
    %scan3A_93 = arith.constant 640 : i32
    %scan3A_94 = arith.addi %scan3A_92, %scan3A_93 : i32
    %scan3A_95 = arith.constant 1 : i32
    scf.for %scan3A_198 = %scan3A_92 to %scan3A_94 step %scan3A_95  : i32 {
      %swap3A_199 = arith.index_cast %scan3A_198 : i32 to index
      %swap3A_200 = arith.constant 0 : index
      %swap3A_201 = tpu.vector_load %arg15[%swap3A_199, %swap3A_200] {strides = array<i32>} : memref<640x16xf32, #tpu.memory_space<vmem>>, vector<16xf32>,
      tpu.vector_store %arg15[%swap3A_199, %swap3A_200], %broadcast_in_dim3A_85 {strides = array<i32>} : memref<640x16xf32, #tpu.memory_space<vmem>>, vector<16xf32>,
    }
    %scan3A_96 = arith.constant 640 : i32
    %mul3A = arith.constant 640 : i32
    %mul3A_97 = arith.muli %arg1, %mul3A : i32
    "tpu.region"() ({
      %run_scoped3A = tpu.sem_alloc : memref<!tpu.dma_semaphore, #tpu.memory_space<semaphore_mem>>
      %dma_start3A_198 = arith.constant 0 : i32
      %dma_start3A_199 = tpu.memref_slice %arg20[%mul3A_97, %dma_start3A_198] : memref<10240x16xf32, #tpu.memory_space<vmem_shared>> -> memref<640x16xf32, #tpu.memory_space<vmem_shared>>
      %dma_start3A_200 = arith.constant 0 : i32
      %dma_start3A_201 = tpu.memref_slice %arg20[%mul3A_97, %dma_start3A_200] : memref<10240x16xf32, #tpu.memory_space<vmem_shared>> -> memref<640x16xf32, #tpu.memory_space<vmem_shared>>
      tpu.enqueue_dma source(%arg15 : memref<640x16xf32, #tpu.memory_space<vmem>>) target(%dma_start3A_201 : memref<640x16xf32, #tpu.memory_space<vmem_shared>>) target_semaphore(%run_scoped3A : memref<!tpu.dma_semaphore, #tpu.memory_space<semaphore_mem>>)
      %dma_wait3A_202 = arith.constant 0 : i32
      %dma_wait3A_203 = tpu.memref_slice %arg20[%mul3A_97, %dma_wait3A_202] : memref<10240x16xf32, #tpu.memory_space<vmem_shared>> -> memref<640x16xf32, #tpu.memory_space<vmem_shared>>
      %dma_wait3A_204 = arith.constant 0 : i32
      %dma_wait3A_205 = tpu.memref_slice %arg20[%mul3A_97, %dma_wait3A_204] : memref<10240x16xf32, #tpu.memory_space<vmem_shared>> -> memref<640x16xf32, #tpu.memory_space<vmem_shared>>
      tpu.wait_dma2 semaphore(%run_scoped3A : memref<!tpu.dma_semaphore, #tpu.memory_space<semaphore_mem>>) src(%arg15 : memref<640x16xf32, #tpu.memory_space<vmem>>) dst(%dma_wait3A_205 : memref<640x16xf32, #tpu.memory_space<vmem_shared>>)
      tpu.yield
    }) : () -> ()
    %barrier3A = arith.constant 0 : index
    tpu.barrier barrier_id(%barrier3A)
    %dma_start3A = arith.constant 0 : i32
    %dma_start3A_98 = arith.constant 0 : i32
    %dma_start3A_99 = tpu.memref_slice %arg10[%dma_start3A, %dma_start3A_98] : memref<159x128xi32, #tpu.memory_space<vmem>> -> memref<1x128xi32, #tpu.memory_space<vmem>>
    %dma_start3A_100 = tpu.memref_squeeze %dma_start3A_99 : memref<1x128xi32, #tpu.memory_space<vmem>> -> memref<128xi32, #tpu.memory_space<vmem>>
    %dma_start3A_101 = arith.constant 0 : i32
    %dma_start3A_102 = arith.constant 0 : i32
    %dma_start3A_103 = tpu.memref_slice %arg20[%dma_start3A_101, %dma_start3A_102] : memref<10240x16xf32, #tpu.memory_space<vmem_shared>> -> memref<10240x16xf32, #tpu.memory_space<vmem_shared>>
    tpu.enqueue_indirect_dma source(%arg13 : memref<128x16xf32, #tpu.memory_space<vmem>>) target(%dma_start3A_103 : memref<10240x16xf32, #tpu.memory_space<vmem_shared>>) offsets(%dma_start3A_100 : memref<128xi32, #tpu.memory_space<vmem>>) semaphore(%arg23 : memref<!tpu.dma_semaphore, #tpu.memory_space<semaphore_mem>>) {add = true}
    %dma_start3A_104 = arith.constant 0 : i32
    %dma_start3A_105 = arith.constant 0 : i32
    %dma_start3A_106 = tpu.memref_slice %arg11[%dma_start3A_104, %dma_start3A_105] : memref<159x128xi32, #tpu.memory_space<vmem>> -> memref<1x128xi32, #tpu.memory_space<vmem>>
    %dma_start3A_107 = tpu.memref_squeeze %dma_start3A_106 : memref<1x128xi32, #tpu.memory_space<vmem>> -> memref<128xi32, #tpu.memory_space<vmem>>
    %dma_start3A_108 = arith.constant 0 : i32
    %dma_start3A_109 = arith.constant 0 : i32
    %dma_start3A_110 = tpu.memref_slice %arg20[%dma_start3A_108, %dma_start3A_109] : memref<10240x16xf32, #tpu.memory_space<vmem_shared>> -> memref<10240x16xf32, #tpu.memory_space<vmem_shared>>
    tpu.enqueue_indirect_dma source(%arg14 : memref<128x16xf32, #tpu.memory_space<vmem>>) target(%dma_start3A_110 : memref<10240x16xf32, #tpu.memory_space<vmem_shared>>) offsets(%dma_start3A_107 : memref<128xi32, #tpu.memory_space<vmem>>) semaphore(%arg24 : memref<!tpu.dma_semaphore, #tpu.memory_space<semaphore_mem>>) {add = true}
    %dma_start3A_111 = arith.constant 1 : i32
    %dma_start3A_112 = arith.constant 0 : i32
    %dma_start3A_113 = tpu.memref_slice %arg10[%dma_start3A_111, %dma_start3A_112] : memref<159x128xi32, #tpu.memory_space<vmem>> -> memref<1x128xi32, #tpu.memory_space<vmem>>
    %dma_start3A_114 = tpu.memref_squeeze %dma_start3A_113 : memref<1x128xi32, #tpu.memory_space<vmem>> -> memref<128xi32, #tpu.memory_space<vmem>>
    %dma_start3A_115 = arith.constant 0 : i32
    %dma_start3A_116 = arith.constant 0 : i32
    %dma_start3A_117 = tpu.memref_slice %arg20[%dma_start3A_115, %dma_start3A_116] : memref<10240x16xf32, #tpu.memory_space<vmem_shared>> -> memref<10240x16xf32, #tpu.memory_space<vmem_shared>>
    tpu.enqueue_indirect_dma source(%arg13 : memref<128x16xf32, #tpu.memory_space<vmem>>) target(%dma_start3A_117 : memref<10240x16xf32, #tpu.memory_space<vmem_shared>>) offsets(%dma_start3A_114 : memref<128xi32, #tpu.memory_space<vmem>>) semaphore(%arg25 : memref<!tpu.dma_semaphore, #tpu.memory_space<semaphore_mem>>) {add = true}
    %dma_start3A_118 = arith.constant 1 : i32
    %dma_start3A_119 = arith.constant 0 : i32
    %dma_start3A_120 = tpu.memref_slice %arg11[%dma_start3A_118, %dma_start3A_119] : memref<159x128xi32, #tpu.memory_space<vmem>> -> memref<1x128xi32, #tpu.memory_space<vmem>>
    %dma_start3A_121 = tpu.memref_squeeze %dma_start3A_120 : memref<1x128xi32, #tpu.memory_space<vmem>> -> memref<128xi32, #tpu.memory_space<vmem>>
    %dma_start3A_122 = arith.constant 0 : i32
    %dma_start3A_123 = arith.constant 0 : i32
    %dma_start3A_124 = tpu.memref_slice %arg20[%dma_start3A_122, %dma_start3A_123] : memref<10240x16xf32, #tpu.memory_space<vmem_shared>> -> memref<10240x16xf32, #tpu.memory_space<vmem_shared>>
    tpu.enqueue_indirect_dma source(%arg14 : memref<128x16xf32, #tpu.memory_space<vmem>>) target(%dma_start3A_124 : memref<10240x16xf32, #tpu.memory_space<vmem_shared>>) offsets(%dma_start3A_121 : memref<128xi32, #tpu.memory_space<vmem>>) semaphore(%arg26 : memref<!tpu.dma_semaphore, #tpu.memory_space<semaphore_mem>>) {add = true}
    %scan3A_125 = arith.constant 0 : i32
    %scan3A_126 = arith.constant 0 : i32
    %scan3A_127 = arith.constant 79 : i32
    %scan3A_128 = arith.addi %scan3A_126, %scan3A_127 : i32
    %scan3A_129 = arith.constant 1 : i32
    scf.for %scan3A_198 = %scan3A_126 to %scan3A_128 step %scan3A_129  : i32 {
      %mul3A_199 = arith.constant 2 : i32
      %mul3A_200 = arith.muli %scan3A_198, %mul3A_199 : i32
      %add3A = arith.constant 0 : i32
      %add3A_201 = arith.addi %mul3A_200, %add3A : i32
      %dma_wait3A_202 = arith.constant 0 : i32
      %dma_wait3A_203 = tpu.memref_slice %arg10[%add3A_201, %dma_wait3A_202] : memref<159x128xi32, #tpu.memory_space<vmem>> -> memref<1x128xi32, #tpu.memory_space<vmem>>
      %dma_wait3A_204 = tpu.memref_squeeze %dma_wait3A_203 : memref<1x128xi32, #tpu.memory_space<vmem>> -> memref<128xi32, #tpu.memory_space<vmem>>
      %dma_wait3A_205 = arith.constant 0 : i32
      %dma_wait3A_206 = arith.constant 0 : i32
      %dma_wait3A_207 = tpu.memref_slice %arg20[%dma_wait3A_205, %dma_wait3A_206] : memref<10240x16xf32, #tpu.memory_space<vmem_shared>> -> memref<10240x16xf32, #tpu.memory_space<vmem_shared>>
      tpu.wait_indirect_dma semaphore(%arg23 : memref<!tpu.dma_semaphore, #tpu.memory_space<semaphore_mem>>) src(%arg13 : memref<128x16xf32, #tpu.memory_space<vmem>>) dst(%dma_wait3A_207 : memref<10240x16xf32, #tpu.memory_space<vmem_shared>>)
      %dma_wait3A_208 = arith.constant 0 : i32
      %dma_wait3A_209 = tpu.memref_slice %arg11[%add3A_201, %dma_wait3A_208] : memref<159x128xi32, #tpu.memory_space<vmem>> -> memref<1x128xi32, #tpu.memory_space<vmem>>
      %dma_wait3A_210 = tpu.memref_squeeze %dma_wait3A_209 : memref<1x128xi32, #tpu.memory_space<vmem>> -> memref<128xi32, #tpu.memory_space<vmem>>
      %dma_wait3A_211 = arith.constant 0 : i32
      %dma_wait3A_212 = arith.constant 0 : i32
      %dma_wait3A_213 = tpu.memref_slice %arg20[%dma_wait3A_211, %dma_wait3A_212] : memref<10240x16xf32, #tpu.memory_space<vmem_shared>> -> memref<10240x16xf32, #tpu.memory_space<vmem_shared>>
      tpu.wait_indirect_dma semaphore(%arg24 : memref<!tpu.dma_semaphore, #tpu.memory_space<semaphore_mem>>) src(%arg14 : memref<128x16xf32, #tpu.memory_space<vmem>>) dst(%dma_wait3A_213 : memref<10240x16xf32, #tpu.memory_space<vmem_shared>>)
      %add3A_214 = arith.constant 2 : i32
      %add3A_215 = arith.addi %add3A_201, %add3A_214 : i32
      %min3A = arith.constant 158 : i32
      %min3A_216 = arith.minsi %add3A_215, %min3A : i32
      %dma_start3A_217 = arith.constant 0 : i32
      %dma_start3A_218 = tpu.memref_slice %arg10[%min3A_216, %dma_start3A_217] : memref<159x128xi32, #tpu.memory_space<vmem>> -> memref<1x128xi32, #tpu.memory_space<vmem>>
      %dma_start3A_219 = tpu.memref_squeeze %dma_start3A_218 : memref<1x128xi32, #tpu.memory_space<vmem>> -> memref<128xi32, #tpu.memory_space<vmem>>
      %dma_start3A_220 = arith.constant 0 : i32
      %dma_start3A_221 = arith.constant 0 : i32
      %dma_start3A_222 = tpu.memref_slice %arg20[%dma_start3A_220, %dma_start3A_221] : memref<10240x16xf32, #tpu.memory_space<vmem_shared>> -> memref<10240x16xf32, #tpu.memory_space<vmem_shared>>
      tpu.enqueue_indirect_dma source(%arg13 : memref<128x16xf32, #tpu.memory_space<vmem>>) target(%dma_start3A_222 : memref<10240x16xf32, #tpu.memory_space<vmem_shared>>) offsets(%dma_start3A_219 : memref<128xi32, #tpu.memory_space<vmem>>) semaphore(%arg23 : memref<!tpu.dma_semaphore, #tpu.memory_space<semaphore_mem>>) {add = true}
      %dma_start3A_223 = arith.constant 0 : i32
      %dma_start3A_224 = tpu.memref_slice %arg11[%min3A_216, %dma_start3A_223] : memref<159x128xi32, #tpu.memory_space<vmem>> -> memref<1x128xi32, #tpu.memory_space<vmem>>
      %dma_start3A_225 = tpu.memref_squeeze %dma_start3A_224 : memref<1x128xi32, #tpu.memory_space<vmem>> -> memref<128xi32, #tpu.memory_space<vmem>>
      %dma_start3A_226 = arith.constant 0 : i32
      %dma_start3A_227 = arith.constant 0 : i32
      %dma_start3A_228 = tpu.memref_slice %arg20[%dma_start3A_226, %dma_start3A_227] : memref<10240x16xf32, #tpu.memory_space<vmem_shared>> -> memref<10240x16xf32, #tpu.memory_space<vmem_shared>>
      tpu.enqueue_indirect_dma source(%arg14 : memref<128x16xf32, #tpu.memory_space<vmem>>) target(%dma_start3A_228 : memref<10240x16xf32, #tpu.memory_space<vmem_shared>>) offsets(%dma_start3A_225 : memref<128xi32, #tpu.memory_space<vmem>>) semaphore(%arg24 : memref<!tpu.dma_semaphore, #tpu.memory_space<semaphore_mem>>) {add = true}
      %mul3A_229 = arith.constant 2 : i32
      %mul3A_230 = arith.muli %scan3A_198, %mul3A_229 : i32
      %add3A_231 = arith.constant 1 : i32
      %add3A_232 = arith.addi %mul3A_230, %add3A_231 : i32
      %dma_wait3A_233 = arith.constant 0 : i32
      %dma_wait3A_234 = tpu.memref_slice %arg10[%add3A_232, %dma_wait3A_233] : memref<159x128xi32, #tpu.memory_space<vmem>> -> memref<1x128xi32, #tpu.memory_space<vmem>>
      %dma_wait3A_235 = tpu.memref_squeeze %dma_wait3A_234 : memref<1x128xi32, #tpu.memory_space<vmem>> -> memref<128xi32, #tpu.memory_space<vmem>>
      %dma_wait3A_236 = arith.constant 0 : i32
      %dma_wait3A_237 = arith.constant 0 : i32
      %dma_wait3A_238 = tpu.memref_slice %arg20[%dma_wait3A_236, %dma_wait3A_237] : memref<10240x16xf32, #tpu.memory_space<vmem_shared>> -> memref<10240x16xf32, #tpu.memory_space<vmem_shared>>
      tpu.wait_indirect_dma semaphore(%arg25 : memref<!tpu.dma_semaphore, #tpu.memory_space<semaphore_mem>>) src(%arg13 : memref<128x16xf32, #tpu.memory_space<vmem>>) dst(%dma_wait3A_238 : memref<10240x16xf32, #tpu.memory_space<vmem_shared>>)
      %dma_wait3A_239 = arith.constant 0 : i32
      %dma_wait3A_240 = tpu.memref_slice %arg11[%add3A_232, %dma_wait3A_239] : memref<159x128xi32, #tpu.memory_space<vmem>> -> memref<1x128xi32, #tpu.memory_space<vmem>>
      %dma_wait3A_241 = tpu.memref_squeeze %dma_wait3A_240 : memref<1x128xi32, #tpu.memory_space<vmem>> -> memref<128xi32, #tpu.memory_space<vmem>>
      %dma_wait3A_242 = arith.constant 0 : i32
      %dma_wait3A_243 = arith.constant 0 : i32
      %dma_wait3A_244 = tpu.memref_slice %arg20[%dma_wait3A_242, %dma_wait3A_243] : memref<10240x16xf32, #tpu.memory_space<vmem_shared>> -> memref<10240x16xf32, #tpu.memory_space<vmem_shared>>
      tpu.wait_indirect_dma semaphore(%arg26 : memref<!tpu.dma_semaphore, #tpu.memory_space<semaphore_mem>>) src(%arg14 : memref<128x16xf32, #tpu.memory_space<vmem>>) dst(%dma_wait3A_244 : memref<10240x16xf32, #tpu.memory_space<vmem_shared>>)
      %add3A_245 = arith.constant 2 : i32
      %add3A_246 = arith.addi %add3A_232, %add3A_245 : i32
      %min3A_247 = arith.constant 158 : i32
      %min3A_248 = arith.minsi %add3A_246, %min3A_247 : i32
      %dma_start3A_249 = arith.constant 0 : i32
      %dma_start3A_250 = tpu.memref_slice %arg10[%min3A_248, %dma_start3A_249] : memref<159x128xi32, #tpu.memory_space<vmem>> -> memref<1x128xi32, #tpu.memory_space<vmem>>
      %dma_start3A_251 = tpu.memref_squeeze %dma_start3A_250 : memref<1x128xi32, #tpu.memory_space<vmem>> -> memref<128xi32, #tpu.memory_space<vmem>>
      %dma_start3A_252 = arith.constant 0 : i32
      %dma_start3A_253 = arith.constant 0 : i32
      %dma_start3A_254 = tpu.memref_slice %arg20[%dma_start3A_252, %dma_start3A_253] : memref<10240x16xf32, #tpu.memory_space<vmem_shared>> -> memref<10240x16xf32, #tpu.memory_space<vmem_shared>>
      tpu.enqueue_indirect_dma source(%arg13 : memref<128x16xf32, #tpu.memory_space<vmem>>) target(%dma_start3A_254 : memref<10240x16xf32, #tpu.memory_space<vmem_shared>>) offsets(%dma_start3A_251 : memref<128xi32, #tpu.memory_space<vmem>>) semaphore(%arg25 : memref<!tpu.dma_semaphore, #tpu.memory_space<semaphore_mem>>) {add = true}
      %dma_start3A_255 = arith.constant 0 : i32
      %dma_start3A_256 = tpu.memref_slice %arg11[%min3A_248, %dma_start3A_255] : memref<159x128xi32, #tpu.memory_space<vmem>> -> memref<1x128xi32, #tpu.memory_space<vmem>>
      %dma_start3A_257 = tpu.memref_squeeze %dma_start3A_256 : memref<1x128xi32, #tpu.memory_space<vmem>> -> memref<128xi32, #tpu.memory_space<vmem>>
      %dma_start3A_258 = arith.constant 0 : i32
      %dma_start3A_259 = arith.constant 0 : i32
      %dma_start3A_260 = tpu.memref_slice %arg20[%dma_start3A_258, %dma_start3A_259] : memref<10240x16xf32, #tpu.memory_space<vmem_shared>> -> memref<10240x16xf32, #tpu.memory_space<vmem_shared>>
      tpu.enqueue_indirect_dma source(%arg14 : memref<128x16xf32, #tpu.memory_space<vmem>>) target(%dma_start3A_260 : memref<10240x16xf32, #tpu.memory_space<vmem_shared>>) offsets(%dma_start3A_257 : memref<128xi32, #tpu.memory_space<vmem>>) semaphore(%arg26 : memref<!tpu.dma_semaphore, #tpu.memory_space<semaphore_mem>>) {add = true}
    }
    %scan3A_130 = arith.constant 79 : i32
    %dma_wait3A = arith.constant 0 : i32
    %dma_wait3A_131 = arith.constant 0 : i32
    %dma_wait3A_132 = tpu.memref_slice %arg10[%dma_wait3A, %dma_wait3A_131] : memref<159x128xi32, #tpu.memory_space<vmem>> -> memref<1x128xi32, #tpu.memory_space<vmem>>
    %dma_wait3A_133 = tpu.memref_squeeze %dma_wait3A_132 : memref<1x128xi32, #tpu.memory_space<vmem>> -> memref<128xi32, #tpu.memory_space<vmem>>
    %dma_wait3A_134 = arith.constant 0 : i32
    %dma_wait3A_135 = arith.constant 0 : i32
    %dma_wait3A_136 = tpu.memref_slice %arg20[%dma_wait3A_134, %dma_wait3A_135] : memref<10240x16xf32, #tpu.memory_space<vmem_shared>> -> memref<10240x16xf32, #tpu.memory_space<vmem_shared>>
    tpu.wait_indirect_dma semaphore(%arg23 : memref<!tpu.dma_semaphore, #tpu.memory_space<semaphore_mem>>) src(%arg13 : memref<128x16xf32, #tpu.memory_space<vmem>>) dst(%dma_wait3A_136 : memref<10240x16xf32, #tpu.memory_space<vmem_shared>>)
    %dma_wait3A_137 = arith.constant 0 : i32
    %dma_wait3A_138 = arith.constant 0 : i32
    %dma_wait3A_139 = tpu.memref_slice %arg11[%dma_wait3A_137, %dma_wait3A_138] : memref<159x128xi32, #tpu.memory_space<vmem>> -> memref<1x128xi32, #tpu.memory_space<vmem>>
    %dma_wait3A_140 = tpu.memref_squeeze %dma_wait3A_139 : memref<1x128xi32, #tpu.memory_space<vmem>> -> memref<128xi32, #tpu.memory_space<vmem>>
    %dma_wait3A_141 = arith.constant 0 : i32
    %dma_wait3A_142 = arith.constant 0 : i32
    %dma_wait3A_143 = tpu.memref_slice %arg20[%dma_wait3A_141, %dma_wait3A_142] : memref<10240x16xf32, #tpu.memory_space<vmem_shared>> -> memref<10240x16xf32, #tpu.memory_space<vmem_shared>>
    tpu.wait_indirect_dma semaphore(%arg24 : memref<!tpu.dma_semaphore, #tpu.memory_space<semaphore_mem>>) src(%arg14 : memref<128x16xf32, #tpu.memory_space<vmem>>) dst(%dma_wait3A_143 : memref<10240x16xf32, #tpu.memory_space<vmem_shared>>)
    %dma_wait3A_144 = arith.constant 0 : i32
    %dma_wait3A_145 = arith.constant 0 : i32
    %dma_wait3A_146 = tpu.memref_slice %arg10[%dma_wait3A_144, %dma_wait3A_145] : memref<159x128xi32, #tpu.memory_space<vmem>> -> memref<1x128xi32, #tpu.memory_space<vmem>>
    %dma_wait3A_147 = tpu.memref_squeeze %dma_wait3A_146 : memref<1x128xi32, #tpu.memory_space<vmem>> -> memref<128xi32, #tpu.memory_space<vmem>>
    %dma_wait3A_148 = arith.constant 0 : i32
    %dma_wait3A_149 = arith.constant 0 : i32
    %dma_wait3A_150 = tpu.memref_slice %arg20[%dma_wait3A_148, %dma_wait3A_149] : memref<10240x16xf32, #tpu.memory_space<vmem_shared>> -> memref<10240x16xf32, #tpu.memory_space<vmem_shared>>
    tpu.wait_indirect_dma semaphore(%arg25 : memref<!tpu.dma_semaphore, #tpu.memory_space<semaphore_mem>>) src(%arg13 : memref<128x16xf32, #tpu.memory_space<vmem>>) dst(%dma_wait3A_150 : memref<10240x16xf32, #tpu.memory_space<vmem_shared>>)
    %dma_wait3A_151 = arith.constant 0 : i32
    %dma_wait3A_152 = arith.constant 0 : i32
    %dma_wait3A_153 = tpu.memref_slice %arg11[%dma_wait3A_151, %dma_wait3A_152] : memref<159x128xi32, #tpu.memory_space<vmem>> -> memref<1x128xi32, #tpu.memory_space<vmem>>
    %dma_wait3A_154 = tpu.memref_squeeze %dma_wait3A_153 : memref<1x128xi32, #tpu.memory_space<vmem>> -> memref<128xi32, #tpu.memory_space<vmem>>
    %dma_wait3A_155 = arith.constant 0 : i32
    %dma_wait3A_156 = arith.constant 0 : i32
    %dma_wait3A_157 = tpu.memref_slice %arg20[%dma_wait3A_155, %dma_wait3A_156] : memref<10240x16xf32, #tpu.memory_space<vmem_shared>> -> memref<10240x16xf32, #tpu.memory_space<vmem_shared>>
    tpu.wait_indirect_dma semaphore(%arg26 : memref<!tpu.dma_semaphore, #tpu.memory_space<semaphore_mem>>) src(%arg14 : memref<128x16xf32, #tpu.memory_space<vmem>>) dst(%dma_wait3A_157 : memref<10240x16xf32, #tpu.memory_space<vmem_shared>>)
    %barrier3A_158 = arith.constant 0 : index
    tpu.barrier barrier_id(%barrier3A_158)
    "tpu.region"() ({
      %run_scoped3A = tpu.sem_alloc : memref<!tpu.dma_semaphore, #tpu.memory_space<semaphore_mem>>
      %dma_start3A_198 = arith.constant 0 : i32
      %dma_start3A_199 = tpu.memref_slice %arg20[%mul3A_97, %dma_start3A_198] : memref<10240x16xf32, #tpu.memory_space<vmem_shared>> -> memref<640x16xf32, #tpu.memory_space<vmem_shared>>
      %dma_start3A_200 = arith.constant 0 : i32
      %dma_start3A_201 = tpu.memref_slice %arg20[%mul3A_97, %dma_start3A_200] : memref<10240x16xf32, #tpu.memory_space<vmem_shared>> -> memref<640x16xf32, #tpu.memory_space<vmem_shared>>
      tpu.enqueue_dma source(%dma_start3A_201 : memref<640x16xf32, #tpu.memory_space<vmem_shared>>) target(%arg15 : memref<640x16xf32, #tpu.memory_space<vmem>>) target_semaphore(%run_scoped3A : memref<!tpu.dma_semaphore, #tpu.memory_space<semaphore_mem>>)
      %dma_wait3A_202 = arith.constant 0 : i32
      %dma_wait3A_203 = tpu.memref_slice %arg20[%mul3A_97, %dma_wait3A_202] : memref<10240x16xf32, #tpu.memory_space<vmem_shared>> -> memref<640x16xf32, #tpu.memory_space<vmem_shared>>
      %dma_wait3A_204 = arith.constant 0 : i32
      %dma_wait3A_205 = tpu.memref_slice %arg20[%mul3A_97, %dma_wait3A_204] : memref<10240x16xf32, #tpu.memory_space<vmem_shared>> -> memref<640x16xf32, #tpu.memory_space<vmem_shared>>
      tpu.wait_dma2 semaphore(%run_scoped3A : memref<!tpu.dma_semaphore, #tpu.memory_space<semaphore_mem>>) src(%dma_wait3A_205 : memref<640x16xf32, #tpu.memory_space<vmem_shared>>) dst(%arg15 : memref<640x16xf32, #tpu.memory_space<vmem>>)
      tpu.yield
    }) : () -> ()
    %broadcast_in_dim3A_159 = arith.constant 1597463007 : i32
    %broadcast_in_dim3A_160 = vector.broadcast %broadcast_in_dim3A_159 : i32 to vector<16xi32>
    %broadcast_in_dim3A_161 = arith.constant 5.000000e-01 : f32
    %broadcast_in_dim3A_162 = vector.broadcast %broadcast_in_dim3A_161 : f32 to vector<16xf32>
    %broadcast_in_dim3A_163 = arith.constant 1.500000e+00 : f32
    %broadcast_in_dim3A_164 = vector.broadcast %broadcast_in_dim3A_163 : f32 to vector<16xf32>
    %scan3A_165 = arith.constant 0 : i32
    %scan3A_166 = arith.constant 0 : i32
    %scan3A_167 = arith.constant 640 : i32
    %scan3A_168 = arith.addi %scan3A_166, %scan3A_167 : i32
    %scan3A_169 = arith.constant 1 : i32
    scf.for %scan3A_198 = %scan3A_166 to %scan3A_168 step %scan3A_169  : i32 {
      %get3A = arith.index_cast %scan3A_198 : i32 to index
      %get3A_199 = arith.constant 0 : index
      %get3A_200 = tpu.vector_load %arg15[%get3A, %get3A_199] {strides = array<i32>} : memref<640x16xf32, #tpu.memory_space<vmem>>, vector<16xf32>,
      %max3A = arith.constant 1.000000e+00 : f32
      %max3A_201 = vector.broadcast %max3A : f32 to vector<16xf32>
      %max3A_202 = arith.maximumf %get3A_200, %max3A_201 : vector<16xf32>
      %bitcast3A = vector.bitcast %max3A_202 : vector<16xf32> to vector<16xi32>
      %shift_right_arithmetic3A = arith.constant 1 : i32
      %shift_right_arithmetic3A_203 = vector.broadcast %shift_right_arithmetic3A : i32 to vector<16xi32>
      %shift_right_arithmetic3A_204 = arith.shrsi %bitcast3A, %shift_right_arithmetic3A_203 : vector<16xi32>
      %sub3A = arith.subi %broadcast_in_dim3A_160, %shift_right_arithmetic3A_204 : vector<16xi32>
      %bitcast3A_205 = vector.bitcast %sub3A : vector<16xi32> to vector<16xf32>
      %mul3A_206 = arith.mulf %broadcast_in_dim3A_162, %max3A_202 : vector<16xf32>
      %mul3A_207 = arith.mulf %mul3A_206, %bitcast3A_205 : vector<16xf32>
      %mul3A_208 = arith.mulf %mul3A_207, %bitcast3A_205 : vector<16xf32>
      %sub3A_209 = arith.subf %broadcast_in_dim3A_164, %mul3A_208 : vector<16xf32>
      %mul3A_210 = arith.mulf %bitcast3A_205, %sub3A_209 : vector<16xf32>
      %mul3A_211 = arith.mulf %broadcast_in_dim3A_162, %max3A_202 : vector<16xf32>
      %mul3A_212 = arith.mulf %mul3A_211, %mul3A_210 : vector<16xf32>
      %mul3A_213 = arith.mulf %mul3A_212, %mul3A_210 : vector<16xf32>
      %sub3A_214 = arith.subf %broadcast_in_dim3A_164, %mul3A_213 : vector<16xf32>
      %mul3A_215 = arith.mulf %mul3A_210, %sub3A_214 : vector<16xf32>
      %mul3A_216 = arith.mulf %broadcast_in_dim3A_162, %max3A_202 : vector<16xf32>
      %mul3A_217 = arith.mulf %mul3A_216, %mul3A_215 : vector<16xf32>
      %mul3A_218 = arith.mulf %mul3A_217, %mul3A_215 : vector<16xf32>
      %sub3A_219 = arith.subf %broadcast_in_dim3A_164, %mul3A_218 : vector<16xf32>
      %mul3A_220 = arith.mulf %mul3A_215, %sub3A_219 : vector<16xf32>
      %swap3A_221 = arith.index_cast %scan3A_198 : i32 to index
      %swap3A_222 = arith.constant 0 : index
      %swap3A_223 = tpu.vector_load %arg15[%swap3A_221, %swap3A_222] {strides = array<i32>} : memref<640x16xf32, #tpu.memory_space<vmem>>, vector<16xf32>,
      tpu.vector_store %arg15[%swap3A_221, %swap3A_222], %mul3A_220 {strides = array<i32>} : memref<640x16xf32, #tpu.memory_space<vmem>>, vector<16xf32>,
    }
    %scan3A_170 = arith.constant 640 : i32
    %broadcast_in_dim3A_171 = arith.constant 0 : i32
    %broadcast_in_dim3A_172 = vector.broadcast %broadcast_in_dim3A_171 : i32 to vector<16xi32>
    %broadcast_in_dim3A_173 = arith.constant 8 : i32
    %broadcast_in_dim3A_174 = vector.broadcast %broadcast_in_dim3A_173 : i32 to vector<16xi32>
    %scan3A_175 = arith.constant 0 : i32
    %scan3A_176 = arith.constant 0 : i32
    %scan3A_177 = arith.constant 40 : i32
    %scan3A_178 = arith.addi %scan3A_176, %scan3A_177 : i32
    %scan3A_179 = arith.constant 1 : i32
    scf.for %scan3A_198 = %scan3A_176 to %scan3A_178 step %scan3A_179  : i32 {
      %iota3A_199 = tpu.iota {dimensions = array<i32: 0>} : vector<16xi32>
      %mul3A_200 = arith.constant 16 : i32
      %mul3A_201 = arith.muli %scan3A_198, %mul3A_200 : i32
      %add3A = vector.broadcast %mul3A_201 : i32 to vector<16xi32>
      %add3A_202 = arith.addi %iota3A_199, %add3A : vector<16xi32>
      %gather3A = tpu.vector_load_idx %arg15[%add3A_202, %broadcast_in_dim3A_172] : memref<640x16xf32, #tpu.memory_space<vmem>>[vector<16xi32>, vector<16xi32>], vector<16xf32>,
      %mul3A_203 = arith.constant 16 : i32
      %mul3A_204 = arith.muli %scan3A_198, %mul3A_203 : i32
      %swap3A_205 = arith.index_cast %mul3A_204 : i32 to index
      %swap3A_206 = tpu.vector_load %arg16[%swap3A_205] {strides = array<i32>} : memref<640xf32, #tpu.memory_space<vmem>>, vector<16xf32>,
      tpu.vector_store %arg16[%swap3A_205], %gather3A {strides = array<i32>} : memref<640xf32, #tpu.memory_space<vmem>>, vector<16xf32>,
      %gather3A_207 = tpu.vector_load_idx %arg15[%add3A_202, %broadcast_in_dim3A_174] : memref<640x16xf32, #tpu.memory_space<vmem>>[vector<16xi32>, vector<16xi32>], vector<16xf32>,
      %mul3A_208 = arith.constant 16 : i32
      %mul3A_209 = arith.muli %scan3A_198, %mul3A_208 : i32
      %swap3A_210 = arith.index_cast %mul3A_209 : i32 to index
      %swap3A_211 = tpu.vector_load %arg17[%swap3A_210] {strides = array<i32>} : memref<640xf32, #tpu.memory_space<vmem>>, vector<16xf32>,
      tpu.vector_store %arg17[%swap3A_210], %gather3A_207 {strides = array<i32>} : memref<640xf32, #tpu.memory_space<vmem>>, vector<16xf32>,
    }
    %scan3A_180 = arith.constant 40 : i32
    "tpu.region"() ({
      %run_scoped3A = tpu.sem_alloc : memref<!tpu.dma_semaphore, #tpu.memory_space<semaphore_mem>>
      %dma_start3A_198 = tpu.memref_slice %arg21[%mul3A_97] : memref<10240xf32, #tpu.memory_space<vmem_shared>> -> memref<640xf32, #tpu.memory_space<vmem_shared>>
      %dma_start3A_199 = tpu.memref_slice %arg21[%mul3A_97] : memref<10240xf32, #tpu.memory_space<vmem_shared>> -> memref<640xf32, #tpu.memory_space<vmem_shared>>
      tpu.enqueue_dma source(%arg16 : memref<640xf32, #tpu.memory_space<vmem>>) target(%dma_start3A_199 : memref<640xf32, #tpu.memory_space<vmem_shared>>) target_semaphore(%run_scoped3A : memref<!tpu.dma_semaphore, #tpu.memory_space<semaphore_mem>>)
      %dma_wait3A_200 = tpu.memref_slice %arg21[%mul3A_97] : memref<10240xf32, #tpu.memory_space<vmem_shared>> -> memref<640xf32, #tpu.memory_space<vmem_shared>>
      %dma_wait3A_201 = tpu.memref_slice %arg21[%mul3A_97] : memref<10240xf32, #tpu.memory_space<vmem_shared>> -> memref<640xf32, #tpu.memory_space<vmem_shared>>
      tpu.wait_dma2 semaphore(%run_scoped3A : memref<!tpu.dma_semaphore, #tpu.memory_space<semaphore_mem>>) src(%arg16 : memref<640xf32, #tpu.memory_space<vmem>>) dst(%dma_wait3A_201 : memref<640xf32, #tpu.memory_space<vmem_shared>>)
      tpu.yield
    }) : () -> ()
    "tpu.region"() ({
      %run_scoped3A = tpu.sem_alloc : memref<!tpu.dma_semaphore, #tpu.memory_space<semaphore_mem>>
      %dma_start3A_198 = tpu.memref_slice %arg22[%mul3A_97] : memref<10240xf32, #tpu.memory_space<vmem_shared>> -> memref<640xf32, #tpu.memory_space<vmem_shared>>
      %dma_start3A_199 = tpu.memref_slice %arg22[%mul3A_97] : memref<10240xf32, #tpu.memory_space<vmem_shared>> -> memref<640xf32, #tpu.memory_space<vmem_shared>>
      tpu.enqueue_dma source(%arg17 : memref<640xf32, #tpu.memory_space<vmem>>) target(%dma_start3A_199 : memref<640xf32, #tpu.memory_space<vmem_shared>>) target_semaphore(%run_scoped3A : memref<!tpu.dma_semaphore, #tpu.memory_space<semaphore_mem>>)
      %dma_wait3A_200 = tpu.memref_slice %arg22[%mul3A_97] : memref<10240xf32, #tpu.memory_space<vmem_shared>> -> memref<640xf32, #tpu.memory_space<vmem_shared>>
      %dma_wait3A_201 = tpu.memref_slice %arg22[%mul3A_97] : memref<10240xf32, #tpu.memory_space<vmem_shared>> -> memref<640xf32, #tpu.memory_space<vmem_shared>>
      tpu.wait_dma2 semaphore(%run_scoped3A : memref<!tpu.dma_semaphore, #tpu.memory_space<semaphore_mem>>) src(%arg17 : memref<640xf32, #tpu.memory_space<vmem>>) dst(%dma_wait3A_201 : memref<640xf32, #tpu.memory_space<vmem_shared>>)
      tpu.yield
    }) : () -> ()
    %barrier3A_181 = arith.constant 0 : index
    tpu.barrier barrier_id(%barrier3A_181)
    "tpu.region"() ({
      %run_scoped3A = tpu.sem_alloc : memref<!tpu.dma_semaphore, #tpu.memory_space<semaphore_mem>>
      tpu.enqueue_dma source(%arg21 : memref<10240xf32, #tpu.memory_space<vmem_shared>>) target(%arg18 : memref<10240xf32, #tpu.memory_space<vmem>>) target_semaphore(%run_scoped3A : memref<!tpu.dma_semaphore, #tpu.memory_space<semaphore_mem>>)
      tpu.wait_dma2 semaphore(%run_scoped3A : memref<!tpu.dma_semaphore, #tpu.memory_space<semaphore_mem>>) src(%arg21 : memref<10240xf32, #tpu.memory_space<vmem_shared>>) dst(%arg18 : memref<10240xf32, #tpu.memory_space<vmem>>)
      tpu.yield
    }) : () -> ()
    "tpu.region"() ({
      %run_scoped3A = tpu.sem_alloc : memref<!tpu.dma_semaphore, #tpu.memory_space<semaphore_mem>>
      tpu.enqueue_dma source(%arg22 : memref<10240xf32, #tpu.memory_space<vmem_shared>>) target(%arg19 : memref<10240xf32, #tpu.memory_space<vmem>>) target_semaphore(%run_scoped3A : memref<!tpu.dma_semaphore, #tpu.memory_space<semaphore_mem>>)
      tpu.wait_dma2 semaphore(%run_scoped3A : memref<!tpu.dma_semaphore, #tpu.memory_space<semaphore_mem>>) src(%arg22 : memref<10240xf32, #tpu.memory_space<vmem_shared>>) dst(%arg19 : memref<10240xf32, #tpu.memory_space<vmem>>)
      tpu.yield
    }) : () -> ()
    %scan3A_182 = arith.constant 0 : i32
    %scan3A_183 = arith.constant 0 : i32
    %scan3A_184 = arith.constant 158 : i32
    %scan3A_185 = arith.addi %scan3A_183, %scan3A_184 : i32
    %scan3A_186 = arith.constant 1 : i32
    scf.for %scan3A_198 = %scan3A_183 to %scan3A_185 step %scan3A_186  : i32 {
      %scan3A_199 = arith.constant 0 : i32
      %scan3A_200 = arith.constant 0 : i32
      %scan3A_201 = arith.constant 8 : i32
      %scan3A_202 = arith.addi %scan3A_200, %scan3A_201 : i32
      %scan3A_203 = arith.constant 1 : i32
      scf.for %scan3A_205 = %scan3A_200 to %scan3A_202 step %scan3A_203  : i32 {
        %mul3A_206 = arith.constant 16 : i32
        %mul3A_207 = arith.muli %scan3A_205, %mul3A_206 : i32
        %get3A = arith.index_cast %scan3A_198 : i32 to index
        %get3A_208 = arith.index_cast %mul3A_207 : i32 to index
        %get3A_209 = tpu.vector_load %arg10[%get3A, %get3A_208] {strides = array<i32>} : memref<159x128xi32, #tpu.memory_space<vmem>>, vector<16xi32>,
        %mul3A_210 = arith.constant 16 : i32
        %mul3A_211 = arith.muli %scan3A_205, %mul3A_210 : i32
        %get3A_212 = arith.index_cast %scan3A_198 : i32 to index
        %get3A_213 = arith.index_cast %mul3A_211 : i32 to index
        %get3A_214 = tpu.vector_load %arg11[%get3A_212, %get3A_213] {strides = array<i32>} : memref<159x128xi32, #tpu.memory_space<vmem>>, vector<16xi32>,
        %mul3A_215 = arith.constant 16 : i32
        %mul3A_216 = arith.muli %scan3A_205, %mul3A_215 : i32
        %get3A_217 = arith.index_cast %scan3A_198 : i32 to index
        %get3A_218 = arith.index_cast %mul3A_216 : i32 to index
        %get3A_219 = tpu.vector_load %arg12[%get3A_217, %get3A_218] {strides = array<i32>} : memref<158x128xf32, #tpu.memory_space<vmem>>, vector<16xf32>,
        %gather3A = tpu.vector_load_idx %arg18[%get3A_209] : memref<10240xf32, #tpu.memory_space<vmem>>[vector<16xi32>], vector<16xf32>,
        %gather3A_220 = tpu.vector_load_idx %arg19[%get3A_214] : memref<10240xf32, #tpu.memory_space<vmem>>[vector<16xi32>], vector<16xf32>,
        %mul3A_221 = arith.mulf %get3A_219, %gather3A : vector<16xf32>
        %mul3A_222 = arith.mulf %mul3A_221, %gather3A_220 : vector<16xf32>
        %mul3A_223 = arith.constant 16 : i32
        %mul3A_224 = arith.muli %scan3A_205, %mul3A_223 : i32
        %swap3A_225 = arith.index_cast %scan3A_198 : i32 to index
        %swap3A_226 = arith.index_cast %mul3A_224 : i32 to index
        %swap3A_227 = tpu.vector_load %arg12[%swap3A_225, %swap3A_226] {strides = array<i32>} : memref<158x128xf32, #tpu.memory_space<vmem>>, vector<16xf32>,
        tpu.vector_store %arg12[%swap3A_225, %swap3A_226], %mul3A_222 {strides = array<i32>} : memref<158x128xf32, #tpu.memory_space<vmem>>, vector<16xf32>,
      }
      %scan3A_204 = arith.constant 8 : i32
    }
    %scan3A_187 = arith.constant 158 : i32
    %eq3A_188 = arith.constant 0 : i32
    %eq3A_189 = arith.cmpi eq, %arg0, %eq3A_188 : i32
    %convert_element_type3A_190 = arith.extui %eq3A_189 : i1 to i32
    %cond3A_191 = arith.constant 0 : i32
    %cond3A_192 = arith.cmpi ne, %convert_element_type3A_190, %cond3A_191 : i32
    scf.if %cond3A_192 {
      "tpu.region"() ({
        %run_scoped3A = tpu.sem_alloc : memref<!tpu.dma_semaphore, #tpu.memory_space<semaphore_mem>>
        %dma_start3A_198 = arith.constant 0 : i32
        %dma_start3A_199 = arith.constant 0 : i32
        %dma_start3A_200 = tpu.memref_slice %arg8[%arg1, %dma_start3A_198, %dma_start3A_199] : memref<16x158x128xf32, #tpu.memory_space<hbm>> -> memref<1x158x128xf32, #tpu.memory_space<hbm>>
        %dma_start3A_201 = tpu.memref_squeeze %dma_start3A_200 : memref<1x158x128xf32, #tpu.memory_space<hbm>> -> memref<158x128xf32, #tpu.memory_space<hbm>>
        %dma_start3A_202 = arith.constant 0 : i32
        %dma_start3A_203 = arith.constant 0 : i32
        %dma_start3A_204 = tpu.memref_slice %arg8[%arg1, %dma_start3A_202, %dma_start3A_203] : memref<16x158x128xf32, #tpu.memory_space<hbm>> -> memref<1x158x128xf32, #tpu.memory_space<hbm>>
        %dma_start3A_205 = tpu.memref_squeeze %dma_start3A_204 : memref<1x158x128xf32, #tpu.memory_space<hbm>> -> memref<158x128xf32, #tpu.memory_space<hbm>>
        tpu.enqueue_dma source(%arg12 : memref<158x128xf32, #tpu.memory_space<vmem>>) target(%dma_start3A_205 : memref<158x128xf32, #tpu.memory_space<hbm>>) target_semaphore(%run_scoped3A : memref<!tpu.dma_semaphore, #tpu.memory_space<semaphore_mem>>)
        %dma_wait3A_206 = arith.constant 0 : i32
        %dma_wait3A_207 = arith.constant 0 : i32
        %dma_wait3A_208 = tpu.memref_slice %arg8[%arg1, %dma_wait3A_206, %dma_wait3A_207] : memref<16x158x128xf32, #tpu.memory_space<hbm>> -> memref<1x158x128xf32, #tpu.memory_space<hbm>>
        %dma_wait3A_209 = tpu.memref_squeeze %dma_wait3A_208 : memref<1x158x128xf32, #tpu.memory_space<hbm>> -> memref<158x128xf32, #tpu.memory_space<hbm>>
        %dma_wait3A_210 = arith.constant 0 : i32
        %dma_wait3A_211 = arith.constant 0 : i32
        %dma_wait3A_212 = tpu.memref_slice %arg8[%arg1, %dma_wait3A_210, %dma_wait3A_211] : memref<16x158x128xf32, #tpu.memory_space<hbm>> -> memref<1x158x128xf32, #tpu.memory_space<hbm>>
        %dma_wait3A_213 = tpu.memref_squeeze %dma_wait3A_212 : memref<1x158x128xf32, #tpu.memory_space<hbm>> -> memref<158x128xf32, #tpu.memory_space<hbm>>
        tpu.wait_dma2 semaphore(%run_scoped3A : memref<!tpu.dma_semaphore, #tpu.memory_space<semaphore_mem>>) src(%arg12 : memref<158x128xf32, #tpu.memory_space<vmem>>) dst(%dma_wait3A_213 : memref<158x128xf32, #tpu.memory_space<hbm>>)
        tpu.yield
      }) : () -> ()
    } else {
    }
    %eq3A_193 = arith.constant 1 : i32
    %eq3A_194 = arith.cmpi eq, %arg0, %eq3A_193 : i32
    %convert_element_type3A_195 = arith.extui %eq3A_194 : i1 to i32
    %cond3A_196 = arith.constant 0 : i32
    %cond3A_197 = arith.cmpi ne, %convert_element_type3A_195, %cond3A_196 : i32
    scf.if %cond3A_197 {
      "tpu.region"() ({
        %run_scoped3A = tpu.sem_alloc : memref<!tpu.dma_semaphore, #tpu.memory_space<semaphore_mem>>
        %dma_start3A_198 = arith.constant 0 : i32
        %dma_start3A_199 = arith.constant 0 : i32
        %dma_start3A_200 = tpu.memref_slice %arg9[%arg1, %dma_start3A_198, %dma_start3A_199] : memref<16x158x128xf32, #tpu.memory_space<hbm>> -> memref<1x158x128xf32, #tpu.memory_space<hbm>>
        %dma_start3A_201 = tpu.memref_squeeze %dma_start3A_200 : memref<1x158x128xf32, #tpu.memory_space<hbm>> -> memref<158x128xf32, #tpu.memory_space<hbm>>
        %dma_start3A_202 = arith.constant 0 : i32
        %dma_start3A_203 = arith.constant 0 : i32
        %dma_start3A_204 = tpu.memref_slice %arg9[%arg1, %dma_start3A_202, %dma_start3A_203] : memref<16x158x128xf32, #tpu.memory_space<hbm>> -> memref<1x158x128xf32, #tpu.memory_space<hbm>>
        %dma_start3A_205 = tpu.memref_squeeze %dma_start3A_204 : memref<1x158x128xf32, #tpu.memory_space<hbm>> -> memref<158x128xf32, #tpu.memory_space<hbm>>
        tpu.enqueue_dma source(%arg12 : memref<158x128xf32, #tpu.memory_space<vmem>>) target(%dma_start3A_205 : memref<158x128xf32, #tpu.memory_space<hbm>>) target_semaphore(%run_scoped3A : memref<!tpu.dma_semaphore, #tpu.memory_space<semaphore_mem>>)
        %dma_wait3A_206 = arith.constant 0 : i32
        %dma_wait3A_207 = arith.constant 0 : i32
        %dma_wait3A_208 = tpu.memref_slice %arg9[%arg1, %dma_wait3A_206, %dma_wait3A_207] : memref<16x158x128xf32, #tpu.memory_space<hbm>> -> memref<1x158x128xf32, #tpu.memory_space<hbm>>
        %dma_wait3A_209 = tpu.memref_squeeze %dma_wait3A_208 : memref<1x158x128xf32, #tpu.memory_space<hbm>> -> memref<158x128xf32, #tpu.memory_space<hbm>>
        %dma_wait3A_210 = arith.constant 0 : i32
        %dma_wait3A_211 = arith.constant 0 : i32
        %dma_wait3A_212 = tpu.memref_slice %arg9[%arg1, %dma_wait3A_210, %dma_wait3A_211] : memref<16x158x128xf32, #tpu.memory_space<hbm>> -> memref<1x158x128xf32, #tpu.memory_space<hbm>>
        %dma_wait3A_213 = tpu.memref_squeeze %dma_wait3A_212 : memref<1x158x128xf32, #tpu.memory_space<hbm>> -> memref<158x128xf32, #tpu.memory_space<hbm>>
        tpu.wait_dma2 semaphore(%run_scoped3A : memref<!tpu.dma_semaphore, #tpu.memory_space<semaphore_mem>>) src(%arg12 : memref<158x128xf32, #tpu.memory_space<vmem>>) dst(%dma_wait3A_213 : memref<158x128xf32, #tpu.memory_space<hbm>>)
        tpu.yield
      }) : () -> ()
    } else {
    }
    return
  }
}

#map = affine_map<(d0, d1) -> (0, 0)>
#map1 = affine_map<(d0, d1) -> (0, 0, 0)>
module attributes {stable_mosaic.version = 14 : i64} {
  func.func @_conv_kernel(%arg0: i32, %arg1: i32, %arg2: memref<10000x64xf32, #tpu.memory_space<hbm>>, %arg3: memref<16x158x128xi32, #tpu.memory_space<hbm>>, %arg4: memref<16x158x128xi32, #tpu.memory_space<hbm>>, %arg5: memref<16x158x128xf32, #tpu.memory_space<hbm>>, %arg6: memref<16x158x128xi32, #tpu.memory_space<hbm>>, %arg7: memref<16x158x128xi32, #tpu.memory_space<hbm>>, %arg8: memref<16x158x128xf32, #tpu.memory_space<hbm>>, %arg9: memref<10240x64xf32, #tpu.memory_space<hbm>>, %arg10: memref<10240x64xf32, #tpu.memory_space<hbm>>, %arg11: memref<158x128xi32, #tpu.memory_space<vmem>>, %arg12: memref<158x128xi32, #tpu.memory_space<vmem>>, %arg13: memref<158x128xf32, #tpu.memory_space<vmem>>, %arg14: memref<128x64xf32, #tpu.memory_space<vmem>>, %arg15: memref<128x64xf32, #tpu.memory_space<vmem>>, %arg16: memref<10240x64xf32, #tpu.memory_space<vmem_shared>>, %arg17: memref<!tpu.dma_semaphore, #tpu.memory_space<semaphore_mem>>, %arg18: memref<!tpu.dma_semaphore, #tpu.memory_space<semaphore_mem>>) attributes {dimension_semantics = [#tpu.dimension_semantics<core_parallel>, #tpu.dimension_semantics<subcore_parallel>], iteration_bounds = array<i64: 2, 16>, scalar_prefetch = 0 : i64, scratch_operands = 8 : i64, tpu.core_type = #tpu.core_type<sc_vector_subcore>, window_params = [{transform_indices = #map}, {transform_indices = #map1}, {transform_indices = #map1}, {transform_indices = #map1}, {transform_indices = #map1}, {transform_indices = #map1}, {transform_indices = #map1}, {transform_indices = #map}, {transform_indices = #map}]} {
    %eq3A = arith.constant 0 : i32
    %eq3A_0 = arith.cmpi eq, %arg0, %eq3A : i32
    %convert_element_type3A = arith.extui %eq3A_0 : i1 to i32
    %cond3A = arith.constant 0 : i32
    %cond3A_1 = arith.cmpi ne, %convert_element_type3A, %cond3A : i32
    scf.if %cond3A_1 {
      "tpu.region"() ({
        %run_scoped3A = tpu.sem_alloc : memref<!tpu.dma_semaphore, #tpu.memory_space<semaphore_mem>>
        %dma_start3A_66 = arith.constant 0 : i32
        %dma_start3A_67 = arith.constant 0 : i32
        %dma_start3A_68 = tpu.memref_slice %arg3[%arg1, %dma_start3A_66, %dma_start3A_67] : memref<16x158x128xi32, #tpu.memory_space<hbm>> -> memref<1x158x128xi32, #tpu.memory_space<hbm>>
        %dma_start3A_69 = tpu.memref_squeeze %dma_start3A_68 : memref<1x158x128xi32, #tpu.memory_space<hbm>> -> memref<158x128xi32, #tpu.memory_space<hbm>>
        %dma_start3A_70 = arith.constant 0 : i32
        %dma_start3A_71 = arith.constant 0 : i32
        %dma_start3A_72 = tpu.memref_slice %arg3[%arg1, %dma_start3A_70, %dma_start3A_71] : memref<16x158x128xi32, #tpu.memory_space<hbm>> -> memref<1x158x128xi32, #tpu.memory_space<hbm>>
        %dma_start3A_73 = tpu.memref_squeeze %dma_start3A_72 : memref<1x158x128xi32, #tpu.memory_space<hbm>> -> memref<158x128xi32, #tpu.memory_space<hbm>>
        tpu.enqueue_dma source(%dma_start3A_73 : memref<158x128xi32, #tpu.memory_space<hbm>>) target(%arg11 : memref<158x128xi32, #tpu.memory_space<vmem>>) target_semaphore(%run_scoped3A : memref<!tpu.dma_semaphore, #tpu.memory_space<semaphore_mem>>)
        %dma_wait3A_74 = arith.constant 0 : i32
        %dma_wait3A_75 = arith.constant 0 : i32
        %dma_wait3A_76 = tpu.memref_slice %arg3[%arg1, %dma_wait3A_74, %dma_wait3A_75] : memref<16x158x128xi32, #tpu.memory_space<hbm>> -> memref<1x158x128xi32, #tpu.memory_space<hbm>>
        %dma_wait3A_77 = tpu.memref_squeeze %dma_wait3A_76 : memref<1x158x128xi32, #tpu.memory_space<hbm>> -> memref<158x128xi32, #tpu.memory_space<hbm>>
        %dma_wait3A_78 = arith.constant 0 : i32
        %dma_wait3A_79 = arith.constant 0 : i32
        %dma_wait3A_80 = tpu.memref_slice %arg3[%arg1, %dma_wait3A_78, %dma_wait3A_79] : memref<16x158x128xi32, #tpu.memory_space<hbm>> -> memref<1x158x128xi32, #tpu.memory_space<hbm>>
        %dma_wait3A_81 = tpu.memref_squeeze %dma_wait3A_80 : memref<1x158x128xi32, #tpu.memory_space<hbm>> -> memref<158x128xi32, #tpu.memory_space<hbm>>
        tpu.wait_dma2 semaphore(%run_scoped3A : memref<!tpu.dma_semaphore, #tpu.memory_space<semaphore_mem>>) src(%dma_wait3A_81 : memref<158x128xi32, #tpu.memory_space<hbm>>) dst(%arg11 : memref<158x128xi32, #tpu.memory_space<vmem>>)
        tpu.yield
      }) : () -> ()
      "tpu.region"() ({
        %run_scoped3A = tpu.sem_alloc : memref<!tpu.dma_semaphore, #tpu.memory_space<semaphore_mem>>
        %dma_start3A_66 = arith.constant 0 : i32
        %dma_start3A_67 = arith.constant 0 : i32
        %dma_start3A_68 = tpu.memref_slice %arg4[%arg1, %dma_start3A_66, %dma_start3A_67] : memref<16x158x128xi32, #tpu.memory_space<hbm>> -> memref<1x158x128xi32, #tpu.memory_space<hbm>>
        %dma_start3A_69 = tpu.memref_squeeze %dma_start3A_68 : memref<1x158x128xi32, #tpu.memory_space<hbm>> -> memref<158x128xi32, #tpu.memory_space<hbm>>
        %dma_start3A_70 = arith.constant 0 : i32
        %dma_start3A_71 = arith.constant 0 : i32
        %dma_start3A_72 = tpu.memref_slice %arg4[%arg1, %dma_start3A_70, %dma_start3A_71] : memref<16x158x128xi32, #tpu.memory_space<hbm>> -> memref<1x158x128xi32, #tpu.memory_space<hbm>>
        %dma_start3A_73 = tpu.memref_squeeze %dma_start3A_72 : memref<1x158x128xi32, #tpu.memory_space<hbm>> -> memref<158x128xi32, #tpu.memory_space<hbm>>
        tpu.enqueue_dma source(%dma_start3A_73 : memref<158x128xi32, #tpu.memory_space<hbm>>) target(%arg12 : memref<158x128xi32, #tpu.memory_space<vmem>>) target_semaphore(%run_scoped3A : memref<!tpu.dma_semaphore, #tpu.memory_space<semaphore_mem>>)
        %dma_wait3A_74 = arith.constant 0 : i32
        %dma_wait3A_75 = arith.constant 0 : i32
        %dma_wait3A_76 = tpu.memref_slice %arg4[%arg1, %dma_wait3A_74, %dma_wait3A_75] : memref<16x158x128xi32, #tpu.memory_space<hbm>> -> memref<1x158x128xi32, #tpu.memory_space<hbm>>
        %dma_wait3A_77 = tpu.memref_squeeze %dma_wait3A_76 : memref<1x158x128xi32, #tpu.memory_space<hbm>> -> memref<158x128xi32, #tpu.memory_space<hbm>>
        %dma_wait3A_78 = arith.constant 0 : i32
        %dma_wait3A_79 = arith.constant 0 : i32
        %dma_wait3A_80 = tpu.memref_slice %arg4[%arg1, %dma_wait3A_78, %dma_wait3A_79] : memref<16x158x128xi32, #tpu.memory_space<hbm>> -> memref<1x158x128xi32, #tpu.memory_space<hbm>>
        %dma_wait3A_81 = tpu.memref_squeeze %dma_wait3A_80 : memref<1x158x128xi32, #tpu.memory_space<hbm>> -> memref<158x128xi32, #tpu.memory_space<hbm>>
        tpu.wait_dma2 semaphore(%run_scoped3A : memref<!tpu.dma_semaphore, #tpu.memory_space<semaphore_mem>>) src(%dma_wait3A_81 : memref<158x128xi32, #tpu.memory_space<hbm>>) dst(%arg12 : memref<158x128xi32, #tpu.memory_space<vmem>>)
        tpu.yield
      }) : () -> ()
      "tpu.region"() ({
        %run_scoped3A = tpu.sem_alloc : memref<!tpu.dma_semaphore, #tpu.memory_space<semaphore_mem>>
        %dma_start3A_66 = arith.constant 0 : i32
        %dma_start3A_67 = arith.constant 0 : i32
        %dma_start3A_68 = tpu.memref_slice %arg5[%arg1, %dma_start3A_66, %dma_start3A_67] : memref<16x158x128xf32, #tpu.memory_space<hbm>> -> memref<1x158x128xf32, #tpu.memory_space<hbm>>
        %dma_start3A_69 = tpu.memref_squeeze %dma_start3A_68 : memref<1x158x128xf32, #tpu.memory_space<hbm>> -> memref<158x128xf32, #tpu.memory_space<hbm>>
        %dma_start3A_70 = arith.constant 0 : i32
        %dma_start3A_71 = arith.constant 0 : i32
        %dma_start3A_72 = tpu.memref_slice %arg5[%arg1, %dma_start3A_70, %dma_start3A_71] : memref<16x158x128xf32, #tpu.memory_space<hbm>> -> memref<1x158x128xf32, #tpu.memory_space<hbm>>
        %dma_start3A_73 = tpu.memref_squeeze %dma_start3A_72 : memref<1x158x128xf32, #tpu.memory_space<hbm>> -> memref<158x128xf32, #tpu.memory_space<hbm>>
        tpu.enqueue_dma source(%dma_start3A_73 : memref<158x128xf32, #tpu.memory_space<hbm>>) target(%arg13 : memref<158x128xf32, #tpu.memory_space<vmem>>) target_semaphore(%run_scoped3A : memref<!tpu.dma_semaphore, #tpu.memory_space<semaphore_mem>>)
        %dma_wait3A_74 = arith.constant 0 : i32
        %dma_wait3A_75 = arith.constant 0 : i32
        %dma_wait3A_76 = tpu.memref_slice %arg5[%arg1, %dma_wait3A_74, %dma_wait3A_75] : memref<16x158x128xf32, #tpu.memory_space<hbm>> -> memref<1x158x128xf32, #tpu.memory_space<hbm>>
        %dma_wait3A_77 = tpu.memref_squeeze %dma_wait3A_76 : memref<1x158x128xf32, #tpu.memory_space<hbm>> -> memref<158x128xf32, #tpu.memory_space<hbm>>
        %dma_wait3A_78 = arith.constant 0 : i32
        %dma_wait3A_79 = arith.constant 0 : i32
        %dma_wait3A_80 = tpu.memref_slice %arg5[%arg1, %dma_wait3A_78, %dma_wait3A_79] : memref<16x158x128xf32, #tpu.memory_space<hbm>> -> memref<1x158x128xf32, #tpu.memory_space<hbm>>
        %dma_wait3A_81 = tpu.memref_squeeze %dma_wait3A_80 : memref<1x158x128xf32, #tpu.memory_space<hbm>> -> memref<158x128xf32, #tpu.memory_space<hbm>>
        tpu.wait_dma2 semaphore(%run_scoped3A : memref<!tpu.dma_semaphore, #tpu.memory_space<semaphore_mem>>) src(%dma_wait3A_81 : memref<158x128xf32, #tpu.memory_space<hbm>>) dst(%arg13 : memref<158x128xf32, #tpu.memory_space<vmem>>)
        tpu.yield
      }) : () -> ()
    } else {
    }
    %eq3A_2 = arith.constant 1 : i32
    %eq3A_3 = arith.cmpi eq, %arg0, %eq3A_2 : i32
    %convert_element_type3A_4 = arith.extui %eq3A_3 : i1 to i32
    %cond3A_5 = arith.constant 0 : i32
    %cond3A_6 = arith.cmpi ne, %convert_element_type3A_4, %cond3A_5 : i32
    scf.if %cond3A_6 {
      "tpu.region"() ({
        %run_scoped3A = tpu.sem_alloc : memref<!tpu.dma_semaphore, #tpu.memory_space<semaphore_mem>>
        %dma_start3A_66 = arith.constant 0 : i32
        %dma_start3A_67 = arith.constant 0 : i32
        %dma_start3A_68 = tpu.memref_slice %arg6[%arg1, %dma_start3A_66, %dma_start3A_67] : memref<16x158x128xi32, #tpu.memory_space<hbm>> -> memref<1x158x128xi32, #tpu.memory_space<hbm>>
        %dma_start3A_69 = tpu.memref_squeeze %dma_start3A_68 : memref<1x158x128xi32, #tpu.memory_space<hbm>> -> memref<158x128xi32, #tpu.memory_space<hbm>>
        %dma_start3A_70 = arith.constant 0 : i32
        %dma_start3A_71 = arith.constant 0 : i32
        %dma_start3A_72 = tpu.memref_slice %arg6[%arg1, %dma_start3A_70, %dma_start3A_71] : memref<16x158x128xi32, #tpu.memory_space<hbm>> -> memref<1x158x128xi32, #tpu.memory_space<hbm>>
        %dma_start3A_73 = tpu.memref_squeeze %dma_start3A_72 : memref<1x158x128xi32, #tpu.memory_space<hbm>> -> memref<158x128xi32, #tpu.memory_space<hbm>>
        tpu.enqueue_dma source(%dma_start3A_73 : memref<158x128xi32, #tpu.memory_space<hbm>>) target(%arg11 : memref<158x128xi32, #tpu.memory_space<vmem>>) target_semaphore(%run_scoped3A : memref<!tpu.dma_semaphore, #tpu.memory_space<semaphore_mem>>)
        %dma_wait3A_74 = arith.constant 0 : i32
        %dma_wait3A_75 = arith.constant 0 : i32
        %dma_wait3A_76 = tpu.memref_slice %arg6[%arg1, %dma_wait3A_74, %dma_wait3A_75] : memref<16x158x128xi32, #tpu.memory_space<hbm>> -> memref<1x158x128xi32, #tpu.memory_space<hbm>>
        %dma_wait3A_77 = tpu.memref_squeeze %dma_wait3A_76 : memref<1x158x128xi32, #tpu.memory_space<hbm>> -> memref<158x128xi32, #tpu.memory_space<hbm>>
        %dma_wait3A_78 = arith.constant 0 : i32
        %dma_wait3A_79 = arith.constant 0 : i32
        %dma_wait3A_80 = tpu.memref_slice %arg6[%arg1, %dma_wait3A_78, %dma_wait3A_79] : memref<16x158x128xi32, #tpu.memory_space<hbm>> -> memref<1x158x128xi32, #tpu.memory_space<hbm>>
        %dma_wait3A_81 = tpu.memref_squeeze %dma_wait3A_80 : memref<1x158x128xi32, #tpu.memory_space<hbm>> -> memref<158x128xi32, #tpu.memory_space<hbm>>
        tpu.wait_dma2 semaphore(%run_scoped3A : memref<!tpu.dma_semaphore, #tpu.memory_space<semaphore_mem>>) src(%dma_wait3A_81 : memref<158x128xi32, #tpu.memory_space<hbm>>) dst(%arg11 : memref<158x128xi32, #tpu.memory_space<vmem>>)
        tpu.yield
      }) : () -> ()
      "tpu.region"() ({
        %run_scoped3A = tpu.sem_alloc : memref<!tpu.dma_semaphore, #tpu.memory_space<semaphore_mem>>
        %dma_start3A_66 = arith.constant 0 : i32
        %dma_start3A_67 = arith.constant 0 : i32
        %dma_start3A_68 = tpu.memref_slice %arg7[%arg1, %dma_start3A_66, %dma_start3A_67] : memref<16x158x128xi32, #tpu.memory_space<hbm>> -> memref<1x158x128xi32, #tpu.memory_space<hbm>>
        %dma_start3A_69 = tpu.memref_squeeze %dma_start3A_68 : memref<1x158x128xi32, #tpu.memory_space<hbm>> -> memref<158x128xi32, #tpu.memory_space<hbm>>
        %dma_start3A_70 = arith.constant 0 : i32
        %dma_start3A_71 = arith.constant 0 : i32
        %dma_start3A_72 = tpu.memref_slice %arg7[%arg1, %dma_start3A_70, %dma_start3A_71] : memref<16x158x128xi32, #tpu.memory_space<hbm>> -> memref<1x158x128xi32, #tpu.memory_space<hbm>>
        %dma_start3A_73 = tpu.memref_squeeze %dma_start3A_72 : memref<1x158x128xi32, #tpu.memory_space<hbm>> -> memref<158x128xi32, #tpu.memory_space<hbm>>
        tpu.enqueue_dma source(%dma_start3A_73 : memref<158x128xi32, #tpu.memory_space<hbm>>) target(%arg12 : memref<158x128xi32, #tpu.memory_space<vmem>>) target_semaphore(%run_scoped3A : memref<!tpu.dma_semaphore, #tpu.memory_space<semaphore_mem>>)
        %dma_wait3A_74 = arith.constant 0 : i32
        %dma_wait3A_75 = arith.constant 0 : i32
        %dma_wait3A_76 = tpu.memref_slice %arg7[%arg1, %dma_wait3A_74, %dma_wait3A_75] : memref<16x158x128xi32, #tpu.memory_space<hbm>> -> memref<1x158x128xi32, #tpu.memory_space<hbm>>
        %dma_wait3A_77 = tpu.memref_squeeze %dma_wait3A_76 : memref<1x158x128xi32, #tpu.memory_space<hbm>> -> memref<158x128xi32, #tpu.memory_space<hbm>>
        %dma_wait3A_78 = arith.constant 0 : i32
        %dma_wait3A_79 = arith.constant 0 : i32
        %dma_wait3A_80 = tpu.memref_slice %arg7[%arg1, %dma_wait3A_78, %dma_wait3A_79] : memref<16x158x128xi32, #tpu.memory_space<hbm>> -> memref<1x158x128xi32, #tpu.memory_space<hbm>>
        %dma_wait3A_81 = tpu.memref_squeeze %dma_wait3A_80 : memref<1x158x128xi32, #tpu.memory_space<hbm>> -> memref<158x128xi32, #tpu.memory_space<hbm>>
        tpu.wait_dma2 semaphore(%run_scoped3A : memref<!tpu.dma_semaphore, #tpu.memory_space<semaphore_mem>>) src(%dma_wait3A_81 : memref<158x128xi32, #tpu.memory_space<hbm>>) dst(%arg12 : memref<158x128xi32, #tpu.memory_space<vmem>>)
        tpu.yield
      }) : () -> ()
      "tpu.region"() ({
        %run_scoped3A = tpu.sem_alloc : memref<!tpu.dma_semaphore, #tpu.memory_space<semaphore_mem>>
        %dma_start3A_66 = arith.constant 0 : i32
        %dma_start3A_67 = arith.constant 0 : i32
        %dma_start3A_68 = tpu.memref_slice %arg8[%arg1, %dma_start3A_66, %dma_start3A_67] : memref<16x158x128xf32, #tpu.memory_space<hbm>> -> memref<1x158x128xf32, #tpu.memory_space<hbm>>
        %dma_start3A_69 = tpu.memref_squeeze %dma_start3A_68 : memref<1x158x128xf32, #tpu.memory_space<hbm>> -> memref<158x128xf32, #tpu.memory_space<hbm>>
        %dma_start3A_70 = arith.constant 0 : i32
        %dma_start3A_71 = arith.constant 0 : i32
        %dma_start3A_72 = tpu.memref_slice %arg8[%arg1, %dma_start3A_70, %dma_start3A_71] : memref<16x158x128xf32, #tpu.memory_space<hbm>> -> memref<1x158x128xf32, #tpu.memory_space<hbm>>
        %dma_start3A_73 = tpu.memref_squeeze %dma_start3A_72 : memref<1x158x128xf32, #tpu.memory_space<hbm>> -> memref<158x128xf32, #tpu.memory_space<hbm>>
        tpu.enqueue_dma source(%dma_start3A_73 : memref<158x128xf32, #tpu.memory_space<hbm>>) target(%arg13 : memref<158x128xf32, #tpu.memory_space<vmem>>) target_semaphore(%run_scoped3A : memref<!tpu.dma_semaphore, #tpu.memory_space<semaphore_mem>>)
        %dma_wait3A_74 = arith.constant 0 : i32
        %dma_wait3A_75 = arith.constant 0 : i32
        %dma_wait3A_76 = tpu.memref_slice %arg8[%arg1, %dma_wait3A_74, %dma_wait3A_75] : memref<16x158x128xf32, #tpu.memory_space<hbm>> -> memref<1x158x128xf32, #tpu.memory_space<hbm>>
        %dma_wait3A_77 = tpu.memref_squeeze %dma_wait3A_76 : memref<1x158x128xf32, #tpu.memory_space<hbm>> -> memref<158x128xf32, #tpu.memory_space<hbm>>
        %dma_wait3A_78 = arith.constant 0 : i32
        %dma_wait3A_79 = arith.constant 0 : i32
        %dma_wait3A_80 = tpu.memref_slice %arg8[%arg1, %dma_wait3A_78, %dma_wait3A_79] : memref<16x158x128xf32, #tpu.memory_space<hbm>> -> memref<1x158x128xf32, #tpu.memory_space<hbm>>
        %dma_wait3A_81 = tpu.memref_squeeze %dma_wait3A_80 : memref<1x158x128xf32, #tpu.memory_space<hbm>> -> memref<158x128xf32, #tpu.memory_space<hbm>>
        tpu.wait_dma2 semaphore(%run_scoped3A : memref<!tpu.dma_semaphore, #tpu.memory_space<semaphore_mem>>) src(%dma_wait3A_81 : memref<158x128xf32, #tpu.memory_space<hbm>>) dst(%arg13 : memref<158x128xf32, #tpu.memory_space<vmem>>)
        tpu.yield
      }) : () -> ()
    } else {
    }
    %broadcast_in_dim3A = arith.constant 0.000000e+00 : f32
    %broadcast_in_dim3A_7 = vector.broadcast %broadcast_in_dim3A : f32 to vector<16xf32>
    %scan3A = arith.constant 0 : i32
    %scan3A_8 = arith.constant 0 : i32
    %scan3A_9 = arith.constant 128 : i32
    %scan3A_10 = arith.addi %scan3A_8, %scan3A_9 : i32
    %scan3A_11 = arith.constant 1 : i32
    scf.for %scan3A_66 = %scan3A_8 to %scan3A_10 step %scan3A_11  : i32 {
      %swap3A = arith.index_cast %scan3A_66 : i32 to index
      %swap3A_67 = arith.constant 0 : index
      %swap3A_68 = tpu.vector_load %arg14[%swap3A, %swap3A_67] {strides = array<i32>} : memref<128x64xf32, #tpu.memory_space<vmem>>, vector<16xf32>,
      tpu.vector_store %arg14[%swap3A, %swap3A_67], %broadcast_in_dim3A_7 {strides = array<i32>} : memref<128x64xf32, #tpu.memory_space<vmem>>, vector<16xf32>,
      %swap3A_69 = arith.index_cast %scan3A_66 : i32 to index
      %swap3A_70 = arith.constant 16 : index
      %swap3A_71 = tpu.vector_load %arg14[%swap3A_69, %swap3A_70] {strides = array<i32>} : memref<128x64xf32, #tpu.memory_space<vmem>>, vector<16xf32>,
      tpu.vector_store %arg14[%swap3A_69, %swap3A_70], %broadcast_in_dim3A_7 {strides = array<i32>} : memref<128x64xf32, #tpu.memory_space<vmem>>, vector<16xf32>,
      %swap3A_72 = arith.index_cast %scan3A_66 : i32 to index
      %swap3A_73 = arith.constant 32 : index
      %swap3A_74 = tpu.vector_load %arg14[%swap3A_72, %swap3A_73] {strides = array<i32>} : memref<128x64xf32, #tpu.memory_space<vmem>>, vector<16xf32>,
      tpu.vector_store %arg14[%swap3A_72, %swap3A_73], %broadcast_in_dim3A_7 {strides = array<i32>} : memref<128x64xf32, #tpu.memory_space<vmem>>, vector<16xf32>,
      %swap3A_75 = arith.index_cast %scan3A_66 : i32 to index
      %swap3A_76 = arith.constant 48 : index
      %swap3A_77 = tpu.vector_load %arg14[%swap3A_75, %swap3A_76] {strides = array<i32>} : memref<128x64xf32, #tpu.memory_space<vmem>>, vector<16xf32>,
      tpu.vector_store %arg14[%swap3A_75, %swap3A_76], %broadcast_in_dim3A_7 {strides = array<i32>} : memref<128x64xf32, #tpu.memory_space<vmem>>, vector<16xf32>,
    }
    %scan3A_12 = arith.constant 128 : i32
    %mul3A = arith.constant 640 : i32
    %mul3A_13 = arith.muli %arg1, %mul3A : i32
    %add3A = arith.constant 0 : i32
    %add3A_14 = arith.addi %mul3A_13, %add3A : i32
    "tpu.region"() ({
      %run_scoped3A = tpu.sem_alloc : memref<!tpu.dma_semaphore, #tpu.memory_space<semaphore_mem>>
      %dma_start3A_66 = arith.constant 0 : i32
      %dma_start3A_67 = tpu.memref_slice %arg16[%add3A_14, %dma_start3A_66] : memref<10240x64xf32, #tpu.memory_space<vmem_shared>> -> memref<128x64xf32, #tpu.memory_space<vmem_shared>>
      %dma_start3A_68 = arith.constant 0 : i32
      %dma_start3A_69 = tpu.memref_slice %arg16[%add3A_14, %dma_start3A_68] : memref<10240x64xf32, #tpu.memory_space<vmem_shared>> -> memref<128x64xf32, #tpu.memory_space<vmem_shared>>
      tpu.enqueue_dma source(%arg14 : memref<128x64xf32, #tpu.memory_space<vmem>>) target(%dma_start3A_69 : memref<128x64xf32, #tpu.memory_space<vmem_shared>>) target_semaphore(%run_scoped3A : memref<!tpu.dma_semaphore, #tpu.memory_space<semaphore_mem>>)
      %dma_wait3A_70 = arith.constant 0 : i32
      %dma_wait3A_71 = tpu.memref_slice %arg16[%add3A_14, %dma_wait3A_70] : memref<10240x64xf32, #tpu.memory_space<vmem_shared>> -> memref<128x64xf32, #tpu.memory_space<vmem_shared>>
      %dma_wait3A_72 = arith.constant 0 : i32
      %dma_wait3A_73 = tpu.memref_slice %arg16[%add3A_14, %dma_wait3A_72] : memref<10240x64xf32, #tpu.memory_space<vmem_shared>> -> memref<128x64xf32, #tpu.memory_space<vmem_shared>>
      tpu.wait_dma2 semaphore(%run_scoped3A : memref<!tpu.dma_semaphore, #tpu.memory_space<semaphore_mem>>) src(%arg14 : memref<128x64xf32, #tpu.memory_space<vmem>>) dst(%dma_wait3A_73 : memref<128x64xf32, #tpu.memory_space<vmem_shared>>)
      tpu.yield
    }) : () -> ()
    %add3A_15 = arith.constant 128 : i32
    %add3A_16 = arith.addi %mul3A_13, %add3A_15 : i32
    "tpu.region"() ({
      %run_scoped3A = tpu.sem_alloc : memref<!tpu.dma_semaphore, #tpu.memory_space<semaphore_mem>>
      %dma_start3A_66 = arith.constant 0 : i32
      %dma_start3A_67 = tpu.memref_slice %arg16[%add3A_16, %dma_start3A_66] : memref<10240x64xf32, #tpu.memory_space<vmem_shared>> -> memref<128x64xf32, #tpu.memory_space<vmem_shared>>
      %dma_start3A_68 = arith.constant 0 : i32
      %dma_start3A_69 = tpu.memref_slice %arg16[%add3A_16, %dma_start3A_68] : memref<10240x64xf32, #tpu.memory_space<vmem_shared>> -> memref<128x64xf32, #tpu.memory_space<vmem_shared>>
      tpu.enqueue_dma source(%arg14 : memref<128x64xf32, #tpu.memory_space<vmem>>) target(%dma_start3A_69 : memref<128x64xf32, #tpu.memory_space<vmem_shared>>) target_semaphore(%run_scoped3A : memref<!tpu.dma_semaphore, #tpu.memory_space<semaphore_mem>>)
      %dma_wait3A_70 = arith.constant 0 : i32
      %dma_wait3A_71 = tpu.memref_slice %arg16[%add3A_16, %dma_wait3A_70] : memref<10240x64xf32, #tpu.memory_space<vmem_shared>> -> memref<128x64xf32, #tpu.memory_space<vmem_shared>>
      %dma_wait3A_72 = arith.constant 0 : i32
      %dma_wait3A_73 = tpu.memref_slice %arg16[%add3A_16, %dma_wait3A_72] : memref<10240x64xf32, #tpu.memory_space<vmem_shared>> -> memref<128x64xf32, #tpu.memory_space<vmem_shared>>
      tpu.wait_dma2 semaphore(%run_scoped3A : memref<!tpu.dma_semaphore, #tpu.memory_space<semaphore_mem>>) src(%arg14 : memref<128x64xf32, #tpu.memory_space<vmem>>) dst(%dma_wait3A_73 : memref<128x64xf32, #tpu.memory_space<vmem_shared>>)
      tpu.yield
    }) : () -> ()
    %add3A_17 = arith.constant 256 : i32
    %add3A_18 = arith.addi %mul3A_13, %add3A_17 : i32
    "tpu.region"() ({
      %run_scoped3A = tpu.sem_alloc : memref<!tpu.dma_semaphore, #tpu.memory_space<semaphore_mem>>
      %dma_start3A_66 = arith.constant 0 : i32
      %dma_start3A_67 = tpu.memref_slice %arg16[%add3A_18, %dma_start3A_66] : memref<10240x64xf32, #tpu.memory_space<vmem_shared>> -> memref<128x64xf32, #tpu.memory_space<vmem_shared>>
      %dma_start3A_68 = arith.constant 0 : i32
      %dma_start3A_69 = tpu.memref_slice %arg16[%add3A_18, %dma_start3A_68] : memref<10240x64xf32, #tpu.memory_space<vmem_shared>> -> memref<128x64xf32, #tpu.memory_space<vmem_shared>>
      tpu.enqueue_dma source(%arg14 : memref<128x64xf32, #tpu.memory_space<vmem>>) target(%dma_start3A_69 : memref<128x64xf32, #tpu.memory_space<vmem_shared>>) target_semaphore(%run_scoped3A : memref<!tpu.dma_semaphore, #tpu.memory_space<semaphore_mem>>)
      %dma_wait3A_70 = arith.constant 0 : i32
      %dma_wait3A_71 = tpu.memref_slice %arg16[%add3A_18, %dma_wait3A_70] : memref<10240x64xf32, #tpu.memory_space<vmem_shared>> -> memref<128x64xf32, #tpu.memory_space<vmem_shared>>
      %dma_wait3A_72 = arith.constant 0 : i32
      %dma_wait3A_73 = tpu.memref_slice %arg16[%add3A_18, %dma_wait3A_72] : memref<10240x64xf32, #tpu.memory_space<vmem_shared>> -> memref<128x64xf32, #tpu.memory_space<vmem_shared>>
      tpu.wait_dma2 semaphore(%run_scoped3A : memref<!tpu.dma_semaphore, #tpu.memory_space<semaphore_mem>>) src(%arg14 : memref<128x64xf32, #tpu.memory_space<vmem>>) dst(%dma_wait3A_73 : memref<128x64xf32, #tpu.memory_space<vmem_shared>>)
      tpu.yield
    }) : () -> ()
    %add3A_19 = arith.constant 384 : i32
    %add3A_20 = arith.addi %mul3A_13, %add3A_19 : i32
    "tpu.region"() ({
      %run_scoped3A = tpu.sem_alloc : memref<!tpu.dma_semaphore, #tpu.memory_space<semaphore_mem>>
      %dma_start3A_66 = arith.constant 0 : i32
      %dma_start3A_67 = tpu.memref_slice %arg16[%add3A_20, %dma_start3A_66] : memref<10240x64xf32, #tpu.memory_space<vmem_shared>> -> memref<128x64xf32, #tpu.memory_space<vmem_shared>>
      %dma_start3A_68 = arith.constant 0 : i32
      %dma_start3A_69 = tpu.memref_slice %arg16[%add3A_20, %dma_start3A_68] : memref<10240x64xf32, #tpu.memory_space<vmem_shared>> -> memref<128x64xf32, #tpu.memory_space<vmem_shared>>
      tpu.enqueue_dma source(%arg14 : memref<128x64xf32, #tpu.memory_space<vmem>>) target(%dma_start3A_69 : memref<128x64xf32, #tpu.memory_space<vmem_shared>>) target_semaphore(%run_scoped3A : memref<!tpu.dma_semaphore, #tpu.memory_space<semaphore_mem>>)
      %dma_wait3A_70 = arith.constant 0 : i32
      %dma_wait3A_71 = tpu.memref_slice %arg16[%add3A_20, %dma_wait3A_70] : memref<10240x64xf32, #tpu.memory_space<vmem_shared>> -> memref<128x64xf32, #tpu.memory_space<vmem_shared>>
      %dma_wait3A_72 = arith.constant 0 : i32
      %dma_wait3A_73 = tpu.memref_slice %arg16[%add3A_20, %dma_wait3A_72] : memref<10240x64xf32, #tpu.memory_space<vmem_shared>> -> memref<128x64xf32, #tpu.memory_space<vmem_shared>>
      tpu.wait_dma2 semaphore(%run_scoped3A : memref<!tpu.dma_semaphore, #tpu.memory_space<semaphore_mem>>) src(%arg14 : memref<128x64xf32, #tpu.memory_space<vmem>>) dst(%dma_wait3A_73 : memref<128x64xf32, #tpu.memory_space<vmem_shared>>)
      tpu.yield
    }) : () -> ()
    %add3A_21 = arith.constant 512 : i32
    %add3A_22 = arith.addi %mul3A_13, %add3A_21 : i32
    "tpu.region"() ({
      %run_scoped3A = tpu.sem_alloc : memref<!tpu.dma_semaphore, #tpu.memory_space<semaphore_mem>>
      %dma_start3A_66 = arith.constant 0 : i32
      %dma_start3A_67 = tpu.memref_slice %arg16[%add3A_22, %dma_start3A_66] : memref<10240x64xf32, #tpu.memory_space<vmem_shared>> -> memref<128x64xf32, #tpu.memory_space<vmem_shared>>
      %dma_start3A_68 = arith.constant 0 : i32
      %dma_start3A_69 = tpu.memref_slice %arg16[%add3A_22, %dma_start3A_68] : memref<10240x64xf32, #tpu.memory_space<vmem_shared>> -> memref<128x64xf32, #tpu.memory_space<vmem_shared>>
      tpu.enqueue_dma source(%arg14 : memref<128x64xf32, #tpu.memory_space<vmem>>) target(%dma_start3A_69 : memref<128x64xf32, #tpu.memory_space<vmem_shared>>) target_semaphore(%run_scoped3A : memref<!tpu.dma_semaphore, #tpu.memory_space<semaphore_mem>>)
      %dma_wait3A_70 = arith.constant 0 : i32
      %dma_wait3A_71 = tpu.memref_slice %arg16[%add3A_22, %dma_wait3A_70] : memref<10240x64xf32, #tpu.memory_space<vmem_shared>> -> memref<128x64xf32, #tpu.memory_space<vmem_shared>>
      %dma_wait3A_72 = arith.constant 0 : i32
      %dma_wait3A_73 = tpu.memref_slice %arg16[%add3A_22, %dma_wait3A_72] : memref<10240x64xf32, #tpu.memory_space<vmem_shared>> -> memref<128x64xf32, #tpu.memory_space<vmem_shared>>
      tpu.wait_dma2 semaphore(%run_scoped3A : memref<!tpu.dma_semaphore, #tpu.memory_space<semaphore_mem>>) src(%arg14 : memref<128x64xf32, #tpu.memory_space<vmem>>) dst(%dma_wait3A_73 : memref<128x64xf32, #tpu.memory_space<vmem_shared>>)
      tpu.yield
    }) : () -> ()
    %barrier3A = arith.constant 0 : index
    tpu.barrier barrier_id(%barrier3A)
    %dma_start3A = arith.constant 0 : i32
    %dma_start3A_23 = arith.constant 0 : i32
    %dma_start3A_24 = tpu.memref_slice %arg11[%dma_start3A, %dma_start3A_23] : memref<158x128xi32, #tpu.memory_space<vmem>> -> memref<1x128xi32, #tpu.memory_space<vmem>>
    %dma_start3A_25 = tpu.memref_squeeze %dma_start3A_24 : memref<1x128xi32, #tpu.memory_space<vmem>> -> memref<128xi32, #tpu.memory_space<vmem>>
    %dma_start3A_26 = arith.constant 0 : i32
    %dma_start3A_27 = arith.constant 0 : i32
    %dma_start3A_28 = tpu.memref_slice %arg2[%dma_start3A_26, %dma_start3A_27] : memref<10000x64xf32, #tpu.memory_space<hbm>> -> memref<10000x64xf32, #tpu.memory_space<hbm>>
    tpu.enqueue_indirect_dma source(%dma_start3A_28 : memref<10000x64xf32, #tpu.memory_space<hbm>>) target(%arg14 : memref<128x64xf32, #tpu.memory_space<vmem>>) offsets(%dma_start3A_25 : memref<128xi32, #tpu.memory_space<vmem>>) semaphore(%arg17 : memref<!tpu.dma_semaphore, #tpu.memory_space<semaphore_mem>>)
    %dma_start3A_29 = arith.constant 1 : i32
    %dma_start3A_30 = arith.constant 0 : i32
    %dma_start3A_31 = tpu.memref_slice %arg11[%dma_start3A_29, %dma_start3A_30] : memref<158x128xi32, #tpu.memory_space<vmem>> -> memref<1x128xi32, #tpu.memory_space<vmem>>
    %dma_start3A_32 = tpu.memref_squeeze %dma_start3A_31 : memref<1x128xi32, #tpu.memory_space<vmem>> -> memref<128xi32, #tpu.memory_space<vmem>>
    %dma_start3A_33 = arith.constant 0 : i32
    %dma_start3A_34 = arith.constant 0 : i32
    %dma_start3A_35 = tpu.memref_slice %arg2[%dma_start3A_33, %dma_start3A_34] : memref<10000x64xf32, #tpu.memory_space<hbm>> -> memref<10000x64xf32, #tpu.memory_space<hbm>>
    tpu.enqueue_indirect_dma source(%dma_start3A_35 : memref<10000x64xf32, #tpu.memory_space<hbm>>) target(%arg15 : memref<128x64xf32, #tpu.memory_space<vmem>>) offsets(%dma_start3A_32 : memref<128xi32, #tpu.memory_space<vmem>>) semaphore(%arg18 : memref<!tpu.dma_semaphore, #tpu.memory_space<semaphore_mem>>)
    %scan3A_36 = arith.constant 0 : i32
    %scan3A_37 = arith.constant 0 : i32
    %scan3A_38 = arith.constant 79 : i32
    %scan3A_39 = arith.addi %scan3A_37, %scan3A_38 : i32
    %scan3A_40 = arith.constant 1 : i32
    scf.for %scan3A_66 = %scan3A_37 to %scan3A_39 step %scan3A_40  : i32 {
      %mul3A_67 = arith.constant 2 : i32
      %mul3A_68 = arith.muli %scan3A_66, %mul3A_67 : i32
      %add3A_69 = arith.constant 0 : i32
      %add3A_70 = arith.addi %mul3A_68, %add3A_69 : i32
      %dma_wait3A_71 = arith.constant 0 : i32
      %dma_wait3A_72 = tpu.memref_slice %arg11[%add3A_70, %dma_wait3A_71] : memref<158x128xi32, #tpu.memory_space<vmem>> -> memref<1x128xi32, #tpu.memory_space<vmem>>
      %dma_wait3A_73 = tpu.memref_squeeze %dma_wait3A_72 : memref<1x128xi32, #tpu.memory_space<vmem>> -> memref<128xi32, #tpu.memory_space<vmem>>
      %dma_wait3A_74 = arith.constant 0 : i32
      %dma_wait3A_75 = arith.constant 0 : i32
      %dma_wait3A_76 = tpu.memref_slice %arg2[%dma_wait3A_74, %dma_wait3A_75] : memref<10000x64xf32, #tpu.memory_space<hbm>> -> memref<10000x64xf32, #tpu.memory_space<hbm>>
      tpu.wait_indirect_dma semaphore(%arg17 : memref<!tpu.dma_semaphore, #tpu.memory_space<semaphore_mem>>) src(%dma_wait3A_76 : memref<10000x64xf32, #tpu.memory_space<hbm>>) dst(%arg14 : memref<128x64xf32, #tpu.memory_space<vmem>>)
      %scan3A_77 = arith.constant 0 : i32
      %scan3A_78 = arith.constant 0 : i32
      %scan3A_79 = arith.constant 8 : i32
      %scan3A_80 = arith.addi %scan3A_78, %scan3A_79 : i32
      %scan3A_81 = arith.constant 1 : i32
      scf.for %scan3A_122 = %scan3A_78 to %scan3A_80 step %scan3A_81  : i32 {
        %mul3A_123 = arith.constant 16 : i32
        %mul3A_124 = arith.muli %scan3A_122, %mul3A_123 : i32
        %get3A = arith.index_cast %add3A_70 : i32 to index
        %get3A_125 = arith.index_cast %mul3A_124 : i32 to index
        %get3A_126 = tpu.vector_load %arg13[%get3A, %get3A_125] {strides = array<i32>} : memref<158x128xf32, #tpu.memory_space<vmem>>, vector<16xf32>,
        %parallel_loop3A = arith.constant 0 : i32
        %parallel_loop3A_127 = arith.constant 16 : i32
        %parallel_loop3A_128 = arith.constant 1 : i32
        scf.for %parallel_loop3A_129 = %parallel_loop3A to %parallel_loop3A_127 step %parallel_loop3A_128  : i32 {
          %parallel_loop3A_130 = arith.constant 16 : i32
          %parallel_loop3A_131 = arith.muli %scan3A_122, %parallel_loop3A_130 : i32
          %parallel_loop3A_132 = arith.addi %parallel_loop3A_131, %parallel_loop3A_129 : i32
          %parallel_loop3A_133 = vector.broadcast %parallel_loop3A_129 : i32 to vector<16xi32>
          %parallel_loop3A_134 = arith.constant 0 : i32
          %parallel_loop3A_135 = vector.broadcast %parallel_loop3A_134 : i32 to vector<16xi32>
          %parallel_loop3A_136 = arith.cmpi slt, %parallel_loop3A_133, %parallel_loop3A_135 : vector<16xi32>
          %parallel_loop3A_137 = arith.constant 16 : i32
          %parallel_loop3A_138 = vector.broadcast %parallel_loop3A_137 : i32 to vector<16xi32>
          %parallel_loop3A_139 = arith.addi %parallel_loop3A_133, %parallel_loop3A_138 : vector<16xi32>
          %parallel_loop3A_140 = arith.select %parallel_loop3A_136, %parallel_loop3A_139, %parallel_loop3A_133 : vector<16xi1>, vector<16xi32>
          %parallel_loop3A_141 = vector.shape_cast %parallel_loop3A_140 : vector<16xi32> to vector<16x1xi32>
          %parallel_loop3A_142 = vector.shape_cast %parallel_loop3A_141 : vector<16x1xi32> to vector<16xi32>
          %parallel_loop3A_143 = tpu.dynamic_gather %get3A_126[%parallel_loop3A_142] in [0] : vector<16xf32>, vector<16xi32> -> vector<16xf32>
          %parallel_loop3A_144 = arith.index_cast %parallel_loop3A_132 : i32 to index
          %parallel_loop3A_145 = arith.constant 0 : index
          %parallel_loop3A_146 = tpu.vector_load %arg14[%parallel_loop3A_144, %parallel_loop3A_145] {strides = array<i32>} : memref<128x64xf32, #tpu.memory_space<vmem>>, vector<16xf32>,
          %parallel_loop3A_147 = arith.mulf %parallel_loop3A_146, %parallel_loop3A_143 : vector<16xf32>
          %parallel_loop3A_148 = arith.index_cast %parallel_loop3A_132 : i32 to index
          %parallel_loop3A_149 = arith.constant 0 : index
          %parallel_loop3A_150 = tpu.vector_load %arg14[%parallel_loop3A_148, %parallel_loop3A_149] {strides = array<i32>} : memref<128x64xf32, #tpu.memory_space<vmem>>, vector<16xf32>,
          tpu.vector_store %arg14[%parallel_loop3A_148, %parallel_loop3A_149], %parallel_loop3A_147 {strides = array<i32>} : memref<128x64xf32, #tpu.memory_space<vmem>>, vector<16xf32>,
          %parallel_loop3A_151 = arith.index_cast %parallel_loop3A_132 : i32 to index
          %parallel_loop3A_152 = arith.constant 16 : index
          %parallel_loop3A_153 = tpu.vector_load %arg14[%parallel_loop3A_151, %parallel_loop3A_152] {strides = array<i32>} : memref<128x64xf32, #tpu.memory_space<vmem>>, vector<16xf32>,
          %parallel_loop3A_154 = arith.mulf %parallel_loop3A_153, %parallel_loop3A_143 : vector<16xf32>
          %parallel_loop3A_155 = arith.index_cast %parallel_loop3A_132 : i32 to index
          %parallel_loop3A_156 = arith.constant 16 : index
          %parallel_loop3A_157 = tpu.vector_load %arg14[%parallel_loop3A_155, %parallel_loop3A_156] {strides = array<i32>} : memref<128x64xf32, #tpu.memory_space<vmem>>, vector<16xf32>,
          tpu.vector_store %arg14[%parallel_loop3A_155, %parallel_loop3A_156], %parallel_loop3A_154 {strides = array<i32>} : memref<128x64xf32, #tpu.memory_space<vmem>>, vector<16xf32>,
          %parallel_loop3A_158 = arith.index_cast %parallel_loop3A_132 : i32 to index
          %parallel_loop3A_159 = arith.constant 32 : index
          %parallel_loop3A_160 = tpu.vector_load %arg14[%parallel_loop3A_158, %parallel_loop3A_159] {strides = array<i32>} : memref<128x64xf32, #tpu.memory_space<vmem>>, vector<16xf32>,
          %parallel_loop3A_161 = arith.mulf %parallel_loop3A_160, %parallel_loop3A_143 : vector<16xf32>
          %parallel_loop3A_162 = arith.index_cast %parallel_loop3A_132 : i32 to index
          %parallel_loop3A_163 = arith.constant 32 : index
          %parallel_loop3A_164 = tpu.vector_load %arg14[%parallel_loop3A_162, %parallel_loop3A_163] {strides = array<i32>} : memref<128x64xf32, #tpu.memory_space<vmem>>, vector<16xf32>,
          tpu.vector_store %arg14[%parallel_loop3A_162, %parallel_loop3A_163], %parallel_loop3A_161 {strides = array<i32>} : memref<128x64xf32, #tpu.memory_space<vmem>>, vector<16xf32>,
          %parallel_loop3A_165 = arith.index_cast %parallel_loop3A_132 : i32 to index
          %parallel_loop3A_166 = arith.constant 48 : index
          %parallel_loop3A_167 = tpu.vector_load %arg14[%parallel_loop3A_165, %parallel_loop3A_166] {strides = array<i32>} : memref<128x64xf32, #tpu.memory_space<vmem>>, vector<16xf32>,
          %parallel_loop3A_168 = arith.mulf %parallel_loop3A_167, %parallel_loop3A_143 : vector<16xf32>
          %parallel_loop3A_169 = arith.index_cast %parallel_loop3A_132 : i32 to index
          %parallel_loop3A_170 = arith.constant 48 : index
          %parallel_loop3A_171 = tpu.vector_load %arg14[%parallel_loop3A_169, %parallel_loop3A_170] {strides = array<i32>} : memref<128x64xf32, #tpu.memory_space<vmem>>, vector<16xf32>,
          tpu.vector_store %arg14[%parallel_loop3A_169, %parallel_loop3A_170], %parallel_loop3A_168 {strides = array<i32>} : memref<128x64xf32, #tpu.memory_space<vmem>>, vector<16xf32>,
        } {sc.loop_unroll_factor = 4 : i64, sc.parallel_access}
      }
      %scan3A_82 = arith.constant 8 : i32
      "tpu.region"() ({
        %run_scoped3A = tpu.sem_alloc : memref<!tpu.dma_semaphore, #tpu.memory_space<semaphore_mem>>
        %dma_start3A_122 = arith.constant 0 : i32
        %dma_start3A_123 = tpu.memref_slice %arg12[%add3A_70, %dma_start3A_122] : memref<158x128xi32, #tpu.memory_space<vmem>> -> memref<1x128xi32, #tpu.memory_space<vmem>>
        %dma_start3A_124 = tpu.memref_squeeze %dma_start3A_123 : memref<1x128xi32, #tpu.memory_space<vmem>> -> memref<128xi32, #tpu.memory_space<vmem>>
        %dma_start3A_125 = arith.constant 0 : i32
        %dma_start3A_126 = arith.constant 0 : i32
        %dma_start3A_127 = tpu.memref_slice %arg16[%dma_start3A_125, %dma_start3A_126] : memref<10240x64xf32, #tpu.memory_space<vmem_shared>> -> memref<10240x64xf32, #tpu.memory_space<vmem_shared>>
        tpu.enqueue_indirect_dma source(%arg14 : memref<128x64xf32, #tpu.memory_space<vmem>>) target(%dma_start3A_127 : memref<10240x64xf32, #tpu.memory_space<vmem_shared>>) offsets(%dma_start3A_124 : memref<128xi32, #tpu.memory_space<vmem>>) semaphore(%run_scoped3A : memref<!tpu.dma_semaphore, #tpu.memory_space<semaphore_mem>>) {add = true}
        %dma_wait3A_128 = arith.constant 0 : i32
        %dma_wait3A_129 = tpu.memref_slice %arg12[%add3A_70, %dma_wait3A_128] : memref<158x128xi32, #tpu.memory_space<vmem>> -> memref<1x128xi32, #tpu.memory_space<vmem>>
        %dma_wait3A_130 = tpu.memref_squeeze %dma_wait3A_129 : memref<1x128xi32, #tpu.memory_space<vmem>> -> memref<128xi32, #tpu.memory_space<vmem>>
        %dma_wait3A_131 = arith.constant 0 : i32
        %dma_wait3A_132 = arith.constant 0 : i32
        %dma_wait3A_133 = tpu.memref_slice %arg16[%dma_wait3A_131, %dma_wait3A_132] : memref<10240x64xf32, #tpu.memory_space<vmem_shared>> -> memref<10240x64xf32, #tpu.memory_space<vmem_shared>>
        tpu.wait_indirect_dma semaphore(%run_scoped3A : memref<!tpu.dma_semaphore, #tpu.memory_space<semaphore_mem>>) src(%arg14 : memref<128x64xf32, #tpu.memory_space<vmem>>) dst(%dma_wait3A_133 : memref<10240x64xf32, #tpu.memory_space<vmem_shared>>)
        tpu.yield
      }) : () -> ()
      %add3A_83 = arith.constant 2 : i32
      %add3A_84 = arith.addi %add3A_70, %add3A_83 : i32
      %lt3A = arith.constant 158 : i32
      %lt3A_85 = arith.cmpi slt, %add3A_84, %lt3A : i32
      %add3A_86 = arith.constant 2 : i32
      %add3A_87 = arith.addi %add3A_70, %add3A_86 : i32
      %jit3A = arith.constant 0 : i32
      %select_n3A = arith.select %lt3A_85, %add3A_87, %jit3A : i32
      %dma_start3A_88 = arith.constant 0 : i32
      %dma_start3A_89 = tpu.memref_slice %arg11[%select_n3A, %dma_start3A_88] : memref<158x128xi32, #tpu.memory_space<vmem>> -> memref<1x128xi32, #tpu.memory_space<vmem>>
      %dma_start3A_90 = tpu.memref_squeeze %dma_start3A_89 : memref<1x128xi32, #tpu.memory_space<vmem>> -> memref<128xi32, #tpu.memory_space<vmem>>
      %dma_start3A_91 = arith.constant 0 : i32
      %dma_start3A_92 = arith.constant 0 : i32
      %dma_start3A_93 = tpu.memref_slice %arg2[%dma_start3A_91, %dma_start3A_92] : memref<10000x64xf32, #tpu.memory_space<hbm>> -> memref<10000x64xf32, #tpu.memory_space<hbm>>
      tpu.enqueue_indirect_dma source(%dma_start3A_93 : memref<10000x64xf32, #tpu.memory_space<hbm>>) target(%arg14 : memref<128x64xf32, #tpu.memory_space<vmem>>) offsets(%dma_start3A_90 : memref<128xi32, #tpu.memory_space<vmem>>) semaphore(%arg17 : memref<!tpu.dma_semaphore, #tpu.memory_space<semaphore_mem>>)
      %add3A_94 = arith.constant 1 : i32
      %add3A_95 = arith.addi %mul3A_68, %add3A_94 : i32
      %dma_wait3A_96 = arith.constant 0 : i32
      %dma_wait3A_97 = tpu.memref_slice %arg11[%add3A_95, %dma_wait3A_96] : memref<158x128xi32, #tpu.memory_space<vmem>> -> memref<1x128xi32, #tpu.memory_space<vmem>>
      %dma_wait3A_98 = tpu.memref_squeeze %dma_wait3A_97 : memref<1x128xi32, #tpu.memory_space<vmem>> -> memref<128xi32, #tpu.memory_space<vmem>>
      %dma_wait3A_99 = arith.constant 0 : i32
      %dma_wait3A_100 = arith.constant 0 : i32
      %dma_wait3A_101 = tpu.memref_slice %arg2[%dma_wait3A_99, %dma_wait3A_100] : memref<10000x64xf32, #tpu.memory_space<hbm>> -> memref<10000x64xf32, #tpu.memory_space<hbm>>
      tpu.wait_indirect_dma semaphore(%arg18 : memref<!tpu.dma_semaphore, #tpu.memory_space<semaphore_mem>>) src(%dma_wait3A_101 : memref<10000x64xf32, #tpu.memory_space<hbm>>) dst(%arg15 : memref<128x64xf32, #tpu.memory_space<vmem>>)
      %scan3A_102 = arith.constant 0 : i32
      %scan3A_103 = arith.constant 0 : i32
      %scan3A_104 = arith.constant 8 : i32
      %scan3A_105 = arith.addi %scan3A_103, %scan3A_104 : i32
      %scan3A_106 = arith.constant 1 : i32
      scf.for %scan3A_122 = %scan3A_103 to %scan3A_105 step %scan3A_106  : i32 {
        %mul3A_123 = arith.constant 16 : i32
        %mul3A_124 = arith.muli %scan3A_122, %mul3A_123 : i32
        %get3A = arith.index_cast %add3A_95 : i32 to index
        %get3A_125 = arith.index_cast %mul3A_124 : i32 to index
        %get3A_126 = tpu.vector_load %arg13[%get3A, %get3A_125] {strides = array<i32>} : memref<158x128xf32, #tpu.memory_space<vmem>>, vector<16xf32>,
        %parallel_loop3A = arith.constant 0 : i32
        %parallel_loop3A_127 = arith.constant 16 : i32
        %parallel_loop3A_128 = arith.constant 1 : i32
        scf.for %parallel_loop3A_129 = %parallel_loop3A to %parallel_loop3A_127 step %parallel_loop3A_128  : i32 {
          %parallel_loop3A_130 = arith.constant 16 : i32
          %parallel_loop3A_131 = arith.muli %scan3A_122, %parallel_loop3A_130 : i32
          %parallel_loop3A_132 = arith.addi %parallel_loop3A_131, %parallel_loop3A_129 : i32
          %parallel_loop3A_133 = vector.broadcast %parallel_loop3A_129 : i32 to vector<16xi32>
          %parallel_loop3A_134 = arith.constant 0 : i32
          %parallel_loop3A_135 = vector.broadcast %parallel_loop3A_134 : i32 to vector<16xi32>
          %parallel_loop3A_136 = arith.cmpi slt, %parallel_loop3A_133, %parallel_loop3A_135 : vector<16xi32>
          %parallel_loop3A_137 = arith.constant 16 : i32
          %parallel_loop3A_138 = vector.broadcast %parallel_loop3A_137 : i32 to vector<16xi32>
          %parallel_loop3A_139 = arith.addi %parallel_loop3A_133, %parallel_loop3A_138 : vector<16xi32>
          %parallel_loop3A_140 = arith.select %parallel_loop3A_136, %parallel_loop3A_139, %parallel_loop3A_133 : vector<16xi1>, vector<16xi32>
          %parallel_loop3A_141 = vector.shape_cast %parallel_loop3A_140 : vector<16xi32> to vector<16x1xi32>
          %parallel_loop3A_142 = vector.shape_cast %parallel_loop3A_141 : vector<16x1xi32> to vector<16xi32>
          %parallel_loop3A_143 = tpu.dynamic_gather %get3A_126[%parallel_loop3A_142] in [0] : vector<16xf32>, vector<16xi32> -> vector<16xf32>
          %parallel_loop3A_144 = arith.index_cast %parallel_loop3A_132 : i32 to index
          %parallel_loop3A_145 = arith.constant 0 : index
          %parallel_loop3A_146 = tpu.vector_load %arg15[%parallel_loop3A_144, %parallel_loop3A_145] {strides = array<i32>} : memref<128x64xf32, #tpu.memory_space<vmem>>, vector<16xf32>,
          %parallel_loop3A_147 = arith.mulf %parallel_loop3A_146, %parallel_loop3A_143 : vector<16xf32>
          %parallel_loop3A_148 = arith.index_cast %parallel_loop3A_132 : i32 to index
          %parallel_loop3A_149 = arith.constant 0 : index
          %parallel_loop3A_150 = tpu.vector_load %arg15[%parallel_loop3A_148, %parallel_loop3A_149] {strides = array<i32>} : memref<128x64xf32, #tpu.memory_space<vmem>>, vector<16xf32>,
          tpu.vector_store %arg15[%parallel_loop3A_148, %parallel_loop3A_149], %parallel_loop3A_147 {strides = array<i32>} : memref<128x64xf32, #tpu.memory_space<vmem>>, vector<16xf32>,
          %parallel_loop3A_151 = arith.index_cast %parallel_loop3A_132 : i32 to index
          %parallel_loop3A_152 = arith.constant 16 : index
          %parallel_loop3A_153 = tpu.vector_load %arg15[%parallel_loop3A_151, %parallel_loop3A_152] {strides = array<i32>} : memref<128x64xf32, #tpu.memory_space<vmem>>, vector<16xf32>,
          %parallel_loop3A_154 = arith.mulf %parallel_loop3A_153, %parallel_loop3A_143 : vector<16xf32>
          %parallel_loop3A_155 = arith.index_cast %parallel_loop3A_132 : i32 to index
          %parallel_loop3A_156 = arith.constant 16 : index
          %parallel_loop3A_157 = tpu.vector_load %arg15[%parallel_loop3A_155, %parallel_loop3A_156] {strides = array<i32>} : memref<128x64xf32, #tpu.memory_space<vmem>>, vector<16xf32>,
          tpu.vector_store %arg15[%parallel_loop3A_155, %parallel_loop3A_156], %parallel_loop3A_154 {strides = array<i32>} : memref<128x64xf32, #tpu.memory_space<vmem>>, vector<16xf32>,
          %parallel_loop3A_158 = arith.index_cast %parallel_loop3A_132 : i32 to index
          %parallel_loop3A_159 = arith.constant 32 : index
          %parallel_loop3A_160 = tpu.vector_load %arg15[%parallel_loop3A_158, %parallel_loop3A_159] {strides = array<i32>} : memref<128x64xf32, #tpu.memory_space<vmem>>, vector<16xf32>,
          %parallel_loop3A_161 = arith.mulf %parallel_loop3A_160, %parallel_loop3A_143 : vector<16xf32>
          %parallel_loop3A_162 = arith.index_cast %parallel_loop3A_132 : i32 to index
          %parallel_loop3A_163 = arith.constant 32 : index
          %parallel_loop3A_164 = tpu.vector_load %arg15[%parallel_loop3A_162, %parallel_loop3A_163] {strides = array<i32>} : memref<128x64xf32, #tpu.memory_space<vmem>>, vector<16xf32>,
          tpu.vector_store %arg15[%parallel_loop3A_162, %parallel_loop3A_163], %parallel_loop3A_161 {strides = array<i32>} : memref<128x64xf32, #tpu.memory_space<vmem>>, vector<16xf32>,
          %parallel_loop3A_165 = arith.index_cast %parallel_loop3A_132 : i32 to index
          %parallel_loop3A_166 = arith.constant 48 : index
          %parallel_loop3A_167 = tpu.vector_load %arg15[%parallel_loop3A_165, %parallel_loop3A_166] {strides = array<i32>} : memref<128x64xf32, #tpu.memory_space<vmem>>, vector<16xf32>,
          %parallel_loop3A_168 = arith.mulf %parallel_loop3A_167, %parallel_loop3A_143 : vector<16xf32>
          %parallel_loop3A_169 = arith.index_cast %parallel_loop3A_132 : i32 to index
          %parallel_loop3A_170 = arith.constant 48 : index
          %parallel_loop3A_171 = tpu.vector_load %arg15[%parallel_loop3A_169, %parallel_loop3A_170] {strides = array<i32>} : memref<128x64xf32, #tpu.memory_space<vmem>>, vector<16xf32>,
          tpu.vector_store %arg15[%parallel_loop3A_169, %parallel_loop3A_170], %parallel_loop3A_168 {strides = array<i32>} : memref<128x64xf32, #tpu.memory_space<vmem>>, vector<16xf32>,
        } {sc.loop_unroll_factor = 4 : i64, sc.parallel_access}
      }
      %scan3A_107 = arith.constant 8 : i32
      "tpu.region"() ({
        %run_scoped3A = tpu.sem_alloc : memref<!tpu.dma_semaphore, #tpu.memory_space<semaphore_mem>>
        %dma_start3A_122 = arith.constant 0 : i32
        %dma_start3A_123 = tpu.memref_slice %arg12[%add3A_95, %dma_start3A_122] : memref<158x128xi32, #tpu.memory_space<vmem>> -> memref<1x128xi32, #tpu.memory_space<vmem>>
        %dma_start3A_124 = tpu.memref_squeeze %dma_start3A_123 : memref<1x128xi32, #tpu.memory_space<vmem>> -> memref<128xi32, #tpu.memory_space<vmem>>
        %dma_start3A_125 = arith.constant 0 : i32
        %dma_start3A_126 = arith.constant 0 : i32
        %dma_start3A_127 = tpu.memref_slice %arg16[%dma_start3A_125, %dma_start3A_126] : memref<10240x64xf32, #tpu.memory_space<vmem_shared>> -> memref<10240x64xf32, #tpu.memory_space<vmem_shared>>
        tpu.enqueue_indirect_dma source(%arg15 : memref<128x64xf32, #tpu.memory_space<vmem>>) target(%dma_start3A_127 : memref<10240x64xf32, #tpu.memory_space<vmem_shared>>) offsets(%dma_start3A_124 : memref<128xi32, #tpu.memory_space<vmem>>) semaphore(%run_scoped3A : memref<!tpu.dma_semaphore, #tpu.memory_space<semaphore_mem>>) {add = true}
        %dma_wait3A_128 = arith.constant 0 : i32
        %dma_wait3A_129 = tpu.memref_slice %arg12[%add3A_95, %dma_wait3A_128] : memref<158x128xi32, #tpu.memory_space<vmem>> -> memref<1x128xi32, #tpu.memory_space<vmem>>
        %dma_wait3A_130 = tpu.memref_squeeze %dma_wait3A_129 : memref<1x128xi32, #tpu.memory_space<vmem>> -> memref<128xi32, #tpu.memory_space<vmem>>
        %dma_wait3A_131 = arith.constant 0 : i32
        %dma_wait3A_132 = arith.constant 0 : i32
        %dma_wait3A_133 = tpu.memref_slice %arg16[%dma_wait3A_131, %dma_wait3A_132] : memref<10240x64xf32, #tpu.memory_space<vmem_shared>> -> memref<10240x64xf32, #tpu.memory_space<vmem_shared>>
        tpu.wait_indirect_dma semaphore(%run_scoped3A : memref<!tpu.dma_semaphore, #tpu.memory_space<semaphore_mem>>) src(%arg15 : memref<128x64xf32, #tpu.memory_space<vmem>>) dst(%dma_wait3A_133 : memref<10240x64xf32, #tpu.memory_space<vmem_shared>>)
        tpu.yield
      }) : () -> ()
      %add3A_108 = arith.constant 2 : i32
      %add3A_109 = arith.addi %add3A_95, %add3A_108 : i32
      %lt3A_110 = arith.constant 158 : i32
      %lt3A_111 = arith.cmpi slt, %add3A_109, %lt3A_110 : i32
      %add3A_112 = arith.constant 2 : i32
      %add3A_113 = arith.addi %add3A_95, %add3A_112 : i32
      %jit3A_114 = arith.constant 0 : i32
      %select_n3A_115 = arith.select %lt3A_111, %add3A_113, %jit3A_114 : i32
      %dma_start3A_116 = arith.constant 0 : i32
      %dma_start3A_117 = tpu.memref_slice %arg11[%select_n3A_115, %dma_start3A_116] : memref<158x128xi32, #tpu.memory_space<vmem>> -> memref<1x128xi32, #tpu.memory_space<vmem>>
      %dma_start3A_118 = tpu.memref_squeeze %dma_start3A_117 : memref<1x128xi32, #tpu.memory_space<vmem>> -> memref<128xi32, #tpu.memory_space<vmem>>
      %dma_start3A_119 = arith.constant 0 : i32
      %dma_start3A_120 = arith.constant 0 : i32
      %dma_start3A_121 = tpu.memref_slice %arg2[%dma_start3A_119, %dma_start3A_120] : memref<10000x64xf32, #tpu.memory_space<hbm>> -> memref<10000x64xf32, #tpu.memory_space<hbm>>
      tpu.enqueue_indirect_dma source(%dma_start3A_121 : memref<10000x64xf32, #tpu.memory_space<hbm>>) target(%arg15 : memref<128x64xf32, #tpu.memory_space<vmem>>) offsets(%dma_start3A_118 : memref<128xi32, #tpu.memory_space<vmem>>) semaphore(%arg18 : memref<!tpu.dma_semaphore, #tpu.memory_space<semaphore_mem>>)
    }
    %scan3A_41 = arith.constant 79 : i32
    %dma_wait3A = arith.constant 0 : i32
    %dma_wait3A_42 = arith.constant 0 : i32
    %dma_wait3A_43 = tpu.memref_slice %arg11[%dma_wait3A, %dma_wait3A_42] : memref<158x128xi32, #tpu.memory_space<vmem>> -> memref<1x128xi32, #tpu.memory_space<vmem>>
    %dma_wait3A_44 = tpu.memref_squeeze %dma_wait3A_43 : memref<1x128xi32, #tpu.memory_space<vmem>> -> memref<128xi32, #tpu.memory_space<vmem>>
    %dma_wait3A_45 = arith.constant 0 : i32
    %dma_wait3A_46 = arith.constant 0 : i32
    %dma_wait3A_47 = tpu.memref_slice %arg2[%dma_wait3A_45, %dma_wait3A_46] : memref<10000x64xf32, #tpu.memory_space<hbm>> -> memref<10000x64xf32, #tpu.memory_space<hbm>>
    tpu.wait_indirect_dma semaphore(%arg17 : memref<!tpu.dma_semaphore, #tpu.memory_space<semaphore_mem>>) src(%dma_wait3A_47 : memref<10000x64xf32, #tpu.memory_space<hbm>>) dst(%arg14 : memref<128x64xf32, #tpu.memory_space<vmem>>)
    %dma_wait3A_48 = arith.constant 0 : i32
    %dma_wait3A_49 = arith.constant 0 : i32
    %dma_wait3A_50 = tpu.memref_slice %arg11[%dma_wait3A_48, %dma_wait3A_49] : memref<158x128xi32, #tpu.memory_space<vmem>> -> memref<1x128xi32, #tpu.memory_space<vmem>>
    %dma_wait3A_51 = tpu.memref_squeeze %dma_wait3A_50 : memref<1x128xi32, #tpu.memory_space<vmem>> -> memref<128xi32, #tpu.memory_space<vmem>>
    %dma_wait3A_52 = arith.constant 0 : i32
    %dma_wait3A_53 = arith.constant 0 : i32
    %dma_wait3A_54 = tpu.memref_slice %arg2[%dma_wait3A_52, %dma_wait3A_53] : memref<10000x64xf32, #tpu.memory_space<hbm>> -> memref<10000x64xf32, #tpu.memory_space<hbm>>
    tpu.wait_indirect_dma semaphore(%arg18 : memref<!tpu.dma_semaphore, #tpu.memory_space<semaphore_mem>>) src(%dma_wait3A_54 : memref<10000x64xf32, #tpu.memory_space<hbm>>) dst(%arg15 : memref<128x64xf32, #tpu.memory_space<vmem>>)
    %barrier3A_55 = arith.constant 0 : index
    tpu.barrier barrier_id(%barrier3A_55)
    %eq3A_56 = arith.constant 0 : i32
    %eq3A_57 = arith.cmpi eq, %arg0, %eq3A_56 : i32
    %convert_element_type3A_58 = arith.extui %eq3A_57 : i1 to i32
    %cond3A_59 = arith.constant 0 : i32
    %cond3A_60 = arith.cmpi ne, %convert_element_type3A_58, %cond3A_59 : i32
    scf.if %cond3A_60 {
      "tpu.region"() ({
        %run_scoped3A = tpu.sem_alloc : memref<!tpu.dma_semaphore, #tpu.memory_space<semaphore_mem>>
        %dma_start3A_66 = arith.constant 0 : i32
        %dma_start3A_67 = tpu.memref_slice %arg9[%mul3A_13, %dma_start3A_66] : memref<10240x64xf32, #tpu.memory_space<hbm>> -> memref<640x64xf32, #tpu.memory_space<hbm>>
        %dma_start3A_68 = arith.constant 0 : i32
        %dma_start3A_69 = tpu.memref_slice %arg16[%mul3A_13, %dma_start3A_68] : memref<10240x64xf32, #tpu.memory_space<vmem_shared>> -> memref<640x64xf32, #tpu.memory_space<vmem_shared>>
        tpu.enqueue_dma source(%dma_start3A_69 : memref<640x64xf32, #tpu.memory_space<vmem_shared>>) target(%dma_start3A_67 : memref<640x64xf32, #tpu.memory_space<hbm>>) target_semaphore(%run_scoped3A : memref<!tpu.dma_semaphore, #tpu.memory_space<semaphore_mem>>)
        %dma_wait3A_70 = arith.constant 0 : i32
        %dma_wait3A_71 = tpu.memref_slice %arg9[%mul3A_13, %dma_wait3A_70] : memref<10240x64xf32, #tpu.memory_space<hbm>> -> memref<640x64xf32, #tpu.memory_space<hbm>>
        %dma_wait3A_72 = arith.constant 0 : i32
        %dma_wait3A_73 = tpu.memref_slice %arg16[%mul3A_13, %dma_wait3A_72] : memref<10240x64xf32, #tpu.memory_space<vmem_shared>> -> memref<640x64xf32, #tpu.memory_space<vmem_shared>>
        tpu.wait_dma2 semaphore(%run_scoped3A : memref<!tpu.dma_semaphore, #tpu.memory_space<semaphore_mem>>) src(%dma_wait3A_73 : memref<640x64xf32, #tpu.memory_space<vmem_shared>>) dst(%dma_wait3A_71 : memref<640x64xf32, #tpu.memory_space<hbm>>)
        tpu.yield
      }) : () -> ()
    } else {
    }
    %eq3A_61 = arith.constant 1 : i32
    %eq3A_62 = arith.cmpi eq, %arg0, %eq3A_61 : i32
    %convert_element_type3A_63 = arith.extui %eq3A_62 : i1 to i32
    %cond3A_64 = arith.constant 0 : i32
    %cond3A_65 = arith.cmpi ne, %convert_element_type3A_63, %cond3A_64 : i32
    scf.if %cond3A_65 {
      "tpu.region"() ({
        %run_scoped3A = tpu.sem_alloc : memref<!tpu.dma_semaphore, #tpu.memory_space<semaphore_mem>>
        %dma_start3A_66 = arith.constant 0 : i32
        %dma_start3A_67 = tpu.memref_slice %arg10[%mul3A_13, %dma_start3A_66] : memref<10240x64xf32, #tpu.memory_space<hbm>> -> memref<640x64xf32, #tpu.memory_space<hbm>>
        %dma_start3A_68 = arith.constant 0 : i32
        %dma_start3A_69 = tpu.memref_slice %arg16[%mul3A_13, %dma_start3A_68] : memref<10240x64xf32, #tpu.memory_space<vmem_shared>> -> memref<640x64xf32, #tpu.memory_space<vmem_shared>>
        tpu.enqueue_dma source(%dma_start3A_69 : memref<640x64xf32, #tpu.memory_space<vmem_shared>>) target(%dma_start3A_67 : memref<640x64xf32, #tpu.memory_space<hbm>>) target_semaphore(%run_scoped3A : memref<!tpu.dma_semaphore, #tpu.memory_space<semaphore_mem>>)
        %dma_wait3A_70 = arith.constant 0 : i32
        %dma_wait3A_71 = tpu.memref_slice %arg10[%mul3A_13, %dma_wait3A_70] : memref<10240x64xf32, #tpu.memory_space<hbm>> -> memref<640x64xf32, #tpu.memory_space<hbm>>
        %dma_wait3A_72 = arith.constant 0 : i32
        %dma_wait3A_73 = tpu.memref_slice %arg16[%mul3A_13, %dma_wait3A_72] : memref<10240x64xf32, #tpu.memory_space<vmem_shared>> -> memref<640x64xf32, #tpu.memory_space<vmem_shared>>
        tpu.wait_dma2 semaphore(%run_scoped3A : memref<!tpu.dma_semaphore, #tpu.memory_space<semaphore_mem>>) src(%dma_wait3A_73 : memref<640x64xf32, #tpu.memory_space<vmem_shared>>) dst(%dma_wait3A_71 : memref<640x64xf32, #tpu.memory_space<hbm>>)
        tpu.yield
      }) : () -> ()
    } else {
    }
    return
  }
}

#map = affine_map<(d0, d1) -> (0, 0)>
#map1 = affine_map<(d0, d1) -> (0, 0, 0)>
module attributes {stable_mosaic.version = 14 : i64} {
  func.func @_conv_kernel(%arg0: i32, %arg1: i32, %arg2: memref<10000x64xf32, #tpu.memory_space<hbm>>, %arg3: memref<16x158x128xi32, #tpu.memory_space<hbm>>, %arg4: memref<16x158x128xi32, #tpu.memory_space<hbm>>, %arg5: memref<16x158x128xf32, #tpu.memory_space<hbm>>, %arg6: memref<16x158x128xi32, #tpu.memory_space<hbm>>, %arg7: memref<16x158x128xi32, #tpu.memory_space<hbm>>, %arg8: memref<16x158x128xf32, #tpu.memory_space<hbm>>, %arg9: memref<10240x64xf32, #tpu.memory_space<hbm>>, %arg10: memref<10240x64xf32, #tpu.memory_space<hbm>>, %arg11: memref<158x128xi32, #tpu.memory_space<vmem>>, %arg12: memref<158x128xi32, #tpu.memory_space<vmem>>, %arg13: memref<158x128xf32, #tpu.memory_space<vmem>>, %arg14: memref<128x64xf32, #tpu.memory_space<vmem>>, %arg15: memref<128x64xf32, #tpu.memory_space<vmem>>, %arg16: memref<10240x64xf32, #tpu.memory_space<vmem_shared>>, %arg17: memref<!tpu.dma_semaphore, #tpu.memory_space<semaphore_mem>>, %arg18: memref<!tpu.dma_semaphore, #tpu.memory_space<semaphore_mem>>) attributes {dimension_semantics = [#tpu.dimension_semantics<core_parallel>, #tpu.dimension_semantics<subcore_parallel>], iteration_bounds = array<i64: 2, 16>, scalar_prefetch = 0 : i64, scratch_operands = 8 : i64, tpu.core_type = #tpu.core_type<sc_vector_subcore>, window_params = [{transform_indices = #map}, {transform_indices = #map1}, {transform_indices = #map1}, {transform_indices = #map1}, {transform_indices = #map1}, {transform_indices = #map1}, {transform_indices = #map1}, {transform_indices = #map}, {transform_indices = #map}]} {
    %eq3A = arith.constant 0 : i32
    %eq3A_0 = arith.cmpi eq, %arg0, %eq3A : i32
    %convert_element_type3A = arith.extui %eq3A_0 : i1 to i32
    %cond3A = arith.constant 0 : i32
    %cond3A_1 = arith.cmpi ne, %convert_element_type3A, %cond3A : i32
    scf.if %cond3A_1 {
      "tpu.region"() ({
        %run_scoped3A = tpu.sem_alloc : memref<!tpu.dma_semaphore, #tpu.memory_space<semaphore_mem>>
        %dma_start3A_66 = arith.constant 0 : i32
        %dma_start3A_67 = arith.constant 0 : i32
        %dma_start3A_68 = tpu.memref_slice %arg3[%arg1, %dma_start3A_66, %dma_start3A_67] : memref<16x158x128xi32, #tpu.memory_space<hbm>> -> memref<1x158x128xi32, #tpu.memory_space<hbm>>
        %dma_start3A_69 = tpu.memref_squeeze %dma_start3A_68 : memref<1x158x128xi32, #tpu.memory_space<hbm>> -> memref<158x128xi32, #tpu.memory_space<hbm>>
        %dma_start3A_70 = arith.constant 0 : i32
        %dma_start3A_71 = arith.constant 0 : i32
        %dma_start3A_72 = tpu.memref_slice %arg3[%arg1, %dma_start3A_70, %dma_start3A_71] : memref<16x158x128xi32, #tpu.memory_space<hbm>> -> memref<1x158x128xi32, #tpu.memory_space<hbm>>
        %dma_start3A_73 = tpu.memref_squeeze %dma_start3A_72 : memref<1x158x128xi32, #tpu.memory_space<hbm>> -> memref<158x128xi32, #tpu.memory_space<hbm>>
        tpu.enqueue_dma source(%dma_start3A_73 : memref<158x128xi32, #tpu.memory_space<hbm>>) target(%arg11 : memref<158x128xi32, #tpu.memory_space<vmem>>) target_semaphore(%run_scoped3A : memref<!tpu.dma_semaphore, #tpu.memory_space<semaphore_mem>>)
        %dma_wait3A_74 = arith.constant 0 : i32
        %dma_wait3A_75 = arith.constant 0 : i32
        %dma_wait3A_76 = tpu.memref_slice %arg3[%arg1, %dma_wait3A_74, %dma_wait3A_75] : memref<16x158x128xi32, #tpu.memory_space<hbm>> -> memref<1x158x128xi32, #tpu.memory_space<hbm>>
        %dma_wait3A_77 = tpu.memref_squeeze %dma_wait3A_76 : memref<1x158x128xi32, #tpu.memory_space<hbm>> -> memref<158x128xi32, #tpu.memory_space<hbm>>
        %dma_wait3A_78 = arith.constant 0 : i32
        %dma_wait3A_79 = arith.constant 0 : i32
        %dma_wait3A_80 = tpu.memref_slice %arg3[%arg1, %dma_wait3A_78, %dma_wait3A_79] : memref<16x158x128xi32, #tpu.memory_space<hbm>> -> memref<1x158x128xi32, #tpu.memory_space<hbm>>
        %dma_wait3A_81 = tpu.memref_squeeze %dma_wait3A_80 : memref<1x158x128xi32, #tpu.memory_space<hbm>> -> memref<158x128xi32, #tpu.memory_space<hbm>>
        tpu.wait_dma2 semaphore(%run_scoped3A : memref<!tpu.dma_semaphore, #tpu.memory_space<semaphore_mem>>) src(%dma_wait3A_81 : memref<158x128xi32, #tpu.memory_space<hbm>>) dst(%arg11 : memref<158x128xi32, #tpu.memory_space<vmem>>)
        tpu.yield
      }) : () -> ()
      "tpu.region"() ({
        %run_scoped3A = tpu.sem_alloc : memref<!tpu.dma_semaphore, #tpu.memory_space<semaphore_mem>>
        %dma_start3A_66 = arith.constant 0 : i32
        %dma_start3A_67 = arith.constant 0 : i32
        %dma_start3A_68 = tpu.memref_slice %arg4[%arg1, %dma_start3A_66, %dma_start3A_67] : memref<16x158x128xi32, #tpu.memory_space<hbm>> -> memref<1x158x128xi32, #tpu.memory_space<hbm>>
        %dma_start3A_69 = tpu.memref_squeeze %dma_start3A_68 : memref<1x158x128xi32, #tpu.memory_space<hbm>> -> memref<158x128xi32, #tpu.memory_space<hbm>>
        %dma_start3A_70 = arith.constant 0 : i32
        %dma_start3A_71 = arith.constant 0 : i32
        %dma_start3A_72 = tpu.memref_slice %arg4[%arg1, %dma_start3A_70, %dma_start3A_71] : memref<16x158x128xi32, #tpu.memory_space<hbm>> -> memref<1x158x128xi32, #tpu.memory_space<hbm>>
        %dma_start3A_73 = tpu.memref_squeeze %dma_start3A_72 : memref<1x158x128xi32, #tpu.memory_space<hbm>> -> memref<158x128xi32, #tpu.memory_space<hbm>>
        tpu.enqueue_dma source(%dma_start3A_73 : memref<158x128xi32, #tpu.memory_space<hbm>>) target(%arg12 : memref<158x128xi32, #tpu.memory_space<vmem>>) target_semaphore(%run_scoped3A : memref<!tpu.dma_semaphore, #tpu.memory_space<semaphore_mem>>)
        %dma_wait3A_74 = arith.constant 0 : i32
        %dma_wait3A_75 = arith.constant 0 : i32
        %dma_wait3A_76 = tpu.memref_slice %arg4[%arg1, %dma_wait3A_74, %dma_wait3A_75] : memref<16x158x128xi32, #tpu.memory_space<hbm>> -> memref<1x158x128xi32, #tpu.memory_space<hbm>>
        %dma_wait3A_77 = tpu.memref_squeeze %dma_wait3A_76 : memref<1x158x128xi32, #tpu.memory_space<hbm>> -> memref<158x128xi32, #tpu.memory_space<hbm>>
        %dma_wait3A_78 = arith.constant 0 : i32
        %dma_wait3A_79 = arith.constant 0 : i32
        %dma_wait3A_80 = tpu.memref_slice %arg4[%arg1, %dma_wait3A_78, %dma_wait3A_79] : memref<16x158x128xi32, #tpu.memory_space<hbm>> -> memref<1x158x128xi32, #tpu.memory_space<hbm>>
        %dma_wait3A_81 = tpu.memref_squeeze %dma_wait3A_80 : memref<1x158x128xi32, #tpu.memory_space<hbm>> -> memref<158x128xi32, #tpu.memory_space<hbm>>
        tpu.wait_dma2 semaphore(%run_scoped3A : memref<!tpu.dma_semaphore, #tpu.memory_space<semaphore_mem>>) src(%dma_wait3A_81 : memref<158x128xi32, #tpu.memory_space<hbm>>) dst(%arg12 : memref<158x128xi32, #tpu.memory_space<vmem>>)
        tpu.yield
      }) : () -> ()
      "tpu.region"() ({
        %run_scoped3A = tpu.sem_alloc : memref<!tpu.dma_semaphore, #tpu.memory_space<semaphore_mem>>
        %dma_start3A_66 = arith.constant 0 : i32
        %dma_start3A_67 = arith.constant 0 : i32
        %dma_start3A_68 = tpu.memref_slice %arg5[%arg1, %dma_start3A_66, %dma_start3A_67] : memref<16x158x128xf32, #tpu.memory_space<hbm>> -> memref<1x158x128xf32, #tpu.memory_space<hbm>>
        %dma_start3A_69 = tpu.memref_squeeze %dma_start3A_68 : memref<1x158x128xf32, #tpu.memory_space<hbm>> -> memref<158x128xf32, #tpu.memory_space<hbm>>
        %dma_start3A_70 = arith.constant 0 : i32
        %dma_start3A_71 = arith.constant 0 : i32
        %dma_start3A_72 = tpu.memref_slice %arg5[%arg1, %dma_start3A_70, %dma_start3A_71] : memref<16x158x128xf32, #tpu.memory_space<hbm>> -> memref<1x158x128xf32, #tpu.memory_space<hbm>>
        %dma_start3A_73 = tpu.memref_squeeze %dma_start3A_72 : memref<1x158x128xf32, #tpu.memory_space<hbm>> -> memref<158x128xf32, #tpu.memory_space<hbm>>
        tpu.enqueue_dma source(%dma_start3A_73 : memref<158x128xf32, #tpu.memory_space<hbm>>) target(%arg13 : memref<158x128xf32, #tpu.memory_space<vmem>>) target_semaphore(%run_scoped3A : memref<!tpu.dma_semaphore, #tpu.memory_space<semaphore_mem>>)
        %dma_wait3A_74 = arith.constant 0 : i32
        %dma_wait3A_75 = arith.constant 0 : i32
        %dma_wait3A_76 = tpu.memref_slice %arg5[%arg1, %dma_wait3A_74, %dma_wait3A_75] : memref<16x158x128xf32, #tpu.memory_space<hbm>> -> memref<1x158x128xf32, #tpu.memory_space<hbm>>
        %dma_wait3A_77 = tpu.memref_squeeze %dma_wait3A_76 : memref<1x158x128xf32, #tpu.memory_space<hbm>> -> memref<158x128xf32, #tpu.memory_space<hbm>>
        %dma_wait3A_78 = arith.constant 0 : i32
        %dma_wait3A_79 = arith.constant 0 : i32
        %dma_wait3A_80 = tpu.memref_slice %arg5[%arg1, %dma_wait3A_78, %dma_wait3A_79] : memref<16x158x128xf32, #tpu.memory_space<hbm>> -> memref<1x158x128xf32, #tpu.memory_space<hbm>>
        %dma_wait3A_81 = tpu.memref_squeeze %dma_wait3A_80 : memref<1x158x128xf32, #tpu.memory_space<hbm>> -> memref<158x128xf32, #tpu.memory_space<hbm>>
        tpu.wait_dma2 semaphore(%run_scoped3A : memref<!tpu.dma_semaphore, #tpu.memory_space<semaphore_mem>>) src(%dma_wait3A_81 : memref<158x128xf32, #tpu.memory_space<hbm>>) dst(%arg13 : memref<158x128xf32, #tpu.memory_space<vmem>>)
        tpu.yield
      }) : () -> ()
    } else {
    }
    %eq3A_2 = arith.constant 1 : i32
    %eq3A_3 = arith.cmpi eq, %arg0, %eq3A_2 : i32
    %convert_element_type3A_4 = arith.extui %eq3A_3 : i1 to i32
    %cond3A_5 = arith.constant 0 : i32
    %cond3A_6 = arith.cmpi ne, %convert_element_type3A_4, %cond3A_5 : i32
    scf.if %cond3A_6 {
      "tpu.region"() ({
        %run_scoped3A = tpu.sem_alloc : memref<!tpu.dma_semaphore, #tpu.memory_space<semaphore_mem>>
        %dma_start3A_66 = arith.constant 0 : i32
        %dma_start3A_67 = arith.constant 0 : i32
        %dma_start3A_68 = tpu.memref_slice %arg6[%arg1, %dma_start3A_66, %dma_start3A_67] : memref<16x158x128xi32, #tpu.memory_space<hbm>> -> memref<1x158x128xi32, #tpu.memory_space<hbm>>
        %dma_start3A_69 = tpu.memref_squeeze %dma_start3A_68 : memref<1x158x128xi32, #tpu.memory_space<hbm>> -> memref<158x128xi32, #tpu.memory_space<hbm>>
        %dma_start3A_70 = arith.constant 0 : i32
        %dma_start3A_71 = arith.constant 0 : i32
        %dma_start3A_72 = tpu.memref_slice %arg6[%arg1, %dma_start3A_70, %dma_start3A_71] : memref<16x158x128xi32, #tpu.memory_space<hbm>> -> memref<1x158x128xi32, #tpu.memory_space<hbm>>
        %dma_start3A_73 = tpu.memref_squeeze %dma_start3A_72 : memref<1x158x128xi32, #tpu.memory_space<hbm>> -> memref<158x128xi32, #tpu.memory_space<hbm>>
        tpu.enqueue_dma source(%dma_start3A_73 : memref<158x128xi32, #tpu.memory_space<hbm>>) target(%arg11 : memref<158x128xi32, #tpu.memory_space<vmem>>) target_semaphore(%run_scoped3A : memref<!tpu.dma_semaphore, #tpu.memory_space<semaphore_mem>>)
        %dma_wait3A_74 = arith.constant 0 : i32
        %dma_wait3A_75 = arith.constant 0 : i32
        %dma_wait3A_76 = tpu.memref_slice %arg6[%arg1, %dma_wait3A_74, %dma_wait3A_75] : memref<16x158x128xi32, #tpu.memory_space<hbm>> -> memref<1x158x128xi32, #tpu.memory_space<hbm>>
        %dma_wait3A_77 = tpu.memref_squeeze %dma_wait3A_76 : memref<1x158x128xi32, #tpu.memory_space<hbm>> -> memref<158x128xi32, #tpu.memory_space<hbm>>
        %dma_wait3A_78 = arith.constant 0 : i32
        %dma_wait3A_79 = arith.constant 0 : i32
        %dma_wait3A_80 = tpu.memref_slice %arg6[%arg1, %dma_wait3A_78, %dma_wait3A_79] : memref<16x158x128xi32, #tpu.memory_space<hbm>> -> memref<1x158x128xi32, #tpu.memory_space<hbm>>
        %dma_wait3A_81 = tpu.memref_squeeze %dma_wait3A_80 : memref<1x158x128xi32, #tpu.memory_space<hbm>> -> memref<158x128xi32, #tpu.memory_space<hbm>>
        tpu.wait_dma2 semaphore(%run_scoped3A : memref<!tpu.dma_semaphore, #tpu.memory_space<semaphore_mem>>) src(%dma_wait3A_81 : memref<158x128xi32, #tpu.memory_space<hbm>>) dst(%arg11 : memref<158x128xi32, #tpu.memory_space<vmem>>)
        tpu.yield
      }) : () -> ()
      "tpu.region"() ({
        %run_scoped3A = tpu.sem_alloc : memref<!tpu.dma_semaphore, #tpu.memory_space<semaphore_mem>>
        %dma_start3A_66 = arith.constant 0 : i32
        %dma_start3A_67 = arith.constant 0 : i32
        %dma_start3A_68 = tpu.memref_slice %arg7[%arg1, %dma_start3A_66, %dma_start3A_67] : memref<16x158x128xi32, #tpu.memory_space<hbm>> -> memref<1x158x128xi32, #tpu.memory_space<hbm>>
        %dma_start3A_69 = tpu.memref_squeeze %dma_start3A_68 : memref<1x158x128xi32, #tpu.memory_space<hbm>> -> memref<158x128xi32, #tpu.memory_space<hbm>>
        %dma_start3A_70 = arith.constant 0 : i32
        %dma_start3A_71 = arith.constant 0 : i32
        %dma_start3A_72 = tpu.memref_slice %arg7[%arg1, %dma_start3A_70, %dma_start3A_71] : memref<16x158x128xi32, #tpu.memory_space<hbm>> -> memref<1x158x128xi32, #tpu.memory_space<hbm>>
        %dma_start3A_73 = tpu.memref_squeeze %dma_start3A_72 : memref<1x158x128xi32, #tpu.memory_space<hbm>> -> memref<158x128xi32, #tpu.memory_space<hbm>>
        tpu.enqueue_dma source(%dma_start3A_73 : memref<158x128xi32, #tpu.memory_space<hbm>>) target(%arg12 : memref<158x128xi32, #tpu.memory_space<vmem>>) target_semaphore(%run_scoped3A : memref<!tpu.dma_semaphore, #tpu.memory_space<semaphore_mem>>)
        %dma_wait3A_74 = arith.constant 0 : i32
        %dma_wait3A_75 = arith.constant 0 : i32
        %dma_wait3A_76 = tpu.memref_slice %arg7[%arg1, %dma_wait3A_74, %dma_wait3A_75] : memref<16x158x128xi32, #tpu.memory_space<hbm>> -> memref<1x158x128xi32, #tpu.memory_space<hbm>>
        %dma_wait3A_77 = tpu.memref_squeeze %dma_wait3A_76 : memref<1x158x128xi32, #tpu.memory_space<hbm>> -> memref<158x128xi32, #tpu.memory_space<hbm>>
        %dma_wait3A_78 = arith.constant 0 : i32
        %dma_wait3A_79 = arith.constant 0 : i32
        %dma_wait3A_80 = tpu.memref_slice %arg7[%arg1, %dma_wait3A_78, %dma_wait3A_79] : memref<16x158x128xi32, #tpu.memory_space<hbm>> -> memref<1x158x128xi32, #tpu.memory_space<hbm>>
        %dma_wait3A_81 = tpu.memref_squeeze %dma_wait3A_80 : memref<1x158x128xi32, #tpu.memory_space<hbm>> -> memref<158x128xi32, #tpu.memory_space<hbm>>
        tpu.wait_dma2 semaphore(%run_scoped3A : memref<!tpu.dma_semaphore, #tpu.memory_space<semaphore_mem>>) src(%dma_wait3A_81 : memref<158x128xi32, #tpu.memory_space<hbm>>) dst(%arg12 : memref<158x128xi32, #tpu.memory_space<vmem>>)
        tpu.yield
      }) : () -> ()
      "tpu.region"() ({
        %run_scoped3A = tpu.sem_alloc : memref<!tpu.dma_semaphore, #tpu.memory_space<semaphore_mem>>
        %dma_start3A_66 = arith.constant 0 : i32
        %dma_start3A_67 = arith.constant 0 : i32
        %dma_start3A_68 = tpu.memref_slice %arg8[%arg1, %dma_start3A_66, %dma_start3A_67] : memref<16x158x128xf32, #tpu.memory_space<hbm>> -> memref<1x158x128xf32, #tpu.memory_space<hbm>>
        %dma_start3A_69 = tpu.memref_squeeze %dma_start3A_68 : memref<1x158x128xf32, #tpu.memory_space<hbm>> -> memref<158x128xf32, #tpu.memory_space<hbm>>
        %dma_start3A_70 = arith.constant 0 : i32
        %dma_start3A_71 = arith.constant 0 : i32
        %dma_start3A_72 = tpu.memref_slice %arg8[%arg1, %dma_start3A_70, %dma_start3A_71] : memref<16x158x128xf32, #tpu.memory_space<hbm>> -> memref<1x158x128xf32, #tpu.memory_space<hbm>>
        %dma_start3A_73 = tpu.memref_squeeze %dma_start3A_72 : memref<1x158x128xf32, #tpu.memory_space<hbm>> -> memref<158x128xf32, #tpu.memory_space<hbm>>
        tpu.enqueue_dma source(%dma_start3A_73 : memref<158x128xf32, #tpu.memory_space<hbm>>) target(%arg13 : memref<158x128xf32, #tpu.memory_space<vmem>>) target_semaphore(%run_scoped3A : memref<!tpu.dma_semaphore, #tpu.memory_space<semaphore_mem>>)
        %dma_wait3A_74 = arith.constant 0 : i32
        %dma_wait3A_75 = arith.constant 0 : i32
        %dma_wait3A_76 = tpu.memref_slice %arg8[%arg1, %dma_wait3A_74, %dma_wait3A_75] : memref<16x158x128xf32, #tpu.memory_space<hbm>> -> memref<1x158x128xf32, #tpu.memory_space<hbm>>
        %dma_wait3A_77 = tpu.memref_squeeze %dma_wait3A_76 : memref<1x158x128xf32, #tpu.memory_space<hbm>> -> memref<158x128xf32, #tpu.memory_space<hbm>>
        %dma_wait3A_78 = arith.constant 0 : i32
        %dma_wait3A_79 = arith.constant 0 : i32
        %dma_wait3A_80 = tpu.memref_slice %arg8[%arg1, %dma_wait3A_78, %dma_wait3A_79] : memref<16x158x128xf32, #tpu.memory_space<hbm>> -> memref<1x158x128xf32, #tpu.memory_space<hbm>>
        %dma_wait3A_81 = tpu.memref_squeeze %dma_wait3A_80 : memref<1x158x128xf32, #tpu.memory_space<hbm>> -> memref<158x128xf32, #tpu.memory_space<hbm>>
        tpu.wait_dma2 semaphore(%run_scoped3A : memref<!tpu.dma_semaphore, #tpu.memory_space<semaphore_mem>>) src(%dma_wait3A_81 : memref<158x128xf32, #tpu.memory_space<hbm>>) dst(%arg13 : memref<158x128xf32, #tpu.memory_space<vmem>>)
        tpu.yield
      }) : () -> ()
    } else {
    }
    %broadcast_in_dim3A = arith.constant 0.000000e+00 : f32
    %broadcast_in_dim3A_7 = vector.broadcast %broadcast_in_dim3A : f32 to vector<16xf32>
    %scan3A = arith.constant 0 : i32
    %scan3A_8 = arith.constant 0 : i32
    %scan3A_9 = arith.constant 128 : i32
    %scan3A_10 = arith.addi %scan3A_8, %scan3A_9 : i32
    %scan3A_11 = arith.constant 1 : i32
    scf.for %scan3A_66 = %scan3A_8 to %scan3A_10 step %scan3A_11  : i32 {
      %swap3A = arith.index_cast %scan3A_66 : i32 to index
      %swap3A_67 = arith.constant 0 : index
      %swap3A_68 = tpu.vector_load %arg14[%swap3A, %swap3A_67] {strides = array<i32>} : memref<128x64xf32, #tpu.memory_space<vmem>>, vector<16xf32>,
      tpu.vector_store %arg14[%swap3A, %swap3A_67], %broadcast_in_dim3A_7 {strides = array<i32>} : memref<128x64xf32, #tpu.memory_space<vmem>>, vector<16xf32>,
      %swap3A_69 = arith.index_cast %scan3A_66 : i32 to index
      %swap3A_70 = arith.constant 16 : index
      %swap3A_71 = tpu.vector_load %arg14[%swap3A_69, %swap3A_70] {strides = array<i32>} : memref<128x64xf32, #tpu.memory_space<vmem>>, vector<16xf32>,
      tpu.vector_store %arg14[%swap3A_69, %swap3A_70], %broadcast_in_dim3A_7 {strides = array<i32>} : memref<128x64xf32, #tpu.memory_space<vmem>>, vector<16xf32>,
      %swap3A_72 = arith.index_cast %scan3A_66 : i32 to index
      %swap3A_73 = arith.constant 32 : index
      %swap3A_74 = tpu.vector_load %arg14[%swap3A_72, %swap3A_73] {strides = array<i32>} : memref<128x64xf32, #tpu.memory_space<vmem>>, vector<16xf32>,
      tpu.vector_store %arg14[%swap3A_72, %swap3A_73], %broadcast_in_dim3A_7 {strides = array<i32>} : memref<128x64xf32, #tpu.memory_space<vmem>>, vector<16xf32>,
      %swap3A_75 = arith.index_cast %scan3A_66 : i32 to index
      %swap3A_76 = arith.constant 48 : index
      %swap3A_77 = tpu.vector_load %arg14[%swap3A_75, %swap3A_76] {strides = array<i32>} : memref<128x64xf32, #tpu.memory_space<vmem>>, vector<16xf32>,
      tpu.vector_store %arg14[%swap3A_75, %swap3A_76], %broadcast_in_dim3A_7 {strides = array<i32>} : memref<128x64xf32, #tpu.memory_space<vmem>>, vector<16xf32>,
    }
    %scan3A_12 = arith.constant 128 : i32
    %mul3A = arith.constant 640 : i32
    %mul3A_13 = arith.muli %arg1, %mul3A : i32
    %add3A = arith.constant 0 : i32
    %add3A_14 = arith.addi %mul3A_13, %add3A : i32
    "tpu.region"() ({
      %run_scoped3A = tpu.sem_alloc : memref<!tpu.dma_semaphore, #tpu.memory_space<semaphore_mem>>
      %dma_start3A_66 = arith.constant 0 : i32
      %dma_start3A_67 = tpu.memref_slice %arg16[%add3A_14, %dma_start3A_66] : memref<10240x64xf32, #tpu.memory_space<vmem_shared>> -> memref<128x64xf32, #tpu.memory_space<vmem_shared>>
      %dma_start3A_68 = arith.constant 0 : i32
      %dma_start3A_69 = tpu.memref_slice %arg16[%add3A_14, %dma_start3A_68] : memref<10240x64xf32, #tpu.memory_space<vmem_shared>> -> memref<128x64xf32, #tpu.memory_space<vmem_shared>>
      tpu.enqueue_dma source(%arg14 : memref<128x64xf32, #tpu.memory_space<vmem>>) target(%dma_start3A_69 : memref<128x64xf32, #tpu.memory_space<vmem_shared>>) target_semaphore(%run_scoped3A : memref<!tpu.dma_semaphore, #tpu.memory_space<semaphore_mem>>)
      %dma_wait3A_70 = arith.constant 0 : i32
      %dma_wait3A_71 = tpu.memref_slice %arg16[%add3A_14, %dma_wait3A_70] : memref<10240x64xf32, #tpu.memory_space<vmem_shared>> -> memref<128x64xf32, #tpu.memory_space<vmem_shared>>
      %dma_wait3A_72 = arith.constant 0 : i32
      %dma_wait3A_73 = tpu.memref_slice %arg16[%add3A_14, %dma_wait3A_72] : memref<10240x64xf32, #tpu.memory_space<vmem_shared>> -> memref<128x64xf32, #tpu.memory_space<vmem_shared>>
      tpu.wait_dma2 semaphore(%run_scoped3A : memref<!tpu.dma_semaphore, #tpu.memory_space<semaphore_mem>>) src(%arg14 : memref<128x64xf32, #tpu.memory_space<vmem>>) dst(%dma_wait3A_73 : memref<128x64xf32, #tpu.memory_space<vmem_shared>>)
      tpu.yield
    }) : () -> ()
    %add3A_15 = arith.constant 128 : i32
    %add3A_16 = arith.addi %mul3A_13, %add3A_15 : i32
    "tpu.region"() ({
      %run_scoped3A = tpu.sem_alloc : memref<!tpu.dma_semaphore, #tpu.memory_space<semaphore_mem>>
      %dma_start3A_66 = arith.constant 0 : i32
      %dma_start3A_67 = tpu.memref_slice %arg16[%add3A_16, %dma_start3A_66] : memref<10240x64xf32, #tpu.memory_space<vmem_shared>> -> memref<128x64xf32, #tpu.memory_space<vmem_shared>>
      %dma_start3A_68 = arith.constant 0 : i32
      %dma_start3A_69 = tpu.memref_slice %arg16[%add3A_16, %dma_start3A_68] : memref<10240x64xf32, #tpu.memory_space<vmem_shared>> -> memref<128x64xf32, #tpu.memory_space<vmem_shared>>
      tpu.enqueue_dma source(%arg14 : memref<128x64xf32, #tpu.memory_space<vmem>>) target(%dma_start3A_69 : memref<128x64xf32, #tpu.memory_space<vmem_shared>>) target_semaphore(%run_scoped3A : memref<!tpu.dma_semaphore, #tpu.memory_space<semaphore_mem>>)
      %dma_wait3A_70 = arith.constant 0 : i32
      %dma_wait3A_71 = tpu.memref_slice %arg16[%add3A_16, %dma_wait3A_70] : memref<10240x64xf32, #tpu.memory_space<vmem_shared>> -> memref<128x64xf32, #tpu.memory_space<vmem_shared>>
      %dma_wait3A_72 = arith.constant 0 : i32
      %dma_wait3A_73 = tpu.memref_slice %arg16[%add3A_16, %dma_wait3A_72] : memref<10240x64xf32, #tpu.memory_space<vmem_shared>> -> memref<128x64xf32, #tpu.memory_space<vmem_shared>>
      tpu.wait_dma2 semaphore(%run_scoped3A : memref<!tpu.dma_semaphore, #tpu.memory_space<semaphore_mem>>) src(%arg14 : memref<128x64xf32, #tpu.memory_space<vmem>>) dst(%dma_wait3A_73 : memref<128x64xf32, #tpu.memory_space<vmem_shared>>)
      tpu.yield
    }) : () -> ()
    %add3A_17 = arith.constant 256 : i32
    %add3A_18 = arith.addi %mul3A_13, %add3A_17 : i32
    "tpu.region"() ({
      %run_scoped3A = tpu.sem_alloc : memref<!tpu.dma_semaphore, #tpu.memory_space<semaphore_mem>>
      %dma_start3A_66 = arith.constant 0 : i32
      %dma_start3A_67 = tpu.memref_slice %arg16[%add3A_18, %dma_start3A_66] : memref<10240x64xf32, #tpu.memory_space<vmem_shared>> -> memref<128x64xf32, #tpu.memory_space<vmem_shared>>
      %dma_start3A_68 = arith.constant 0 : i32
      %dma_start3A_69 = tpu.memref_slice %arg16[%add3A_18, %dma_start3A_68] : memref<10240x64xf32, #tpu.memory_space<vmem_shared>> -> memref<128x64xf32, #tpu.memory_space<vmem_shared>>
      tpu.enqueue_dma source(%arg14 : memref<128x64xf32, #tpu.memory_space<vmem>>) target(%dma_start3A_69 : memref<128x64xf32, #tpu.memory_space<vmem_shared>>) target_semaphore(%run_scoped3A : memref<!tpu.dma_semaphore, #tpu.memory_space<semaphore_mem>>)
      %dma_wait3A_70 = arith.constant 0 : i32
      %dma_wait3A_71 = tpu.memref_slice %arg16[%add3A_18, %dma_wait3A_70] : memref<10240x64xf32, #tpu.memory_space<vmem_shared>> -> memref<128x64xf32, #tpu.memory_space<vmem_shared>>
      %dma_wait3A_72 = arith.constant 0 : i32
      %dma_wait3A_73 = tpu.memref_slice %arg16[%add3A_18, %dma_wait3A_72] : memref<10240x64xf32, #tpu.memory_space<vmem_shared>> -> memref<128x64xf32, #tpu.memory_space<vmem_shared>>
      tpu.wait_dma2 semaphore(%run_scoped3A : memref<!tpu.dma_semaphore, #tpu.memory_space<semaphore_mem>>) src(%arg14 : memref<128x64xf32, #tpu.memory_space<vmem>>) dst(%dma_wait3A_73 : memref<128x64xf32, #tpu.memory_space<vmem_shared>>)
      tpu.yield
    }) : () -> ()
    %add3A_19 = arith.constant 384 : i32
    %add3A_20 = arith.addi %mul3A_13, %add3A_19 : i32
    "tpu.region"() ({
      %run_scoped3A = tpu.sem_alloc : memref<!tpu.dma_semaphore, #tpu.memory_space<semaphore_mem>>
      %dma_start3A_66 = arith.constant 0 : i32
      %dma_start3A_67 = tpu.memref_slice %arg16[%add3A_20, %dma_start3A_66] : memref<10240x64xf32, #tpu.memory_space<vmem_shared>> -> memref<128x64xf32, #tpu.memory_space<vmem_shared>>
      %dma_start3A_68 = arith.constant 0 : i32
      %dma_start3A_69 = tpu.memref_slice %arg16[%add3A_20, %dma_start3A_68] : memref<10240x64xf32, #tpu.memory_space<vmem_shared>> -> memref<128x64xf32, #tpu.memory_space<vmem_shared>>
      tpu.enqueue_dma source(%arg14 : memref<128x64xf32, #tpu.memory_space<vmem>>) target(%dma_start3A_69 : memref<128x64xf32, #tpu.memory_space<vmem_shared>>) target_semaphore(%run_scoped3A : memref<!tpu.dma_semaphore, #tpu.memory_space<semaphore_mem>>)
      %dma_wait3A_70 = arith.constant 0 : i32
      %dma_wait3A_71 = tpu.memref_slice %arg16[%add3A_20, %dma_wait3A_70] : memref<10240x64xf32, #tpu.memory_space<vmem_shared>> -> memref<128x64xf32, #tpu.memory_space<vmem_shared>>
      %dma_wait3A_72 = arith.constant 0 : i32
      %dma_wait3A_73 = tpu.memref_slice %arg16[%add3A_20, %dma_wait3A_72] : memref<10240x64xf32, #tpu.memory_space<vmem_shared>> -> memref<128x64xf32, #tpu.memory_space<vmem_shared>>
      tpu.wait_dma2 semaphore(%run_scoped3A : memref<!tpu.dma_semaphore, #tpu.memory_space<semaphore_mem>>) src(%arg14 : memref<128x64xf32, #tpu.memory_space<vmem>>) dst(%dma_wait3A_73 : memref<128x64xf32, #tpu.memory_space<vmem_shared>>)
      tpu.yield
    }) : () -> ()
    %add3A_21 = arith.constant 512 : i32
    %add3A_22 = arith.addi %mul3A_13, %add3A_21 : i32
    "tpu.region"() ({
      %run_scoped3A = tpu.sem_alloc : memref<!tpu.dma_semaphore, #tpu.memory_space<semaphore_mem>>
      %dma_start3A_66 = arith.constant 0 : i32
      %dma_start3A_67 = tpu.memref_slice %arg16[%add3A_22, %dma_start3A_66] : memref<10240x64xf32, #tpu.memory_space<vmem_shared>> -> memref<128x64xf32, #tpu.memory_space<vmem_shared>>
      %dma_start3A_68 = arith.constant 0 : i32
      %dma_start3A_69 = tpu.memref_slice %arg16[%add3A_22, %dma_start3A_68] : memref<10240x64xf32, #tpu.memory_space<vmem_shared>> -> memref<128x64xf32, #tpu.memory_space<vmem_shared>>
      tpu.enqueue_dma source(%arg14 : memref<128x64xf32, #tpu.memory_space<vmem>>) target(%dma_start3A_69 : memref<128x64xf32, #tpu.memory_space<vmem_shared>>) target_semaphore(%run_scoped3A : memref<!tpu.dma_semaphore, #tpu.memory_space<semaphore_mem>>)
      %dma_wait3A_70 = arith.constant 0 : i32
      %dma_wait3A_71 = tpu.memref_slice %arg16[%add3A_22, %dma_wait3A_70] : memref<10240x64xf32, #tpu.memory_space<vmem_shared>> -> memref<128x64xf32, #tpu.memory_space<vmem_shared>>
      %dma_wait3A_72 = arith.constant 0 : i32
      %dma_wait3A_73 = tpu.memref_slice %arg16[%add3A_22, %dma_wait3A_72] : memref<10240x64xf32, #tpu.memory_space<vmem_shared>> -> memref<128x64xf32, #tpu.memory_space<vmem_shared>>
      tpu.wait_dma2 semaphore(%run_scoped3A : memref<!tpu.dma_semaphore, #tpu.memory_space<semaphore_mem>>) src(%arg14 : memref<128x64xf32, #tpu.memory_space<vmem>>) dst(%dma_wait3A_73 : memref<128x64xf32, #tpu.memory_space<vmem_shared>>)
      tpu.yield
    }) : () -> ()
    %barrier3A = arith.constant 0 : index
    tpu.barrier barrier_id(%barrier3A)
    %dma_start3A = arith.constant 0 : i32
    %dma_start3A_23 = arith.constant 0 : i32
    %dma_start3A_24 = tpu.memref_slice %arg11[%dma_start3A, %dma_start3A_23] : memref<158x128xi32, #tpu.memory_space<vmem>> -> memref<1x128xi32, #tpu.memory_space<vmem>>
    %dma_start3A_25 = tpu.memref_squeeze %dma_start3A_24 : memref<1x128xi32, #tpu.memory_space<vmem>> -> memref<128xi32, #tpu.memory_space<vmem>>
    %dma_start3A_26 = arith.constant 0 : i32
    %dma_start3A_27 = arith.constant 0 : i32
    %dma_start3A_28 = tpu.memref_slice %arg2[%dma_start3A_26, %dma_start3A_27] : memref<10000x64xf32, #tpu.memory_space<hbm>> -> memref<10000x64xf32, #tpu.memory_space<hbm>>
    tpu.enqueue_indirect_dma source(%dma_start3A_28 : memref<10000x64xf32, #tpu.memory_space<hbm>>) target(%arg14 : memref<128x64xf32, #tpu.memory_space<vmem>>) offsets(%dma_start3A_25 : memref<128xi32, #tpu.memory_space<vmem>>) semaphore(%arg17 : memref<!tpu.dma_semaphore, #tpu.memory_space<semaphore_mem>>)
    %dma_start3A_29 = arith.constant 1 : i32
    %dma_start3A_30 = arith.constant 0 : i32
    %dma_start3A_31 = tpu.memref_slice %arg11[%dma_start3A_29, %dma_start3A_30] : memref<158x128xi32, #tpu.memory_space<vmem>> -> memref<1x128xi32, #tpu.memory_space<vmem>>
    %dma_start3A_32 = tpu.memref_squeeze %dma_start3A_31 : memref<1x128xi32, #tpu.memory_space<vmem>> -> memref<128xi32, #tpu.memory_space<vmem>>
    %dma_start3A_33 = arith.constant 0 : i32
    %dma_start3A_34 = arith.constant 0 : i32
    %dma_start3A_35 = tpu.memref_slice %arg2[%dma_start3A_33, %dma_start3A_34] : memref<10000x64xf32, #tpu.memory_space<hbm>> -> memref<10000x64xf32, #tpu.memory_space<hbm>>
    tpu.enqueue_indirect_dma source(%dma_start3A_35 : memref<10000x64xf32, #tpu.memory_space<hbm>>) target(%arg15 : memref<128x64xf32, #tpu.memory_space<vmem>>) offsets(%dma_start3A_32 : memref<128xi32, #tpu.memory_space<vmem>>) semaphore(%arg18 : memref<!tpu.dma_semaphore, #tpu.memory_space<semaphore_mem>>)
    %scan3A_36 = arith.constant 0 : i32
    %scan3A_37 = arith.constant 0 : i32
    %scan3A_38 = arith.constant 79 : i32
    %scan3A_39 = arith.addi %scan3A_37, %scan3A_38 : i32
    %scan3A_40 = arith.constant 1 : i32
    scf.for %scan3A_66 = %scan3A_37 to %scan3A_39 step %scan3A_40  : i32 {
      %mul3A_67 = arith.constant 2 : i32
      %mul3A_68 = arith.muli %scan3A_66, %mul3A_67 : i32
      %add3A_69 = arith.constant 0 : i32
      %add3A_70 = arith.addi %mul3A_68, %add3A_69 : i32
      %dma_wait3A_71 = arith.constant 0 : i32
      %dma_wait3A_72 = tpu.memref_slice %arg11[%add3A_70, %dma_wait3A_71] : memref<158x128xi32, #tpu.memory_space<vmem>> -> memref<1x128xi32, #tpu.memory_space<vmem>>
      %dma_wait3A_73 = tpu.memref_squeeze %dma_wait3A_72 : memref<1x128xi32, #tpu.memory_space<vmem>> -> memref<128xi32, #tpu.memory_space<vmem>>
      %dma_wait3A_74 = arith.constant 0 : i32
      %dma_wait3A_75 = arith.constant 0 : i32
      %dma_wait3A_76 = tpu.memref_slice %arg2[%dma_wait3A_74, %dma_wait3A_75] : memref<10000x64xf32, #tpu.memory_space<hbm>> -> memref<10000x64xf32, #tpu.memory_space<hbm>>
      tpu.wait_indirect_dma semaphore(%arg17 : memref<!tpu.dma_semaphore, #tpu.memory_space<semaphore_mem>>) src(%dma_wait3A_76 : memref<10000x64xf32, #tpu.memory_space<hbm>>) dst(%arg14 : memref<128x64xf32, #tpu.memory_space<vmem>>)
      %scan3A_77 = arith.constant 0 : i32
      %scan3A_78 = arith.constant 0 : i32
      %scan3A_79 = arith.constant 8 : i32
      %scan3A_80 = arith.addi %scan3A_78, %scan3A_79 : i32
      %scan3A_81 = arith.constant 1 : i32
      scf.for %scan3A_122 = %scan3A_78 to %scan3A_80 step %scan3A_81  : i32 {
        %mul3A_123 = arith.constant 16 : i32
        %mul3A_124 = arith.muli %scan3A_122, %mul3A_123 : i32
        %get3A = arith.index_cast %add3A_70 : i32 to index
        %get3A_125 = arith.index_cast %mul3A_124 : i32 to index
        %get3A_126 = tpu.vector_load %arg13[%get3A, %get3A_125] {strides = array<i32>} : memref<158x128xf32, #tpu.memory_space<vmem>>, vector<16xf32>,
        %parallel_loop3A = arith.constant 0 : i32
        %parallel_loop3A_127 = arith.constant 16 : i32
        %parallel_loop3A_128 = arith.constant 1 : i32
        scf.for %parallel_loop3A_129 = %parallel_loop3A to %parallel_loop3A_127 step %parallel_loop3A_128  : i32 {
          %parallel_loop3A_130 = arith.constant 16 : i32
          %parallel_loop3A_131 = arith.muli %scan3A_122, %parallel_loop3A_130 : i32
          %parallel_loop3A_132 = arith.addi %parallel_loop3A_131, %parallel_loop3A_129 : i32
          %parallel_loop3A_133 = vector.broadcast %parallel_loop3A_129 : i32 to vector<16xi32>
          %parallel_loop3A_134 = arith.constant 0 : i32
          %parallel_loop3A_135 = vector.broadcast %parallel_loop3A_134 : i32 to vector<16xi32>
          %parallel_loop3A_136 = arith.cmpi slt, %parallel_loop3A_133, %parallel_loop3A_135 : vector<16xi32>
          %parallel_loop3A_137 = arith.constant 16 : i32
          %parallel_loop3A_138 = vector.broadcast %parallel_loop3A_137 : i32 to vector<16xi32>
          %parallel_loop3A_139 = arith.addi %parallel_loop3A_133, %parallel_loop3A_138 : vector<16xi32>
          %parallel_loop3A_140 = arith.select %parallel_loop3A_136, %parallel_loop3A_139, %parallel_loop3A_133 : vector<16xi1>, vector<16xi32>
          %parallel_loop3A_141 = vector.shape_cast %parallel_loop3A_140 : vector<16xi32> to vector<16x1xi32>
          %parallel_loop3A_142 = vector.shape_cast %parallel_loop3A_141 : vector<16x1xi32> to vector<16xi32>
          %parallel_loop3A_143 = tpu.dynamic_gather %get3A_126[%parallel_loop3A_142] in [0] : vector<16xf32>, vector<16xi32> -> vector<16xf32>
          %parallel_loop3A_144 = arith.index_cast %parallel_loop3A_132 : i32 to index
          %parallel_loop3A_145 = arith.constant 0 : index
          %parallel_loop3A_146 = tpu.vector_load %arg14[%parallel_loop3A_144, %parallel_loop3A_145] {strides = array<i32>} : memref<128x64xf32, #tpu.memory_space<vmem>>, vector<16xf32>,
          %parallel_loop3A_147 = arith.mulf %parallel_loop3A_146, %parallel_loop3A_143 : vector<16xf32>
          %parallel_loop3A_148 = arith.index_cast %parallel_loop3A_132 : i32 to index
          %parallel_loop3A_149 = arith.constant 0 : index
          %parallel_loop3A_150 = tpu.vector_load %arg14[%parallel_loop3A_148, %parallel_loop3A_149] {strides = array<i32>} : memref<128x64xf32, #tpu.memory_space<vmem>>, vector<16xf32>,
          tpu.vector_store %arg14[%parallel_loop3A_148, %parallel_loop3A_149], %parallel_loop3A_147 {strides = array<i32>} : memref<128x64xf32, #tpu.memory_space<vmem>>, vector<16xf32>,
          %parallel_loop3A_151 = arith.index_cast %parallel_loop3A_132 : i32 to index
          %parallel_loop3A_152 = arith.constant 16 : index
          %parallel_loop3A_153 = tpu.vector_load %arg14[%parallel_loop3A_151, %parallel_loop3A_152] {strides = array<i32>} : memref<128x64xf32, #tpu.memory_space<vmem>>, vector<16xf32>,
          %parallel_loop3A_154 = arith.mulf %parallel_loop3A_153, %parallel_loop3A_143 : vector<16xf32>
          %parallel_loop3A_155 = arith.index_cast %parallel_loop3A_132 : i32 to index
          %parallel_loop3A_156 = arith.constant 16 : index
          %parallel_loop3A_157 = tpu.vector_load %arg14[%parallel_loop3A_155, %parallel_loop3A_156] {strides = array<i32>} : memref<128x64xf32, #tpu.memory_space<vmem>>, vector<16xf32>,
          tpu.vector_store %arg14[%parallel_loop3A_155, %parallel_loop3A_156], %parallel_loop3A_154 {strides = array<i32>} : memref<128x64xf32, #tpu.memory_space<vmem>>, vector<16xf32>,
          %parallel_loop3A_158 = arith.index_cast %parallel_loop3A_132 : i32 to index
          %parallel_loop3A_159 = arith.constant 32 : index
          %parallel_loop3A_160 = tpu.vector_load %arg14[%parallel_loop3A_158, %parallel_loop3A_159] {strides = array<i32>} : memref<128x64xf32, #tpu.memory_space<vmem>>, vector<16xf32>,
          %parallel_loop3A_161 = arith.mulf %parallel_loop3A_160, %parallel_loop3A_143 : vector<16xf32>
          %parallel_loop3A_162 = arith.index_cast %parallel_loop3A_132 : i32 to index
          %parallel_loop3A_163 = arith.constant 32 : index
          %parallel_loop3A_164 = tpu.vector_load %arg14[%parallel_loop3A_162, %parallel_loop3A_163] {strides = array<i32>} : memref<128x64xf32, #tpu.memory_space<vmem>>, vector<16xf32>,
          tpu.vector_store %arg14[%parallel_loop3A_162, %parallel_loop3A_163], %parallel_loop3A_161 {strides = array<i32>} : memref<128x64xf32, #tpu.memory_space<vmem>>, vector<16xf32>,
          %parallel_loop3A_165 = arith.index_cast %parallel_loop3A_132 : i32 to index
          %parallel_loop3A_166 = arith.constant 48 : index
          %parallel_loop3A_167 = tpu.vector_load %arg14[%parallel_loop3A_165, %parallel_loop3A_166] {strides = array<i32>} : memref<128x64xf32, #tpu.memory_space<vmem>>, vector<16xf32>,
          %parallel_loop3A_168 = arith.mulf %parallel_loop3A_167, %parallel_loop3A_143 : vector<16xf32>
          %parallel_loop3A_169 = arith.index_cast %parallel_loop3A_132 : i32 to index
          %parallel_loop3A_170 = arith.constant 48 : index
          %parallel_loop3A_171 = tpu.vector_load %arg14[%parallel_loop3A_169, %parallel_loop3A_170] {strides = array<i32>} : memref<128x64xf32, #tpu.memory_space<vmem>>, vector<16xf32>,
          tpu.vector_store %arg14[%parallel_loop3A_169, %parallel_loop3A_170], %parallel_loop3A_168 {strides = array<i32>} : memref<128x64xf32, #tpu.memory_space<vmem>>, vector<16xf32>,
        } {sc.loop_unroll_factor = 4 : i64, sc.parallel_access}
      }
      %scan3A_82 = arith.constant 8 : i32
      "tpu.region"() ({
        %run_scoped3A = tpu.sem_alloc : memref<!tpu.dma_semaphore, #tpu.memory_space<semaphore_mem>>
        %dma_start3A_122 = arith.constant 0 : i32
        %dma_start3A_123 = tpu.memref_slice %arg12[%add3A_70, %dma_start3A_122] : memref<158x128xi32, #tpu.memory_space<vmem>> -> memref<1x128xi32, #tpu.memory_space<vmem>>
        %dma_start3A_124 = tpu.memref_squeeze %dma_start3A_123 : memref<1x128xi32, #tpu.memory_space<vmem>> -> memref<128xi32, #tpu.memory_space<vmem>>
        %dma_start3A_125 = arith.constant 0 : i32
        %dma_start3A_126 = arith.constant 0 : i32
        %dma_start3A_127 = tpu.memref_slice %arg16[%dma_start3A_125, %dma_start3A_126] : memref<10240x64xf32, #tpu.memory_space<vmem_shared>> -> memref<10240x64xf32, #tpu.memory_space<vmem_shared>>
        tpu.enqueue_indirect_dma source(%arg14 : memref<128x64xf32, #tpu.memory_space<vmem>>) target(%dma_start3A_127 : memref<10240x64xf32, #tpu.memory_space<vmem_shared>>) offsets(%dma_start3A_124 : memref<128xi32, #tpu.memory_space<vmem>>) semaphore(%run_scoped3A : memref<!tpu.dma_semaphore, #tpu.memory_space<semaphore_mem>>) {add = true}
        %dma_wait3A_128 = arith.constant 0 : i32
        %dma_wait3A_129 = tpu.memref_slice %arg12[%add3A_70, %dma_wait3A_128] : memref<158x128xi32, #tpu.memory_space<vmem>> -> memref<1x128xi32, #tpu.memory_space<vmem>>
        %dma_wait3A_130 = tpu.memref_squeeze %dma_wait3A_129 : memref<1x128xi32, #tpu.memory_space<vmem>> -> memref<128xi32, #tpu.memory_space<vmem>>
        %dma_wait3A_131 = arith.constant 0 : i32
        %dma_wait3A_132 = arith.constant 0 : i32
        %dma_wait3A_133 = tpu.memref_slice %arg16[%dma_wait3A_131, %dma_wait3A_132] : memref<10240x64xf32, #tpu.memory_space<vmem_shared>> -> memref<10240x64xf32, #tpu.memory_space<vmem_shared>>
        tpu.wait_indirect_dma semaphore(%run_scoped3A : memref<!tpu.dma_semaphore, #tpu.memory_space<semaphore_mem>>) src(%arg14 : memref<128x64xf32, #tpu.memory_space<vmem>>) dst(%dma_wait3A_133 : memref<10240x64xf32, #tpu.memory_space<vmem_shared>>)
        tpu.yield
      }) : () -> ()
      %add3A_83 = arith.constant 2 : i32
      %add3A_84 = arith.addi %add3A_70, %add3A_83 : i32
      %lt3A = arith.constant 158 : i32
      %lt3A_85 = arith.cmpi slt, %add3A_84, %lt3A : i32
      %add3A_86 = arith.constant 2 : i32
      %add3A_87 = arith.addi %add3A_70, %add3A_86 : i32
      %jit3A = arith.constant 0 : i32
      %select_n3A = arith.select %lt3A_85, %add3A_87, %jit3A : i32
      %dma_start3A_88 = arith.constant 0 : i32
      %dma_start3A_89 = tpu.memref_slice %arg11[%select_n3A, %dma_start3A_88] : memref<158x128xi32, #tpu.memory_space<vmem>> -> memref<1x128xi32, #tpu.memory_space<vmem>>
      %dma_start3A_90 = tpu.memref_squeeze %dma_start3A_89 : memref<1x128xi32, #tpu.memory_space<vmem>> -> memref<128xi32, #tpu.memory_space<vmem>>
      %dma_start3A_91 = arith.constant 0 : i32
      %dma_start3A_92 = arith.constant 0 : i32
      %dma_start3A_93 = tpu.memref_slice %arg2[%dma_start3A_91, %dma_start3A_92] : memref<10000x64xf32, #tpu.memory_space<hbm>> -> memref<10000x64xf32, #tpu.memory_space<hbm>>
      tpu.enqueue_indirect_dma source(%dma_start3A_93 : memref<10000x64xf32, #tpu.memory_space<hbm>>) target(%arg14 : memref<128x64xf32, #tpu.memory_space<vmem>>) offsets(%dma_start3A_90 : memref<128xi32, #tpu.memory_space<vmem>>) semaphore(%arg17 : memref<!tpu.dma_semaphore, #tpu.memory_space<semaphore_mem>>)
      %add3A_94 = arith.constant 1 : i32
      %add3A_95 = arith.addi %mul3A_68, %add3A_94 : i32
      %dma_wait3A_96 = arith.constant 0 : i32
      %dma_wait3A_97 = tpu.memref_slice %arg11[%add3A_95, %dma_wait3A_96] : memref<158x128xi32, #tpu.memory_space<vmem>> -> memref<1x128xi32, #tpu.memory_space<vmem>>
      %dma_wait3A_98 = tpu.memref_squeeze %dma_wait3A_97 : memref<1x128xi32, #tpu.memory_space<vmem>> -> memref<128xi32, #tpu.memory_space<vmem>>
      %dma_wait3A_99 = arith.constant 0 : i32
      %dma_wait3A_100 = arith.constant 0 : i32
      %dma_wait3A_101 = tpu.memref_slice %arg2[%dma_wait3A_99, %dma_wait3A_100] : memref<10000x64xf32, #tpu.memory_space<hbm>> -> memref<10000x64xf32, #tpu.memory_space<hbm>>
      tpu.wait_indirect_dma semaphore(%arg18 : memref<!tpu.dma_semaphore, #tpu.memory_space<semaphore_mem>>) src(%dma_wait3A_101 : memref<10000x64xf32, #tpu.memory_space<hbm>>) dst(%arg15 : memref<128x64xf32, #tpu.memory_space<vmem>>)
      %scan3A_102 = arith.constant 0 : i32
      %scan3A_103 = arith.constant 0 : i32
      %scan3A_104 = arith.constant 8 : i32
      %scan3A_105 = arith.addi %scan3A_103, %scan3A_104 : i32
      %scan3A_106 = arith.constant 1 : i32
      scf.for %scan3A_122 = %scan3A_103 to %scan3A_105 step %scan3A_106  : i32 {
        %mul3A_123 = arith.constant 16 : i32
        %mul3A_124 = arith.muli %scan3A_122, %mul3A_123 : i32
        %get3A = arith.index_cast %add3A_95 : i32 to index
        %get3A_125 = arith.index_cast %mul3A_124 : i32 to index
        %get3A_126 = tpu.vector_load %arg13[%get3A, %get3A_125] {strides = array<i32>} : memref<158x128xf32, #tpu.memory_space<vmem>>, vector<16xf32>,
        %parallel_loop3A = arith.constant 0 : i32
        %parallel_loop3A_127 = arith.constant 16 : i32
        %parallel_loop3A_128 = arith.constant 1 : i32
        scf.for %parallel_loop3A_129 = %parallel_loop3A to %parallel_loop3A_127 step %parallel_loop3A_128  : i32 {
          %parallel_loop3A_130 = arith.constant 16 : i32
          %parallel_loop3A_131 = arith.muli %scan3A_122, %parallel_loop3A_130 : i32
          %parallel_loop3A_132 = arith.addi %parallel_loop3A_131, %parallel_loop3A_129 : i32
          %parallel_loop3A_133 = vector.broadcast %parallel_loop3A_129 : i32 to vector<16xi32>
          %parallel_loop3A_134 = arith.constant 0 : i32
          %parallel_loop3A_135 = vector.broadcast %parallel_loop3A_134 : i32 to vector<16xi32>
          %parallel_loop3A_136 = arith.cmpi slt, %parallel_loop3A_133, %parallel_loop3A_135 : vector<16xi32>
          %parallel_loop3A_137 = arith.constant 16 : i32
          %parallel_loop3A_138 = vector.broadcast %parallel_loop3A_137 : i32 to vector<16xi32>
          %parallel_loop3A_139 = arith.addi %parallel_loop3A_133, %parallel_loop3A_138 : vector<16xi32>
          %parallel_loop3A_140 = arith.select %parallel_loop3A_136, %parallel_loop3A_139, %parallel_loop3A_133 : vector<16xi1>, vector<16xi32>
          %parallel_loop3A_141 = vector.shape_cast %parallel_loop3A_140 : vector<16xi32> to vector<16x1xi32>
          %parallel_loop3A_142 = vector.shape_cast %parallel_loop3A_141 : vector<16x1xi32> to vector<16xi32>
          %parallel_loop3A_143 = tpu.dynamic_gather %get3A_126[%parallel_loop3A_142] in [0] : vector<16xf32>, vector<16xi32> -> vector<16xf32>
          %parallel_loop3A_144 = arith.index_cast %parallel_loop3A_132 : i32 to index
          %parallel_loop3A_145 = arith.constant 0 : index
          %parallel_loop3A_146 = tpu.vector_load %arg15[%parallel_loop3A_144, %parallel_loop3A_145] {strides = array<i32>} : memref<128x64xf32, #tpu.memory_space<vmem>>, vector<16xf32>,
          %parallel_loop3A_147 = arith.mulf %parallel_loop3A_146, %parallel_loop3A_143 : vector<16xf32>
          %parallel_loop3A_148 = arith.index_cast %parallel_loop3A_132 : i32 to index
          %parallel_loop3A_149 = arith.constant 0 : index
          %parallel_loop3A_150 = tpu.vector_load %arg15[%parallel_loop3A_148, %parallel_loop3A_149] {strides = array<i32>} : memref<128x64xf32, #tpu.memory_space<vmem>>, vector<16xf32>,
          tpu.vector_store %arg15[%parallel_loop3A_148, %parallel_loop3A_149], %parallel_loop3A_147 {strides = array<i32>} : memref<128x64xf32, #tpu.memory_space<vmem>>, vector<16xf32>,
          %parallel_loop3A_151 = arith.index_cast %parallel_loop3A_132 : i32 to index
          %parallel_loop3A_152 = arith.constant 16 : index
          %parallel_loop3A_153 = tpu.vector_load %arg15[%parallel_loop3A_151, %parallel_loop3A_152] {strides = array<i32>} : memref<128x64xf32, #tpu.memory_space<vmem>>, vector<16xf32>,
          %parallel_loop3A_154 = arith.mulf %parallel_loop3A_153, %parallel_loop3A_143 : vector<16xf32>
          %parallel_loop3A_155 = arith.index_cast %parallel_loop3A_132 : i32 to index
          %parallel_loop3A_156 = arith.constant 16 : index
          %parallel_loop3A_157 = tpu.vector_load %arg15[%parallel_loop3A_155, %parallel_loop3A_156] {strides = array<i32>} : memref<128x64xf32, #tpu.memory_space<vmem>>, vector<16xf32>,
          tpu.vector_store %arg15[%parallel_loop3A_155, %parallel_loop3A_156], %parallel_loop3A_154 {strides = array<i32>} : memref<128x64xf32, #tpu.memory_space<vmem>>, vector<16xf32>,
          %parallel_loop3A_158 = arith.index_cast %parallel_loop3A_132 : i32 to index
          %parallel_loop3A_159 = arith.constant 32 : index
          %parallel_loop3A_160 = tpu.vector_load %arg15[%parallel_loop3A_158, %parallel_loop3A_159] {strides = array<i32>} : memref<128x64xf32, #tpu.memory_space<vmem>>, vector<16xf32>,
          %parallel_loop3A_161 = arith.mulf %parallel_loop3A_160, %parallel_loop3A_143 : vector<16xf32>
          %parallel_loop3A_162 = arith.index_cast %parallel_loop3A_132 : i32 to index
          %parallel_loop3A_163 = arith.constant 32 : index
          %parallel_loop3A_164 = tpu.vector_load %arg15[%parallel_loop3A_162, %parallel_loop3A_163] {strides = array<i32>} : memref<128x64xf32, #tpu.memory_space<vmem>>, vector<16xf32>,
          tpu.vector_store %arg15[%parallel_loop3A_162, %parallel_loop3A_163], %parallel_loop3A_161 {strides = array<i32>} : memref<128x64xf32, #tpu.memory_space<vmem>>, vector<16xf32>,
          %parallel_loop3A_165 = arith.index_cast %parallel_loop3A_132 : i32 to index
          %parallel_loop3A_166 = arith.constant 48 : index
          %parallel_loop3A_167 = tpu.vector_load %arg15[%parallel_loop3A_165, %parallel_loop3A_166] {strides = array<i32>} : memref<128x64xf32, #tpu.memory_space<vmem>>, vector<16xf32>,
          %parallel_loop3A_168 = arith.mulf %parallel_loop3A_167, %parallel_loop3A_143 : vector<16xf32>
          %parallel_loop3A_169 = arith.index_cast %parallel_loop3A_132 : i32 to index
          %parallel_loop3A_170 = arith.constant 48 : index
          %parallel_loop3A_171 = tpu.vector_load %arg15[%parallel_loop3A_169, %parallel_loop3A_170] {strides = array<i32>} : memref<128x64xf32, #tpu.memory_space<vmem>>, vector<16xf32>,
          tpu.vector_store %arg15[%parallel_loop3A_169, %parallel_loop3A_170], %parallel_loop3A_168 {strides = array<i32>} : memref<128x64xf32, #tpu.memory_space<vmem>>, vector<16xf32>,
        } {sc.loop_unroll_factor = 4 : i64, sc.parallel_access}
      }
      %scan3A_107 = arith.constant 8 : i32
      "tpu.region"() ({
        %run_scoped3A = tpu.sem_alloc : memref<!tpu.dma_semaphore, #tpu.memory_space<semaphore_mem>>
        %dma_start3A_122 = arith.constant 0 : i32
        %dma_start3A_123 = tpu.memref_slice %arg12[%add3A_95, %dma_start3A_122] : memref<158x128xi32, #tpu.memory_space<vmem>> -> memref<1x128xi32, #tpu.memory_space<vmem>>
        %dma_start3A_124 = tpu.memref_squeeze %dma_start3A_123 : memref<1x128xi32, #tpu.memory_space<vmem>> -> memref<128xi32, #tpu.memory_space<vmem>>
        %dma_start3A_125 = arith.constant 0 : i32
        %dma_start3A_126 = arith.constant 0 : i32
        %dma_start3A_127 = tpu.memref_slice %arg16[%dma_start3A_125, %dma_start3A_126] : memref<10240x64xf32, #tpu.memory_space<vmem_shared>> -> memref<10240x64xf32, #tpu.memory_space<vmem_shared>>
        tpu.enqueue_indirect_dma source(%arg15 : memref<128x64xf32, #tpu.memory_space<vmem>>) target(%dma_start3A_127 : memref<10240x64xf32, #tpu.memory_space<vmem_shared>>) offsets(%dma_start3A_124 : memref<128xi32, #tpu.memory_space<vmem>>) semaphore(%run_scoped3A : memref<!tpu.dma_semaphore, #tpu.memory_space<semaphore_mem>>) {add = true}
        %dma_wait3A_128 = arith.constant 0 : i32
        %dma_wait3A_129 = tpu.memref_slice %arg12[%add3A_95, %dma_wait3A_128] : memref<158x128xi32, #tpu.memory_space<vmem>> -> memref<1x128xi32, #tpu.memory_space<vmem>>
        %dma_wait3A_130 = tpu.memref_squeeze %dma_wait3A_129 : memref<1x128xi32, #tpu.memory_space<vmem>> -> memref<128xi32, #tpu.memory_space<vmem>>
        %dma_wait3A_131 = arith.constant 0 : i32
        %dma_wait3A_132 = arith.constant 0 : i32
        %dma_wait3A_133 = tpu.memref_slice %arg16[%dma_wait3A_131, %dma_wait3A_132] : memref<10240x64xf32, #tpu.memory_space<vmem_shared>> -> memref<10240x64xf32, #tpu.memory_space<vmem_shared>>
        tpu.wait_indirect_dma semaphore(%run_scoped3A : memref<!tpu.dma_semaphore, #tpu.memory_space<semaphore_mem>>) src(%arg15 : memref<128x64xf32, #tpu.memory_space<vmem>>) dst(%dma_wait3A_133 : memref<10240x64xf32, #tpu.memory_space<vmem_shared>>)
        tpu.yield
      }) : () -> ()
      %add3A_108 = arith.constant 2 : i32
      %add3A_109 = arith.addi %add3A_95, %add3A_108 : i32
      %lt3A_110 = arith.constant 158 : i32
      %lt3A_111 = arith.cmpi slt, %add3A_109, %lt3A_110 : i32
      %add3A_112 = arith.constant 2 : i32
      %add3A_113 = arith.addi %add3A_95, %add3A_112 : i32
      %jit3A_114 = arith.constant 0 : i32
      %select_n3A_115 = arith.select %lt3A_111, %add3A_113, %jit3A_114 : i32
      %dma_start3A_116 = arith.constant 0 : i32
      %dma_start3A_117 = tpu.memref_slice %arg11[%select_n3A_115, %dma_start3A_116] : memref<158x128xi32, #tpu.memory_space<vmem>> -> memref<1x128xi32, #tpu.memory_space<vmem>>
      %dma_start3A_118 = tpu.memref_squeeze %dma_start3A_117 : memref<1x128xi32, #tpu.memory_space<vmem>> -> memref<128xi32, #tpu.memory_space<vmem>>
      %dma_start3A_119 = arith.constant 0 : i32
      %dma_start3A_120 = arith.constant 0 : i32
      %dma_start3A_121 = tpu.memref_slice %arg2[%dma_start3A_119, %dma_start3A_120] : memref<10000x64xf32, #tpu.memory_space<hbm>> -> memref<10000x64xf32, #tpu.memory_space<hbm>>
      tpu.enqueue_indirect_dma source(%dma_start3A_121 : memref<10000x64xf32, #tpu.memory_space<hbm>>) target(%arg15 : memref<128x64xf32, #tpu.memory_space<vmem>>) offsets(%dma_start3A_118 : memref<128xi32, #tpu.memory_space<vmem>>) semaphore(%arg18 : memref<!tpu.dma_semaphore, #tpu.memory_space<semaphore_mem>>)
    }
    %scan3A_41 = arith.constant 79 : i32
    %dma_wait3A = arith.constant 0 : i32
    %dma_wait3A_42 = arith.constant 0 : i32
    %dma_wait3A_43 = tpu.memref_slice %arg11[%dma_wait3A, %dma_wait3A_42] : memref<158x128xi32, #tpu.memory_space<vmem>> -> memref<1x128xi32, #tpu.memory_space<vmem>>
    %dma_wait3A_44 = tpu.memref_squeeze %dma_wait3A_43 : memref<1x128xi32, #tpu.memory_space<vmem>> -> memref<128xi32, #tpu.memory_space<vmem>>
    %dma_wait3A_45 = arith.constant 0 : i32
    %dma_wait3A_46 = arith.constant 0 : i32
    %dma_wait3A_47 = tpu.memref_slice %arg2[%dma_wait3A_45, %dma_wait3A_46] : memref<10000x64xf32, #tpu.memory_space<hbm>> -> memref<10000x64xf32, #tpu.memory_space<hbm>>
    tpu.wait_indirect_dma semaphore(%arg17 : memref<!tpu.dma_semaphore, #tpu.memory_space<semaphore_mem>>) src(%dma_wait3A_47 : memref<10000x64xf32, #tpu.memory_space<hbm>>) dst(%arg14 : memref<128x64xf32, #tpu.memory_space<vmem>>)
    %dma_wait3A_48 = arith.constant 0 : i32
    %dma_wait3A_49 = arith.constant 0 : i32
    %dma_wait3A_50 = tpu.memref_slice %arg11[%dma_wait3A_48, %dma_wait3A_49] : memref<158x128xi32, #tpu.memory_space<vmem>> -> memref<1x128xi32, #tpu.memory_space<vmem>>
    %dma_wait3A_51 = tpu.memref_squeeze %dma_wait3A_50 : memref<1x128xi32, #tpu.memory_space<vmem>> -> memref<128xi32, #tpu.memory_space<vmem>>
    %dma_wait3A_52 = arith.constant 0 : i32
    %dma_wait3A_53 = arith.constant 0 : i32
    %dma_wait3A_54 = tpu.memref_slice %arg2[%dma_wait3A_52, %dma_wait3A_53] : memref<10000x64xf32, #tpu.memory_space<hbm>> -> memref<10000x64xf32, #tpu.memory_space<hbm>>
    tpu.wait_indirect_dma semaphore(%arg18 : memref<!tpu.dma_semaphore, #tpu.memory_space<semaphore_mem>>) src(%dma_wait3A_54 : memref<10000x64xf32, #tpu.memory_space<hbm>>) dst(%arg15 : memref<128x64xf32, #tpu.memory_space<vmem>>)
    %barrier3A_55 = arith.constant 0 : index
    tpu.barrier barrier_id(%barrier3A_55)
    %eq3A_56 = arith.constant 0 : i32
    %eq3A_57 = arith.cmpi eq, %arg0, %eq3A_56 : i32
    %convert_element_type3A_58 = arith.extui %eq3A_57 : i1 to i32
    %cond3A_59 = arith.constant 0 : i32
    %cond3A_60 = arith.cmpi ne, %convert_element_type3A_58, %cond3A_59 : i32
    scf.if %cond3A_60 {
      "tpu.region"() ({
        %run_scoped3A = tpu.sem_alloc : memref<!tpu.dma_semaphore, #tpu.memory_space<semaphore_mem>>
        %dma_start3A_66 = arith.constant 0 : i32
        %dma_start3A_67 = tpu.memref_slice %arg9[%mul3A_13, %dma_start3A_66] : memref<10240x64xf32, #tpu.memory_space<hbm>> -> memref<640x64xf32, #tpu.memory_space<hbm>>
        %dma_start3A_68 = arith.constant 0 : i32
        %dma_start3A_69 = tpu.memref_slice %arg16[%mul3A_13, %dma_start3A_68] : memref<10240x64xf32, #tpu.memory_space<vmem_shared>> -> memref<640x64xf32, #tpu.memory_space<vmem_shared>>
        tpu.enqueue_dma source(%dma_start3A_69 : memref<640x64xf32, #tpu.memory_space<vmem_shared>>) target(%dma_start3A_67 : memref<640x64xf32, #tpu.memory_space<hbm>>) target_semaphore(%run_scoped3A : memref<!tpu.dma_semaphore, #tpu.memory_space<semaphore_mem>>)
        %dma_wait3A_70 = arith.constant 0 : i32
        %dma_wait3A_71 = tpu.memref_slice %arg9[%mul3A_13, %dma_wait3A_70] : memref<10240x64xf32, #tpu.memory_space<hbm>> -> memref<640x64xf32, #tpu.memory_space<hbm>>
        %dma_wait3A_72 = arith.constant 0 : i32
        %dma_wait3A_73 = tpu.memref_slice %arg16[%mul3A_13, %dma_wait3A_72] : memref<10240x64xf32, #tpu.memory_space<vmem_shared>> -> memref<640x64xf32, #tpu.memory_space<vmem_shared>>
        tpu.wait_dma2 semaphore(%run_scoped3A : memref<!tpu.dma_semaphore, #tpu.memory_space<semaphore_mem>>) src(%dma_wait3A_73 : memref<640x64xf32, #tpu.memory_space<vmem_shared>>) dst(%dma_wait3A_71 : memref<640x64xf32, #tpu.memory_space<hbm>>)
        tpu.yield
      }) : () -> ()
    } else {
    }
    %eq3A_61 = arith.constant 1 : i32
    %eq3A_62 = arith.cmpi eq, %arg0, %eq3A_61 : i32
    %convert_element_type3A_63 = arith.extui %eq3A_62 : i1 to i32
    %cond3A_64 = arith.constant 0 : i32
    %cond3A_65 = arith.cmpi ne, %convert_element_type3A_63, %cond3A_64 : i32
    scf.if %cond3A_65 {
      "tpu.region"() ({
        %run_scoped3A = tpu.sem_alloc : memref<!tpu.dma_semaphore, #tpu.memory_space<semaphore_mem>>
        %dma_start3A_66 = arith.constant 0 : i32
        %dma_start3A_67 = tpu.memref_slice %arg10[%mul3A_13, %dma_start3A_66] : memref<10240x64xf32, #tpu.memory_space<hbm>> -> memref<640x64xf32, #tpu.memory_space<hbm>>
        %dma_start3A_68 = arith.constant 0 : i32
        %dma_start3A_69 = tpu.memref_slice %arg16[%mul3A_13, %dma_start3A_68] : memref<10240x64xf32, #tpu.memory_space<vmem_shared>> -> memref<640x64xf32, #tpu.memory_space<vmem_shared>>
        tpu.enqueue_dma source(%dma_start3A_69 : memref<640x64xf32, #tpu.memory_space<vmem_shared>>) target(%dma_start3A_67 : memref<640x64xf32, #tpu.memory_space<hbm>>) target_semaphore(%run_scoped3A : memref<!tpu.dma_semaphore, #tpu.memory_space<semaphore_mem>>)
        %dma_wait3A_70 = arith.constant 0 : i32
        %dma_wait3A_71 = tpu.memref_slice %arg10[%mul3A_13, %dma_wait3A_70] : memref<10240x64xf32, #tpu.memory_space<hbm>> -> memref<640x64xf32, #tpu.memory_space<hbm>>
        %dma_wait3A_72 = arith.constant 0 : i32
        %dma_wait3A_73 = tpu.memref_slice %arg16[%mul3A_13, %dma_wait3A_72] : memref<10240x64xf32, #tpu.memory_space<vmem_shared>> -> memref<640x64xf32, #tpu.memory_space<vmem_shared>>
        tpu.wait_dma2 semaphore(%run_scoped3A : memref<!tpu.dma_semaphore, #tpu.memory_space<semaphore_mem>>) src(%dma_wait3A_73 : memref<640x64xf32, #tpu.memory_space<vmem_shared>>) dst(%dma_wait3A_71 : memref<640x64xf32, #tpu.memory_space<hbm>>)
        tpu.yield
      }) : () -> ()
    } else {
    }
    return
  }
}

module attributes {stable_mosaic.version = 14 : i64} {
  func.func @_mm1_body(%arg0: i32, %arg1: memref<1000x128xf32, #tpu.memory_space<vmem>>, %arg2: memref<128x64xf32, #tpu.memory_space<vmem>>, %arg3: memref<1000x64xf32, #tpu.memory_space<vmem>>) attributes {dimension_semantics = [#tpu.dimension_semantics<arbitrary>], iteration_bounds = array<i64: 10>, scalar_prefetch = 0 : i64, scratch_operands = 0 : i64, tpu.core_type = #tpu.core_type<tc>, window_params = [{transform_indices = @transform_0, window_bounds = array<i64: 1000, 128>}, {pipeline_mode = #tpu.pipeline_mode<synchronous>, transform_indices = @transform_1, window_bounds = array<i64: 128, 64>}, {transform_indices = @transform_2, window_bounds = array<i64: 1000, 64>}]} {
    %get3A = arith.constant 0 : index
    %get3A_0 = arith.constant 0 : index
    %get3A_1 = vector.load %arg1[%get3A, %get3A_0] : memref<1000x128xf32, #tpu.memory_space<vmem>>, vector<1000x128xf32>
    %get3A_2 = arith.constant 0 : index
    %get3A_3 = arith.constant 0 : index
    %get3A_4 = vector.load %arg2[%get3A_2, %get3A_3] : memref<128x64xf32, #tpu.memory_space<vmem>>, vector<128x64xf32>
    %dot_general3A = arith.constant dense<0.000000e+00> : vector<1000x64xf32>
    %dot_general3A_5 = tpu.matmul %get3A_1, %get3A_4, %dot_general3A {dimension_numbers = #tpu.dot_dimension_numbers<[1], [0], [0], [1], [0, 0, 1, 1], [], []>, transpose_lhs_hint = false} : vector<1000x128xf32>, vector<128x64xf32>, vector<1000x64xf32> -> vector<1000x64xf32>
    %swap3A = arith.constant 0 : index
    %swap3A_6 = arith.constant 0 : index
    %swap3A_7 = vector.load %arg3[%swap3A, %swap3A_6] : memref<1000x64xf32, #tpu.memory_space<vmem>>, vector<1000x64xf32>
    tpu.vector_store %arg3[%swap3A, %swap3A_6], %dot_general3A_5 {strides = array<i32>} : memref<1000x64xf32, #tpu.memory_space<vmem>>, vector<1000x64xf32>,
    return
  }
  func.func @transform_0(%arg0: i32) -> (i32, i32) {
    %c0_i32 = arith.constant 0 : i32
    %c0_i32_0 = arith.constant 0 : i32
    return %arg0, %c0_i32 : i32, i32
  }
  func.func @transform_1(%arg0: i32) -> (i32, i32) {
    %c0_i32 = arith.constant 0 : i32
    %c0_i32_0 = arith.constant 0 : i32
    %c0_i32_1 = arith.constant 0 : i32
    return %c0_i32, %c0_i32_0 : i32, i32
  }
  func.func @transform_2(%arg0: i32) -> (i32, i32) {
    %c0_i32 = arith.constant 0 : i32
    %c0_i32_0 = arith.constant 0 : i32
    return %arg0, %c0_i32 : i32, i32
  }
}

module attributes {stable_mosaic.version = 14 : i64} {
  func.func @_mlp_body(%arg0: i32, %arg1: memref<1000x64xf32, #tpu.memory_space<vmem>>, %arg2: memref<1000x64xf32, #tpu.memory_space<vmem>>, %arg3: memref<64x128xf32, #tpu.memory_space<vmem>>, %arg4: memref<64x128xf32, #tpu.memory_space<vmem>>, %arg5: memref<1x128xf32, #tpu.memory_space<vmem>>, %arg6: memref<128x128xf32, #tpu.memory_space<vmem>>, %arg7: memref<1x128xf32, #tpu.memory_space<vmem>>, %arg8: memref<128x64xf32, #tpu.memory_space<vmem>>, %arg9: memref<1000x64xf32, #tpu.memory_space<vmem>>) attributes {dimension_semantics = [#tpu.dimension_semantics<arbitrary>], iteration_bounds = array<i64: 10>, scalar_prefetch = 0 : i64, scratch_operands = 0 : i64, tpu.core_type = #tpu.core_type<tc>, window_params = [{transform_indices = @transform_0, window_bounds = array<i64: 1000, 64>}, {transform_indices = @transform_1, window_bounds = array<i64: 1000, 64>}, {pipeline_mode = #tpu.pipeline_mode<synchronous>, transform_indices = @transform_2, window_bounds = array<i64: 64, 128>}, {pipeline_mode = #tpu.pipeline_mode<synchronous>, transform_indices = @transform_3, window_bounds = array<i64: 64, 128>}, {pipeline_mode = #tpu.pipeline_mode<synchronous>, transform_indices = @transform_4, window_bounds = array<i64: 1, 128>}, {pipeline_mode = #tpu.pipeline_mode<synchronous>, transform_indices = @transform_5, window_bounds = array<i64: 128, 128>}, {pipeline_mode = #tpu.pipeline_mode<synchronous>, transform_indices = @transform_6, window_bounds = array<i64: 1, 128>}, {pipeline_mode = #tpu.pipeline_mode<synchronous>, transform_indices = @transform_7, window_bounds = array<i64: 128, 64>}, {transform_indices = @transform_8, window_bounds = array<i64: 1000, 64>}]} {
    %get3A = arith.constant 0 : index
    %get3A_0 = arith.constant 0 : index
    %get3A_1 = vector.load %arg1[%get3A, %get3A_0] : memref<1000x64xf32, #tpu.memory_space<vmem>>, vector<1000x64xf32>
    %max3A = arith.constant 0.000000e+00 : f32
    %max3A_2 = vector.broadcast %max3A : f32 to vector<1000x64xf32>
    %max3A_3 = arith.maximumf %get3A_1, %max3A_2 : vector<1000x64xf32>
    %get3A_4 = arith.constant 0 : index
    %get3A_5 = arith.constant 0 : index
    %get3A_6 = vector.load %arg2[%get3A_4, %get3A_5] : memref<1000x64xf32, #tpu.memory_space<vmem>>, vector<1000x64xf32>
    %max3A_7 = arith.constant 0.000000e+00 : f32
    %max3A_8 = vector.broadcast %max3A_7 : f32 to vector<1000x64xf32>
    %max3A_9 = arith.maximumf %get3A_6, %max3A_8 : vector<1000x64xf32>
    %get3A_10 = arith.constant 0 : index
    %get3A_11 = arith.constant 0 : index
    %get3A_12 = vector.load %arg3[%get3A_10, %get3A_11] : memref<64x128xf32, #tpu.memory_space<vmem>>, vector<64x128xf32>
    %dot_general3A = arith.constant dense<0.000000e+00> : vector<1000x128xf32>
    %dot_general3A_13 = tpu.matmul %max3A_3, %get3A_12, %dot_general3A {dimension_numbers = #tpu.dot_dimension_numbers<[1], [0], [0], [1], [0, 0, 1, 1], [], []>, transpose_lhs_hint = false} : vector<1000x64xf32>, vector<64x128xf32>, vector<1000x128xf32> -> vector<1000x128xf32>
    %get3A_14 = arith.constant 0 : index
    %get3A_15 = arith.constant 0 : index
    %get3A_16 = vector.load %arg4[%get3A_14, %get3A_15] : memref<64x128xf32, #tpu.memory_space<vmem>>, vector<64x128xf32>
    %dot_general3A_17 = arith.constant dense<0.000000e+00> : vector<1000x128xf32>
    %dot_general3A_18 = tpu.matmul %max3A_9, %get3A_16, %dot_general3A_17 {dimension_numbers = #tpu.dot_dimension_numbers<[1], [0], [0], [1], [0, 0, 1, 1], [], []>, transpose_lhs_hint = false} : vector<1000x64xf32>, vector<64x128xf32>, vector<1000x128xf32> -> vector<1000x128xf32>
    %add3A = arith.addf %dot_general3A_13, %dot_general3A_18 : vector<1000x128xf32>
    %get3A_19 = arith.constant 0 : index
    %get3A_20 = arith.constant 0 : index
    %get3A_21 = vector.load %arg5[%get3A_19, %get3A_20] : memref<1x128xf32, #tpu.memory_space<vmem>>, vector<1x128xf32>
    %add3A_22 = vector.broadcast %get3A_21 : vector<1x128xf32> to vector<1000x128xf32>
    %add3A_23 = arith.addf %add3A, %add3A_22 : vector<1000x128xf32>
    %max3A_24 = arith.constant 0.000000e+00 : f32
    %max3A_25 = vector.broadcast %max3A_24 : f32 to vector<1000x128xf32>
    %max3A_26 = arith.maximumf %add3A_23, %max3A_25 : vector<1000x128xf32>
    %get3A_27 = arith.constant 0 : index
    %get3A_28 = arith.constant 0 : index
    %get3A_29 = vector.load %arg6[%get3A_27, %get3A_28] : memref<128x128xf32, #tpu.memory_space<vmem>>, vector<128x128xf32>
    %dot_general3A_30 = arith.constant dense<0.000000e+00> : vector<1000x128xf32>
    %dot_general3A_31 = tpu.matmul %max3A_26, %get3A_29, %dot_general3A_30 {dimension_numbers = #tpu.dot_dimension_numbers<[1], [0], [0], [1], [0, 0, 1, 1], [], []>, transpose_lhs_hint = false} : vector<1000x128xf32>, vector<128x128xf32>, vector<1000x128xf32> -> vector<1000x128xf32>
    %get3A_32 = arith.constant 0 : index
    %get3A_33 = arith.constant 0 : index
    %get3A_34 = vector.load %arg7[%get3A_32, %get3A_33] : memref<1x128xf32, #tpu.memory_space<vmem>>, vector<1x128xf32>
    %add3A_35 = vector.broadcast %get3A_34 : vector<1x128xf32> to vector<1000x128xf32>
    %add3A_36 = arith.addf %dot_general3A_31, %add3A_35 : vector<1000x128xf32>
    %max3A_37 = arith.constant 0.000000e+00 : f32
    %max3A_38 = vector.broadcast %max3A_37 : f32 to vector<1000x128xf32>
    %max3A_39 = arith.maximumf %add3A_36, %max3A_38 : vector<1000x128xf32>
    %get3A_40 = arith.constant 0 : index
    %get3A_41 = arith.constant 0 : index
    %get3A_42 = vector.load %arg8[%get3A_40, %get3A_41] : memref<128x64xf32, #tpu.memory_space<vmem>>, vector<128x64xf32>
    %dot_general3A_43 = arith.constant dense<0.000000e+00> : vector<1000x64xf32>
    %dot_general3A_44 = tpu.matmul %max3A_39, %get3A_42, %dot_general3A_43 {dimension_numbers = #tpu.dot_dimension_numbers<[1], [0], [0], [1], [0, 0, 1, 1], [], []>, transpose_lhs_hint = false} : vector<1000x128xf32>, vector<128x64xf32>, vector<1000x64xf32> -> vector<1000x64xf32>
    %swap3A = arith.constant 0 : index
    %swap3A_45 = arith.constant 0 : index
    %swap3A_46 = vector.load %arg9[%swap3A, %swap3A_45] : memref<1000x64xf32, #tpu.memory_space<vmem>>, vector<1000x64xf32>
    tpu.vector_store %arg9[%swap3A, %swap3A_45], %dot_general3A_44 {strides = array<i32>} : memref<1000x64xf32, #tpu.memory_space<vmem>>, vector<1000x64xf32>,
    return
  }
  func.func @transform_0(%arg0: i32) -> (i32, i32) {
    %c0_i32 = arith.constant 0 : i32
    %c0_i32_0 = arith.constant 0 : i32
    return %arg0, %c0_i32 : i32, i32
  }
  func.func @transform_1(%arg0: i32) -> (i32, i32) {
    %c0_i32 = arith.constant 0 : i32
    %c0_i32_0 = arith.constant 0 : i32
    return %arg0, %c0_i32 : i32, i32
  }
  func.func @transform_2(%arg0: i32) -> (i32, i32) {
    %c0_i32 = arith.constant 0 : i32
    %c0_i32_0 = arith.constant 0 : i32
    %c0_i32_1 = arith.constant 0 : i32
    return %c0_i32, %c0_i32_0 : i32, i32
  }
  func.func @transform_3(%arg0: i32) -> (i32, i32) {
    %c0_i32 = arith.constant 0 : i32
    %c0_i32_0 = arith.constant 0 : i32
    %c0_i32_1 = arith.constant 0 : i32
    return %c0_i32, %c0_i32_0 : i32, i32
  }
  func.func @transform_4(%arg0: i32) -> (i32, i32) {
    %c0_i32 = arith.constant 0 : i32
    %c0_i32_0 = arith.constant 0 : i32
    %c0_i32_1 = arith.constant 0 : i32
    return %c0_i32, %c0_i32_0 : i32, i32
  }
  func.func @transform_5(%arg0: i32) -> (i32, i32) {
    %c0_i32 = arith.constant 0 : i32
    %c0_i32_0 = arith.constant 0 : i32
    %c0_i32_1 = arith.constant 0 : i32
    return %c0_i32, %c0_i32_0 : i32, i32
  }
  func.func @transform_6(%arg0: i32) -> (i32, i32) {
    %c0_i32 = arith.constant 0 : i32
    %c0_i32_0 = arith.constant 0 : i32
    %c0_i32_1 = arith.constant 0 : i32
    return %c0_i32, %c0_i32_0 : i32, i32
  }
  func.func @transform_7(%arg0: i32) -> (i32, i32) {
    %c0_i32 = arith.constant 0 : i32
    %c0_i32_0 = arith.constant 0 : i32
    %c0_i32_1 = arith.constant 0 : i32
    return %c0_i32, %c0_i32_0 : i32, i32
  }
  func.func @transform_8(%arg0: i32) -> (i32, i32) {
    %c0_i32 = arith.constant 0 : i32
    %c0_i32_0 = arith.constant 0 : i32
    return %arg0, %c0_i32 : i32, i32
  }
}

module attributes {stable_mosaic.version = 14 : i64} {
  func.func @_out_body(%arg0: i32, %arg1: memref<1000x64xf32, #tpu.memory_space<vmem>>, %arg2: memref<1000x64xf32, #tpu.memory_space<vmem>>, %arg3: memref<64x40xf32, #tpu.memory_space<vmem>>, %arg4: memref<64x40xf32, #tpu.memory_space<vmem>>, %arg5: memref<1x40xf32, #tpu.memory_space<vmem>>, %arg6: memref<1000x40xf32, #tpu.memory_space<vmem>>) attributes {dimension_semantics = [#tpu.dimension_semantics<arbitrary>], iteration_bounds = array<i64: 10>, scalar_prefetch = 0 : i64, scratch_operands = 0 : i64, tpu.core_type = #tpu.core_type<tc>, window_params = [{transform_indices = @transform_0, window_bounds = array<i64: 1000, 64>}, {transform_indices = @transform_1, window_bounds = array<i64: 1000, 64>}, {pipeline_mode = #tpu.pipeline_mode<synchronous>, transform_indices = @transform_2, window_bounds = array<i64: 64, 40>}, {pipeline_mode = #tpu.pipeline_mode<synchronous>, transform_indices = @transform_3, window_bounds = array<i64: 64, 40>}, {pipeline_mode = #tpu.pipeline_mode<synchronous>, transform_indices = @transform_4, window_bounds = array<i64: 1, 40>}, {transform_indices = @transform_5, window_bounds = array<i64: 1000, 40>}]} {
    %get3A = arith.constant 0 : index
    %get3A_0 = arith.constant 0 : index
    %get3A_1 = vector.load %arg1[%get3A, %get3A_0] : memref<1000x64xf32, #tpu.memory_space<vmem>>, vector<1000x64xf32>
    %max3A = arith.constant 0.000000e+00 : f32
    %max3A_2 = vector.broadcast %max3A : f32 to vector<1000x64xf32>
    %max3A_3 = arith.maximumf %get3A_1, %max3A_2 : vector<1000x64xf32>
    %get3A_4 = arith.constant 0 : index
    %get3A_5 = arith.constant 0 : index
    %get3A_6 = vector.load %arg2[%get3A_4, %get3A_5] : memref<1000x64xf32, #tpu.memory_space<vmem>>, vector<1000x64xf32>
    %max3A_7 = arith.constant 0.000000e+00 : f32
    %max3A_8 = vector.broadcast %max3A_7 : f32 to vector<1000x64xf32>
    %max3A_9 = arith.maximumf %get3A_6, %max3A_8 : vector<1000x64xf32>
    %get3A_10 = arith.constant 0 : index
    %get3A_11 = arith.constant 0 : index
    %get3A_12 = vector.load %arg3[%get3A_10, %get3A_11] : memref<64x40xf32, #tpu.memory_space<vmem>>, vector<64x40xf32>
    %dot_general3A = arith.constant dense<0.000000e+00> : vector<1000x40xf32>
    %dot_general3A_13 = tpu.matmul %max3A_3, %get3A_12, %dot_general3A {dimension_numbers = #tpu.dot_dimension_numbers<[1], [0], [0], [1], [0, 0, 1, 1], [], []>, transpose_lhs_hint = false} : vector<1000x64xf32>, vector<64x40xf32>, vector<1000x40xf32> -> vector<1000x40xf32>
    %get3A_14 = arith.constant 0 : index
    %get3A_15 = arith.constant 0 : index
    %get3A_16 = vector.load %arg4[%get3A_14, %get3A_15] : memref<64x40xf32, #tpu.memory_space<vmem>>, vector<64x40xf32>
    %dot_general3A_17 = arith.constant dense<0.000000e+00> : vector<1000x40xf32>
    %dot_general3A_18 = tpu.matmul %max3A_9, %get3A_16, %dot_general3A_17 {dimension_numbers = #tpu.dot_dimension_numbers<[1], [0], [0], [1], [0, 0, 1, 1], [], []>, transpose_lhs_hint = false} : vector<1000x64xf32>, vector<64x40xf32>, vector<1000x40xf32> -> vector<1000x40xf32>
    %add3A = arith.addf %dot_general3A_13, %dot_general3A_18 : vector<1000x40xf32>
    %get3A_19 = arith.constant 0 : index
    %get3A_20 = arith.constant 0 : index
    %get3A_21 = vector.load %arg5[%get3A_19, %get3A_20] : memref<1x40xf32, #tpu.memory_space<vmem>>, vector<1x40xf32>
    %add3A_22 = vector.broadcast %get3A_21 : vector<1x40xf32> to vector<1000x40xf32>
    %add3A_23 = arith.addf %add3A, %add3A_22 : vector<1000x40xf32>
    %swap3A = arith.constant 0 : index
    %swap3A_24 = arith.constant 0 : index
    %swap3A_25 = vector.load %arg6[%swap3A, %swap3A_24] : memref<1000x40xf32, #tpu.memory_space<vmem>>, vector<1000x40xf32>
    tpu.vector_store %arg6[%swap3A, %swap3A_24], %add3A_23 {strides = array<i32>} : memref<1000x40xf32, #tpu.memory_space<vmem>>, vector<1000x40xf32>,
    return
  }
  func.func @transform_0(%arg0: i32) -> (i32, i32) {
    %c0_i32 = arith.constant 0 : i32
    %c0_i32_0 = arith.constant 0 : i32
    return %arg0, %c0_i32 : i32, i32
  }
  func.func @transform_1(%arg0: i32) -> (i32, i32) {
    %c0_i32 = arith.constant 0 : i32
    %c0_i32_0 = arith.constant 0 : i32
    return %arg0, %c0_i32 : i32, i32
  }
  func.func @transform_2(%arg0: i32) -> (i32, i32) {
    %c0_i32 = arith.constant 0 : i32
    %c0_i32_0 = arith.constant 0 : i32
    %c0_i32_1 = arith.constant 0 : i32
    return %c0_i32, %c0_i32_0 : i32, i32
  }
  func.func @transform_3(%arg0: i32) -> (i32, i32) {
    %c0_i32 = arith.constant 0 : i32
    %c0_i32_0 = arith.constant 0 : i32
    %c0_i32_1 = arith.constant 0 : i32
    return %c0_i32, %c0_i32_0 : i32, i32
  }
  func.func @transform_4(%arg0: i32) -> (i32, i32) {
    %c0_i32 = arith.constant 0 : i32
    %c0_i32_0 = arith.constant 0 : i32
    %c0_i32_1 = arith.constant 0 : i32
    return %c0_i32, %c0_i32_0 : i32, i32
  }
  func.func @transform_5(%arg0: i32) -> (i32, i32) {
    %c0_i32 = arith.constant 0 : i32
    %c0_i32_0 = arith.constant 0 : i32
    return %arg0, %c0_i32 : i32, i32
  }
}

</mosaic_0001>

<sc_bundles>
// kernel: kernel.11.cloned.1.call-start
scs
__scs_entry_jumppad:
0x0: {  	(pc) =	sbr.rel $0x88, $3  }
0x1: {  	(tag) =	ssettag $0x0;
	lr =	simm.s32 $0x1  }
0x2: {  	[smem:$0x3F94] =	sst lr;
	_ =	strace $0xD0000000  }
0x3: {  	_ = 	snop  }
0x4: {  	_ = 	snop  }
0x5: {  	_ = 	snop  }
0x6: {  	_ = 	snop  }
0x7: {  	_ = 	snop  }
__scs_overlays_trampoline_lowered:
0x8: {  	[smem:$0x3FA3] =	sst s0  }
0x9: {  	[smem:$0x3FA4] =	sst s1  }
0xa: {  	[smem:$0x3FA5] =	sst s2  }
0xb: {  	[smem:$0x3FA6] =	sst s3  }
0xc: {  	[smem:$0x3FA7] =	sst s4  }
0xd: {  	[smem:$0x3FA8] =	sst s5  }
0xe: {  	[smem:$0x3FA9] =	sst s6  }
0xf: {  	[smem:$0x3FAA] =	sst s7  }
0x10: {  	[smem:$0x3FAB] =	sst s8  }
0x11: {  	[smem:$0x3FAC] =	sst s9;
	s0 =	simm.s32 @!p0 $0x0  }
0x12: {  	s1 =	sld [smem:$0x3F92];
	s0 =	simm.s32 @p0 $0x1  }
0x13: {  	[smem:$0x3FAD] =	sst s0;
	s0 =	simm.s32 @!p1 $0x0  }
0x14: {  	s2 =	sld [smem:$0x3F91];
	s0 =	simm.s32 @p1 $0x1  }
0x15: {  	[smem:$0x3FAE] =	sst s0;
	s0 =	simm.s32 @!p2 $0x0  }
0x16: {  	s3 =	sld [smem:$0x3FDB];
	s0 =	simm.s32 @p2 $0x1  }
0x17: {  	s4 =	simm.s32 $0x1BF5;
	[smem:$0x3FB0] =	sst s0  }
0x18: {  	s0 =	sld [smem:$0x3F93];
	_ =	swait.ge [sflag:s4], $0x0  }
0x19: {  	s7 =	sld [smem:$0x3F94]  }
0x1a: {  	s8 =	sadd.s32 $0xFFFFE003, lr  }
0x1b: {  	s9 =	sadd.s32 $0xFFFFFEF7, lr;
	s5 =	simm.s32 $0xFFFFFFFF;
	p2 =	slt.u32 s8, $0xFFFFF086  }
0x1c: {  	p1 =	slt.u32 s9, $0xF7A;
	s5 =	simm.s32 @!p2 $0x0  }
0x1d: {  	s5 =	simm.s32 @p1 $0x1;
	p0 =	seq.s32 s7, s2  }
0x1e: {  	s7 =	smul.u32 @!p0 $0xF7A, s2;
	p2 =	seq.s32 @!p0 s5, $0x0  }
0x1f: {  	s9 =	smul.u32 $0xF7A, s1;
	s8 =	simm.s32 @!p0 $0x1BF5;
	p2 =	por !p2, p0  }
0x20: {  	[sflag:s8] =	ssyncset.s32 @!p0 $0xFFFFF086;
	s6 =	sadd.s32 @!p0 s3, s7;
	s7 =	simm.s32 @!p0 $0x108  }
0x21: {  	s3 =	sadd.s32 s3, s9;
	s6 =	sadd.s32 @!p0 $0x88, s6;
	s7 =	simm.s32 @p2 $0x1082  }
0x22: {  	[simem:s7], [sflag:s8] =	dma.local @!p0 [hbm:s6], $0xF7A  }
0x23: {  	s9 =	sor.u32 $0xD0000000, s2;
	s6 =	simm.s32 $0x108;
	_ =	swait.ge @!p0 [sflag:s8], $0x0  }
0x24: {  	s3 =	sadd.s32 $0x88, s3;
	s6 =	simm.s32 @!p1 $0x1082;
	[sflag:s4] =	ssyncset.s32 $0xFFFFF086  }
0x25: {  	[simem:s6], [sflag:s4] =	dma.local [hbm:s3], $0xF7A  }
0x26: {  	[smem:$0x3F94] =	sst s1;
	(tag) =	ssettag s2;
	_ =	strace s9  }
0x27: {  	s1 =	sld [smem:$0x3FA4]  }
0x28: {  	s2 =	sld [smem:$0x3FA5]  }
0x29: {  	s4 =	sld [smem:$0x3FA7]  }
0x2a: {  	p0 =	seq.s32 s5, $0x0;
	s5 =	sld [smem:$0x3FA8]  }
0x2b: {  	s6 =	sld [smem:$0x3FA9]  }
0x2c: {  	s7 =	sld [smem:$0x3FAA]  }
0x2d: {  	s3 =	simm.s32 $0x108;
	s8 =	sld [smem:$0x3FAB]  }
0x2e: {  	s3 =	simm.s32 @!p0 $0x1082;
	s9 =	sld [smem:$0x3FAC]  }
0x2f: {  	lr =	sadd.s32 s0, s3;
	s0 =	sld [smem:$0x3FA3]  }
0x30: {  	s3 =	sld [smem:$0x3FA6]  }
0x31: {  	[smem:$0x3FAF] =	sst s10  }
0x32: {  	s10 =	sld [smem:$0x3FAD];
	_ =	sdelay $0x3  }
0x33: {  	p0 =	seq.s32 s10, $0x1;
	s10 =	sld [smem:$0x3FAF];
	_ =	sdelay $0x3  }
0x34: {  	[smem:$0x3FAF] =	sst s10  }
0x35: {  	s10 =	sld [smem:$0x3FAE];
	_ =	sdelay $0x3  }
0x36: {  	p1 =	seq.s32 s10, $0x1;
	s10 =	sld [smem:$0x3FAF];
	_ =	sdelay $0x3  }
0x37: {  	[smem:$0x3FAF] =	sst s10  }
0x38: {  	s10 =	sld [smem:$0x3FB0]  }
0x39: {  	_ = 	snop;
	(pc) =	sbr.ind lr, $3  }
0x3a: {  	_ = 	snop  }
0x3b: {  	_ = 	snop  }
0x3c: {  	p2 =	seq.s32 s10, $0x1;
	s10 =	sld [smem:$0x3FAF]  }
0x3d: {  	_ =	shalt  }
0x3e: {  	_ =	shalt  }
0x3f: {  	_ =	shalt  }
0x40: {  	_ =	shalt  }
0x41: {  	_ =	shalt  }
0x42: {  	_ =	shalt  }
0x43: {  	_ =	shalt  }
0x44: {  	_ =	shalt  }
0x45: {  	_ =	shalt  }
0x46: {  	_ =	shalt  }
0x47: {  	_ =	shalt  }
0x48: {  	_ =	shalt  }
0x49: {  	_ =	shalt  }
0x4a: {  	_ =	shalt  }
0x4b: {  	_ =	shalt  }
0x4c: {  	_ =	shalt  }
0x4d: {  	_ =	shalt  }
0x4e: {  	_ =	shalt  }
0x4f: {  	_ =	shalt  }
0x50: {  	_ =	shalt  }
0x51: {  	_ =	shalt  }
0x52: {  	_ =	shalt  }
0x53: {  	_ =	shalt  }
0x54: {  	_ =	shalt  }
0x55: {  	_ =	shalt  }
0x56: {  	_ =	shalt  }
0x57: {  	_ =	shalt  }
0x58: {  	_ =	shalt  }
0x59: {  	_ =	shalt  }
0x5a: {  	_ =	shalt  }
0x5b: {  	_ =	shalt  }
0x5c: {  	_ =	shalt  }
0x5d: {  	_ =	shalt  }
0x5e: {  	_ =	shalt  }
0x5f: {  	_ =	shalt  }
0x60: {  	_ =	shalt  }
0x61: {  	_ =	shalt  }
0x62: {  	_ =	shalt  }
0x63: {  	_ =	shalt  }
0x64: {  	_ =	shalt  }
0x65: {  	_ =	shalt  }
0x66: {  	_ =	shalt  }
0x67: {  	_ =	shalt  }
0x68: {  	_ =	shalt  }
0x69: {  	_ =	shalt  }
0x6a: {  	_ =	shalt  }
0x6b: {  	_ =	shalt  }
0x6c: {  	_ =	shalt  }
0x6d: {  	_ =	shalt  }
0x6e: {  	_ =	shalt  }
0x6f: {  	_ =	shalt  }
0x70: {  	_ =	shalt  }
0x71: {  	_ =	shalt  }
0x72: {  	_ =	shalt  }
0x73: {  	_ =	shalt  }
0x74: {  	_ =	shalt  }
0x75: {  	_ =	shalt  }
0x76: {  	_ =	shalt  }
0x77: {  	_ =	shalt  }
0x78: {  	_ =	shalt  }
0x79: {  	_ =	shalt  }
0x7a: {  	_ =	shalt  }
0x7b: {  	_ =	shalt  }
0x7c: {  	_ =	shalt  }
0x7d: {  	_ =	shalt  }
0x7e: {  	_ =	shalt  }
0x7f: {  	_ =	shalt  }
0x80: {  	_ =	shalt  }
0x81: {  	_ =	shalt  }
0x82: {  	_ =	shalt  }
0x83: {  	_ =	shalt  }
0x84: {  	_ =	shalt  }
0x85: {  	_ =	shalt  }
0x86: {  	_ =	shalt  }
0x87: {  	_ =	shalt  }
.Lfunc_end0:
.L_simem_size_0:
called_computation.1_lowered:
.L_overlay_start_0:
0x88: {  	s2 =	sld [smem:$0x3FD9]  }
0x89: {  	s3 =	sld [smem:$0x3FFE];
	_ =	sdelay $0x1  }
0x8a: {  	s1 =	srdreg.scid  }
0x8b: {  	s0 =	sand.u32 $0x1, s1  }
0x8c: {  	s17 =	sshll.u32 s0, $0xA;
	s2 =	sadd.s32 s3, s2  }
0x8d: {  	s2 =	sadd.s32 s2, s17  }
0x8e: {  	[smem:$0x3FBB] =	sst s2  }
0x8f: {  	_ = 	snop  }
0x90: {  	s2 =	sld [smem:$0x3FD0];
	(tm) =	ssettm $0x1  }
0x91: {  	s18 =	sld [smem:$0x3FFB];
	_ =	sdelay $0x3  }
0x92: {  	_ =	strace s18  }
0x93: {  	s3 =	sld [smem:$0x3FFC];
	_ =	sdelay $0x3  }
0x94: {  	_ =	strace s3  }
0x95: {  	s3 =	sld [smem:$0x3FFD];
	_ =	sdelay $0x3  }
0x96: {  	_ =	strace s3  }
0x97: {  	_ =	strace $0x8FFFFFFF  }
0x98: {  	s19 =	sld [smem:$0x3FDB];
	_ =	sdelay $0x1  }
0x99: {  	s4 =	simm.s32 $_scs_section_size  }
0x9a: {  	s5 =	simm.s32 $_size__tile_overlayer_lowered;
	s6 =	simm.s32 $_tile_overlayer_lowered  }
0x9b: {  	s22 =	simm.s32 $0x1BFF;
	s21 =	sshll.u32 s6, $0x1;
	s3 =	sadd.s32 s4, s19  }
0x9c: {  	s7 =	simm.s32 $0x0;
	s20 =	sshll.u32 s5, $0x1;
	s5 =	sadd.s32 s21, s3  }
0x9d: {  	[timem:s7], [sflag:s22] =	dma.local [hbm:s5], s20  }
0x9e: {  	_ =	swait.ge [sflag:s22], s20  }
0x9f: {  	s4 =	ssub.s32 $0x0, s20;
	[sflag:s22] =	ssyncset.done $0x0  }
0xa0: {  	[sflag:s22] =	ssyncadd.s32 s4;
	_ =	sdelay $0x1  }
0xa1: {  	s23 =	simm.s32 $0x1B8B  }
0xa2: {  	_ =	swait.ge [sflag:s23], $0x1  }
0xa3: {  	[sflag:s23] =	ssyncset.done $0x0  }
0xa4: {  	s25 =	simm.s32 $0x1B8E;
	s24 =	sld [smem:$0x3FFE];
	[sflag:s23] =	ssyncadd.s32 $0xFFFFFFFF  }
0xa5: {  	s26 =	simm.s32 $execute0_lowered;
	[smem:$0x3FD2] =	sst s25  }
0xa6: {  	s5 =	sshll.u32 s26, $0x1;
	_ =	strace $0x80000049;
	[dreg:$0x1] =	wrdreg $0xFFFFFFFF  }
0xa7: {  	s28 =	simm.s32 $_size_execute0_lowered;
	s3 =	sadd.s32 s3, s5;
	[dreg:$0x0] =	wrdreg $0x0  }
0xa8: {  	s5 =	sshll.u32 s28, $0x1;
	[dreg:$0x2] =	wrdreg s3  }
0xa9: {  	[dreg:$0x3] =	wrdreg s5  }
0xaa: {  	[dreg:$0x4] =	wrdreg $0xC0  }
0xab: {  	_ =	task [dreg:s7], $0x5FFFF  }
0xac: {  	[dreg:$0x1] =	wrdreg $0xFFFFFFFF  }
0xad: {  	[dreg:$0x0] =	wrdreg $0x60  }
0xae: {  	[dreg:$0x2] =	wrdreg s24  }
0xaf: {  	[dreg:$0x3] =	wrdreg s2  }
0xb0: {  	[dreg:$0x4] =	wrdreg $0x12D000  }
0xb1: {  	[dreg:$0x5] =	wrdreg $0x9  }
0xb2: {  	_ =	task.clear_ibuf [dreg:s7], $0x6FFFF;
	_ =	strace $0x90000049  }
0xb3: {  	s29 =	simm.s32 $0x9;
	_ =	strace $0x8000004B  }
0xb4: {  	_ =	swait.ge [sflag:s29], $0x1  }
0xb5: {  	[sflag:s29] =	ssyncadd.s32 $0xFFFFFFFF  }
0xb6: {  	_ =	strace $0x9000004B  }
0xb7: {  	_ =	sfence  }
0xb8: {  	s30 =	sld [smem:$0x0];
	_ =	sdelay $0x2  }
0xb9: {  	s31 =	sshll.u32 s1, $0xD;
	s1 =	sshrl.u32 s1, $0x2  }
0xba: {  	s3 =	sand.u32 $0x4000, s31;
	s1 =	sadd.s32 s1, s30  }
0xbb: {  	s0 =	sor.u32 s3, s0;
	s1 =	sshll.u32 s1, $0x11  }
0xbc: {  	s0 =	sor.u32 s1, s0  }
0xbd: {  	s0 =	sadd.s32 $0x8F2B, s0  }
0xbe: {  	[sflag:s0] =	ssyncadd.remote.s32 $0x1  }
0xbf: {  	_ =	sfence.sel $0xFFFF  }
0xc0: {  	[dreg:$0x0] =	wrdreg $0xFFFFFFFF;
	(pc) =	sbr.abs _section_cstart, $3  }
0xc1: {  	[dreg:$0x1] =	wrdreg $0xFFFFFFFF  }
0xc2: {  	_ =	task.clear_ibuf [dreg:s7], $0x2FFFF;
	_ =	strace $0x9FFFFFFF  }
0xc3: {  	(tm) =	ssettm $0x7FFFFFFF  }
tec
execute0_lowered:
.L_overlay_start_1:
0x0: {  	(tag) =	ssettag $0x1  }
0x1: {  	s0 =	rddreg [dreg:$0x0]  }
0x2: {  	s11 =	rddreg [dreg:$0x1]  }
0x3: {  	s1 =	rddreg [dreg:$0x2]  }
0x4: {  	s2 =	simm.s32 $0x0;
	s5 =	srdreg.scid;
	s4 =	stileid.u32  }
0x5: {  	s20 =	simm.s32 $0x10D00;
	s21 =	simm.s32 $0x1;
	s22 =	simm.s32 $0x2  }
0x6: {  	s23 =	simm.s32 $0x0;
	[smem:$0x7FF] =	sst s2;
	s3 =	sadd.s32 $0x5BC00, s0  }
0x7: {  	s12 =	sadd.s32 $0x3E200, s0;
	s13 =	sadd.s32 $0xCC00, s0;
	s14 =	sadd.s32 $0x48000, s0  }
0x8: {  	s15 =	sadd.s32 $0x2E00, s0;
	s5 =	sand.u32 $0x1, s5;
	s7 =	smul.u32 $0x28000, s4  }
0x9: {  	s16 =	sadd.s32 $0x51E00, s0;
	s17 =	sadd.s32 $0x16A00, s0;
	s18 =	smul.u32 $0xA000, s4  }
0xa: {  	s0 =	sadd.s32 $0x6F600, s0;
	s19 =	smul.u32 $0x9E0, s4;
	s6 =	ssub.s32 $0x2, s5  }
0xb: {  	_ =	strace $0x8000004A;
	p0 =	seq.s32 s5, $0x0;
	s8 =	sshrl.u32 s6, $0x1  }
0xc: {  	s31 =	sshrl.u32 s7, $0x2;
	s5 =	sadd.s32 s18, s1;
	s18 =	sshrl.u32 s18, $0x3  }
0xd: {  	s11 =	smov.u32 @p0 s12;
	s15 =	smov.u32 @p0 s13;
	s16 =	smov.u32 @p0 s14  }
0xe: {  	s0 =	smov.u32 @p0 s17;
	s10 =	ssub.s32 s6, s8;
	s9 =	sadd.s32 s31, s1  }
0xf: {  	s11 =	sadd.s32 s11, s19;
	s12 =	sadd.s32 s15, s19;
	s13 =	sadd.s32 s16, s19  }
0x10: {  	s14 =	sadd.s32 s0, s18;
	s15 =	simm.s32 $0x3;
	s18 =	simm.s32 $0xED00  }
0x11: {  	s19 =	simm.s32 $0x80;
	s6 =	sadd.s32 $0x2000, s9;
	s7 =	sadd.s32 $0x4000, s9  }
0x12: {  	v0 =	vimm.f32 $0.0e+00;
	s8 =	sadd.s32 $0x6000, s9;
	s9 =	sadd.s32 $0x8000, s9;
	s10 =	smax.u32 s10, $0x1  }
.LBB2_1:
0x13: {  	[tilespmem:s2], [sflag:$0x3] =	stream.linear.gather [hbm4b:s11+s2], $0x4F00, $0x38;
	[tilespmem:$0x1CD00] =	vst v63  }
0x14: {  	_ =	swait.ge [sflag:s15], $0x4F00  }
0x15: {  	[sflag:s15] =	ssyncset.done $0x0  }
0x16: {  	s0 =	simm.s32 $0x4F00;
	[sflag:s15] =	ssyncadd.s32 $0xFFFFB100  }
0x17: {  	[tilespmem:s0], [sflag:$0x3] =	stream.linear.gather [hbm4b:s12+s2], $0x4F00, $0x38;
	[tilespmem:$0x1CD00] =	vst v63  }
0x18: {  	_ =	swait.ge [sflag:s15], $0x4F00  }
0x19: {  	[sflag:s15] =	ssyncset.done $0x0  }
0x1a: {  	s31 =	simm.s32 $0x9E00;
	[sflag:s15] =	ssyncadd.s32 $0xFFFFB100  }
0x1b: {  	[tilespmem:s31], [sflag:$0x3] =	stream.linear.gather [hbm4b:s13+s2], $0x4F00, $0x38;
	[tilespmem:$0x1CD00] =	vst v63  }
0x1c: {  	_ =	swait.ge [sflag:s15], $0x4F00  }
0x1d: {  	[sflag:s15] =	ssyncset.done $0x0  }
0x1e: {  	s16 =	simm.s32 $0x100;
	s0 =	simm.s32 $0x0;
	[sflag:s15] =	ssyncadd.s32 $0xFFFFB100  }
.LBB2_2:
0x1f: {  	p0 =	sne.s32 s16, $0x7F00;
	[tilespmem:s0+$0xED30] =	vst v0;
	s17 =	smov.u32 s16;
	s16 =	sadd.s32 $0x100, s16  }
.Ltmp0:
0x20: {  	[tilespmem:s0+$0xED20] =	vst v0;
	(pc) =	sbr.rel @p0 .LBB2_2-.Ltmp0, $3  }
0x21: {  	[tilespmem:s0+$0xED00] =	vst v0  }
0x22: {  	[tilespmem:s0+$0xED10] =	vst v0;
	_ =	sdelay $0x1  }
0x23: {  	s0 =	sshra.s32 s17, $0x2  }
0x24: {  	[tilespmem:s0+$0xED30] =	vst v0  }
0x25: {  	[tilespmem:s0+$0xED20] =	vst v0  }
0x26: {  	[tilespmem:s0+$0xED00] =	vst v0  }
0x27: {  	[tilespmem:s0+$0xED10] =	vst v0  }
0x28: {  	[spmem:s5] =	stream.linear.scatter [tilespmem:s18], [sflag:$0x3], $0x2000, $0x38;
	[tilespmem:$0x1CD00] =	vst v63  }
0x29: {  	_ =	swait.ge [sflag:s15], $0x2000  }
0x2a: {  	[sflag:s15] =	ssyncset.done $0x0  }
0x2b: {  	[sflag:s15] =	ssyncadd.s32 $0xFFFFE000  }
0x2c: {  	[spmem:s6] =	stream.linear.scatter [tilespmem:s18], [sflag:$0x3], $0x2000, $0x38;
	[tilespmem:$0x1CD00] =	vst v63  }
0x2d: {  	_ =	swait.ge [sflag:s15], $0x2000  }
0x2e: {  	[sflag:s15] =	ssyncset.done $0x0  }
0x2f: {  	[sflag:s15] =	ssyncadd.s32 $0xFFFFE000  }
0x30: {  	[spmem:s7] =	stream.linear.scatter [tilespmem:s18], [sflag:$0x3], $0x2000, $0x38;
	[tilespmem:$0x1CD00] =	vst v63  }
0x31: {  	_ =	swait.ge [sflag:s15], $0x2000  }
0x32: {  	[sflag:s15] =	ssyncset.done $0x0  }
0x33: {  	[sflag:s15] =	ssyncadd.s32 $0xFFFFE000  }
0x34: {  	[spmem:s8] =	stream.linear.scatter [tilespmem:s18], [sflag:$0x3], $0x2000, $0x38;
	[tilespmem:$0x1CD00] =	vst v63  }
0x35: {  	_ =	swait.ge [sflag:s15], $0x2000  }
0x36: {  	[sflag:s15] =	ssyncset.done $0x0  }
0x37: {  	[sflag:s15] =	ssyncadd.s32 $0xFFFFE000  }
0x38: {  	[spmem:s9] =	stream.linear.scatter [tilespmem:s18], [sflag:$0x3], $0x2000, $0x38;
	[tilespmem:$0x1CD00] =	vst v63  }
0x39: {  	_ =	swait.ge [sflag:s15], $0x2000  }
0x3a: {  	[sflag:s15] =	ssyncset.done $0x0  }
0x3b: {  	[sflag:s15] =	ssyncadd.s32 $0xFFFFE000  }
0x3c: {  	s24 =	simm.s32 $0x0;
	[bflag:$0x0] =	sbarrier.arrive $0xFFFF  }
0x3d: {  	[tilespmem:s18], [sflag:$0x1] =	stream.indirect.gather [hbm4b:s3+s19], $0x40, s24, s19, $0xb8;
	[tilespmem:$0x1CD00] =	vst v63  }
0x3e: {  	_ = 	snop  }
0x3f: {  	[tilespmem:s20], [sflag:$0x2] =	stream.indirect.gather [hbm4b:s3+s19], $0x40, s19, s19, $0xb8;
	[tilespmem:$0x1CD00] =	vst v63  }
.LBB2_4:
0x40: {  	s26 =	sshll.u32 s24, $0xA  }
0x41: {  	_ =	swait.ge [sflag:s21], $0x2000;
	s25 =	sshrl.u32 s26, $0x2  }
0x42: {  	[sflag:s21] =	ssyncset.done $0x0;
	s0 =	sadd.s32 $0x9E00, s25  }
0x43: {  	s28 =	simm.s32 $0xED80;
	s29 =	simm.s32 $0x0;
	[sflag:s21] =	ssyncadd.s32 $0xFFFFE000;
	v1 =	vmov s0  }
.LBB2_5:
0x44: {  	_ =	sdelay $0x2  }
0x45: {  	s0 =	sshll.u32 s29, $0x4  }
0x46: {  	v2 =	vld.idx.msk [tilespmem:v1+s0+$0x0 ss:$0x1], $0xffff  }
0x47: {  	v4 =	vld [tilespmem:s28+$0x70]  }
0x48: {  	v5 =	vld [tilespmem:s28+$0xFFFFFF80]  }
0x49: {  	s4 =	simm.s32 $0x3;
	v6 =	vld [tilespmem:s28+$0xFFFFFF90]  }
0x4a: {  	s16 =	simm.s32 $0x0;
	v8 =	vld [tilespmem:s28+$0xFFFFFFA0];
	v3 =	vmov s4  }
0x4b: {  	v9 =	vld [tilespmem:s28+$0xFFFFFFB0];
	v7 =	vmov s16;
	v3 =	vperm.xlane v2, v3  }
0x4c: {  	v10 =	vld [tilespmem:s28+$0xFFFFFFC0];
	v7 =	vperm.xlane v2, v7  }
0x4d: {  	v11 =	vld [tilespmem:s28+$0xFFFFFFD0];
	v4 =	vmul.f32 v4, v3  }
0x4e: {  	v13 =	vld [tilespmem:s28+$0xFFFFFFE0];
	s16 =	simm.s32 $0x1;
	v5 =	vmul.f32 v5, v7  }
0x4f: {  	v63 =	vld [tilespmem:s28+$0x0];
	v12 =	vmov s16;
	v6 =	vmul.f32 v6, v7;
	[tilespmem:s28+$0x70] =	vst v4  }
0x50: {  	s17 =	simm.s32 $0x2;
	[tilespmem:s28+$0xFFFFFF80] =	vst v5;
	v4 =	vmul.f32 v8, v7;
	v5 =	vperm.xlane v2, v12;
	v8 =	vld [tilespmem:s28+$0xFFFFFFF0]  }
0x51: {  	[tilespmem:s28+$0xFFFFFF90] =	vst v6;
	v6 =	vmul.f32 v9, v7;
	v7 =	vmov s17  }
0x52: {  	v7 =	vperm.xlane v2, v7;
	[tilespmem:s28+$0xFFFFFFA0] =	vst v4;
	v4 =	vmul.f32 v10, v5;
	v10 =	vld [tilespmem:s28+$0x10]  }
0x53: {  	[tilespmem:s28+$0xFFFFFFB0] =	vst v6;
	v6 =	vmul.f32 v11, v5;
	v11 =	vld [tilespmem:s28+$0x20]  }
0x54: {  	v9 =	vld [tilespmem:s28+$0x30];
	v12 =	vmul.f32 v63, v7;
	[tilespmem:s28+$0xFFFFFFC0] =	vst v4  }
0x55: {  	v4 =	vmul.f32 v13, v5;
	[tilespmem:s28+$0xFFFFFFD0] =	vst v6;
	v5 =	vmul.f32 v8, v5;
	v8 =	vld [tilespmem:s28+$0x40]  }
0x56: {  	v6 =	vld [tilespmem:s28+$0x50];
	[tilespmem:s28+$0x0] =	vst v12  }
0x57: {  	s30 =	sadd.s32 $0x100, s28;
	[tilespmem:s28+$0xFFFFFFE0] =	vst v4;
	v4 =	vld [tilespmem:s28+$0x60];
	v10 =	vmul.f32 v10, v7  }
0x58: {  	s31 =	simm.s32 $0x4;
	s0 =	smov.u32 s28;
	s16 =	simm.s32 $0x8;
	[tilespmem:s28+$0xFFFFFFF0] =	vst v5;
	v5 =	vld [tilespmem:s30+$0x70];
	v11 =	vmul.f32 v11, v7  }
.LBB2_6:
0x59: {  	p0 =	slt.u32 s16, $0xC;
	v12 =	vld [tilespmem:s30+$0xFFFFFF80];
	s17 =	sadd.s32 $0x3, s31;
	[tilespmem:s0+$0x10] =	vst v10;
	v7 =	vmul.f32 v9, v7  }
0x5a: {  	v9 =	vld [tilespmem:s30+$0xFFFFFF90];
	v10 =	vmov s17;
	[tilespmem:s0+$0x20] =	vst v11;
	v8 =	vmul.f32 v8, v3  }
0x5b: {  	v11 =	vmov s31;
	v13 =	vld [tilespmem:s30+$0xFFFFFFA0];
	v10 =	vperm.xlane v2, v10;
	[tilespmem:s0+$0x30] =	vst v7;
	v6 =	vmul.f32 v6, v3  }
0x5c: {  	v7 =	vperm.xlane v2, v11;
	v11 =	vld [tilespmem:s30+$0xFFFFFFB0];
	[tilespmem:s0+$0x40] =	vst v8;
	v4 =	vmul.f32 v4, v3  }
0x5d: {  	v8 =	vld [tilespmem:s30+$0xFFFFFFC0];
	v5 =	vmul.f32 v5, v10;
	[tilespmem:s0+$0x50] =	vst v6;
	v3 =	vmov v10  }
0x5e: {  	s17 =	sadd.s32 $0x1, s31;
	v6 =	vmul.f32 v12, v7;
	v10 =	vld [tilespmem:s30+$0xFFFFFFD0];
	[tilespmem:s0+$0x60] =	vst v4;
	s0 =	smov.u32 s30  }
0x5f: {  	v4 =	vmul.f32 v9, v7;
	v9 =	vmov s17;
	v12 =	vld [tilespmem:s30+$0xFFFFFFE0];
	[tilespmem:s30+$0x70] =	vst v5  }
0x60: {  	[tilespmem:s30+$0xFFFFFF80] =	vst v6;
	v5 =	vmul.f32 v13, v7;
	v6 =	vperm.xlane v2, v9;
	v13 =	vld [tilespmem:s30+$0xFFFFFFF0]  }
0x61: {  	[tilespmem:s30+$0xFFFFFF90] =	vst v4;
	v4 =	vmul.f32 v11, v7;
	v11 =	vld [tilespmem:s30+$0x0]  }
0x62: {  	s17 =	sadd.s32 $0x2, s31;
	s31 =	smov.u32 s16;
	[tilespmem:s30+$0xFFFFFFA0] =	vst v5;
	v5 =	vmul.f32 v8, v6;
	v14 =	vld [tilespmem:s30+$0x10]  }
0x63: {  	v7 =	vmov s17;
	[tilespmem:s30+$0xFFFFFFB0] =	vst v4;
	v4 =	vmul.f32 v10, v6;
	v15 =	vld [tilespmem:s30+$0x20]  }
.Ltmp1:
0x64: {  	v7 =	vperm.xlane v2, v7;
	[tilespmem:s30+$0xFFFFFFC0] =	vst v5;
	v5 =	vmul.f32 v12, v6;
	v9 =	vld [tilespmem:s30+$0x30];
	(pc) =	sbr.rel @p0 .LBB2_6-.Ltmp1, $4  }
0x65: {  	[tilespmem:s30+$0xFFFFFFD0] =	vst v4;
	v4 =	vmul.f32 v13, v6;
	v8 =	vld [tilespmem:s30+$0x40]  }
0x66: {  	[tilespmem:s30+$0xFFFFFFE0] =	vst v5;
	v11 =	vmul.f32 v11, v7;
	v6 =	vld [tilespmem:s30+$0x50]  }
0x67: {  	s30 =	sadd.s32 $0x100, s30;
	[tilespmem:s0+$0xFFFFFFF0] =	vst v4;
	v10 =	vmul.f32 v14, v7;
	v4 =	vld [tilespmem:s0+$0x60]  }
0x68: {  	s16 =	sadd.s32 $0x4, s16;
	v5 =	vld [tilespmem:s30+$0x70];
	[tilespmem:s0+$0x0] =	vst v11;
	v11 =	vmul.f32 v15, v7  }
0x69: {  	v12 =	vld [tilespmem:s30+$0xFFFFFF80];
	s16 =	sadd.s32 $0x3, s31;
	[tilespmem:s0+$0x10] =	vst v10;
	v7 =	vmul.f32 v9, v7  }
0x6a: {  	v40 =	vld [tilespmem:s30+$0xFFFFFF90];
	v41 =	vmov s16;
	[tilespmem:s0+$0x20] =	vst v11;
	v8 =	vmul.f32 v8, v3  }
0x6b: {  	v42 =	vmov s31;
	v13 =	vld [tilespmem:s30+$0xFFFFFFA0];
	v10 =	vperm.xlane v2, v41;
	[tilespmem:s0+$0x30] =	vst v7;
	v6 =	vmul.f32 v6, v3  }
0x6c: {  	v45 =	vld [tilespmem:s30+$0xFFFFFFC0];
	v43 =	vperm.xlane v2, v42;
	[tilespmem:s0+$0x40] =	vst v8;
	v3 =	vmul.f32 v4, v3  }
0x6d: {  	v44 =	vld [tilespmem:s30+$0xFFFFFFB0];
	s17 =	sadd.s32 $0x1, s31;
	v5 =	vmul.f32 v5, v10;
	[tilespmem:s0+$0x50] =	vst v6  }
0x6e: {  	v49 =	vld [tilespmem:s30+$0xFFFFFFE0];
	v48 =	vmov s17;
	v46 =	vmul.f32 v12, v43;
	[tilespmem:s0+$0x60] =	vst v3  }
0x6f: {  	v47 =	vld [tilespmem:s30+$0xFFFFFFD0];
	v51 =	vperm.xlane v2, v48;
	v3 =	vmul.f32 v40, v43;
	[tilespmem:s30+$0x70] =	vst v5  }
0x70: {  	v53 =	vld [tilespmem:s30+$0x0];
	v50 =	vmul.f32 v13, v43;
	[tilespmem:s30+$0xFFFFFF80] =	vst v46  }
0x71: {  	v52 =	vld [tilespmem:s30+$0xFFFFFFF0];
	s31 =	sadd.s32 $0x2, s31;
	v4 =	vmul.f32 v45, v51;
	[tilespmem:s30+$0xFFFFFF90] =	vst v3  }
0x72: {  	v56 =	vld [tilespmem:s30+$0x20];
	v55 =	vmov s31;
	v3 =	vmul.f32 v44, v43;
	[tilespmem:s30+$0xFFFFFFA0] =	vst v50  }
0x73: {  	v54 =	vld [tilespmem:s30+$0x10];
	v2 =	vperm.xlane v2, v55;
	v57 =	vmul.f32 v49, v51;
	[tilespmem:s30+$0xFFFFFFC0] =	vst v4  }
0x74: {  	v58 =	vld [tilespmem:s30+$0x30];
	[tilespmem:s30+$0xFFFFFFB0] =	vst v3;
	v3 =	vmul.f32 v47, v51  }
0x75: {  	v59 =	vld [tilespmem:s30+$0x40];
	v60 =	vmul.f32 v53, v2;
	[tilespmem:s30+$0xFFFFFFE0] =	vst v57  }
0x76: {  	v61 =	vld [tilespmem:s30+$0x50];
	[tilespmem:s30+$0xFFFFFFD0] =	vst v3;
	v3 =	vmul.f32 v52, v51  }
0x77: {  	v62 =	vld [tilespmem:s30+$0x60];
	v63 =	vmul.f32 v56, v2;
	[tilespmem:s30+$0x0] =	vst v60  }
0x78: {  	s29 =	sadd.s32 $0x1, s29;
	[tilespmem:s30+$0xFFFFFFF0] =	vst v3;
	v3 =	vmul.f32 v54, v2  }
0x79: {  	p0 =	sne.s32 s29, $0x8;
	[tilespmem:s30+$0x20] =	vst v63;
	v2 =	vmul.f32 v58, v2  }
.Ltmp2:
0x7a: {  	[tilespmem:s30+$0x10] =	vst v3;
	v3 =	vmul.f32 v59, v10;
	(pc) =	sbr.rel @p0 .LBB2_5-.Ltmp2, $4  }
0x7b: {  	[tilespmem:s30+$0x30] =	vst v2;
	v2 =	vmul.f32 v61, v10  }
0x7c: {  	[tilespmem:s30+$0x40] =	vst v3;
	v3 =	vmul.f32 v62, v10  }
0x7d: {  	[tilespmem:s30+$0x50] =	vst v2  }
0x7e: {  	s28 =	sadd.s32 $0x400, s28;
	[tilespmem:s30+$0x60] =	vst v3  }
0x7f: {  	s0 =	sadd.s32 $0x4F00, s25  }
0x80: {  	[spmem:s1] =	stream.indirect.scatter.add.f32 [tilespmem:s18], [sflag:$0x3], $0x40, s0, s19, $0xb8;
	[tilespmem:$0x1CD00] =	vst v63  }
0x81: {  	s25 =	sshll.u32 s24, $0x8;
	_ =	swait.ge [sflag:s15], $0x2000  }
0x82: {  	p0 =	seq.s32 s24, $0x4E;
	s0 =	sadd.s32 $0x100, s25;
	[sflag:s15] =	ssyncset.done $0x0  }
0x83: {  	s31 =	sor.u32 $0x200, s26;
	s0 =	simm.s32 @p0 $0x0;
	[sflag:s15] =	ssyncadd.s32 $0xFFFFE000  }
0x84: {  	[tilespmem:s18], [sflag:$0x1] =	stream.indirect.gather [hbm4b:s3+s19], $0x40, s0, s19, $0xb8;
	[tilespmem:$0x1CD00] =	vst v63  }
0x85: {  	s26 =	sshrl.u32 s31, $0x2;
	_ =	swait.ge [sflag:s22], $0x2000  }
0x86: {  	s28 =	simm.s32 $0x0;
	s0 =	sadd.s32 $0x9E00, s26;
	[sflag:s22] =	ssyncset.done $0x0  }
0x87: {  	s16 =	simm.s32 $0x10D80;
	s30 =	simm.s32 $0x0;
	v1 =	vmov s0;
	[sflag:s22] =	ssyncadd.s32 $0xFFFFE000  }
.LBB2_9:
0x88: {  	_ =	sdelay $0x2  }
0x89: {  	s0 =	sshll.u32 s30, $0x4  }
0x8a: {  	v2 =	vld.idx.msk [tilespmem:v1+s0+$0x0 ss:$0x1], $0xffff  }
0x8b: {  	v4 =	vld [tilespmem:s16+$0x70]  }
0x8c: {  	v5 =	vld [tilespmem:s16+$0xFFFFFF80]  }
0x8d: {  	s17 =	simm.s32 $0x3;
	v6 =	vld [tilespmem:s16+$0xFFFFFF90]  }
0x8e: {  	v8 =	vld [tilespmem:s16+$0xFFFFFFA0];
	v3 =	vmov s17  }
0x8f: {  	v7 =	vmov s28;
	v9 =	vld [tilespmem:s16+$0xFFFFFFB0];
	v3 =	vperm.xlane v2, v3  }
0x90: {  	v10 =	vld [tilespmem:s16+$0xFFFFFFC0];
	v7 =	vperm.xlane v2, v7  }
0x91: {  	v11 =	vld [tilespmem:s16+$0xFFFFFFD0];
	v4 =	vmul.f32 v4, v3  }
0x92: {  	s4 =	simm.s32 $0x1;
	v13 =	vld [tilespmem:s16+$0xFFFFFFE0];
	v5 =	vmul.f32 v5, v7  }
0x93: {  	v63 =	vld [tilespmem:s16+$0x0];
	v12 =	vmov s4;
	v6 =	vmul.f32 v6, v7;
	[tilespmem:s16+$0x70] =	vst v4  }
0x94: {  	s17 =	simm.s32 $0x2;
	[tilespmem:s16+$0xFFFFFF80] =	vst v5;
	v4 =	vmul.f32 v8, v7;
	v5 =	vperm.xlane v2, v12;
	v8 =	vld [tilespmem:s16+$0xFFFFFFF0]  }
0x95: {  	[tilespmem:s16+$0xFFFFFF90] =	vst v6;
	v6 =	vmul.f32 v9, v7;
	v7 =	vmov s17  }
0x96: {  	v7 =	vperm.xlane v2, v7;
	[tilespmem:s16+$0xFFFFFFA0] =	vst v4;
	v4 =	vmul.f32 v10, v5;
	v10 =	vld [tilespmem:s16+$0x10]  }
0x97: {  	[tilespmem:s16+$0xFFFFFFB0] =	vst v6;
	v6 =	vmul.f32 v11, v5;
	v11 =	vld [tilespmem:s16+$0x20]  }
0x98: {  	v9 =	vld [tilespmem:s16+$0x30];
	v12 =	vmul.f32 v63, v7;
	[tilespmem:s16+$0xFFFFFFC0] =	vst v4  }
0x99: {  	v4 =	vmul.f32 v13, v5;
	[tilespmem:s16+$0xFFFFFFD0] =	vst v6;
	v5 =	vmul.f32 v8, v5;
	v8 =	vld [tilespmem:s16+$0x40]  }
0x9a: {  	v6 =	vld [tilespmem:s16+$0x50];
	[tilespmem:s16+$0x0] =	vst v12  }
0x9b: {  	s31 =	sadd.s32 $0x100, s16;
	[tilespmem:s16+$0xFFFFFFE0] =	vst v4;
	v4 =	vld [tilespmem:s16+$0x60];
	v10 =	vmul.f32 v10, v7  }
0x9c: {  	s29 =	smov.u32 s16;
	s0 =	simm.s32 $0x4;
	s17 =	simm.s32 $0x8;
	[tilespmem:s16+$0xFFFFFFF0] =	vst v5;
	v5 =	vld [tilespmem:s31+$0x70];
	v11 =	vmul.f32 v11, v7  }
.LBB2_10:
0x9d: {  	p1 =	slt.u32 s17, $0xC;
	v12 =	vld [tilespmem:s31+$0xFFFFFF80];
	s4 =	sadd.s32 $0x3, s0;
	[tilespmem:s29+$0x10] =	vst v10;
	v7 =	vmul.f32 v9, v7  }
0x9e: {  	v9 =	vld [tilespmem:s31+$0xFFFFFF90];
	v10 =	vmov s4;
	[tilespmem:s29+$0x20] =	vst v11;
	v8 =	vmul.f32 v8, v3  }
0x9f: {  	v11 =	vmov s0;
	v13 =	vld [tilespmem:s31+$0xFFFFFFA0];
	v10 =	vperm.xlane v2, v10;
	[tilespmem:s29+$0x30] =	vst v7;
	v6 =	vmul.f32 v6, v3  }
0xa0: {  	v7 =	vperm.xlane v2, v11;
	v11 =	vld [tilespmem:s31+$0xFFFFFFB0];
	[tilespmem:s29+$0x40] =	vst v8;
	v4 =	vmul.f32 v4, v3  }
0xa1: {  	v8 =	vld [tilespmem:s31+$0xFFFFFFC0];
	v5 =	vmul.f32 v5, v10;
	[tilespmem:s29+$0x50] =	vst v6;
	v3 =	vmov v10  }
0xa2: {  	s4 =	sadd.s32 $0x1, s0;
	v6 =	vmul.f32 v12, v7;
	v10 =	vld [tilespmem:s31+$0xFFFFFFD0];
	[tilespmem:s29+$0x60] =	vst v4;
	s29 =	smov.u32 s31  }
0xa3: {  	v4 =	vmul.f32 v9, v7;
	v9 =	vmov s4;
	v12 =	vld [tilespmem:s31+$0xFFFFFFE0];
	[tilespmem:s31+$0x70] =	vst v5  }
0xa4: {  	[tilespmem:s31+$0xFFFFFF80] =	vst v6;
	v5 =	vmul.f32 v13, v7;
	v6 =	vperm.xlane v2, v9;
	v13 =	vld [tilespmem:s31+$0xFFFFFFF0]  }
0xa5: {  	[tilespmem:s31+$0xFFFFFF90] =	vst v4;
	v4 =	vmul.f32 v11, v7;
	v11 =	vld [tilespmem:s31+$0x0]  }
0xa6: {  	s4 =	sadd.s32 $0x2, s0;
	s0 =	smov.u32 s17;
	[tilespmem:s31+$0xFFFFFFA0] =	vst v5;
	v5 =	vmul.f32 v8, v6;
	v14 =	vld [tilespmem:s31+$0x10]  }
0xa7: {  	v7 =	vmov s4;
	[tilespmem:s31+$0xFFFFFFB0] =	vst v4;
	v4 =	vmul.f32 v10, v6;
	v15 =	vld [tilespmem:s31+$0x20]  }
.Ltmp3:
0xa8: {  	v7 =	vperm.xlane v2, v7;
	[tilespmem:s31+$0xFFFFFFC0] =	vst v5;
	v5 =	vmul.f32 v12, v6;
	v9 =	vld [tilespmem:s31+$0x30];
	(pc) =	sbr.rel @p1 .LBB2_10-.Ltmp3, $4  }
0xa9: {  	[tilespmem:s31+$0xFFFFFFD0] =	vst v4;
	v4 =	vmul.f32 v13, v6;
	v8 =	vld [tilespmem:s31+$0x40]  }
0xaa: {  	[tilespmem:s31+$0xFFFFFFE0] =	vst v5;
	v11 =	vmul.f32 v11, v7;
	v6 =	vld [tilespmem:s31+$0x50]  }
0xab: {  	s31 =	sadd.s32 $0x100, s31;
	[tilespmem:s29+$0xFFFFFFF0] =	vst v4;
	v10 =	vmul.f32 v14, v7;
	v4 =	vld [tilespmem:s29+$0x60]  }
0xac: {  	s17 =	sadd.s32 $0x4, s17;
	v5 =	vld [tilespmem:s31+$0x70];
	[tilespmem:s29+$0x0] =	vst v11;
	v11 =	vmul.f32 v15, v7  }
0xad: {  	v12 =	vld [tilespmem:s31+$0xFFFFFF80];
	s4 =	sadd.s32 $0x3, s0;
	[tilespmem:s29+$0x10] =	vst v10;
	v7 =	vmul.f32 v9, v7  }
0xae: {  	v40 =	vld [tilespmem:s31+$0xFFFFFF90];
	v41 =	vmov s4;
	[tilespmem:s29+$0x20] =	vst v11;
	v8 =	vmul.f32 v8, v3  }
0xaf: {  	v42 =	vmov s0;
	v13 =	vld [tilespmem:s31+$0xFFFFFFA0];
	v10 =	vperm.xlane v2, v41;
	[tilespmem:s29+$0x30] =	vst v7;
	v6 =	vmul.f32 v6, v3  }
0xb0: {  	v45 =	vld [tilespmem:s31+$0xFFFFFFC0];
	v43 =	vperm.xlane v2, v42;
	[tilespmem:s29+$0x40] =	vst v8;
	v3 =	vmul.f32 v4, v3  }
0xb1: {  	v44 =	vld [tilespmem:s31+$0xFFFFFFB0];
	s17 =	sadd.s32 $0x1, s0;
	v5 =	vmul.f32 v5, v10;
	[tilespmem:s29+$0x50] =	vst v6  }
0xb2: {  	v49 =	vld [tilespmem:s31+$0xFFFFFFE0];
	v48 =	vmov s17;
	v46 =	vmul.f32 v12, v43;
	[tilespmem:s29+$0x60] =	vst v3  }
0xb3: {  	v47 =	vld [tilespmem:s31+$0xFFFFFFD0];
	v51 =	vperm.xlane v2, v48;
	v3 =	vmul.f32 v40, v43;
	[tilespmem:s31+$0x70] =	vst v5  }
0xb4: {  	v53 =	vld [tilespmem:s31+$0x0];
	v50 =	vmul.f32 v13, v43;
	[tilespmem:s31+$0xFFFFFF80] =	vst v46  }
0xb5: {  	v52 =	vld [tilespmem:s31+$0xFFFFFFF0];
	v4 =	vmul.f32 v45, v51;
	s29 =	sadd.s32 $0x2, s0;
	[tilespmem:s31+$0xFFFFFF90] =	vst v3  }
0xb6: {  	v56 =	vld [tilespmem:s31+$0x20];
	v55 =	vmov s29;
	v3 =	vmul.f32 v44, v43;
	[tilespmem:s31+$0xFFFFFFA0] =	vst v50  }
0xb7: {  	v54 =	vld [tilespmem:s31+$0x10];
	v57 =	vmul.f32 v49, v51;
	[tilespmem:s31+$0xFFFFFFC0] =	vst v4;
	v2 =	vperm.xlane v2, v55  }
0xb8: {  	v58 =	vld [tilespmem:s31+$0x30];
	[tilespmem:s31+$0xFFFFFFB0] =	vst v3;
	v3 =	vmul.f32 v47, v51  }
0xb9: {  	v59 =	vld [tilespmem:s31+$0x40];
	[tilespmem:s31+$0xFFFFFFE0] =	vst v57;
	v60 =	vmul.f32 v53, v2  }
0xba: {  	v61 =	vld [tilespmem:s31+$0x50];
	[tilespmem:s31+$0xFFFFFFD0] =	vst v3;
	v3 =	vmul.f32 v52, v51  }
0xbb: {  	v62 =	vld [tilespmem:s31+$0x60];
	v63 =	vmul.f32 v56, v2;
	[tilespmem:s31+$0x0] =	vst v60  }
0xbc: {  	s30 =	sadd.s32 $0x1, s30;
	[tilespmem:s31+$0xFFFFFFF0] =	vst v3;
	v3 =	vmul.f32 v54, v2  }
0xbd: {  	p1 =	sne.s32 s30, $0x8;
	[tilespmem:s31+$0x20] =	vst v63;
	v2 =	vmul.f32 v58, v2  }
.Ltmp4:
0xbe: {  	[tilespmem:s31+$0x10] =	vst v3;
	v3 =	vmul.f32 v59, v10;
	(pc) =	sbr.rel @p1 .LBB2_9-.Ltmp4, $4  }
0xbf: {  	[tilespmem:s31+$0x30] =	vst v2;
	v2 =	vmul.f32 v61, v10  }
0xc0: {  	[tilespmem:s31+$0x40] =	vst v3;
	v3 =	vmul.f32 v62, v10  }
0xc1: {  	[tilespmem:s31+$0x50] =	vst v2  }
0xc2: {  	s16 =	sadd.s32 $0x400, s16;
	[tilespmem:s31+$0x60] =	vst v3  }
0xc3: {  	s0 =	sadd.s32 $0x4F00, s26  }
0xc4: {  	[spmem:s1] =	stream.indirect.scatter.add.f32 [tilespmem:s20], [sflag:$0x3], $0x40, s0, s19, $0xb8;
	[tilespmem:$0x1CD00] =	vst v63  }
0xc5: {  	s24 =	sadd.s32 $0x1, s24;
	s0 =	sadd.s32 $0x180, s25  }
0xc6: {  	s0 =	simm.s32 @p0 $0x0;
	p0 =	sne.s32 s24, $0x4F  }
.Ltmp5:
0xc7: {  	_ = 	snop;
	(pc) =	sbr.rel @p0 .LBB2_4-.Ltmp5, $4  }
0xc8: {  	_ =	swait.ge [sflag:s15], $0x2000  }
0xc9: {  	[sflag:s15] =	ssyncset.done $0x0  }
0xca: {  	[sflag:s15] =	ssyncadd.s32 $0xFFFFE000  }
0xcb: {  	[tilespmem:s20], [sflag:$0x2] =	stream.indirect.gather [hbm4b:s3+s19], $0x40, s0, s19, $0xb8;
	[tilespmem:$0x1CD00] =	vst v63  }
0xcc: {  	_ =	swait.ge [sflag:s21], $0x2000  }
0xcd: {  	[sflag:s21] =	ssyncset.done $0x0  }
0xce: {  	[sflag:s21] =	ssyncadd.s32 $0xFFFFE000  }
0xcf: {  	s0 =	stileid.u32;
	_ =	swait.ge [sflag:s22], $0x2000  }
0xd0: {  	s4 =	sshrl.u32 s5, $0x3;
	s23 =	sadd.s32 $0x1, s23;
	[sflag:s22] =	ssyncset.done $0x0  }
0xd1: {  	s0 =	sshll.u32 s0, $0x6;
	p0 =	sne.s32 s23, s10;
	[sflag:s22] =	ssyncadd.s32 $0xFFFFE000  }
.Ltmp6:
0xd2: {  	s0 =	sor.u32 $0x1C03, s0;
	[bflag:$0x0] =	sbarrier.arrive $0xFFFF;
	(pc) =	sbr.rel @p0 .LBB2_1-.Ltmp6, $4  }
0xd3: {  	[hbm:s14], [sflag:s0] =	dma.local [spmem:s4], $0x1400  }
0xd4: {  	_ =	swait.ge [sflag:s15], $0x1400  }
0xd5: {  	[sflag:s15] =	ssyncset.done $0x0  }
0xd6: {  	[sflag:s15] =	ssyncadd.s32 $0xFFFFEC00  }
0xd7: {  	_ =	sfence.sel $0x180000  }
0xd8: {  	[bflag:$0x0] =	sbarrier.arrive $0xFFFF  }
0xd9: {  	_ =	strace $0x9000004A  }
0xda: {  	s0 =	stileid.u32;
	[bflag:$0x2] =	sbarrier.arrive $0xFFFF  }
0xdb: {  	p0 =	sne.s32 s0, $0x0;
	s0 =	rddreg [dreg:$0x3]  }
0xdc: {  	s0 =	sadd.s32 @!p0 $0x100000, s0  }
0xdd: {  	[sflag:s0] =	ssyncadd.tile.s32 @!p0 $0x1;
	_ =	shalt  }
.Lfunc_end2:
_tile_overlayer_lowered:
.L_overlay_start_2:
0xde: {  	(tag) =	ssettag $0x2  }
0xdf: {  	s0 =	rddreg [dreg:$0x0];
	s2 =	stileid.u32  }
0xe0: {  	s1 =	rddreg [dreg:$0x1];
	p0 =	sne.s32 s2, $0x0  }
0xe1: {  	s3 =	rddreg [dreg:$0x2];
	[bflag:$0x3] =	sbarrier.arrive $0xFFFF;
	s2 =	simm.s32 @!p0 $0x1C03  }
0xe2: {  	[timem:s3], [sflag:s2] =	dma.local @!p0 [hbm:s0], s1  }
0xe3: {  	s0 =	simm.s32 @!p0 $0x3  }
0xe4: {  	_ =	swait.ge @!p0 [sflag:s0], s1  }
0xe5: {  	s1 =	ssub.s32 @!p0 $0x0, s1;
	[sflag:s0] =	ssyncset.done @!p0 $0x0  }
0xe6: {  	[sflag:s0] =	ssyncadd.s32 @!p0 s1  }
0xe7: {  	[bflag:$0x3] =	sbarrier.arrive $0xFFFF  }
0xe8: {  	_ =	shalt  }

// kernel: kernel.14.cloned.1.call-start
scs
__scs_entry_jumppad:
0x0: {  	(pc) =	sbr.rel $0x88, $3  }
0x1: {  	(tag) =	ssettag $0x0;
	lr =	simm.s32 $0x1  }
0x2: {  	[smem:$0x3F94] =	sst lr;
	_ =	strace $0xD0000000  }
0x3: {  	_ = 	snop  }
0x4: {  	_ = 	snop  }
0x5: {  	_ = 	snop  }
0x6: {  	_ = 	snop  }
0x7: {  	_ = 	snop  }
__scs_overlays_trampoline_lowered:
0x8: {  	[smem:$0x3FA3] =	sst s0  }
0x9: {  	[smem:$0x3FA4] =	sst s1  }
0xa: {  	[smem:$0x3FA5] =	sst s2  }
0xb: {  	[smem:$0x3FA6] =	sst s3  }
0xc: {  	[smem:$0x3FA7] =	sst s4  }
0xd: {  	[smem:$0x3FA8] =	sst s5  }
0xe: {  	[smem:$0x3FA9] =	sst s6  }
0xf: {  	[smem:$0x3FAA] =	sst s7  }
0x10: {  	[smem:$0x3FAB] =	sst s8  }
0x11: {  	[smem:$0x3FAC] =	sst s9;
	s0 =	simm.s32 @!p0 $0x0  }
0x12: {  	s1 =	sld [smem:$0x3F92];
	s0 =	simm.s32 @p0 $0x1  }
0x13: {  	[smem:$0x3FAD] =	sst s0;
	s0 =	simm.s32 @!p1 $0x0  }
0x14: {  	s2 =	sld [smem:$0x3F91];
	s0 =	simm.s32 @p1 $0x1  }
0x15: {  	[smem:$0x3FAE] =	sst s0;
	s0 =	simm.s32 @!p2 $0x0  }
0x16: {  	s3 =	sld [smem:$0x3FDB];
	s0 =	simm.s32 @p2 $0x1  }
0x17: {  	s4 =	simm.s32 $0x1BF5;
	[smem:$0x3FB0] =	sst s0  }
0x18: {  	s0 =	sld [smem:$0x3F93];
	_ =	swait.ge [sflag:s4], $0x0  }
0x19: {  	s7 =	sld [smem:$0x3F94]  }
0x1a: {  	s8 =	sadd.s32 $0xFFFFE003, lr  }
0x1b: {  	s9 =	sadd.s32 $0xFFFFFEF7, lr;
	s5 =	simm.s32 $0xFFFFFFFF;
	p2 =	slt.u32 s8, $0xFFFFF086  }
0x1c: {  	p1 =	slt.u32 s9, $0xF7A;
	s5 =	simm.s32 @!p2 $0x0  }
0x1d: {  	s5 =	simm.s32 @p1 $0x1;
	p0 =	seq.s32 s7, s2  }
0x1e: {  	s7 =	smul.u32 @!p0 $0xF7A, s2;
	p2 =	seq.s32 @!p0 s5, $0x0  }
0x1f: {  	s9 =	smul.u32 $0xF7A, s1;
	s8 =	simm.s32 @!p0 $0x1BF5;
	p2 =	por !p2, p0  }
0x20: {  	[sflag:s8] =	ssyncset.s32 @!p0 $0xFFFFF086;
	s6 =	sadd.s32 @!p0 s3, s7;
	s7 =	simm.s32 @!p0 $0x108  }
0x21: {  	s3 =	sadd.s32 s3, s9;
	s6 =	sadd.s32 @!p0 $0x88, s6;
	s7 =	simm.s32 @p2 $0x1082  }
0x22: {  	[simem:s7], [sflag:s8] =	dma.local @!p0 [hbm:s6], $0xF7A  }
0x23: {  	s9 =	sor.u32 $0xD0000000, s2;
	s6 =	simm.s32 $0x108;
	_ =	swait.ge @!p0 [sflag:s8], $0x0  }
0x24: {  	s3 =	sadd.s32 $0x88, s3;
	s6 =	simm.s32 @!p1 $0x1082;
	[sflag:s4] =	ssyncset.s32 $0xFFFFF086  }
0x25: {  	[simem:s6], [sflag:s4] =	dma.local [hbm:s3], $0xF7A  }
0x26: {  	[smem:$0x3F94] =	sst s1;
	(tag) =	ssettag s2;
	_ =	strace s9  }
0x27: {  	s1 =	sld [smem:$0x3FA4]  }
0x28: {  	s2 =	sld [smem:$0x3FA5]  }
0x29: {  	s4 =	sld [smem:$0x3FA7]  }
0x2a: {  	p0 =	seq.s32 s5, $0x0;
	s5 =	sld [smem:$0x3FA8]  }
0x2b: {  	s6 =	sld [smem:$0x3FA9]  }
0x2c: {  	s7 =	sld [smem:$0x3FAA]  }
0x2d: {  	s3 =	simm.s32 $0x108;
	s8 =	sld [smem:$0x3FAB]  }
0x2e: {  	s3 =	simm.s32 @!p0 $0x1082;
	s9 =	sld [smem:$0x3FAC]  }
0x2f: {  	lr =	sadd.s32 s0, s3;
	s0 =	sld [smem:$0x3FA3]  }
0x30: {  	s3 =	sld [smem:$0x3FA6]  }
0x31: {  	[smem:$0x3FAF] =	sst s10  }
0x32: {  	s10 =	sld [smem:$0x3FAD];
	_ =	sdelay $0x3  }
0x33: {  	p0 =	seq.s32 s10, $0x1;
	s10 =	sld [smem:$0x3FAF];
	_ =	sdelay $0x3  }
0x34: {  	[smem:$0x3FAF] =	sst s10  }
0x35: {  	s10 =	sld [smem:$0x3FAE];
	_ =	sdelay $0x3  }
0x36: {  	p1 =	seq.s32 s10, $0x1;
	s10 =	sld [smem:$0x3FAF];
	_ =	sdelay $0x3  }
0x37: {  	[smem:$0x3FAF] =	sst s10  }
0x38: {  	s10 =	sld [smem:$0x3FB0]  }
0x39: {  	_ = 	snop;
	(pc) =	sbr.ind lr, $3  }
0x3a: {  	_ = 	snop  }
0x3b: {  	_ = 	snop  }
0x3c: {  	p2 =	seq.s32 s10, $0x1;
	s10 =	sld [smem:$0x3FAF]  }
0x3d: {  	_ =	shalt  }
0x3e: {  	_ =	shalt  }
0x3f: {  	_ =	shalt  }
0x40: {  	_ =	shalt  }
0x41: {  	_ =	shalt  }
0x42: {  	_ =	shalt  }
0x43: {  	_ =	shalt  }
0x44: {  	_ =	shalt  }
0x45: {  	_ =	shalt  }
0x46: {  	_ =	shalt  }
0x47: {  	_ =	shalt  }
0x48: {  	_ =	shalt  }
0x49: {  	_ =	shalt  }
0x4a: {  	_ =	shalt  }
0x4b: {  	_ =	shalt  }
0x4c: {  	_ =	shalt  }
0x4d: {  	_ =	shalt  }
0x4e: {  	_ =	shalt  }
0x4f: {  	_ =	shalt  }
0x50: {  	_ =	shalt  }
0x51: {  	_ =	shalt  }
0x52: {  	_ =	shalt  }
0x53: {  	_ =	shalt  }
0x54: {  	_ =	shalt  }
0x55: {  	_ =	shalt  }
0x56: {  	_ =	shalt  }
0x57: {  	_ =	shalt  }
0x58: {  	_ =	shalt  }
0x59: {  	_ =	shalt  }
0x5a: {  	_ =	shalt  }
0x5b: {  	_ =	shalt  }
0x5c: {  	_ =	shalt  }
0x5d: {  	_ =	shalt  }
0x5e: {  	_ =	shalt  }
0x5f: {  	_ =	shalt  }
0x60: {  	_ =	shalt  }
0x61: {  	_ =	shalt  }
0x62: {  	_ =	shalt  }
0x63: {  	_ =	shalt  }
0x64: {  	_ =	shalt  }
0x65: {  	_ =	shalt  }
0x66: {  	_ =	shalt  }
0x67: {  	_ =	shalt  }
0x68: {  	_ =	shalt  }
0x69: {  	_ =	shalt  }
0x6a: {  	_ =	shalt  }
0x6b: {  	_ =	shalt  }
0x6c: {  	_ =	shalt  }
0x6d: {  	_ =	shalt  }
0x6e: {  	_ =	shalt  }
0x6f: {  	_ =	shalt  }
0x70: {  	_ =	shalt  }
0x71: {  	_ =	shalt  }
0x72: {  	_ =	shalt  }
0x73: {  	_ =	shalt  }
0x74: {  	_ =	shalt  }
0x75: {  	_ =	shalt  }
0x76: {  	_ =	shalt  }
0x77: {  	_ =	shalt  }
0x78: {  	_ =	shalt  }
0x79: {  	_ =	shalt  }
0x7a: {  	_ =	shalt  }
0x7b: {  	_ =	shalt  }
0x7c: {  	_ =	shalt  }
0x7d: {  	_ =	shalt  }
0x7e: {  	_ =	shalt  }
0x7f: {  	_ =	shalt  }
0x80: {  	_ =	shalt  }
0x81: {  	_ =	shalt  }
0x82: {  	_ =	shalt  }
0x83: {  	_ =	shalt  }
0x84: {  	_ =	shalt  }
0x85: {  	_ =	shalt  }
0x86: {  	_ =	shalt  }
0x87: {  	_ =	shalt  }
.Lfunc_end0:
.L_simem_size_0:
called_computation.2_lowered:
.L_overlay_start_0:
0x88: {  	s2 =	sld [smem:$0x3FD9]  }
0x89: {  	s3 =	sld [smem:$0x3FFE];
	_ =	sdelay $0x1  }
0x8a: {  	s1 =	srdreg.scid  }
0x8b: {  	s0 =	sand.u32 $0x1, s1  }
0x8c: {  	s17 =	sshll.u32 s0, $0xA;
	s2 =	sadd.s32 s3, s2  }
0x8d: {  	s2 =	sadd.s32 s2, s17  }
0x8e: {  	[smem:$0x3FBB] =	sst s2  }
0x8f: {  	_ = 	snop  }
0x90: {  	s2 =	sld [smem:$0x3FD0];
	(tm) =	ssettm $0x1  }
0x91: {  	s18 =	sld [smem:$0x3FFB];
	_ =	sdelay $0x3  }
0x92: {  	_ =	strace s18  }
0x93: {  	s3 =	sld [smem:$0x3FFC];
	_ =	sdelay $0x3  }
0x94: {  	_ =	strace s3  }
0x95: {  	s3 =	sld [smem:$0x3FFD];
	_ =	sdelay $0x3  }
0x96: {  	_ =	strace s3  }
0x97: {  	_ =	strace $0x8FFFFFFF  }
0x98: {  	s19 =	sld [smem:$0x3FDB];
	_ =	sdelay $0x1  }
0x99: {  	s4 =	simm.s32 $_scs_section_size  }
0x9a: {  	s5 =	simm.s32 $_size__tile_overlayer_lowered;
	s6 =	simm.s32 $_tile_overlayer_lowered  }
0x9b: {  	s22 =	simm.s32 $0x1BFF;
	s21 =	sshll.u32 s6, $0x1;
	s3 =	sadd.s32 s4, s19  }
0x9c: {  	s7 =	simm.s32 $0x0;
	s20 =	sshll.u32 s5, $0x1;
	s5 =	sadd.s32 s21, s3  }
0x9d: {  	[timem:s7], [sflag:s22] =	dma.local [hbm:s5], s20  }
0x9e: {  	_ =	swait.ge [sflag:s22], s20  }
0x9f: {  	s4 =	ssub.s32 $0x0, s20;
	[sflag:s22] =	ssyncset.done $0x0  }
0xa0: {  	[sflag:s22] =	ssyncadd.s32 s4;
	_ =	sdelay $0x1  }
0xa1: {  	s23 =	simm.s32 $0x1B8B  }
0xa2: {  	_ =	swait.ge [sflag:s23], $0x1  }
0xa3: {  	[sflag:s23] =	ssyncset.done $0x0  }
0xa4: {  	s25 =	simm.s32 $0x1B8E;
	s24 =	sld [smem:$0x3FFE];
	[sflag:s23] =	ssyncadd.s32 $0xFFFFFFFF  }
0xa5: {  	s26 =	simm.s32 $execute0_lowered;
	[smem:$0x3FD2] =	sst s25  }
0xa6: {  	s5 =	sshll.u32 s26, $0x1;
	_ =	strace $0x8000004C;
	[dreg:$0x1] =	wrdreg $0xFFFFFFFF  }
0xa7: {  	s28 =	simm.s32 $_size_execute0_lowered;
	s3 =	sadd.s32 s3, s5;
	[dreg:$0x0] =	wrdreg $0x0  }
0xa8: {  	s5 =	sshll.u32 s28, $0x1;
	[dreg:$0x2] =	wrdreg s3  }
0xa9: {  	[dreg:$0x3] =	wrdreg s5  }
0xaa: {  	[dreg:$0x4] =	wrdreg $0xC0  }
0xab: {  	_ =	task [dreg:s7], $0x5FFFF  }
0xac: {  	[dreg:$0x1] =	wrdreg $0xFFFFFFFF  }
0xad: {  	[dreg:$0x0] =	wrdreg $0x60  }
0xae: {  	[dreg:$0x2] =	wrdreg s24  }
0xaf: {  	[dreg:$0x3] =	wrdreg s2  }
0xb0: {  	[dreg:$0x4] =	wrdreg $0x12D000  }
0xb1: {  	[dreg:$0x5] =	wrdreg $0x9  }
0xb2: {  	_ =	task.clear_ibuf [dreg:s7], $0x6FFFF;
	_ =	strace $0x9000004C  }
0xb3: {  	s29 =	simm.s32 $0x9;
	_ =	strace $0x8000004E  }
0xb4: {  	_ =	swait.ge [sflag:s29], $0x1  }
0xb5: {  	[sflag:s29] =	ssyncadd.s32 $0xFFFFFFFF  }
0xb6: {  	_ =	strace $0x9000004E  }
0xb7: {  	_ =	sfence  }
0xb8: {  	s30 =	sld [smem:$0x0];
	_ =	sdelay $0x2  }
0xb9: {  	s31 =	sshll.u32 s1, $0xD;
	s1 =	sshrl.u32 s1, $0x2  }
0xba: {  	s3 =	sand.u32 $0x4000, s31;
	s1 =	sadd.s32 s1, s30  }
0xbb: {  	s0 =	sor.u32 s3, s0;
	s1 =	sshll.u32 s1, $0x11  }
0xbc: {  	s0 =	sor.u32 s1, s0  }
0xbd: {  	s0 =	sadd.s32 $0x8F2B, s0  }
0xbe: {  	[sflag:s0] =	ssyncadd.remote.s32 $0x1  }
0xbf: {  	_ =	sfence.sel $0xFFFF  }
0xc0: {  	[dreg:$0x0] =	wrdreg $0xFFFFFFFF;
	(pc) =	sbr.abs _section_cstart, $3  }
0xc1: {  	[dreg:$0x1] =	wrdreg $0xFFFFFFFF  }
0xc2: {  	_ =	task.clear_ibuf [dreg:s7], $0x2FFFF;
	_ =	strace $0x9FFFFFFF  }
0xc3: {  	(tm) =	ssettm $0x7FFFFFFF  }
tec
execute0_lowered:
.L_overlay_start_1:
0x0: {  	(tag) =	ssettag $0x1  }
0x1: {  	s0 =	rddreg [dreg:$0x0]  }
0x2: {  	s11 =	rddreg [dreg:$0x1]  }
0x3: {  	s1 =	rddreg [dreg:$0x2]  }
0x4: {  	s2 =	simm.s32 $0x0;
	s5 =	srdreg.scid;
	s4 =	stileid.u32  }
0x5: {  	s20 =	simm.s32 $0x10D00;
	s21 =	simm.s32 $0x1;
	s22 =	simm.s32 $0x2  }
0x6: {  	s23 =	simm.s32 $0x0;
	[smem:$0x7FF] =	sst s2;
	s3 =	sadd.s32 $0x16A00, s0  }
0x7: {  	s12 =	sadd.s32 $0x3E200, s0;
	s13 =	sadd.s32 $0xCC00, s0;
	s14 =	sadd.s32 $0x48000, s0  }
0x8: {  	s15 =	sadd.s32 $0x2E00, s0;
	s5 =	sand.u32 $0x1, s5;
	s7 =	smul.u32 $0x28000, s4  }
0x9: {  	s16 =	sadd.s32 $0x51E00, s0;
	s17 =	sadd.s32 $0x5BC00, s0;
	s18 =	smul.u32 $0xA000, s4  }
0xa: {  	s0 =	sadd.s32 $0x6FC00, s0;
	s19 =	smul.u32 $0x9E0, s4;
	s6 =	ssub.s32 $0x2, s5  }
0xb: {  	_ =	strace $0x8000004D;
	p0 =	seq.s32 s5, $0x0;
	s8 =	sshrl.u32 s6, $0x1  }
0xc: {  	s31 =	sshrl.u32 s7, $0x2;
	s5 =	sadd.s32 s18, s1;
	s18 =	sshrl.u32 s18, $0x3  }
0xd: {  	s11 =	smov.u32 @p0 s12;
	s15 =	smov.u32 @p0 s13;
	s16 =	smov.u32 @p0 s14  }
0xe: {  	s0 =	smov.u32 @p0 s17;
	s10 =	ssub.s32 s6, s8;
	s9 =	sadd.s32 s31, s1  }
0xf: {  	s11 =	sadd.s32 s11, s19;
	s12 =	sadd.s32 s15, s19;
	s13 =	sadd.s32 s16, s19  }
0x10: {  	s14 =	sadd.s32 s0, s18;
	s15 =	simm.s32 $0x3;
	s18 =	simm.s32 $0xED00  }
0x11: {  	s19 =	simm.s32 $0x80;
	s6 =	sadd.s32 $0x2000, s9;
	s7 =	sadd.s32 $0x4000, s9  }
0x12: {  	v0 =	vimm.f32 $0.0e+00;
	s8 =	sadd.s32 $0x6000, s9;
	s9 =	sadd.s32 $0x8000, s9;
	s10 =	smax.u32 s10, $0x1  }
.LBB2_1:
0x13: {  	[tilespmem:s2], [sflag:$0x3] =	stream.linear.gather [hbm4b:s11+s2], $0x4F00, $0x38;
	[tilespmem:$0x1CD00] =	vst v63  }
0x14: {  	_ =	swait.ge [sflag:s15], $0x4F00  }
0x15: {  	[sflag:s15] =	ssyncset.done $0x0  }
0x16: {  	s0 =	simm.s32 $0x4F00;
	[sflag:s15] =	ssyncadd.s32 $0xFFFFB100  }
0x17: {  	[tilespmem:s0], [sflag:$0x3] =	stream.linear.gather [hbm4b:s12+s2], $0x4F00, $0x38;
	[tilespmem:$0x1CD00] =	vst v63  }
0x18: {  	_ =	swait.ge [sflag:s15], $0x4F00  }
0x19: {  	[sflag:s15] =	ssyncset.done $0x0  }
0x1a: {  	s31 =	simm.s32 $0x9E00;
	[sflag:s15] =	ssyncadd.s32 $0xFFFFB100  }
0x1b: {  	[tilespmem:s31], [sflag:$0x3] =	stream.linear.gather [hbm4b:s13+s2], $0x4F00, $0x38;
	[tilespmem:$0x1CD00] =	vst v63  }
0x1c: {  	_ =	swait.ge [sflag:s15], $0x4F00  }
0x1d: {  	[sflag:s15] =	ssyncset.done $0x0  }
0x1e: {  	s16 =	simm.s32 $0x100;
	s0 =	simm.s32 $0x0;
	[sflag:s15] =	ssyncadd.s32 $0xFFFFB100  }
.LBB2_2:
0x1f: {  	p0 =	sne.s32 s16, $0x7F00;
	[tilespmem:s0+$0xED30] =	vst v0;
	s17 =	smov.u32 s16;
	s16 =	sadd.s32 $0x100, s16  }
.Ltmp0:
0x20: {  	[tilespmem:s0+$0xED20] =	vst v0;
	(pc) =	sbr.rel @p0 .LBB2_2-.Ltmp0, $3  }
0x21: {  	[tilespmem:s0+$0xED00] =	vst v0  }
0x22: {  	[tilespmem:s0+$0xED10] =	vst v0;
	_ =	sdelay $0x1  }
0x23: {  	s0 =	sshra.s32 s17, $0x2  }
0x24: {  	[tilespmem:s0+$0xED30] =	vst v0  }
0x25: {  	[tilespmem:s0+$0xED20] =	vst v0  }
0x26: {  	[tilespmem:s0+$0xED00] =	vst v0  }
0x27: {  	[tilespmem:s0+$0xED10] =	vst v0  }
0x28: {  	[spmem:s5] =	stream.linear.scatter [tilespmem:s18], [sflag:$0x3], $0x2000, $0x38;
	[tilespmem:$0x1CD00] =	vst v63  }
0x29: {  	_ =	swait.ge [sflag:s15], $0x2000  }
0x2a: {  	[sflag:s15] =	ssyncset.done $0x0  }
0x2b: {  	[sflag:s15] =	ssyncadd.s32 $0xFFFFE000  }
0x2c: {  	[spmem:s6] =	stream.linear.scatter [tilespmem:s18], [sflag:$0x3], $0x2000, $0x38;
	[tilespmem:$0x1CD00] =	vst v63  }
0x2d: {  	_ =	swait.ge [sflag:s15], $0x2000  }
0x2e: {  	[sflag:s15] =	ssyncset.done $0x0  }
0x2f: {  	[sflag:s15] =	ssyncadd.s32 $0xFFFFE000  }
0x30: {  	[spmem:s7] =	stream.linear.scatter [tilespmem:s18], [sflag:$0x3], $0x2000, $0x38;
	[tilespmem:$0x1CD00] =	vst v63  }
0x31: {  	_ =	swait.ge [sflag:s15], $0x2000  }
0x32: {  	[sflag:s15] =	ssyncset.done $0x0  }
0x33: {  	[sflag:s15] =	ssyncadd.s32 $0xFFFFE000  }
0x34: {  	[spmem:s8] =	stream.linear.scatter [tilespmem:s18], [sflag:$0x3], $0x2000, $0x38;
	[tilespmem:$0x1CD00] =	vst v63  }
0x35: {  	_ =	swait.ge [sflag:s15], $0x2000  }
0x36: {  	[sflag:s15] =	ssyncset.done $0x0  }
0x37: {  	[sflag:s15] =	ssyncadd.s32 $0xFFFFE000  }
0x38: {  	[spmem:s9] =	stream.linear.scatter [tilespmem:s18], [sflag:$0x3], $0x2000, $0x38;
	[tilespmem:$0x1CD00] =	vst v63  }
0x39: {  	_ =	swait.ge [sflag:s15], $0x2000  }
0x3a: {  	[sflag:s15] =	ssyncset.done $0x0  }
0x3b: {  	[sflag:s15] =	ssyncadd.s32 $0xFFFFE000  }
0x3c: {  	s24 =	simm.s32 $0x0;
	[bflag:$0x0] =	sbarrier.arrive $0xFFFF  }
0x3d: {  	[tilespmem:s18], [sflag:$0x1] =	stream.indirect.gather [hbm4b:s3+s19], $0x40, s24, s19, $0xb8;
	[tilespmem:$0x1CD00] =	vst v63  }
0x3e: {  	_ = 	snop  }
0x3f: {  	[tilespmem:s20], [sflag:$0x2] =	stream.indirect.gather [hbm4b:s3+s19], $0x40, s19, s19, $0xb8;
	[tilespmem:$0x1CD00] =	vst v63  }
.LBB2_4:
0x40: {  	s26 =	sshll.u32 s24, $0xA  }
0x41: {  	_ =	swait.ge [sflag:s21], $0x2000;
	s25 =	sshrl.u32 s26, $0x2  }
0x42: {  	[sflag:s21] =	ssyncset.done $0x0;
	s0 =	sadd.s32 $0x9E00, s25  }
0x43: {  	s28 =	simm.s32 $0xED80;
	s29 =	simm.s32 $0x0;
	[sflag:s21] =	ssyncadd.s32 $0xFFFFE000;
	v1 =	vmov s0  }
.LBB2_5:
0x44: {  	_ =	sdelay $0x2  }
0x45: {  	s0 =	sshll.u32 s29, $0x4  }
0x46: {  	v2 =	vld.idx.msk [tilespmem:v1+s0+$0x0 ss:$0x1], $0xffff  }
0x47: {  	v4 =	vld [tilespmem:s28+$0x70]  }
0x48: {  	v5 =	vld [tilespmem:s28+$0xFFFFFF80]  }
0x49: {  	s4 =	simm.s32 $0x3;
	v6 =	vld [tilespmem:s28+$0xFFFFFF90]  }
0x4a: {  	s16 =	simm.s32 $0x0;
	v8 =	vld [tilespmem:s28+$0xFFFFFFA0];
	v3 =	vmov s4  }
0x4b: {  	v9 =	vld [tilespmem:s28+$0xFFFFFFB0];
	v7 =	vmov s16;
	v3 =	vperm.xlane v2, v3  }
0x4c: {  	v10 =	vld [tilespmem:s28+$0xFFFFFFC0];
	v7 =	vperm.xlane v2, v7  }
0x4d: {  	v11 =	vld [tilespmem:s28+$0xFFFFFFD0];
	v4 =	vmul.f32 v4, v3  }
0x4e: {  	v13 =	vld [tilespmem:s28+$0xFFFFFFE0];
	s16 =	simm.s32 $0x1;
	v5 =	vmul.f32 v5, v7  }
0x4f: {  	v63 =	vld [tilespmem:s28+$0x0];
	v12 =	vmov s16;
	v6 =	vmul.f32 v6, v7;
	[tilespmem:s28+$0x70] =	vst v4  }
0x50: {  	s17 =	simm.s32 $0x2;
	[tilespmem:s28+$0xFFFFFF80] =	vst v5;
	v4 =	vmul.f32 v8, v7;
	v5 =	vperm.xlane v2, v12;
	v8 =	vld [tilespmem:s28+$0xFFFFFFF0]  }
0x51: {  	[tilespmem:s28+$0xFFFFFF90] =	vst v6;
	v6 =	vmul.f32 v9, v7;
	v7 =	vmov s17  }
0x52: {  	v7 =	vperm.xlane v2, v7;
	[tilespmem:s28+$0xFFFFFFA0] =	vst v4;
	v4 =	vmul.f32 v10, v5;
	v10 =	vld [tilespmem:s28+$0x10]  }
0x53: {  	[tilespmem:s28+$0xFFFFFFB0] =	vst v6;
	v6 =	vmul.f32 v11, v5;
	v11 =	vld [tilespmem:s28+$0x20]  }
0x54: {  	v9 =	vld [tilespmem:s28+$0x30];
	v12 =	vmul.f32 v63, v7;
	[tilespmem:s28+$0xFFFFFFC0] =	vst v4  }
0x55: {  	v4 =	vmul.f32 v13, v5;
	[tilespmem:s28+$0xFFFFFFD0] =	vst v6;
	v5 =	vmul.f32 v8, v5;
	v8 =	vld [tilespmem:s28+$0x40]  }
0x56: {  	v6 =	vld [tilespmem:s28+$0x50];
	[tilespmem:s28+$0x0] =	vst v12  }
0x57: {  	s30 =	sadd.s32 $0x100, s28;
	[tilespmem:s28+$0xFFFFFFE0] =	vst v4;
	v4 =	vld [tilespmem:s28+$0x60];
	v10 =	vmul.f32 v10, v7  }
0x58: {  	s31 =	simm.s32 $0x4;
	s0 =	smov.u32 s28;
	s16 =	simm.s32 $0x8;
	[tilespmem:s28+$0xFFFFFFF0] =	vst v5;
	v5 =	vld [tilespmem:s30+$0x70];
	v11 =	vmul.f32 v11, v7  }
.LBB2_6:
0x59: {  	p0 =	slt.u32 s16, $0xC;
	v12 =	vld [tilespmem:s30+$0xFFFFFF80];
	s17 =	sadd.s32 $0x3, s31;
	[tilespmem:s0+$0x10] =	vst v10;
	v7 =	vmul.f32 v9, v7  }
0x5a: {  	v9 =	vld [tilespmem:s30+$0xFFFFFF90];
	v10 =	vmov s17;
	[tilespmem:s0+$0x20] =	vst v11;
	v8 =	vmul.f32 v8, v3  }
0x5b: {  	v11 =	vmov s31;
	v13 =	vld [tilespmem:s30+$0xFFFFFFA0];
	v10 =	vperm.xlane v2, v10;
	[tilespmem:s0+$0x30] =	vst v7;
	v6 =	vmul.f32 v6, v3  }
0x5c: {  	v7 =	vperm.xlane v2, v11;
	v11 =	vld [tilespmem:s30+$0xFFFFFFB0];
	[tilespmem:s0+$0x40] =	vst v8;
	v4 =	vmul.f32 v4, v3  }
0x5d: {  	v8 =	vld [tilespmem:s30+$0xFFFFFFC0];
	v5 =	vmul.f32 v5, v10;
	[tilespmem:s0+$0x50] =	vst v6;
	v3 =	vmov v10  }
0x5e: {  	s17 =	sadd.s32 $0x1, s31;
	v6 =	vmul.f32 v12, v7;
	v10 =	vld [tilespmem:s30+$0xFFFFFFD0];
	[tilespmem:s0+$0x60] =	vst v4;
	s0 =	smov.u32 s30  }
0x5f: {  	v4 =	vmul.f32 v9, v7;
	v9 =	vmov s17;
	v12 =	vld [tilespmem:s30+$0xFFFFFFE0];
	[tilespmem:s30+$0x70] =	vst v5  }
0x60: {  	[tilespmem:s30+$0xFFFFFF80] =	vst v6;
	v5 =	vmul.f32 v13, v7;
	v6 =	vperm.xlane v2, v9;
	v13 =	vld [tilespmem:s30+$0xFFFFFFF0]  }
0x61: {  	[tilespmem:s30+$0xFFFFFF90] =	vst v4;
	v4 =	vmul.f32 v11, v7;
	v11 =	vld [tilespmem:s30+$0x0]  }
0x62: {  	s17 =	sadd.s32 $0x2, s31;
	s31 =	smov.u32 s16;
	[tilespmem:s30+$0xFFFFFFA0] =	vst v5;
	v5 =	vmul.f32 v8, v6;
	v14 =	vld [tilespmem:s30+$0x10]  }
0x63: {  	v7 =	vmov s17;
	[tilespmem:s30+$0xFFFFFFB0] =	vst v4;
	v4 =	vmul.f32 v10, v6;
	v15 =	vld [tilespmem:s30+$0x20]  }
.Ltmp1:
0x64: {  	v7 =	vperm.xlane v2, v7;
	[tilespmem:s30+$0xFFFFFFC0] =	vst v5;
	v5 =	vmul.f32 v12, v6;
	v9 =	vld [tilespmem:s30+$0x30];
	(pc) =	sbr.rel @p0 .LBB2_6-.Ltmp1, $4  }
0x65: {  	[tilespmem:s30+$0xFFFFFFD0] =	vst v4;
	v4 =	vmul.f32 v13, v6;
	v8 =	vld [tilespmem:s30+$0x40]  }
0x66: {  	[tilespmem:s30+$0xFFFFFFE0] =	vst v5;
	v11 =	vmul.f32 v11, v7;
	v6 =	vld [tilespmem:s30+$0x50]  }
0x67: {  	s30 =	sadd.s32 $0x100, s30;
	[tilespmem:s0+$0xFFFFFFF0] =	vst v4;
	v10 =	vmul.f32 v14, v7;
	v4 =	vld [tilespmem:s0+$0x60]  }
0x68: {  	s16 =	sadd.s32 $0x4, s16;
	v5 =	vld [tilespmem:s30+$0x70];
	[tilespmem:s0+$0x0] =	vst v11;
	v11 =	vmul.f32 v15, v7  }
0x69: {  	v12 =	vld [tilespmem:s30+$0xFFFFFF80];
	s16 =	sadd.s32 $0x3, s31;
	[tilespmem:s0+$0x10] =	vst v10;
	v7 =	vmul.f32 v9, v7  }
0x6a: {  	v40 =	vld [tilespmem:s30+$0xFFFFFF90];
	v41 =	vmov s16;
	[tilespmem:s0+$0x20] =	vst v11;
	v8 =	vmul.f32 v8, v3  }
0x6b: {  	v42 =	vmov s31;
	v13 =	vld [tilespmem:s30+$0xFFFFFFA0];
	v10 =	vperm.xlane v2, v41;
	[tilespmem:s0+$0x30] =	vst v7;
	v6 =	vmul.f32 v6, v3  }
0x6c: {  	v45 =	vld [tilespmem:s30+$0xFFFFFFC0];
	v43 =	vperm.xlane v2, v42;
	[tilespmem:s0+$0x40] =	vst v8;
	v3 =	vmul.f32 v4, v3  }
0x6d: {  	v44 =	vld [tilespmem:s30+$0xFFFFFFB0];
	s17 =	sadd.s32 $0x1, s31;
	v5 =	vmul.f32 v5, v10;
	[tilespmem:s0+$0x50] =	vst v6  }
0x6e: {  	v49 =	vld [tilespmem:s30+$0xFFFFFFE0];
	v48 =	vmov s17;
	v46 =	vmul.f32 v12, v43;
	[tilespmem:s0+$0x60] =	vst v3  }
0x6f: {  	v47 =	vld [tilespmem:s30+$0xFFFFFFD0];
	v51 =	vperm.xlane v2, v48;
	v3 =	vmul.f32 v40, v43;
	[tilespmem:s30+$0x70] =	vst v5  }
0x70: {  	v53 =	vld [tilespmem:s30+$0x0];
	v50 =	vmul.f32 v13, v43;
	[tilespmem:s30+$0xFFFFFF80] =	vst v46  }
0x71: {  	v52 =	vld [tilespmem:s30+$0xFFFFFFF0];
	s31 =	sadd.s32 $0x2, s31;
	v4 =	vmul.f32 v45, v51;
	[tilespmem:s30+$0xFFFFFF90] =	vst v3  }
0x72: {  	v56 =	vld [tilespmem:s30+$0x20];
	v55 =	vmov s31;
	v3 =	vmul.f32 v44, v43;
	[tilespmem:s30+$0xFFFFFFA0] =	vst v50  }
0x73: {  	v54 =	vld [tilespmem:s30+$0x10];
	v2 =	vperm.xlane v2, v55;
	v57 =	vmul.f32 v49, v51;
	[tilespmem:s30+$0xFFFFFFC0] =	vst v4  }
0x74: {  	v58 =	vld [tilespmem:s30+$0x30];
	[tilespmem:s30+$0xFFFFFFB0] =	vst v3;
	v3 =	vmul.f32 v47, v51  }
0x75: {  	v59 =	vld [tilespmem:s30+$0x40];
	v60 =	vmul.f32 v53, v2;
	[tilespmem:s30+$0xFFFFFFE0] =	vst v57  }
0x76: {  	v61 =	vld [tilespmem:s30+$0x50];
	[tilespmem:s30+$0xFFFFFFD0] =	vst v3;
	v3 =	vmul.f32 v52, v51  }
0x77: {  	v62 =	vld [tilespmem:s30+$0x60];
	v63 =	vmul.f32 v56, v2;
	[tilespmem:s30+$0x0] =	vst v60  }
0x78: {  	s29 =	sadd.s32 $0x1, s29;
	[tilespmem:s30+$0xFFFFFFF0] =	vst v3;
	v3 =	vmul.f32 v54, v2  }
0x79: {  	p0 =	sne.s32 s29, $0x8;
	[tilespmem:s30+$0x20] =	vst v63;
	v2 =	vmul.f32 v58, v2  }
.Ltmp2:
0x7a: {  	[tilespmem:s30+$0x10] =	vst v3;
	v3 =	vmul.f32 v59, v10;
	(pc) =	sbr.rel @p0 .LBB2_5-.Ltmp2, $4  }
0x7b: {  	[tilespmem:s30+$0x30] =	vst v2;
	v2 =	vmul.f32 v61, v10  }
0x7c: {  	[tilespmem:s30+$0x40] =	vst v3;
	v3 =	vmul.f32 v62, v10  }
0x7d: {  	[tilespmem:s30+$0x50] =	vst v2  }
0x7e: {  	s28 =	sadd.s32 $0x400, s28;
	[tilespmem:s30+$0x60] =	vst v3  }
0x7f: {  	s0 =	sadd.s32 $0x4F00, s25  }
0x80: {  	[spmem:s1] =	stream.indirect.scatter.add.f32 [tilespmem:s18], [sflag:$0x3], $0x40, s0, s19, $0xb8;
	[tilespmem:$0x1CD00] =	vst v63  }
0x81: {  	s25 =	sshll.u32 s24, $0x8;
	_ =	swait.ge [sflag:s15], $0x2000  }
0x82: {  	p0 =	seq.s32 s24, $0x4E;
	s0 =	sadd.s32 $0x100, s25;
	[sflag:s15] =	ssyncset.done $0x0  }
0x83: {  	s31 =	sor.u32 $0x200, s26;
	s0 =	simm.s32 @p0 $0x0;
	[sflag:s15] =	ssyncadd.s32 $0xFFFFE000  }
0x84: {  	[tilespmem:s18], [sflag:$0x1] =	stream.indirect.gather [hbm4b:s3+s19], $0x40, s0, s19, $0xb8;
	[tilespmem:$0x1CD00] =	vst v63  }
0x85: {  	s26 =	sshrl.u32 s31, $0x2;
	_ =	swait.ge [sflag:s22], $0x2000  }
0x86: {  	s28 =	simm.s32 $0x0;
	s0 =	sadd.s32 $0x9E00, s26;
	[sflag:s22] =	ssyncset.done $0x0  }
0x87: {  	s16 =	simm.s32 $0x10D80;
	s30 =	simm.s32 $0x0;
	v1 =	vmov s0;
	[sflag:s22] =	ssyncadd.s32 $0xFFFFE000  }
.LBB2_9:
0x88: {  	_ =	sdelay $0x2  }
0x89: {  	s0 =	sshll.u32 s30, $0x4  }
0x8a: {  	v2 =	vld.idx.msk [tilespmem:v1+s0+$0x0 ss:$0x1], $0xffff  }
0x8b: {  	v4 =	vld [tilespmem:s16+$0x70]  }
0x8c: {  	v5 =	vld [tilespmem:s16+$0xFFFFFF80]  }
0x8d: {  	s17 =	simm.s32 $0x3;
	v6 =	vld [tilespmem:s16+$0xFFFFFF90]  }
0x8e: {  	v8 =	vld [tilespmem:s16+$0xFFFFFFA0];
	v3 =	vmov s17  }
0x8f: {  	v7 =	vmov s28;
	v9 =	vld [tilespmem:s16+$0xFFFFFFB0];
	v3 =	vperm.xlane v2, v3  }
0x90: {  	v10 =	vld [tilespmem:s16+$0xFFFFFFC0];
	v7 =	vperm.xlane v2, v7  }
0x91: {  	v11 =	vld [tilespmem:s16+$0xFFFFFFD0];
	v4 =	vmul.f32 v4, v3  }
0x92: {  	s4 =	simm.s32 $0x1;
	v13 =	vld [tilespmem:s16+$0xFFFFFFE0];
	v5 =	vmul.f32 v5, v7  }
0x93: {  	v63 =	vld [tilespmem:s16+$0x0];
	v12 =	vmov s4;
	v6 =	vmul.f32 v6, v7;
	[tilespmem:s16+$0x70] =	vst v4  }
0x94: {  	s17 =	simm.s32 $0x2;
	[tilespmem:s16+$0xFFFFFF80] =	vst v5;
	v4 =	vmul.f32 v8, v7;
	v5 =	vperm.xlane v2, v12;
	v8 =	vld [tilespmem:s16+$0xFFFFFFF0]  }
0x95: {  	[tilespmem:s16+$0xFFFFFF90] =	vst v6;
	v6 =	vmul.f32 v9, v7;
	v7 =	vmov s17  }
0x96: {  	v7 =	vperm.xlane v2, v7;
	[tilespmem:s16+$0xFFFFFFA0] =	vst v4;
	v4 =	vmul.f32 v10, v5;
	v10 =	vld [tilespmem:s16+$0x10]  }
0x97: {  	[tilespmem:s16+$0xFFFFFFB0] =	vst v6;
	v6 =	vmul.f32 v11, v5;
	v11 =	vld [tilespmem:s16+$0x20]  }
0x98: {  	v9 =	vld [tilespmem:s16+$0x30];
	v12 =	vmul.f32 v63, v7;
	[tilespmem:s16+$0xFFFFFFC0] =	vst v4  }
0x99: {  	v4 =	vmul.f32 v13, v5;
	[tilespmem:s16+$0xFFFFFFD0] =	vst v6;
	v5 =	vmul.f32 v8, v5;
	v8 =	vld [tilespmem:s16+$0x40]  }
0x9a: {  	v6 =	vld [tilespmem:s16+$0x50];
	[tilespmem:s16+$0x0] =	vst v12  }
0x9b: {  	s31 =	sadd.s32 $0x100, s16;
	[tilespmem:s16+$0xFFFFFFE0] =	vst v4;
	v4 =	vld [tilespmem:s16+$0x60];
	v10 =	vmul.f32 v10, v7  }
0x9c: {  	s29 =	smov.u32 s16;
	s0 =	simm.s32 $0x4;
	s17 =	simm.s32 $0x8;
	[tilespmem:s16+$0xFFFFFFF0] =	vst v5;
	v5 =	vld [tilespmem:s31+$0x70];
	v11 =	vmul.f32 v11, v7  }
.LBB2_10:
0x9d: {  	p1 =	slt.u32 s17, $0xC;
	v12 =	vld [tilespmem:s31+$0xFFFFFF80];
	s4 =	sadd.s32 $0x3, s0;
	[tilespmem:s29+$0x10] =	vst v10;
	v7 =	vmul.f32 v9, v7  }
0x9e: {  	v9 =	vld [tilespmem:s31+$0xFFFFFF90];
	v10 =	vmov s4;
	[tilespmem:s29+$0x20] =	vst v11;
	v8 =	vmul.f32 v8, v3  }
0x9f: {  	v11 =	vmov s0;
	v13 =	vld [tilespmem:s31+$0xFFFFFFA0];
	v10 =	vperm.xlane v2, v10;
	[tilespmem:s29+$0x30] =	vst v7;
	v6 =	vmul.f32 v6, v3  }
0xa0: {  	v7 =	vperm.xlane v2, v11;
	v11 =	vld [tilespmem:s31+$0xFFFFFFB0];
	[tilespmem:s29+$0x40] =	vst v8;
	v4 =	vmul.f32 v4, v3  }
0xa1: {  	v8 =	vld [tilespmem:s31+$0xFFFFFFC0];
	v5 =	vmul.f32 v5, v10;
	[tilespmem:s29+$0x50] =	vst v6;
	v3 =	vmov v10  }
0xa2: {  	s4 =	sadd.s32 $0x1, s0;
	v6 =	vmul.f32 v12, v7;
	v10 =	vld [tilespmem:s31+$0xFFFFFFD0];
	[tilespmem:s29+$0x60] =	vst v4;
	s29 =	smov.u32 s31  }
0xa3: {  	v4 =	vmul.f32 v9, v7;
	v9 =	vmov s4;
	v12 =	vld [tilespmem:s31+$0xFFFFFFE0];
	[tilespmem:s31+$0x70] =	vst v5  }
0xa4: {  	[tilespmem:s31+$0xFFFFFF80] =	vst v6;
	v5 =	vmul.f32 v13, v7;
	v6 =	vperm.xlane v2, v9;
	v13 =	vld [tilespmem:s31+$0xFFFFFFF0]  }
0xa5: {  	[tilespmem:s31+$0xFFFFFF90] =	vst v4;
	v4 =	vmul.f32 v11, v7;
	v11 =	vld [tilespmem:s31+$0x0]  }
0xa6: {  	s4 =	sadd.s32 $0x2, s0;
	s0 =	smov.u32 s17;
	[tilespmem:s31+$0xFFFFFFA0] =	vst v5;
	v5 =	vmul.f32 v8, v6;
	v14 =	vld [tilespmem:s31+$0x10]  }
0xa7: {  	v7 =	vmov s4;
	[tilespmem:s31+$0xFFFFFFB0] =	vst v4;
	v4 =	vmul.f32 v10, v6;
	v15 =	vld [tilespmem:s31+$0x20]  }
.Ltmp3:
0xa8: {  	v7 =	vperm.xlane v2, v7;
	[tilespmem:s31+$0xFFFFFFC0] =	vst v5;
	v5 =	vmul.f32 v12, v6;
	v9 =	vld [tilespmem:s31+$0x30];
	(pc) =	sbr.rel @p1 .LBB2_10-.Ltmp3, $4  }
0xa9: {  	[tilespmem:s31+$0xFFFFFFD0] =	vst v4;
	v4 =	vmul.f32 v13, v6;
	v8 =	vld [tilespmem:s31+$0x40]  }
0xaa: {  	[tilespmem:s31+$0xFFFFFFE0] =	vst v5;
	v11 =	vmul.f32 v11, v7;
	v6 =	vld [tilespmem:s31+$0x50]  }
0xab: {  	s31 =	sadd.s32 $0x100, s31;
	[tilespmem:s29+$0xFFFFFFF0] =	vst v4;
	v10 =	vmul.f32 v14, v7;
	v4 =	vld [tilespmem:s29+$0x60]  }
0xac: {  	s17 =	sadd.s32 $0x4, s17;
	v5 =	vld [tilespmem:s31+$0x70];
	[tilespmem:s29+$0x0] =	vst v11;
	v11 =	vmul.f32 v15, v7  }
0xad: {  	v12 =	vld [tilespmem:s31+$0xFFFFFF80];
	s4 =	sadd.s32 $0x3, s0;
	[tilespmem:s29+$0x10] =	vst v10;
	v7 =	vmul.f32 v9, v7  }
0xae: {  	v40 =	vld [tilespmem:s31+$0xFFFFFF90];
	v41 =	vmov s4;
	[tilespmem:s29+$0x20] =	vst v11;
	v8 =	vmul.f32 v8, v3  }
0xaf: {  	v42 =	vmov s0;
	v13 =	vld [tilespmem:s31+$0xFFFFFFA0];
	v10 =	vperm.xlane v2, v41;
	[tilespmem:s29+$0x30] =	vst v7;
	v6 =	vmul.f32 v6, v3  }
0xb0: {  	v45 =	vld [tilespmem:s31+$0xFFFFFFC0];
	v43 =	vperm.xlane v2, v42;
	[tilespmem:s29+$0x40] =	vst v8;
	v3 =	vmul.f32 v4, v3  }
0xb1: {  	v44 =	vld [tilespmem:s31+$0xFFFFFFB0];
	s17 =	sadd.s32 $0x1, s0;
	v5 =	vmul.f32 v5, v10;
	[tilespmem:s29+$0x50] =	vst v6  }
0xb2: {  	v49 =	vld [tilespmem:s31+$0xFFFFFFE0];
	v48 =	vmov s17;
	v46 =	vmul.f32 v12, v43;
	[tilespmem:s29+$0x60] =	vst v3  }
0xb3: {  	v47 =	vld [tilespmem:s31+$0xFFFFFFD0];
	v51 =	vperm.xlane v2, v48;
	v3 =	vmul.f32 v40, v43;
	[tilespmem:s31+$0x70] =	vst v5  }
0xb4: {  	v53 =	vld [tilespmem:s31+$0x0];
	v50 =	vmul.f32 v13, v43;
	[tilespmem:s31+$0xFFFFFF80] =	vst v46  }
0xb5: {  	v52 =	vld [tilespmem:s31+$0xFFFFFFF0];
	v4 =	vmul.f32 v45, v51;
	s29 =	sadd.s32 $0x2, s0;
	[tilespmem:s31+$0xFFFFFF90] =	vst v3  }
0xb6: {  	v56 =	vld [tilespmem:s31+$0x20];
	v55 =	vmov s29;
	v3 =	vmul.f32 v44, v43;
	[tilespmem:s31+$0xFFFFFFA0] =	vst v50  }
0xb7: {  	v54 =	vld [tilespmem:s31+$0x10];
	v57 =	vmul.f32 v49, v51;
	[tilespmem:s31+$0xFFFFFFC0] =	vst v4;
	v2 =	vperm.xlane v2, v55  }
0xb8: {  	v58 =	vld [tilespmem:s31+$0x30];
	[tilespmem:s31+$0xFFFFFFB0] =	vst v3;
	v3 =	vmul.f32 v47, v51  }
0xb9: {  	v59 =	vld [tilespmem:s31+$0x40];
	[tilespmem:s31+$0xFFFFFFE0] =	vst v57;
	v60 =	vmul.f32 v53, v2  }
0xba: {  	v61 =	vld [tilespmem:s31+$0x50];
	[tilespmem:s31+$0xFFFFFFD0] =	vst v3;
	v3 =	vmul.f32 v52, v51  }
0xbb: {  	v62 =	vld [tilespmem:s31+$0x60];
	v63 =	vmul.f32 v56, v2;
	[tilespmem:s31+$0x0] =	vst v60  }
0xbc: {  	s30 =	sadd.s32 $0x1, s30;
	[tilespmem:s31+$0xFFFFFFF0] =	vst v3;
	v3 =	vmul.f32 v54, v2  }
0xbd: {  	p1 =	sne.s32 s30, $0x8;
	[tilespmem:s31+$0x20] =	vst v63;
	v2 =	vmul.f32 v58, v2  }
.Ltmp4:
0xbe: {  	[tilespmem:s31+$0x10] =	vst v3;
	v3 =	vmul.f32 v59, v10;
	(pc) =	sbr.rel @p1 .LBB2_9-.Ltmp4, $4  }
0xbf: {  	[tilespmem:s31+$0x30] =	vst v2;
	v2 =	vmul.f32 v61, v10  }
0xc0: {  	[tilespmem:s31+$0x40] =	vst v3;
	v3 =	vmul.f32 v62, v10  }
0xc1: {  	[tilespmem:s31+$0x50] =	vst v2  }
0xc2: {  	s16 =	sadd.s32 $0x400, s16;
	[tilespmem:s31+$0x60] =	vst v3  }
0xc3: {  	s0 =	sadd.s32 $0x4F00, s26  }
0xc4: {  	[spmem:s1] =	stream.indirect.scatter.add.f32 [tilespmem:s20], [sflag:$0x3], $0x40, s0, s19, $0xb8;
	[tilespmem:$0x1CD00] =	vst v63  }
0xc5: {  	s24 =	sadd.s32 $0x1, s24;
	s0 =	sadd.s32 $0x180, s25  }
0xc6: {  	s0 =	simm.s32 @p0 $0x0;
	p0 =	sne.s32 s24, $0x4F  }
.Ltmp5:
0xc7: {  	_ = 	snop;
	(pc) =	sbr.rel @p0 .LBB2_4-.Ltmp5, $4  }
0xc8: {  	_ =	swait.ge [sflag:s15], $0x2000  }
0xc9: {  	[sflag:s15] =	ssyncset.done $0x0  }
0xca: {  	[sflag:s15] =	ssyncadd.s32 $0xFFFFE000  }
0xcb: {  	[tilespmem:s20], [sflag:$0x2] =	stream.indirect.gather [hbm4b:s3+s19], $0x40, s0, s19, $0xb8;
	[tilespmem:$0x1CD00] =	vst v63  }
0xcc: {  	_ =	swait.ge [sflag:s21], $0x2000  }
0xcd: {  	[sflag:s21] =	ssyncset.done $0x0  }
0xce: {  	[sflag:s21] =	ssyncadd.s32 $0xFFFFE000  }
0xcf: {  	s0 =	stileid.u32;
	_ =	swait.ge [sflag:s22], $0x2000  }
0xd0: {  	s4 =	sshrl.u32 s5, $0x3;
	s23 =	sadd.s32 $0x1, s23;
	[sflag:s22] =	ssyncset.done $0x0  }
0xd1: {  	s0 =	sshll.u32 s0, $0x6;
	p0 =	sne.s32 s23, s10;
	[sflag:s22] =	ssyncadd.s32 $0xFFFFE000  }
.Ltmp6:
0xd2: {  	s0 =	sor.u32 $0x1C03, s0;
	[bflag:$0x0] =	sbarrier.arrive $0xFFFF;
	(pc) =	sbr.rel @p0 .LBB2_1-.Ltmp6, $4  }
0xd3: {  	[hbm:s14], [sflag:s0] =	dma.local [spmem:s4], $0x1400  }
0xd4: {  	_ =	swait.ge [sflag:s15], $0x1400  }
0xd5: {  	[sflag:s15] =	ssyncset.done $0x0  }
0xd6: {  	[sflag:s15] =	ssyncadd.s32 $0xFFFFEC00  }
0xd7: {  	_ =	sfence.sel $0x180000  }
0xd8: {  	[bflag:$0x0] =	sbarrier.arrive $0xFFFF  }
0xd9: {  	_ =	strace $0x9000004D  }
0xda: {  	s0 =	stileid.u32;
	[bflag:$0x2] =	sbarrier.arrive $0xFFFF  }
0xdb: {  	p0 =	sne.s32 s0, $0x0;
	s0 =	rddreg [dreg:$0x3]  }
0xdc: {  	s0 =	sadd.s32 @!p0 $0x100000, s0  }
0xdd: {  	[sflag:s0] =	ssyncadd.tile.s32 @!p0 $0x1;
	_ =	shalt  }
.Lfunc_end2:
_tile_overlayer_lowered:
.L_overlay_start_2:
0xde: {  	(tag) =	ssettag $0x2  }
0xdf: {  	s0 =	rddreg [dreg:$0x0];
	s2 =	stileid.u32  }
0xe0: {  	s1 =	rddreg [dreg:$0x1];
	p0 =	sne.s32 s2, $0x0  }
0xe1: {  	s3 =	rddreg [dreg:$0x2];
	[bflag:$0x3] =	sbarrier.arrive $0xFFFF;
	s2 =	simm.s32 @!p0 $0x1C03  }
0xe2: {  	[timem:s3], [sflag:s2] =	dma.local @!p0 [hbm:s0], s1  }
0xe3: {  	s0 =	simm.s32 @!p0 $0x3  }
0xe4: {  	_ =	swait.ge @!p0 [sflag:s0], s1  }
0xe5: {  	s1 =	ssub.s32 @!p0 $0x0, s1;
	[sflag:s0] =	ssyncset.done @!p0 $0x0  }
0xe6: {  	[sflag:s0] =	ssyncadd.s32 @!p0 s1  }
0xe7: {  	[bflag:$0x3] =	sbarrier.arrive $0xFFFF  }
0xe8: {  	_ =	shalt  }

// kernel: kernel.8.cloned.1.call-start
scs
__scs_entry_jumppad:
0x0: {  	(pc) =	sbr.rel $0x88, $3  }
0x1: {  	(tag) =	ssettag $0x0;
	lr =	simm.s32 $0x1  }
0x2: {  	[smem:$0x3F94] =	sst lr;
	_ =	strace $0xD0000000  }
0x3: {  	_ = 	snop  }
0x4: {  	_ = 	snop  }
0x5: {  	_ = 	snop  }
0x6: {  	_ = 	snop  }
0x7: {  	_ = 	snop  }
__scs_overlays_trampoline_lowered:
0x8: {  	[smem:$0x3FA3] =	sst s0  }
0x9: {  	[smem:$0x3FA4] =	sst s1  }
0xa: {  	[smem:$0x3FA5] =	sst s2  }
0xb: {  	[smem:$0x3FA6] =	sst s3  }
0xc: {  	[smem:$0x3FA7] =	sst s4  }
0xd: {  	[smem:$0x3FA8] =	sst s5  }
0xe: {  	[smem:$0x3FA9] =	sst s6  }
0xf: {  	[smem:$0x3FAA] =	sst s7  }
0x10: {  	[smem:$0x3FAB] =	sst s8  }
0x11: {  	[smem:$0x3FAC] =	sst s9;
	s0 =	simm.s32 @!p0 $0x0  }
0x12: {  	s1 =	sld [smem:$0x3F92];
	s0 =	simm.s32 @p0 $0x1  }
0x13: {  	[smem:$0x3FAD] =	sst s0;
	s0 =	simm.s32 @!p1 $0x0  }
0x14: {  	s2 =	sld [smem:$0x3F91];
	s0 =	simm.s32 @p1 $0x1  }
0x15: {  	[smem:$0x3FAE] =	sst s0;
	s0 =	simm.s32 @!p2 $0x0  }
0x16: {  	s3 =	sld [smem:$0x3FDB];
	s0 =	simm.s32 @p2 $0x1  }
0x17: {  	s4 =	simm.s32 $0x1BF5;
	[smem:$0x3FB0] =	sst s0  }
0x18: {  	s0 =	sld [smem:$0x3F93];
	_ =	swait.ge [sflag:s4], $0x0  }
0x19: {  	s7 =	sld [smem:$0x3F94]  }
0x1a: {  	s8 =	sadd.s32 $0xFFFFE003, lr  }
0x1b: {  	s9 =	sadd.s32 $0xFFFFFEF7, lr;
	s5 =	simm.s32 $0xFFFFFFFF;
	p2 =	slt.u32 s8, $0xFFFFF086  }
0x1c: {  	p1 =	slt.u32 s9, $0xF7A;
	s5 =	simm.s32 @!p2 $0x0  }
0x1d: {  	s5 =	simm.s32 @p1 $0x1;
	p0 =	seq.s32 s7, s2  }
0x1e: {  	s7 =	smul.u32 @!p0 $0xF7A, s2;
	p2 =	seq.s32 @!p0 s5, $0x0  }
0x1f: {  	s9 =	smul.u32 $0xF7A, s1;
	s8 =	simm.s32 @!p0 $0x1BF5;
	p2 =	por !p2, p0  }
0x20: {  	[sflag:s8] =	ssyncset.s32 @!p0 $0xFFFFF086;
	s6 =	sadd.s32 @!p0 s3, s7;
	s7 =	simm.s32 @!p0 $0x108  }
0x21: {  	s3 =	sadd.s32 s3, s9;
	s6 =	sadd.s32 @!p0 $0x88, s6;
	s7 =	simm.s32 @p2 $0x1082  }
0x22: {  	[simem:s7], [sflag:s8] =	dma.local @!p0 [hbm:s6], $0xF7A  }
0x23: {  	s9 =	sor.u32 $0xD0000000, s2;
	s6 =	simm.s32 $0x108;
	_ =	swait.ge @!p0 [sflag:s8], $0x0  }
0x24: {  	s3 =	sadd.s32 $0x88, s3;
	s6 =	simm.s32 @!p1 $0x1082;
	[sflag:s4] =	ssyncset.s32 $0xFFFFF086  }
0x25: {  	[simem:s6], [sflag:s4] =	dma.local [hbm:s3], $0xF7A  }
0x26: {  	[smem:$0x3F94] =	sst s1;
	(tag) =	ssettag s2;
	_ =	strace s9  }
0x27: {  	s1 =	sld [smem:$0x3FA4]  }
0x28: {  	s2 =	sld [smem:$0x3FA5]  }
0x29: {  	s4 =	sld [smem:$0x3FA7]  }
0x2a: {  	p0 =	seq.s32 s5, $0x0;
	s5 =	sld [smem:$0x3FA8]  }
0x2b: {  	s6 =	sld [smem:$0x3FA9]  }
0x2c: {  	s7 =	sld [smem:$0x3FAA]  }
0x2d: {  	s3 =	simm.s32 $0x108;
	s8 =	sld [smem:$0x3FAB]  }
0x2e: {  	s3 =	simm.s32 @!p0 $0x1082;
	s9 =	sld [smem:$0x3FAC]  }
0x2f: {  	lr =	sadd.s32 s0, s3;
	s0 =	sld [smem:$0x3FA3]  }
0x30: {  	s3 =	sld [smem:$0x3FA6]  }
0x31: {  	[smem:$0x3FAF] =	sst s10  }
0x32: {  	s10 =	sld [smem:$0x3FAD];
	_ =	sdelay $0x3  }
0x33: {  	p0 =	seq.s32 s10, $0x1;
	s10 =	sld [smem:$0x3FAF];
	_ =	sdelay $0x3  }
0x34: {  	[smem:$0x3FAF] =	sst s10  }
0x35: {  	s10 =	sld [smem:$0x3FAE];
	_ =	sdelay $0x3  }
0x36: {  	p1 =	seq.s32 s10, $0x1;
	s10 =	sld [smem:$0x3FAF];
	_ =	sdelay $0x3  }
0x37: {  	[smem:$0x3FAF] =	sst s10  }
0x38: {  	s10 =	sld [smem:$0x3FB0]  }
0x39: {  	_ = 	snop;
	(pc) =	sbr.ind lr, $3  }
0x3a: {  	_ = 	snop  }
0x3b: {  	_ = 	snop  }
0x3c: {  	p2 =	seq.s32 s10, $0x1;
	s10 =	sld [smem:$0x3FAF]  }
0x3d: {  	_ =	shalt  }
0x3e: {  	_ =	shalt  }
0x3f: {  	_ =	shalt  }
0x40: {  	_ =	shalt  }
0x41: {  	_ =	shalt  }
0x42: {  	_ =	shalt  }
0x43: {  	_ =	shalt  }
0x44: {  	_ =	shalt  }
0x45: {  	_ =	shalt  }
0x46: {  	_ =	shalt  }
0x47: {  	_ =	shalt  }
0x48: {  	_ =	shalt  }
0x49: {  	_ =	shalt  }
0x4a: {  	_ =	shalt  }
0x4b: {  	_ =	shalt  }
0x4c: {  	_ =	shalt  }
0x4d: {  	_ =	shalt  }
0x4e: {  	_ =	shalt  }
0x4f: {  	_ =	shalt  }
0x50: {  	_ =	shalt  }
0x51: {  	_ =	shalt  }
0x52: {  	_ =	shalt  }
0x53: {  	_ =	shalt  }
0x54: {  	_ =	shalt  }
0x55: {  	_ =	shalt  }
0x56: {  	_ =	shalt  }
0x57: {  	_ =	shalt  }
0x58: {  	_ =	shalt  }
0x59: {  	_ =	shalt  }
0x5a: {  	_ =	shalt  }
0x5b: {  	_ =	shalt  }
0x5c: {  	_ =	shalt  }
0x5d: {  	_ =	shalt  }
0x5e: {  	_ =	shalt  }
0x5f: {  	_ =	shalt  }
0x60: {  	_ =	shalt  }
0x61: {  	_ =	shalt  }
0x62: {  	_ =	shalt  }
0x63: {  	_ =	shalt  }
0x64: {  	_ =	shalt  }
0x65: {  	_ =	shalt  }
0x66: {  	_ =	shalt  }
0x67: {  	_ =	shalt  }
0x68: {  	_ =	shalt  }
0x69: {  	_ =	shalt  }
0x6a: {  	_ =	shalt  }
0x6b: {  	_ =	shalt  }
0x6c: {  	_ =	shalt  }
0x6d: {  	_ =	shalt  }
0x6e: {  	_ =	shalt  }
0x6f: {  	_ =	shalt  }
0x70: {  	_ =	shalt  }
0x71: {  	_ =	shalt  }
0x72: {  	_ =	shalt  }
0x73: {  	_ =	shalt  }
0x74: {  	_ =	shalt  }
0x75: {  	_ =	shalt  }
0x76: {  	_ =	shalt  }
0x77: {  	_ =	shalt  }
0x78: {  	_ =	shalt  }
0x79: {  	_ =	shalt  }
0x7a: {  	_ =	shalt  }
0x7b: {  	_ =	shalt  }
0x7c: {  	_ =	shalt  }
0x7d: {  	_ =	shalt  }
0x7e: {  	_ =	shalt  }
0x7f: {  	_ =	shalt  }
0x80: {  	_ =	shalt  }
0x81: {  	_ =	shalt  }
0x82: {  	_ =	shalt  }
0x83: {  	_ =	shalt  }
0x84: {  	_ =	shalt  }
0x85: {  	_ =	shalt  }
0x86: {  	_ =	shalt  }
0x87: {  	_ =	shalt  }
.Lfunc_end0:
.L_simem_size_0:
called_computation_lowered:
.L_overlay_start_0:
0x88: {  	s2 =	sld [smem:$0x3FD9]  }
0x89: {  	s3 =	sld [smem:$0x3FFE];
	_ =	sdelay $0x1  }
0x8a: {  	s1 =	srdreg.scid  }
0x8b: {  	s0 =	sand.u32 $0x1, s1  }
0x8c: {  	s16 =	sshll.u32 s0, $0xA;
	s2 =	sadd.s32 s3, s2  }
0x8d: {  	s2 =	sadd.s32 s2, s16  }
0x8e: {  	[smem:$0x3FBB] =	sst s2  }
0x8f: {  	_ = 	snop  }
0x90: {  	(tm) =	ssettm $0x1  }
0x91: {  	s17 =	sld [smem:$0x3FFB];
	_ =	sdelay $0x3  }
0x92: {  	_ =	strace s17  }
0x93: {  	s2 =	sld [smem:$0x3FFC];
	_ =	sdelay $0x3  }
0x94: {  	_ =	strace s2  }
0x95: {  	s2 =	sld [smem:$0x3FFD];
	_ =	sdelay $0x3  }
0x96: {  	_ =	strace s2  }
0x97: {  	_ =	strace $0x8FFFFFFF  }
0x98: {  	s18 =	sld [smem:$0x3FDB];
	_ =	sdelay $0x1  }
0x99: {  	s19 =	simm.s32 $_scs_section_size  }
0x9a: {  	s4 =	simm.s32 $_size__tile_overlayer_lowered;
	s5 =	simm.s32 $_tile_overlayer_lowered  }
0x9b: {  	s22 =	simm.s32 $0x1BFF;
	s21 =	sshll.u32 s5, $0x1;
	s2 =	sadd.s32 s19, s18  }
0x9c: {  	s6 =	simm.s32 $0x0;
	s20 =	sshll.u32 s4, $0x1;
	s4 =	sadd.s32 s21, s2  }
0x9d: {  	[timem:s6], [sflag:s22] =	dma.local [hbm:s4], s20  }
0x9e: {  	_ =	swait.ge [sflag:s22], s20  }
0x9f: {  	s3 =	ssub.s32 $0x0, s20;
	[sflag:s22] =	ssyncset.done $0x0  }
0xa0: {  	[sflag:s22] =	ssyncadd.s32 s3;
	_ =	sdelay $0x1  }
0xa1: {  	s23 =	simm.s32 $0x1B8B  }
0xa2: {  	_ =	swait.ge [sflag:s23], $0x1  }
0xa3: {  	[sflag:s23] =	ssyncset.done $0x0  }
0xa4: {  	s25 =	simm.s32 $0x1B8E;
	s24 =	sld [smem:$0x3FFE];
	[sflag:s23] =	ssyncadd.s32 $0xFFFFFFFF  }
0xa5: {  	s26 =	simm.s32 $execute0_lowered;
	[smem:$0x3FD2] =	sst s25  }
0xa6: {  	s4 =	sshll.u32 s26, $0x1;
	_ =	strace $0x80000046;
	[dreg:$0x1] =	wrdreg $0xFFFFFFFF  }
0xa7: {  	s28 =	simm.s32 $_size_execute0_lowered;
	s2 =	sadd.s32 s2, s4;
	[dreg:$0x0] =	wrdreg $0x0  }
0xa8: {  	s4 =	sshll.u32 s28, $0x1;
	[dreg:$0x2] =	wrdreg s2  }
0xa9: {  	[dreg:$0x3] =	wrdreg s4  }
0xaa: {  	[dreg:$0x4] =	wrdreg $0xC0  }
0xab: {  	_ =	task [dreg:s6], $0x5FFFF  }
0xac: {  	[dreg:$0x1] =	wrdreg $0xFFFFFFFF  }
0xad: {  	[dreg:$0x0] =	wrdreg $0x60  }
0xae: {  	[dreg:$0x2] =	wrdreg s24  }
0xaf: {  	[dreg:$0x3] =	wrdreg $0x17B000  }
0xb0: {  	[dreg:$0x4] =	wrdreg $0x1A3000  }
0xb1: {  	[dreg:$0x5] =	wrdreg $0x1A5800  }
0xb2: {  	[dreg:$0x6] =	wrdreg $0x9  }
0xb3: {  	_ =	task.clear_ibuf [dreg:s6], $0x7FFFF;
	_ =	strace $0x90000046  }
0xb4: {  	s29 =	simm.s32 $0x9;
	_ =	strace $0x80000048  }
0xb5: {  	_ =	swait.ge [sflag:s29], $0x1  }
0xb6: {  	[sflag:s29] =	ssyncadd.s32 $0xFFFFFFFF  }
0xb7: {  	_ =	strace $0x90000048  }
0xb8: {  	_ =	sfence  }
0xb9: {  	s30 =	sld [smem:$0x0];
	_ =	sdelay $0x2  }
0xba: {  	s31 =	sshll.u32 s1, $0xD;
	s1 =	sshrl.u32 s1, $0x2  }
0xbb: {  	s3 =	sand.u32 $0x4000, s31;
	s1 =	sadd.s32 s1, s30  }
0xbc: {  	s0 =	sor.u32 s3, s0;
	s1 =	sshll.u32 s1, $0x11  }
0xbd: {  	s0 =	sor.u32 s1, s0  }
0xbe: {  	s0 =	sadd.s32 $0x8F2B, s0  }
0xbf: {  	[sflag:s0] =	ssyncadd.remote.s32 $0x1  }
0xc0: {  	_ =	sfence.sel $0xFFFF  }
0xc1: {  	[dreg:$0x0] =	wrdreg $0xFFFFFFFF;
	(pc) =	sbr.abs _section_cstart, $3  }
0xc2: {  	[dreg:$0x1] =	wrdreg $0xFFFFFFFF  }
0xc3: {  	_ =	task.clear_ibuf [dreg:s6], $0x2FFFF;
	_ =	strace $0x9FFFFFFF  }
0xc4: {  	(tm) =	ssettm $0x7FFFFFFF  }
0xc5: {  	_ =	shalt  }
tec
execute0_lowered:
.L_overlay_start_1:
0x0: {  	(tag) =	ssettag $0x1  }
0x1: {  	s0 =	rddreg [dreg:$0x0]  }
0x2: {  	s1 =	rddreg [dreg:$0x1]  }
0x3: {  	s16 =	rddreg [dreg:$0x2]  }
0x4: {  	s17 =	rddreg [dreg:$0x3]  }
0x5: {  	s4 =	simm.s32 $0x0;
	s6 =	srdreg.scid;
	s15 =	stileid.u32  }
0x6: {  	s18 =	simm.s32 $0x80;
	s19 =	simm.s32 $0xEE00;
	s20 =	simm.s32 $0xF600  }
0x7: {  	s22 =	simm.s32 $0x1;
	s23 =	simm.s32 $0x2;
	s24 =	simm.s32 $0x3  }
0x8: {  	s25 =	simm.s32 $0x4;
	s26 =	simm.s32 $0x4F00;
	s28 =	simm.s32 $0x9E80  }
0x9: {  	s30 =	simm.s32 $0x12880;
	s31 =	simm.s32 $0x12B00;
	[smem:$0x7FF] =	sst s4  }
0xa: {  	s2 =	sadd.s32 $0x34400, s0;
	s3 =	sadd.s32 $0xCC00, s0;
	s5 =	sadd.s32 $0x20800, s0  }
0xb: {  	s11 =	sadd.s32 $0x2A600, s0;
	s12 =	sadd.s32 $0x2E00, s0;
	s8 =	smul.u32 $0xA000, s15  }
0xc: {  	s6 =	sand.u32 $0x1, s6;
	s13 =	sadd.s32 $0x16A00, s0;
	s14 =	smul.u32 $0x280, s15  }
0xd: {  	s9 =	sadd.s32 $0x48000, s0;
	s0 =	sadd.s32 $0x51E00, s0;
	s15 =	smul.u32 $0x9E0, s15  }
0xe: {  	_ =	strace $0x80000047;
	s7 =	ssub.s32 $0x2, s6;
	p0 =	seq.s32 s6, $0x0  }
0xf: {  	s10 =	sshrl.u32 s7, $0x1;
	s29 =	sshrl.u32 s8, $0x2;
	s8 =	sadd.s32 s14, s17  }
0x10: {  	s0 =	smov.u32 @p0 s9;
	s11 =	smov.u32 @p0 s2;
	s12 =	smov.u32 @p0 s3  }
0x11: {  	s13 =	smov.u32 @p0 s5;
	s17 =	simm.s32 $0xFE00;
	s5 =	simm.s32 $0x0  }
0x12: {  	s10 =	ssub.s32 s7, s10;
	s6 =	sadd.s32 s29, s1;
	s7 =	sadd.s32 s14, s16  }
0x13: {  	v0 =	vimm.s32 $0x2720;
	vm0 =	vcmask $0x1F00;
	s11 =	sadd.s32 s11, s15;
	s12 =	sadd.s32 s12, s15;
	s13 =	sadd.s32 s13, s15  }
0x14: {  	v1 =	vimm.f32 $0.0e+00;
	v2 =	vimm.f32 $1.000000000e+00;
	v4 =	vlaneseq.u32;
	s14 =	simm.s32 $0x5;
	s16 =	simm.s32 $0x9F00;
	s9 =	smax.u32 s10, $0x1  }
0x15: {  	v2 =	vsel vm0, $0x0, v2;
	v3 =	vsel vm0, $0x3F800000, v1;
	v4 =	vmul.u32 $0x10, v4;
	s10 =	sadd.s32 s0, s15;
	s15 =	simm.s32 $0x4F80;
	s0 =	simm.s32 $0x15300  }
.LBB2_1:
0x16: {  	[tilespmem:s4], [sflag:$0x5] =	stream.linear.gather [hbm4b:s11+s4], $0x4F00, $0x38;
	[tilespmem:$0x1A800] =	vst v63  }
0x17: {  	_ =	swait.ge [sflag:s14], $0x4F00  }
0x18: {  	[sflag:s14] =	ssyncset.done $0x0  }
0x19: {  	[sflag:s14] =	ssyncadd.s32 $0xFFFFB100  }
0x1a: {  	[tilespmem:s15], [sflag:$0x5] =	stream.linear.gather [hbm4b:s12+s4], $0x4F00, $0x38;
	[tilespmem:$0x1A800] =	vst v63  }
0x1b: {  	_ =	swait.ge [sflag:s14], $0x4F00  }
0x1c: {  	[sflag:s14] =	ssyncset.done $0x0  }
0x1d: {  	[sflag:s14] =	ssyncadd.s32 $0xFFFFB100  }
0x1e: {  	[tilespmem:s16], [sflag:$0x5] =	stream.linear.gather [hbm4b:s13+s4], $0x4F00, $0x38;
	[tilespmem:$0x1A800] =	vst v63  }
0x1f: {  	_ =	swait.ge [sflag:s14], $0x4F00  }
0x20: {  	[sflag:s14] =	ssyncset.done $0x0  }
0x21: {  	[sflag:s14] =	ssyncadd.s32 $0xFFFFB100  }
0x22: {  	[tilespmem:$0x4F00] =	vst v0  }
0x23: {  	[tilespmem:$0x9E80] =	vst v0  }
0x24: {  	[tilespmem:$0x4F10] =	vst v0  }
0x25: {  	[tilespmem:$0x9E90] =	vst v0  }
0x26: {  	[tilespmem:$0x4F20] =	vst v0  }
0x27: {  	[tilespmem:$0x9EA0] =	vst v0  }
0x28: {  	[tilespmem:$0x4F30] =	vst v0  }
0x29: {  	[tilespmem:$0x9EB0] =	vst v0  }
0x2a: {  	[tilespmem:$0x4F40] =	vst v0  }
0x2b: {  	[tilespmem:$0x9EC0] =	vst v0  }
0x2c: {  	[tilespmem:$0x4F50] =	vst v0  }
0x2d: {  	[tilespmem:$0x9ED0] =	vst v0  }
0x2e: {  	[tilespmem:$0x4F60] =	vst v0  }
0x2f: {  	[tilespmem:$0x9EE0] =	vst v0  }
0x30: {  	[tilespmem:$0x4F70] =	vst v0  }
0x31: {  	s2 =	simm.s32 $0x0;
	[tilespmem:$0x9EF0] =	vst v0  }
.LBB2_2:
0x32: {  	p0 =	sne.s32 s2, $0x1FC0  }
.Ltmp0:
0x33: {  	_ = 	snop;
	(pc) =	sbr.rel @p0 .LBB2_2-.Ltmp0, $4  }
0x34: {  	_ = 	snop  }
0x35: {  	s3 =	sshra.s32 s2, $0x2  }
0x36: {  	[tilespmem:s3+$0xEE00] =	vst v3  }
0x37: {  	s2 =	sadd.s32 $0x40, s2;
	[tilespmem:s3+$0xF600] =	vst v2  }
0x38: {  	s2 =	simm.s32 $0x40;
	s3 =	simm.s32 $0x0  }
.LBB2_4:
0x39: {  	p0 =	sne.s32 s2, $0x9FC0;
	[tilespmem:s3+$0xFE00] =	vst v1;
	s3 =	smov.u32 s2;
	s2 =	sadd.s32 $0x40, s2  }
.Ltmp1:
0x3a: {  	(pc) =	sbr.rel @p0 .LBB2_4-.Ltmp1, $2  }
0x3b: {  	_ =	sdelay $0x2  }
0x3c: {  	s3 =	sshra.s32 s3, $0x2  }
0x3d: {  	[tilespmem:s3+$0xFE00] =	vst v1  }
0x3e: {  	[spmem:s6] =	stream.linear.scatter [tilespmem:s17], [sflag:$0x5], $0x2800, $0x38;
	[tilespmem:$0x1A800] =	vst v63  }
0x3f: {  	_ =	swait.ge [sflag:s14], $0x2800  }
0x40: {  	[sflag:s14] =	ssyncset.done $0x0  }
0x41: {  	[sflag:s14] =	ssyncadd.s32 $0xFFFFD800  }
0x42: {  	[bflag:$0x0] =	sbarrier.arrive $0xFFFF  }
0x43: {  	[spmem:s1] =	stream.indirect.scatter.add.f32 [tilespmem:s19], [sflag:$0x1], $0x10, s4, s18, $0xb8;
	[tilespmem:$0x1A800] =	vst v63  }
0x44: {  	_ = 	snop  }
0x45: {  	[spmem:s1] =	stream.indirect.scatter.add.f32 [tilespmem:s20], [sflag:$0x2], $0x10, s15, s18, $0xb8;
	[tilespmem:$0x1A800] =	vst v63  }
0x46: {  	_ = 	snop  }
0x47: {  	[spmem:s1] =	stream.indirect.scatter.add.f32 [tilespmem:s19], [sflag:$0x3], $0x10, s18, s18, $0xb8;
	[tilespmem:$0x1A800] =	vst v63  }
0x48: {  	s2 =	simm.s32 $0x5000  }
0x49: {  	[spmem:s1] =	stream.indirect.scatter.add.f32 [tilespmem:s20], [sflag:$0x4], $0x10, s2, s18, $0xb8;
	[tilespmem:$0x1A800] =	vst v63  }
0x4a: {  	_ =	swait.ge [sflag:s22], $0x800  }
0x4b: {  	[sflag:s22] =	ssyncset.done $0x0  }
0x4c: {  	[sflag:s22] =	ssyncadd.s32 $0xFFFFF800  }
0x4d: {  	_ =	swait.ge [sflag:s23], $0x800  }
0x4e: {  	[sflag:s23] =	ssyncset.done $0x0  }
0x4f: {  	s3 =	simm.s32 $0x100;
	[sflag:s23] =	ssyncadd.s32 $0xFFFFF800  }
0x50: {  	[spmem:s1] =	stream.indirect.scatter.add.f32 [tilespmem:s19], [sflag:$0x1], $0x10, s3, s18, $0xb8;
	[tilespmem:$0x1A800] =	vst v63  }
0x51: {  	s21 =	simm.s32 $0x5080  }
0x52: {  	[spmem:s1] =	stream.indirect.scatter.add.f32 [tilespmem:s20], [sflag:$0x2], $0x10, s21, s18, $0xb8;
	[tilespmem:$0x1A800] =	vst v63  }
0x53: {  	_ =	swait.ge [sflag:s24], $0x800  }
0x54: {  	[sflag:s24] =	ssyncset.done $0x0  }
0x55: {  	[sflag:s24] =	ssyncadd.s32 $0xFFFFF800  }
0x56: {  	_ =	swait.ge [sflag:s25], $0x800  }
0x57: {  	s29 =	simm.s32 $0x180;
	[sflag:s25] =	ssyncset.done $0x0  }
0x58: {  	s2 =	simm.s32 $0xFFFECC00;
	s3 =	simm.s32 $0x5100;
	[sflag:s25] =	ssyncadd.s32 $0xFFFFF800  }
0x59: {  	[spmem:s1] =	stream.indirect.scatter.add.f32 [tilespmem:s19], [sflag:$0x3], $0x10, s29, s18, $0xb8;
	[tilespmem:$0x1A800] =	vst v63  }
.LBB2_6:
0x5a: {  	[spmem:s1] =	stream.indirect.scatter.add.f32 [tilespmem:s20], [sflag:$0x4], $0x10, s3, s18, $0xb8;
	[tilespmem:$0x1A800] =	vst v63  }
0x5b: {  	s3 =	smov.u32 s2  }
0x5c: {  	p0 =	sne.s32 s2, $0xFFFFFC00;
	s2 =	sadd.s32 $0x400, s2;
	_ =	swait.ge [sflag:s22], $0x800  }
0x5d: {  	[sflag:s22] =	ssyncset.done $0x0  }
0x5e: {  	[sflag:s22] =	ssyncadd.s32 $0xFFFFF800  }
0x5f: {  	_ =	swait.ge [sflag:s23], $0x800  }
0x60: {  	s3 =	sshra.s32 s3, $0x2;
	[sflag:s23] =	ssyncset.done $0x0  }
0x61: {  	s21 =	sadd.s32 $0x4F00, s3;
	[sflag:s23] =	ssyncadd.s32 $0xFFFFF800  }
0x62: {  	[spmem:s1] =	stream.indirect.scatter.add.f32 [tilespmem:s19], [sflag:$0x1], $0x10, s21, s18, $0xb8;
	[tilespmem:$0x1A800] =	vst v63  }
0x63: {  	s21 =	sadd.s32 $0x9E80, s3  }
0x64: {  	[spmem:s1] =	stream.indirect.scatter.add.f32 [tilespmem:s20], [sflag:$0x2], $0x10, s21, s18, $0xb8;
	[tilespmem:$0x1A800] =	vst v63  }
0x65: {  	_ =	swait.ge [sflag:s24], $0x800  }
0x66: {  	[sflag:s24] =	ssyncset.done $0x0  }
0x67: {  	[sflag:s24] =	ssyncadd.s32 $0xFFFFF800  }
.Ltmp2:
0x68: {  	_ =	swait.ge [sflag:s25], $0x800;
	(pc) =	sbr.rel @p0 .LBB2_6-.Ltmp2, $4  }
0x69: {  	[sflag:s25] =	ssyncset.done $0x0  }
0x6a: {  	s21 =	sadd.s32 $0x4F80, s3;
	[sflag:s25] =	ssyncadd.s32 $0xFFFFF800  }
0x6b: {  	[spmem:s1] =	stream.indirect.scatter.add.f32 [tilespmem:s19], [sflag:$0x3], $0x10, s21, s18, $0xb8;
	[tilespmem:$0x1A800] =	vst v63  }
0x6c: {  	s3 =	sadd.s32 $0x9F00, s3  }
0x6d: {  	[spmem:s1] =	stream.indirect.scatter.add.f32 [tilespmem:s20], [sflag:$0x4], $0x10, s3, s18, $0xb8;
	[tilespmem:$0x1A800] =	vst v63  }
0x6e: {  	_ =	swait.ge [sflag:s22], $0x800  }
0x6f: {  	[sflag:s22] =	ssyncset.done $0x0  }
0x70: {  	[sflag:s22] =	ssyncadd.s32 $0xFFFFF800  }
0x71: {  	_ =	swait.ge [sflag:s23], $0x800  }
0x72: {  	[sflag:s23] =	ssyncset.done $0x0  }
0x73: {  	[sflag:s23] =	ssyncadd.s32 $0xFFFFF800  }
0x74: {  	[spmem:s1] =	stream.indirect.scatter.add.f32 [tilespmem:s19], [sflag:$0x1], $0x10, s26, s18, $0xb8;
	[tilespmem:$0x1A800] =	vst v63  }
0x75: {  	_ = 	snop  }
0x76: {  	[spmem:s1] =	stream.indirect.scatter.add.f32 [tilespmem:s20], [sflag:$0x2], $0x10, s28, s18, $0xb8;
	[tilespmem:$0x1A800] =	vst v63  }
0x77: {  	_ =	swait.ge [sflag:s24], $0x800  }
0x78: {  	[sflag:s24] =	ssyncset.done $0x0  }
0x79: {  	[sflag:s24] =	ssyncadd.s32 $0xFFFFF800  }
0x7a: {  	_ =	swait.ge [sflag:s25], $0x800  }
0x7b: {  	[sflag:s25] =	ssyncset.done $0x0  }
0x7c: {  	[sflag:s25] =	ssyncadd.s32 $0xFFFFF800  }
0x7d: {  	[spmem:s1] =	stream.indirect.scatter.add.f32 [tilespmem:s19], [sflag:$0x3], $0x10, s26, s18, $0xb8;
	[tilespmem:$0x1A800] =	vst v63  }
0x7e: {  	_ = 	snop  }
0x7f: {  	[spmem:s1] =	stream.indirect.scatter.add.f32 [tilespmem:s20], [sflag:$0x4], $0x10, s28, s18, $0xb8;
	[tilespmem:$0x1A800] =	vst v63  }
0x80: {  	_ =	swait.ge [sflag:s22], $0x800  }
0x81: {  	[sflag:s22] =	ssyncset.done $0x0  }
0x82: {  	[sflag:s22] =	ssyncadd.s32 $0xFFFFF800  }
0x83: {  	_ =	swait.ge [sflag:s23], $0x800  }
0x84: {  	[sflag:s23] =	ssyncset.done $0x0  }
0x85: {  	[sflag:s23] =	ssyncadd.s32 $0xFFFFF800  }
0x86: {  	_ =	swait.ge [sflag:s24], $0x800  }
0x87: {  	[sflag:s24] =	ssyncset.done $0x0  }
0x88: {  	[sflag:s24] =	ssyncadd.s32 $0xFFFFF800  }
0x89: {  	_ =	swait.ge [sflag:s25], $0x800  }
0x8a: {  	[sflag:s25] =	ssyncset.done $0x0  }
0x8b: {  	[sflag:s25] =	ssyncadd.s32 $0xFFFFF800  }
0x8c: {  	[bflag:$0x0] =	sbarrier.arrive $0xFFFF  }
0x8d: {  	[tilespmem:s17], [sflag:$0x5] =	stream.linear.gather [spmem:s6], $0x2800, $0x38;
	[tilespmem:$0x1A800] =	vst v63  }
0x8e: {  	_ =	swait.ge [sflag:s14], $0x2800  }
0x8f: {  	s3 =	simm.s32 $0x0;
	[sflag:s14] =	ssyncset.done $0x0  }
0x90: {  	s2 =	simm.s32 $0x0;
	s21 =	simm.s32 $0x40;
	[sflag:s14] =	ssyncadd.s32 $0xFFFFD800  }
.LBB2_8:
0x91: {  	p0 =	sne.s32 s21, $0x9FC0;
	v5 =	vld [tilespmem:s2+$0xFE00];
	_ =	sdelay $0x4  }
0x92: {  	v5 =	vmax.f32 v5, $1.000000000e+00  }
0x93: {  	v6 =	vshra.s32 v5, $0x1;
	v5 =	vmul.f32 $5.000000000e-01, v5  }
0x94: {  	v6 =	vsub.s32 $0x5F3759DF, v6  }
0x95: {  	v7 =	vmul.f32 v6, v5;
	_ =	sdelay $0x1  }
0x96: {  	v7 =	vmul.f32 v6, v7;
	_ =	sdelay $0x1  }
0x97: {  	v7 =	vsub.f32 $1.500000000e+00, v7;
	_ =	sdelay $0x1  }
0x98: {  	v6 =	vmul.f32 v6, v7;
	_ =	sdelay $0x1  }
0x99: {  	v7 =	vmul.f32 v6, v5;
	_ =	sdelay $0x1  }
0x9a: {  	v7 =	vmul.f32 v7, v6;
	_ =	sdelay $0x1  }
0x9b: {  	v7 =	vsub.f32 $1.500000000e+00, v7;
	_ =	sdelay $0x1  }
0x9c: {  	v6 =	vmul.f32 v7, v6;
	_ =	sdelay $0x1  }
0x9d: {  	v5 =	vmul.f32 v6, v5;
	_ =	sdelay $0x1  }
0x9e: {  	v5 =	vmul.f32 v5, v6;
	_ =	sdelay $0x1  }
.Ltmp3:
0x9f: {  	v5 =	vsub.f32 $1.500000000e+00, v5;
	(pc) =	sbr.rel @p0 .LBB2_8-.Ltmp3, $3  }
0xa0: {  	_ = 	snop  }
0xa1: {  	v5 =	vmul.f32 v5, v6;
	_ =	sdelay $0x1  }
0xa2: {  	[tilespmem:s2+$0xFE00] =	vst v5;
	s2 =	sshra.s32 s21, $0x2;
	s21 =	sadd.s32 $0x40, s21  }
0xa3: {  	v5 =	vld [tilespmem:s2+$0xFE00];
	_ =	sdelay $0x4  }
0xa4: {  	v5 =	vmax.f32 v5, $1.000000000e+00  }
0xa5: {  	v6 =	vshra.s32 v5, $0x1;
	v5 =	vmul.f32 $5.000000000e-01, v5  }
0xa6: {  	v6 =	vsub.s32 $0x5F3759DF, v6  }
0xa7: {  	v7 =	vmul.f32 v6, v5;
	_ =	sdelay $0x1  }
0xa8: {  	v7 =	vmul.f32 v6, v7;
	_ =	sdelay $0x1  }
0xa9: {  	v7 =	vsub.f32 $1.500000000e+00, v7;
	_ =	sdelay $0x1  }
0xaa: {  	v6 =	vmul.f32 v6, v7;
	_ =	sdelay $0x1  }
0xab: {  	v7 =	vmul.f32 v6, v5;
	_ =	sdelay $0x1  }
0xac: {  	v7 =	vmul.f32 v7, v6;
	_ =	sdelay $0x1  }
0xad: {  	v7 =	vsub.f32 $1.500000000e+00, v7;
	_ =	sdelay $0x1  }
0xae: {  	v6 =	vmul.f32 v7, v6;
	_ =	sdelay $0x1  }
0xaf: {  	v5 =	vmul.f32 v6, v5;
	_ =	sdelay $0x1  }
0xb0: {  	v7 =	vmov s3;
	v5 =	vmul.f32 v5, v6  }
0xb1: {  	v7 =	vshll.u32 v7, $0x4  }
0xb2: {  	v7 =	vor.u32 v4, v7;
	v5 =	vsub.f32 $1.500000000e+00, v5;
	_ =	sdelay $0x1  }
0xb3: {  	v5 =	vmul.f32 v5, v6;
	_ =	sdelay $0x1  }
0xb4: {  	[tilespmem:s2+$0xFE00] =	vst v5  }
0xb5: {  	v5 =	vld.idx.msk [tilespmem:v7+s17+$0x0], $0xffff  }
0xb6: {  	v6 =	vor.u32 $0x8, v7;
	_ =	sdelay $0x2  }
0xb7: {  	s21 =	simm.s32 $0x12600;
	s29 =	simm.s32 $0x10  }
0xb8: {  	[tilespmem:s21+$0x0] =	vst v5;
	v5 =	vmov s29  }
0xb9: {  	v6 =	vld.idx.msk [tilespmem:v6+s17+$0x0], $0xffff;
	v5 =	vshll.u32 v5, $0x4  }
0xba: {  	v5 =	vor.u32 v4, v5;
	_ =	sdelay $0x2  }
0xbb: {  	s2 =	simm.s32 $0x12880  }
0xbc: {  	[tilespmem:s2+$0x0] =	vst v6  }
0xbd: {  	v6 =	vld.idx.msk [tilespmem:v5+s17+$0x0], $0xffff  }
0xbe: {  	v5 =	vor.u32 $0x8, v5;
	_ =	sdelay $0x2  }
0xbf: {  	s3 =	simm.s32 $0x12610  }
0xc0: {  	s21 =	simm.s32 $0x20;
	[tilespmem:s3+$0x0] =	vst v6  }
0xc1: {  	v6 =	vmov s21;
	s21 =	simm.s32 $0x30;
	v5 =	vld.idx.msk [tilespmem:v5+s17+$0x0], $0xffff  }
.LBB2_10:
0xc2: {  	p0 =	sne.s32 s21, $0x270;
	v6 =	vshll.u32 v6, $0x4  }
0xc3: {  	v6 =	vor.u32 v4, v6;
	_ =	sdelay $0x2  }
0xc4: {  	s2 =	sadd.s32 $0x10, s2  }
0xc5: {  	[tilespmem:s2+$0x0] =	vst v5  }
0xc6: {  	v5 =	vld.idx.msk [tilespmem:v6+s17+$0x0], $0xffff;
	_ =	sdelay $0x1  }
0xc7: {  	v7 =	vor.u32 $0x8, v6  }
.Ltmp4:
0xc8: {  	(pc) =	sbr.rel @p0 .LBB2_10-.Ltmp4, $4  }
0xc9: {  	_ = 	snop  }
0xca: {  	s3 =	sadd.s32 $0x10, s3  }
0xcb: {  	[tilespmem:s3+$0x0] =	vst v5  }
0xcc: {  	v6 =	vmov s21;
	s21 =	sadd.s32 $0x10, s21;
	v5 =	vld.idx.msk [tilespmem:v7+s17+$0x0], $0xffff  }
0xcd: {  	v6 =	vshll.u32 v6, $0x4  }
0xce: {  	v6 =	vor.u32 v4, v6;
	_ =	sdelay $0x2  }
0xcf: {  	s2 =	sadd.s32 $0x10, s2  }
0xd0: {  	[tilespmem:s2+$0x0] =	vst v5  }
0xd1: {  	v5 =	vld.idx.msk [tilespmem:v6+s17+$0x0], $0xffff  }
0xd2: {  	v6 =	vor.u32 $0x8, v6;
	_ =	sdelay $0x2  }
0xd3: {  	s3 =	sadd.s32 $0x10, s3  }
0xd4: {  	[tilespmem:s3+$0x0] =	vst v5  }
0xd5: {  	v5 =	vld.idx.msk [tilespmem:v6+s17+$0x0], $0xffff;
	_ =	sdelay $0x3  }
0xd6: {  	s2 =	sadd.s32 $0x10, s2  }
0xd7: {  	s21 =	simm.s32 $0x12600;
	[tilespmem:s2+$0x0] =	vst v5  }
0xd8: {  	[spmem:s7] =	stream.linear.scatter [tilespmem:s21], [sflag:$0x5], $0x280, $0x38;
	[tilespmem:$0x1A800] =	vst v63  }
0xd9: {  	_ =	swait.ge [sflag:s14], $0x280  }
0xda: {  	[sflag:s14] =	ssyncset.done $0x0  }
0xdb: {  	[sflag:s14] =	ssyncadd.s32 $0xFFFFFD80  }
0xdc: {  	[spmem:s8] =	stream.linear.scatter [tilespmem:s30], [sflag:$0x5], $0x280, $0x38;
	[tilespmem:$0x1A800] =	vst v63  }
0xdd: {  	_ =	swait.ge [sflag:s14], $0x280  }
0xde: {  	[sflag:s14] =	ssyncset.done $0x0  }
0xdf: {  	[sflag:s14] =	ssyncadd.s32 $0xFFFFFD80  }
0xe0: {  	[bflag:$0x0] =	sbarrier.arrive $0xFFFF  }
0xe1: {  	s3 =	rddreg [dreg:$0x2]  }
0xe2: {  	[tilespmem:s31], [sflag:$0x5] =	stream.linear.gather [spmem:s3], $0x2800, $0x38;
	[tilespmem:$0x1A800] =	vst v63  }
0xe3: {  	_ =	swait.ge [sflag:s14], $0x2800  }
0xe4: {  	[sflag:s14] =	ssyncset.done $0x0  }
0xe5: {  	[sflag:s14] =	ssyncadd.s32 $0xFFFFD800  }
0xe6: {  	s21 =	rddreg [dreg:$0x3]  }
0xe7: {  	[tilespmem:s0], [sflag:$0x5] =	stream.linear.gather [spmem:s21], $0x2800, $0x38;
	[tilespmem:$0x1A800] =	vst v63  }
0xe8: {  	_ =	swait.ge [sflag:s14], $0x2800  }
0xe9: {  	[sflag:s14] =	ssyncset.done $0x0  }
0xea: {  	s2 =	simm.s32 $0x0;
	[sflag:s14] =	ssyncadd.s32 $0xFFFFD800  }
0xeb: {  	v5 =	vld [tilespmem:s2+$0x0];
	_ =	sdelay $0x1  }
0xec: {  	v6 =	vld [tilespmem:s2+$0x4F80];
	_ =	sdelay $0x4  }
0xed: {  	v7 =	vld [tilespmem:s2+$0x9F00]  }
0xee: {  	v5 =	vld.idx.msk [tilespmem:v5+s31+$0x0], $0xffff  }
0xef: {  	v8 =	vld [tilespmem:s2+$0x10]  }
0xf0: {  	v6 =	vld.idx.msk [tilespmem:v6+s0+$0x0], $0xffff  }
0xf1: {  	v9 =	vld [tilespmem:s2+$0x4F90];
	_ =	sdelay $0x1  }
0xf2: {  	v5 =	vmul.f32 v5, v7;
	_ =	sdelay $0x1  }
0xf3: {  	v5 =	vmul.f32 v6, v5;
	_ =	sdelay $0x1  }
0xf4: {  	v6 =	vld [tilespmem:s2+$0x9F10];
	[tilespmem:s2+$0x9F00] =	vst v5  }
0xf5: {  	v5 =	vld.idx.msk [tilespmem:v8+s31+$0x0], $0xffff  }
0xf6: {  	v7 =	vld.idx.msk [tilespmem:v9+s0+$0x0], $0xffff  }
0xf7: {  	v8 =	vld [tilespmem:s2+$0x20]  }
0xf8: {  	v58 =	vld [tilespmem:s2+$0x4FA0];
	_ =	sdelay $0x1  }
0xf9: {  	v5 =	vmul.f32 v5, v6;
	_ =	sdelay $0x1  }
0xfa: {  	v5 =	vmul.f32 v7, v5;
	_ =	sdelay $0x1  }
0xfb: {  	v6 =	vld [tilespmem:s2+$0x9F20];
	[tilespmem:s2+$0x9F10] =	vst v5  }
0xfc: {  	v5 =	vld.idx.msk [tilespmem:v8+s31+$0x0], $0xffff  }
0xfd: {  	v7 =	vld.idx.msk [tilespmem:v58+s0+$0x0], $0xffff  }
0xfe: {  	v8 =	vld [tilespmem:s2+$0x30]  }
0xff: {  	v59 =	vld [tilespmem:s2+$0x4FB0];
	_ =	sdelay $0x1  }
0x100: {  	v5 =	vmul.f32 v5, v6;
	_ =	sdelay $0x1  }
0x101: {  	v5 =	vmul.f32 v7, v5;
	_ =	sdelay $0x1  }
0x102: {  	v6 =	vld [tilespmem:s2+$0x9F30];
	[tilespmem:s2+$0x9F20] =	vst v5  }
0x103: {  	v5 =	vld.idx.msk [tilespmem:v8+s31+$0x0], $0xffff  }
0x104: {  	v7 =	vld.idx.msk [tilespmem:v59+s0+$0x0], $0xffff  }
0x105: {  	v8 =	vld [tilespmem:s2+$0x40]  }
0x106: {  	v60 =	vld [tilespmem:s2+$0x4FC0];
	_ =	sdelay $0x1  }
0x107: {  	v5 =	vmul.f32 v5, v6;
	_ =	sdelay $0x1  }
0x108: {  	v5 =	vmul.f32 v7, v5;
	_ =	sdelay $0x1  }
0x109: {  	v6 =	vld [tilespmem:s2+$0x9F40];
	[tilespmem:s2+$0x9F30] =	vst v5  }
0x10a: {  	v5 =	vld.idx.msk [tilespmem:v8+s31+$0x0], $0xffff  }
0x10b: {  	v7 =	vld.idx.msk [tilespmem:v60+s0+$0x0], $0xffff  }
0x10c: {  	v8 =	vld [tilespmem:s2+$0x50]  }
0x10d: {  	v61 =	vld [tilespmem:s2+$0x4FD0];
	_ =	sdelay $0x1  }
0x10e: {  	v5 =	vmul.f32 v5, v6;
	_ =	sdelay $0x1  }
0x10f: {  	v5 =	vmul.f32 v7, v5;
	_ =	sdelay $0x1  }
0x110: {  	[tilespmem:s2+$0x9F40] =	vst v5;
	v5 =	vld [tilespmem:s2+$0x9F50]  }
0x111: {  	v6 =	vld.idx.msk [tilespmem:v8+s31+$0x0], $0xffff  }
0x112: {  	v7 =	vld.idx.msk [tilespmem:v61+s0+$0x0], $0xffff  }
0x113: {  	v8 =	vld [tilespmem:s2+$0x60]  }
0x114: {  	v62 =	vld [tilespmem:s2+$0x4FE0];
	_ =	sdelay $0x1  }
0x115: {  	v5 =	vmul.f32 v6, v5;
	_ =	sdelay $0x1  }
0x116: {  	v5 =	vmul.f32 v7, v5;
	_ =	sdelay $0x1  }
0x117: {  	[tilespmem:s2+$0x9F50] =	vst v5;
	v5 =	vld [tilespmem:s2+$0x9F60]  }
0x118: {  	v6 =	vld.idx.msk [tilespmem:v8+s31+$0x0], $0xffff  }
0x119: {  	v7 =	vld.idx.msk [tilespmem:v62+s0+$0x0], $0xffff  }
0x11a: {  	v8 =	vld [tilespmem:s2+$0x70];
	_ =	sdelay $0x2  }
0x11b: {  	v5 =	vmul.f32 v6, v5  }
0x11c: {  	v63 =	vld [tilespmem:s2+$0x4FF0]  }
0x11d: {  	v5 =	vmul.f32 v7, v5;
	_ =	sdelay $0x1  }
0x11e: {  	[tilespmem:s2+$0x9F60] =	vst v5;
	v5 =	vld [tilespmem:s2+$0x9F70]  }
0x11f: {  	v6 =	vld.idx.msk [tilespmem:v8+s31+$0x0], $0xffff;
	_ =	sdelay $0x3  }
0x120: {  	s29 =	simm.s32 $0x80;
	v7 =	vld.idx.msk [tilespmem:v63+s0+$0x0], $0xffff  }
0x121: {  	v8 =	vmul.f32 v6, v5;
	v6 =	vld [tilespmem:s29+$0x0];
	_ =	sdelay $0x1  }
0x122: {  	v5 =	vld [tilespmem:s29+$0x4F80];
	_ =	sdelay $0x2  }
0x123: {  	s3 =	simm.s32 $0x400;
	v7 =	vmul.f32 v7, v8  }
.LBB2_12:
0x124: {  	_ = 	snop  }
0x125: {  	p0 =	sne.s32 s3, $0x13A00;
	s21 =	smov.u32 s3;
	s3 =	sadd.s32 $0x200, s3;
	[tilespmem:s2+$0x9F70] =	vst v7  }
0x126: {  	s2 =	smov.u32 s29;
	v6 =	vld.idx.msk [tilespmem:v6+s31+$0x0], $0xffff  }
0x127: {  	v7 =	vld [tilespmem:s2+$0x9F00]  }
0x128: {  	v5 =	vld.idx.msk [tilespmem:v5+s0+$0x0], $0xffff  }
0x129: {  	v8 =	vld [tilespmem:s2+$0x10];
	_ =	sdelay $0x1  }
0x12a: {  	v9 =	vld [tilespmem:s2+$0x4F90]  }
0x12b: {  	v6 =	vmul.f32 v6, v7;
	_ =	sdelay $0x1  }
0x12c: {  	v5 =	vmul.f32 v5, v6;
	_ =	sdelay $0x1  }
0x12d: {  	[tilespmem:s2+$0x9F00] =	vst v5  }
0x12e: {  	v5 =	vld.idx.msk [tilespmem:v8+s31+$0x0], $0xffff  }
0x12f: {  	v6 =	vld [tilespmem:s2+$0x9F10]  }
0x130: {  	v7 =	vld.idx.msk [tilespmem:v9+s0+$0x0], $0xffff  }
0x131: {  	v8 =	vld [tilespmem:s2+$0x20];
	_ =	sdelay $0x1  }
0x132: {  	v9 =	vld [tilespmem:s2+$0x4FA0]  }
0x133: {  	v5 =	vmul.f32 v5, v6;
	_ =	sdelay $0x1  }
0x134: {  	v5 =	vmul.f32 v7, v5;
	_ =	sdelay $0x1  }
0x135: {  	[tilespmem:s2+$0x9F10] =	vst v5  }
0x136: {  	v5 =	vld.idx.msk [tilespmem:v8+s31+$0x0], $0xffff  }
0x137: {  	v6 =	vld [tilespmem:s2+$0x9F20]  }
0x138: {  	v7 =	vld.idx.msk [tilespmem:v9+s0+$0x0], $0xffff  }
0x139: {  	v8 =	vld [tilespmem:s2+$0x30];
	_ =	sdelay $0x1  }
0x13a: {  	v9 =	vld [tilespmem:s2+$0x4FB0]  }
0x13b: {  	v5 =	vmul.f32 v5, v6;
	_ =	sdelay $0x1  }
0x13c: {  	v5 =	vmul.f32 v7, v5;
	_ =	sdelay $0x1  }
0x13d: {  	[tilespmem:s2+$0x9F20] =	vst v5  }
0x13e: {  	v5 =	vld.idx.msk [tilespmem:v8+s31+$0x0], $0xffff  }
0x13f: {  	v6 =	vld [tilespmem:s2+$0x9F30]  }
0x140: {  	v7 =	vld.idx.msk [tilespmem:v9+s0+$0x0], $0xffff  }
0x141: {  	v8 =	vld [tilespmem:s2+$0x40];
	_ =	sdelay $0x1  }
0x142: {  	v9 =	vld [tilespmem:s2+$0x4FC0]  }
0x143: {  	v5 =	vmul.f32 v5, v6;
	_ =	sdelay $0x1  }
0x144: {  	v5 =	vmul.f32 v7, v5;
	_ =	sdelay $0x1  }
0x145: {  	[tilespmem:s2+$0x9F30] =	vst v5  }
0x146: {  	v5 =	vld.idx.msk [tilespmem:v8+s31+$0x0], $0xffff  }
0x147: {  	v6 =	vld [tilespmem:s2+$0x9F40]  }
0x148: {  	v7 =	vld.idx.msk [tilespmem:v9+s0+$0x0], $0xffff  }
0x149: {  	v8 =	vld [tilespmem:s2+$0x50]  }
0x14a: {  	v9 =	vld [tilespmem:s2+$0x4FD0];
	_ =	sdelay $0x1  }
0x14b: {  	v5 =	vmul.f32 v5, v6;
	_ =	sdelay $0x1  }
0x14c: {  	v5 =	vmul.f32 v7, v5;
	_ =	sdelay $0x1  }
0x14d: {  	[tilespmem:s2+$0x9F40] =	vst v5;
	v5 =	vld [tilespmem:s2+$0x9F50]  }
0x14e: {  	v6 =	vld.idx.msk [tilespmem:v8+s31+$0x0], $0xffff  }
0x14f: {  	v7 =	vld.idx.msk [tilespmem:v9+s0+$0x0], $0xffff;
	_ =	sdelay $0x1  }
0x150: {  	v8 =	vld [tilespmem:s2+$0x60]  }
0x151: {  	v9 =	vld [tilespmem:s2+$0x4FE0];
	_ =	sdelay $0x1  }
0x152: {  	v5 =	vmul.f32 v6, v5;
	_ =	sdelay $0x1  }
0x153: {  	v5 =	vmul.f32 v7, v5;
	_ =	sdelay $0x1  }
0x154: {  	[tilespmem:s2+$0x9F50] =	vst v5;
	v5 =	vld [tilespmem:s2+$0x9F60]  }
0x155: {  	v6 =	vld.idx.msk [tilespmem:v8+s31+$0x0], $0xffff  }
0x156: {  	v7 =	vld.idx.msk [tilespmem:v9+s0+$0x0], $0xffff;
	_ =	sdelay $0x1  }
0x157: {  	v8 =	vld [tilespmem:s2+$0x70]  }
0x158: {  	v9 =	vld [tilespmem:s2+$0x4FF0];
	_ =	sdelay $0x1  }
0x159: {  	v5 =	vmul.f32 v6, v5;
	_ =	sdelay $0x1  }
0x15a: {  	v5 =	vmul.f32 v7, v5;
	_ =	sdelay $0x1  }
0x15b: {  	[tilespmem:s2+$0x9F60] =	vst v5;
	v7 =	vld [tilespmem:s2+$0x9F70]  }
0x15c: {  	v8 =	vld.idx.msk [tilespmem:v8+s31+$0x0], $0xffff  }
0x15d: {  	v9 =	vld.idx.msk [tilespmem:v9+s0+$0x0], $0xffff  }
0x15e: {  	s29 =	sshra.s32 s21, $0x2  }
0x15f: {  	v6 =	vld [tilespmem:s29+$0x0]  }
.Ltmp5:
0x160: {  	v5 =	vld [tilespmem:s29+$0x4F80];
	(pc) =	sbr.rel @p0 .LBB2_12-.Ltmp5, $3  }
0x161: {  	_ = 	snop  }
0x162: {  	v7 =	vmul.f32 v8, v7;
	_ =	sdelay $0x1  }
0x163: {  	v7 =	vmul.f32 v9, v7  }
0x164: {  	_ =	sdelay $0x2  }
0x165: {  	[tilespmem:s2+$0x9F70] =	vst v7  }
0x166: {  	v6 =	vld.idx.msk [tilespmem:v6+s31+$0x0], $0xffff  }
0x167: {  	v7 =	vld [tilespmem:s29+$0x9F00]  }
0x168: {  	v5 =	vld.idx.msk [tilespmem:v5+s0+$0x0], $0xffff  }
0x169: {  	v8 =	vld [tilespmem:s29+$0x10];
	_ =	sdelay $0x1  }
0x16a: {  	v9 =	vld [tilespmem:s29+$0x4F90]  }
0x16b: {  	v6 =	vmul.f32 v6, v7;
	_ =	sdelay $0x1  }
0x16c: {  	v5 =	vmul.f32 v5, v6;
	_ =	sdelay $0x1  }
0x16d: {  	v6 =	vld [tilespmem:s29+$0x9F10];
	[tilespmem:s29+$0x9F00] =	vst v5  }
0x16e: {  	v5 =	vld.idx.msk [tilespmem:v8+s31+$0x0], $0xffff  }
0x16f: {  	v52 =	vld [tilespmem:s29+$0x20]  }
0x170: {  	v7 =	vld.idx.msk [tilespmem:v9+s0+$0x0], $0xffff;
	_ =	sdelay $0x1  }
0x171: {  	v53 =	vld [tilespmem:s29+$0x4FA0]  }
0x172: {  	v5 =	vmul.f32 v5, v6;
	_ =	sdelay $0x1  }
0x173: {  	v5 =	vmul.f32 v7, v5;
	_ =	sdelay $0x1  }
0x174: {  	v6 =	vld [tilespmem:s29+$0x9F20];
	[tilespmem:s29+$0x9F10] =	vst v5  }
0x175: {  	v5 =	vld.idx.msk [tilespmem:v52+s31+$0x0], $0xffff  }
0x176: {  	v54 =	vld [tilespmem:s29+$0x30]  }
0x177: {  	v7 =	vld.idx.msk [tilespmem:v53+s0+$0x0], $0xffff;
	_ =	sdelay $0x1  }
0x178: {  	v55 =	vld [tilespmem:s29+$0x4FB0]  }
0x179: {  	v5 =	vmul.f32 v5, v6;
	_ =	sdelay $0x1  }
0x17a: {  	v5 =	vmul.f32 v7, v5;
	_ =	sdelay $0x1  }
0x17b: {  	v6 =	vld [tilespmem:s29+$0x9F30];
	[tilespmem:s29+$0x9F20] =	vst v5  }
0x17c: {  	v5 =	vld.idx.msk [tilespmem:v54+s31+$0x0], $0xffff  }
0x17d: {  	v56 =	vld [tilespmem:s29+$0x40]  }
0x17e: {  	v7 =	vld.idx.msk [tilespmem:v55+s0+$0x0], $0xffff;
	_ =	sdelay $0x1  }
0x17f: {  	v57 =	vld [tilespmem:s29+$0x4FC0]  }
0x180: {  	v5 =	vmul.f32 v5, v6;
	_ =	sdelay $0x1  }
0x181: {  	v5 =	vmul.f32 v7, v5;
	_ =	sdelay $0x1  }
0x182: {  	v6 =	vld [tilespmem:s29+$0x9F40];
	[tilespmem:s29+$0x9F30] =	vst v5  }
0x183: {  	v5 =	vld.idx.msk [tilespmem:v56+s31+$0x0], $0xffff  }
0x184: {  	v58 =	vld [tilespmem:s29+$0x50]  }
0x185: {  	v7 =	vld.idx.msk [tilespmem:v57+s0+$0x0], $0xffff;
	_ =	sdelay $0x1  }
0x186: {  	v59 =	vld [tilespmem:s29+$0x4FD0]  }
0x187: {  	v5 =	vmul.f32 v5, v6;
	_ =	sdelay $0x1  }
0x188: {  	v5 =	vmul.f32 v7, v5;
	_ =	sdelay $0x1  }
0x189: {  	[tilespmem:s29+$0x9F40] =	vst v5;
	v5 =	vld [tilespmem:s29+$0x9F50]  }
0x18a: {  	v6 =	vld.idx.msk [tilespmem:v58+s31+$0x0], $0xffff  }
0x18b: {  	v60 =	vld [tilespmem:s29+$0x60]  }
0x18c: {  	v7 =	vld.idx.msk [tilespmem:v59+s0+$0x0], $0xffff;
	_ =	sdelay $0x1  }
0x18d: {  	v61 =	vld [tilespmem:s29+$0x4FE0]  }
0x18e: {  	v5 =	vmul.f32 v6, v5;
	_ =	sdelay $0x1  }
0x18f: {  	v5 =	vmul.f32 v7, v5;
	_ =	sdelay $0x1  }
0x190: {  	[tilespmem:s29+$0x9F50] =	vst v5;
	v5 =	vld [tilespmem:s29+$0x9F60]  }
0x191: {  	v6 =	vld.idx.msk [tilespmem:v60+s31+$0x0], $0xffff  }
0x192: {  	v62 =	vld [tilespmem:s29+$0x70]  }
0x193: {  	v7 =	vld.idx.msk [tilespmem:v61+s0+$0x0], $0xffff;
	_ =	sdelay $0x1  }
0x194: {  	v63 =	vld [tilespmem:s29+$0x4FF0]  }
0x195: {  	v5 =	vmul.f32 v6, v5;
	_ =	sdelay $0x1  }
0x196: {  	v5 =	vmul.f32 v7, v5;
	_ =	sdelay $0x1  }
0x197: {  	[tilespmem:s29+$0x9F60] =	vst v5;
	v5 =	vld [tilespmem:s29+$0x9F70]  }
0x198: {  	v6 =	vld.idx.msk [tilespmem:v62+s31+$0x0], $0xffff;
	_ =	sdelay $0x1  }
0x199: {  	v7 =	vld.idx.msk [tilespmem:v63+s0+$0x0], $0xffff;
	_ =	sdelay $0x2  }
0x19a: {  	v5 =	vmul.f32 v6, v5;
	_ =	sdelay $0x1  }
0x19b: {  	s5 =	sadd.s32 $0x1, s5;
	v5 =	vmul.f32 v7, v5  }
0x19c: {  	p0 =	sne.s32 s5, s9  }
.Ltmp6:
0x19d: {  	[tilespmem:s29+$0x9F70] =	vst v5;
	(pc) =	sbr.rel @p0 .LBB2_1-.Ltmp6, $4  }
0x19e: {  	[hbm4b:s10+s4] =	stream.linear.scatter [tilespmem:s16], [sflag:$0x5], $0x4F00, $0x38;
	[tilespmem:$0x1A800] =	vst v63  }
0x19f: {  	_ =	swait.ge [sflag:s14], $0x4F00  }
0x1a0: {  	[sflag:s14] =	ssyncset.done $0x0  }
0x1a1: {  	[sflag:s14] =	ssyncadd.s32 $0xFFFFB100  }
0x1a2: {  	_ =	sfence.sel $0x180000  }
0x1a3: {  	[bflag:$0x0] =	sbarrier.arrive $0xFFFF  }
0x1a4: {  	_ =	strace $0x90000047  }
0x1a5: {  	s0 =	stileid.u32;
	[bflag:$0x2] =	sbarrier.arrive $0xFFFF  }
0x1a6: {  	p0 =	sne.s32 s0, $0x0;
	s0 =	rddreg [dreg:$0x4]  }
0x1a7: {  	s0 =	sadd.s32 @!p0 $0x100000, s0  }
0x1a8: {  	[sflag:s0] =	ssyncadd.tile.s32 @!p0 $0x1;
	_ =	shalt  }
.Lfunc_end2:
_tile_overlayer_lowered:
.L_overlay_start_2:
0x1a9: {  	(tag) =	ssettag $0x2  }
0x1aa: {  	s0 =	rddreg [dreg:$0x0];
	s2 =	stileid.u32  }
0x1ab: {  	s1 =	rddreg [dreg:$0x1];
	p0 =	sne.s32 s2, $0x0  }
0x1ac: {  	s3 =	rddreg [dreg:$0x2];
	[bflag:$0x3] =	sbarrier.arrive $0xFFFF;
	s2 =	simm.s32 @!p0 $0x1C05  }
0x1ad: {  	[timem:s3], [sflag:s2] =	dma.local @!p0 [hbm:s0], s1  }
0x1ae: {  	s0 =	simm.s32 @!p0 $0x5  }
0x1af: {  	_ =	swait.ge @!p0 [sflag:s0], s1  }
0x1b0: {  	s1 =	ssub.s32 @!p0 $0x0, s1;
	[sflag:s0] =	ssyncset.done @!p0 $0x0  }
0x1b1: {  	[sflag:s0] =	ssyncadd.s32 @!p0 s1  }
0x1b2: {  	[bflag:$0x3] =	sbarrier.arrive $0xFFFF  }
0x1b3: {  	_ =	shalt  }

</sc_bundles>
